<compile_context>
chip_gen: v7x
topology: tpu7x:2x2x1
jax: 0.10.2.dev20260603
libtpu: 0.0.44.dev20260713+nightly
codegen_flags: <defaults>
</compile_context>

<pallas_src>
import functools

import jax
import jax.numpy as jnp
from jax import lax
from jax.experimental import pallas as pl
from jax.experimental.pallas import tpu as pltpu
from jax.experimental.pallas import tpu_sc as plsc

N_INTERVAL = 100
K_KEYPOINTS = 100000
B = 16384
D = 3

NC = 2
NS = 16
L = 16
NW = NC * NS
BPW = B // NW
G = 128
NG = BPW // G
NR = 2 * D
SPB = G // L

_mesh = plsc.VectorSubcoreMesh(
    core_axis_name="c", subcore_axis_name="s", num_cores=NC, num_subcores=NS
)


@functools.partial(
    pl.kernel,
    out_type=jax.ShapeDtypeStruct((D * B,), jnp.float32),
    mesh=_mesh,
    compiler_params=pltpu.CompilerParams(
        needs_layout_passes=False, use_tc_tiling_on_sc=False,
        skip_device_barrier=True, disable_bounds_checks=True,
        disable_semaphore_checks=True),
    scratch_types=[
        pltpu.VMEM((BPW,), jnp.int32),
        pltpu.VMEM((D, BPW), jnp.float32),
        pltpu.VMEM((BPW,), jnp.float32),
        pltpu.VMEM((BPW,), jnp.float32),
        pltpu.VMEM((NR * NG * G,), jnp.int32),
        pltpu.VMEM((NR * NG * G,), jnp.float32),
        pltpu.VMEM((D, BPW), jnp.float32),
        pltpu.SemaphoreType.DMA,
        pltpu.SemaphoreType.DMA,
        pltpu.SemaphoreType.DMA,
        pltpu.SemaphoreType.DMA,
        pltpu.SemaphoreType.DMA,
        pltpu.SemaphoreType.DMA,
        pltpu.SemaphoreType.DMA,
    ],
)
def _position_sc(xd_hbm, i_hbm, out_hbm,
                 i_v, x_v, wl_v, wr_v, idx_v, d_v, out_v,
                 sem_i, sem_x, sem_o, sem_g0, sem_g1, sem_g2, sem_g3):
    sem_g = [sem_g0, sem_g1, sem_g2, sem_g3]
    wid = lax.axis_index("s") * NC + lax.axis_index("c")
    base = wid * BPW

    i_cps = [
        pltpu.async_copy(i_hbm.at[pl.ds(base + blk * G, G)],
                         i_v.at[pl.ds(blk * G, G)], sem_i)
        for blk in range(NG)
    ]
    x_cps = [
        pltpu.async_copy(xd_hbm.at[pl.ds(c * B + base, BPW)], x_v.at[c],
                         sem_x)
        for c in range(D)
    ]

    vinv = jnp.full((L,), 1.0 / N_INTERVAL, jnp.float32)
    vmax_i = jnp.full((L,), K_KEYPOINTS - 2, jnp.int32)
    v1_f = jnp.full((L,), 1.0, jnp.float32)
    offs = [jnp.full((L,), D * B + c * K_KEYPOINTS + s, jnp.int32)
            for c in range(D) for s in range(2)]
    g_cps = [[] for _ in range(NG)]
    for blk in range(NG):
        i_cps[blk].wait()
        for sub in range(SPB):
            s = blk * SPB + sub
            iv = i_v[pl.ds(s * L, L)]
            raw = iv.astype(jnp.float32) * vinv
            left = jnp.minimum(raw.astype(jnp.int32), vmax_i)
            leftf = left.astype(jnp.float32)
            wl_v[pl.ds(s * L, L)] = leftf + v1_f - raw
            wr_v[pl.ds(s * L, L)] = raw - leftf
            for r in range(NR):
                idx_v[pl.ds((blk * NR + r) * G + sub * L, L)] = left + offs[r]
        g_cps[blk].append(pltpu.async_copy(
            xd_hbm.at[idx_v.at[pl.ds(blk * NR * G, NR * G)]],
            d_v.at[pl.ds(blk * NR * G, NR * G)], sem_g[blk]))
    for cp in x_cps:
        cp.wait()

    o_cps = []
    for blk in range(NG):
        for cp in g_cps[blk]:
            cp.wait()
        for sub in range(SPB):
            s = blk * SPB + sub
            col = sub * L
            wl = wl_v[pl.ds(s * L, L)]
            wr = wr_v[pl.ds(s * L, L)]
            for c in range(D):
                dl = d_v[pl.ds((blk * NR + 2 * c) * G + col, L)]
                dr = d_v[pl.ds((blk * NR + 2 * c + 1) * G + col, L)]
                xc = x_v[c, pl.ds(s * L, L)]
                out_v[c, pl.ds(s * L, L)] = xc + wl * dl + wr * dr
        for c in range(D):
            o_cps.append(pltpu.async_copy(
                out_v.at[c, pl.ds(blk * G, G)],
                out_hbm.at[pl.ds(c * B + base + blk * G, G)], sem_o))
    for cp in o_cps:
        cp.wait()


def kernel(x, i, delta):
    xd = jnp.concatenate([x.T.reshape(-1), delta.T.reshape(-1)])
    out_flat = _position_sc(xd, i)
    return out_flat.reshape(D, B).T

# --- scband reference (transcript-rebuilt; emitter-appended) ---
"""Pipeline reference for scband-position-30073361007098 (READ-ONLY COPY).

The authoritative reference and input builder live on the scoring server;
editing this copy changes nothing except your own understanding.
"""

import jax, jax.numpy as jnp
import numpy as np

N_INTERVAL = 100
K_KEYPOINTS = 100000
BATCH = 16384


def setup_inputs(seed: int = 0) -> dict:
    key = jax.random.key(seed)
    k1, k2, k3 = jax.random.split(key, 3)
    # pose.x : sensor positions
    x = jax.random.normal(k1, (BATCH, 3), dtype=jnp.float32)
    # pose.i : frame indices; must satisfy floor(i/n)+1 < k  ->  i < (k-1)*n
    i = jax.random.randint(k2, (BATCH,), 0, (K_KEYPOINTS - 1) * N_INTERVAL, dtype=jnp.int32)
    # learned parameter hk.get_parameter('delta', shape=(k, 3)); original init is zeros,
    # use small random values so the computation is non-trivial
    delta = jax.random.normal(k3, (K_KEYPOINTS, 3), dtype=jnp.float32) * 0.01
    return {"x": x, "i": i, "delta": delta}


def reference(x, i, delta):
    # Position.__call__ with pose != None (batched over poses).
    raw = i.astype(jnp.float32) / N_INTERVAL
    left = jnp.floor(raw).astype(jnp.int32)
    leftf = left.astype(jnp.float32)
    w_left = (leftf + 1.0 - raw)[:, None]
    w_right = (raw - leftf)[:, None]
    # two gathers into the keypoint table + linear interpolation
    dx = jnp.take(delta, left, axis=0) * w_left + jnp.take(delta, left + 1, axis=0) * w_right
    # adjusted pose position (other RadarPose fields pass through unchanged)
    return x + dx

if __name__ == "__main__":
    import jax
    _d = setup_inputs()
    print(jax.jit(kernel)(*tuple(_d.values())))

</pallas_src>

<mosaic_0001>
#map = affine_map<(d0, d1) -> (0)>
module attributes {stable_mosaic.version = 14 : i64} {
  func.func @_position_sc(%arg0: i32, %arg1: i32, %arg2: memref<349152xf32, #tpu.memory_space<hbm>>, %arg3: memref<16384xi32, #tpu.memory_space<hbm>>, %arg4: memref<49152xf32, #tpu.memory_space<hbm>>, %arg5: memref<512xi32, #tpu.memory_space<vmem>>, %arg6: memref<3x512xf32, #tpu.memory_space<vmem>>, %arg7: memref<512xf32, #tpu.memory_space<vmem>>, %arg8: memref<512xf32, #tpu.memory_space<vmem>>, %arg9: memref<3072xi32, #tpu.memory_space<vmem>>, %arg10: memref<3072xf32, #tpu.memory_space<vmem>>, %arg11: memref<3x512xf32, #tpu.memory_space<vmem>>, %arg12: memref<!tpu.dma_semaphore, #tpu.memory_space<semaphore_mem>>, %arg13: memref<!tpu.dma_semaphore, #tpu.memory_space<semaphore_mem>>, %arg14: memref<!tpu.dma_semaphore, #tpu.memory_space<semaphore_mem>>, %arg15: memref<!tpu.dma_semaphore, #tpu.memory_space<semaphore_mem>>, %arg16: memref<!tpu.dma_semaphore, #tpu.memory_space<semaphore_mem>>, %arg17: memref<!tpu.dma_semaphore, #tpu.memory_space<semaphore_mem>>, %arg18: memref<!tpu.dma_semaphore, #tpu.memory_space<semaphore_mem>>) attributes {dimension_semantics = [#tpu.dimension_semantics<core_parallel>, #tpu.dimension_semantics<subcore_parallel>], iteration_bounds = array<i64: 2, 16>, scalar_prefetch = 0 : i64, scratch_operands = 14 : i64, tpu.core_type = #tpu.core_type<sc_vector_subcore>, window_params = [{transform_indices = #map}, {transform_indices = #map}, {transform_indices = #map}]} {
    %mul3A = arith.constant 2 : i32
    %mul3A_0 = arith.muli %arg1, %mul3A : i32
    %add3A = arith.addi %mul3A_0, %arg0 : i32
    %mul3A_1 = arith.constant 512 : i32
    %mul3A_2 = arith.muli %add3A, %mul3A_1 : i32
    %add3A_3 = arith.constant 0 : i32
    %add3A_4 = arith.addi %mul3A_2, %add3A_3 : i32
    %dma_start3A = arith.constant 0 : i32
    %dma_start3A_5 = tpu.memref_slice %arg5[%dma_start3A] : memref<512xi32, #tpu.memory_space<vmem>> -> memref<128xi32, #tpu.memory_space<vmem>>
    %dma_start3A_6 = tpu.memref_slice %arg3[%add3A_4] : memref<16384xi32, #tpu.memory_space<hbm>> -> memref<128xi32, #tpu.memory_space<hbm>>
    %dma_start3A_7 = arith.constant 0 : i32
    %dma_start3A_8 = tpu.memref_slice %arg5[%dma_start3A_7] : memref<512xi32, #tpu.memory_space<vmem>> -> memref<128xi32, #tpu.memory_space<vmem>>
    %dma_start3A_9 = tpu.memref_slice %arg3[%add3A_4] : memref<16384xi32, #tpu.memory_space<hbm>> -> memref<128xi32, #tpu.memory_space<hbm>>
    tpu.enqueue_dma source(%dma_start3A_9 : memref<128xi32, #tpu.memory_space<hbm>>) target(%dma_start3A_8 : memref<128xi32, #tpu.memory_space<vmem>>) target_semaphore(%arg12 : memref<!tpu.dma_semaphore, #tpu.memory_space<semaphore_mem>>)
    %add3A_10 = arith.constant 128 : i32
    %add3A_11 = arith.addi %mul3A_2, %add3A_10 : i32
    %dma_start3A_12 = arith.constant 128 : i32
    %dma_start3A_13 = tpu.memref_slice %arg5[%dma_start3A_12] : memref<512xi32, #tpu.memory_space<vmem>> -> memref<128xi32, #tpu.memory_space<vmem>>
    %dma_start3A_14 = tpu.memref_slice %arg3[%add3A_11] : memref<16384xi32, #tpu.memory_space<hbm>> -> memref<128xi32, #tpu.memory_space<hbm>>
    %dma_start3A_15 = arith.constant 128 : i32
    %dma_start3A_16 = tpu.memref_slice %arg5[%dma_start3A_15] : memref<512xi32, #tpu.memory_space<vmem>> -> memref<128xi32, #tpu.memory_space<vmem>>
    %dma_start3A_17 = tpu.memref_slice %arg3[%add3A_11] : memref<16384xi32, #tpu.memory_space<hbm>> -> memref<128xi32, #tpu.memory_space<hbm>>
    tpu.enqueue_dma source(%dma_start3A_17 : memref<128xi32, #tpu.memory_space<hbm>>) target(%dma_start3A_16 : memref<128xi32, #tpu.memory_space<vmem>>) target_semaphore(%arg12 : memref<!tpu.dma_semaphore, #tpu.memory_space<semaphore_mem>>)
    %add3A_18 = arith.constant 256 : i32
    %add3A_19 = arith.addi %mul3A_2, %add3A_18 : i32
    %dma_start3A_20 = arith.constant 256 : i32
    %dma_start3A_21 = tpu.memref_slice %arg5[%dma_start3A_20] : memref<512xi32, #tpu.memory_space<vmem>> -> memref<128xi32, #tpu.memory_space<vmem>>
    %dma_start3A_22 = tpu.memref_slice %arg3[%add3A_19] : memref<16384xi32, #tpu.memory_space<hbm>> -> memref<128xi32, #tpu.memory_space<hbm>>
    %dma_start3A_23 = arith.constant 256 : i32
    %dma_start3A_24 = tpu.memref_slice %arg5[%dma_start3A_23] : memref<512xi32, #tpu.memory_space<vmem>> -> memref<128xi32, #tpu.memory_space<vmem>>
    %dma_start3A_25 = tpu.memref_slice %arg3[%add3A_19] : memref<16384xi32, #tpu.memory_space<hbm>> -> memref<128xi32, #tpu.memory_space<hbm>>
    tpu.enqueue_dma source(%dma_start3A_25 : memref<128xi32, #tpu.memory_space<hbm>>) target(%dma_start3A_24 : memref<128xi32, #tpu.memory_space<vmem>>) target_semaphore(%arg12 : memref<!tpu.dma_semaphore, #tpu.memory_space<semaphore_mem>>)
    %add3A_26 = arith.constant 384 : i32
    %add3A_27 = arith.addi %mul3A_2, %add3A_26 : i32
    %dma_start3A_28 = arith.constant 384 : i32
    %dma_start3A_29 = tpu.memref_slice %arg5[%dma_start3A_28] : memref<512xi32, #tpu.memory_space<vmem>> -> memref<128xi32, #tpu.memory_space<vmem>>
    %dma_start3A_30 = tpu.memref_slice %arg3[%add3A_27] : memref<16384xi32, #tpu.memory_space<hbm>> -> memref<128xi32, #tpu.memory_space<hbm>>
    %dma_start3A_31 = arith.constant 384 : i32
    %dma_start3A_32 = tpu.memref_slice %arg5[%dma_start3A_31] : memref<512xi32, #tpu.memory_space<vmem>> -> memref<128xi32, #tpu.memory_space<vmem>>
    %dma_start3A_33 = tpu.memref_slice %arg3[%add3A_27] : memref<16384xi32, #tpu.memory_space<hbm>> -> memref<128xi32, #tpu.memory_space<hbm>>
    tpu.enqueue_dma source(%dma_start3A_33 : memref<128xi32, #tpu.memory_space<hbm>>) target(%dma_start3A_32 : memref<128xi32, #tpu.memory_space<vmem>>) target_semaphore(%arg12 : memref<!tpu.dma_semaphore, #tpu.memory_space<semaphore_mem>>)
    %add3A_34 = arith.constant 0 : i32
    %add3A_35 = arith.addi %add3A_34, %mul3A_2 : i32
    %dma_start3A_36 = arith.constant 0 : i32
    %dma_start3A_37 = arith.constant 0 : i32
    %dma_start3A_38 = tpu.memref_slice %arg6[%dma_start3A_36, %dma_start3A_37] : memref<3x512xf32, #tpu.memory_space<vmem>> -> memref<1x512xf32, #tpu.memory_space<vmem>>
    %dma_start3A_39 = tpu.memref_squeeze %dma_start3A_38 : memref<1x512xf32, #tpu.memory_space<vmem>> -> memref<512xf32, #tpu.memory_space<vmem>>
    %dma_start3A_40 = tpu.memref_slice %arg2[%add3A_35] : memref<349152xf32, #tpu.memory_space<hbm>> -> memref<512xf32, #tpu.memory_space<hbm>>
    %dma_start3A_41 = arith.constant 0 : i32
    %dma_start3A_42 = tpu.memref_slice %arg6[%dma_start3A_36, %dma_start3A_41] : memref<3x512xf32, #tpu.memory_space<vmem>> -> memref<1x512xf32, #tpu.memory_space<vmem>>
    %dma_start3A_43 = tpu.memref_squeeze %dma_start3A_42 : memref<1x512xf32, #tpu.memory_space<vmem>> -> memref<512xf32, #tpu.memory_space<vmem>>
    %dma_start3A_44 = tpu.memref_slice %arg2[%add3A_35] : memref<349152xf32, #tpu.memory_space<hbm>> -> memref<512xf32, #tpu.memory_space<hbm>>
    tpu.enqueue_dma source(%dma_start3A_44 : memref<512xf32, #tpu.memory_space<hbm>>) target(%dma_start3A_43 : memref<512xf32, #tpu.memory_space<vmem>>) target_semaphore(%arg13 : memref<!tpu.dma_semaphore, #tpu.memory_space<semaphore_mem>>)
    %add3A_45 = arith.constant 16384 : i32
    %add3A_46 = arith.addi %add3A_45, %mul3A_2 : i32
    %dma_start3A_47 = arith.constant 1 : i32
    %dma_start3A_48 = arith.constant 0 : i32
    %dma_start3A_49 = tpu.memref_slice %arg6[%dma_start3A_47, %dma_start3A_48] : memref<3x512xf32, #tpu.memory_space<vmem>> -> memref<1x512xf32, #tpu.memory_space<vmem>>
    %dma_start3A_50 = tpu.memref_squeeze %dma_start3A_49 : memref<1x512xf32, #tpu.memory_space<vmem>> -> memref<512xf32, #tpu.memory_space<vmem>>
    %dma_start3A_51 = tpu.memref_slice %arg2[%add3A_46] : memref<349152xf32, #tpu.memory_space<hbm>> -> memref<512xf32, #tpu.memory_space<hbm>>
    %dma_start3A_52 = arith.constant 0 : i32
    %dma_start3A_53 = tpu.memref_slice %arg6[%dma_start3A_47, %dma_start3A_52] : memref<3x512xf32, #tpu.memory_space<vmem>> -> memref<1x512xf32, #tpu.memory_space<vmem>>
    %dma_start3A_54 = tpu.memref_squeeze %dma_start3A_53 : memref<1x512xf32, #tpu.memory_space<vmem>> -> memref<512xf32, #tpu.memory_space<vmem>>
    %dma_start3A_55 = tpu.memref_slice %arg2[%add3A_46] : memref<349152xf32, #tpu.memory_space<hbm>> -> memref<512xf32, #tpu.memory_space<hbm>>
    tpu.enqueue_dma source(%dma_start3A_55 : memref<512xf32, #tpu.memory_space<hbm>>) target(%dma_start3A_54 : memref<512xf32, #tpu.memory_space<vmem>>) target_semaphore(%arg13 : memref<!tpu.dma_semaphore, #tpu.memory_space<semaphore_mem>>)
    %add3A_56 = arith.constant 32768 : i32
    %add3A_57 = arith.addi %add3A_56, %mul3A_2 : i32
    %dma_start3A_58 = arith.constant 2 : i32
    %dma_start3A_59 = arith.constant 0 : i32
    %dma_start3A_60 = tpu.memref_slice %arg6[%dma_start3A_58, %dma_start3A_59] : memref<3x512xf32, #tpu.memory_space<vmem>> -> memref<1x512xf32, #tpu.memory_space<vmem>>
    %dma_start3A_61 = tpu.memref_squeeze %dma_start3A_60 : memref<1x512xf32, #tpu.memory_space<vmem>> -> memref<512xf32, #tpu.memory_space<vmem>>
    %dma_start3A_62 = tpu.memref_slice %arg2[%add3A_57] : memref<349152xf32, #tpu.memory_space<hbm>> -> memref<512xf32, #tpu.memory_space<hbm>>
    %dma_start3A_63 = arith.constant 0 : i32
    %dma_start3A_64 = tpu.memref_slice %arg6[%dma_start3A_58, %dma_start3A_63] : memref<3x512xf32, #tpu.memory_space<vmem>> -> memref<1x512xf32, #tpu.memory_space<vmem>>
    %dma_start3A_65 = tpu.memref_squeeze %dma_start3A_64 : memref<1x512xf32, #tpu.memory_space<vmem>> -> memref<512xf32, #tpu.memory_space<vmem>>
    %dma_start3A_66 = tpu.memref_slice %arg2[%add3A_57] : memref<349152xf32, #tpu.memory_space<hbm>> -> memref<512xf32, #tpu.memory_space<hbm>>
    tpu.enqueue_dma source(%dma_start3A_66 : memref<512xf32, #tpu.memory_space<hbm>>) target(%dma_start3A_65 : memref<512xf32, #tpu.memory_space<vmem>>) target_semaphore(%arg13 : memref<!tpu.dma_semaphore, #tpu.memory_space<semaphore_mem>>)
    %broadcast_in_dim3A = arith.constant 0.00999999977 : f32
    %broadcast_in_dim3A_67 = vector.broadcast %broadcast_in_dim3A : f32 to vector<16xf32>
    %broadcast_in_dim3A_68 = arith.constant 99998 : i32
    %broadcast_in_dim3A_69 = vector.broadcast %broadcast_in_dim3A_68 : i32 to vector<16xi32>
    %broadcast_in_dim3A_70 = arith.constant 1.000000e+00 : f32
    %broadcast_in_dim3A_71 = vector.broadcast %broadcast_in_dim3A_70 : f32 to vector<16xf32>
    %broadcast_in_dim3A_72 = arith.constant 49152 : i32
    %broadcast_in_dim3A_73 = vector.broadcast %broadcast_in_dim3A_72 : i32 to vector<16xi32>
    %broadcast_in_dim3A_74 = arith.constant 49153 : i32
    %broadcast_in_dim3A_75 = vector.broadcast %broadcast_in_dim3A_74 : i32 to vector<16xi32>
    %broadcast_in_dim3A_76 = arith.constant 149152 : i32
    %broadcast_in_dim3A_77 = vector.broadcast %broadcast_in_dim3A_76 : i32 to vector<16xi32>
    %broadcast_in_dim3A_78 = arith.constant 149153 : i32
    %broadcast_in_dim3A_79 = vector.broadcast %broadcast_in_dim3A_78 : i32 to vector<16xi32>
    %broadcast_in_dim3A_80 = arith.constant 249152 : i32
    %broadcast_in_dim3A_81 = vector.broadcast %broadcast_in_dim3A_80 : i32 to vector<16xi32>
    %broadcast_in_dim3A_82 = arith.constant 249153 : i32
    %broadcast_in_dim3A_83 = vector.broadcast %broadcast_in_dim3A_82 : i32 to vector<16xi32>
    %dma_wait3A = arith.constant 0 : i32
    %dma_wait3A_84 = tpu.memref_slice %arg5[%dma_wait3A] : memref<512xi32, #tpu.memory_space<vmem>> -> memref<128xi32, #tpu.memory_space<vmem>>
    %dma_wait3A_85 = tpu.memref_slice %arg3[%add3A_4] : memref<16384xi32, #tpu.memory_space<hbm>> -> memref<128xi32, #tpu.memory_space<hbm>>
    %dma_wait3A_86 = arith.constant 0 : i32
    %dma_wait3A_87 = tpu.memref_slice %arg5[%dma_wait3A_86] : memref<512xi32, #tpu.memory_space<vmem>> -> memref<128xi32, #tpu.memory_space<vmem>>
    %dma_wait3A_88 = tpu.memref_slice %arg3[%add3A_4] : memref<16384xi32, #tpu.memory_space<hbm>> -> memref<128xi32, #tpu.memory_space<hbm>>
    tpu.wait_dma2 semaphore(%arg12 : memref<!tpu.dma_semaphore, #tpu.memory_space<semaphore_mem>>) src(%dma_wait3A_88 : memref<128xi32, #tpu.memory_space<hbm>>) dst(%dma_wait3A_87 : memref<128xi32, #tpu.memory_space<vmem>>)
    %get3A = arith.constant 0 : index
    %get3A_89 = tpu.vector_load %arg5[%get3A] {strides = array<i32>} : memref<512xi32, #tpu.memory_space<vmem>>, vector<16xi32>,
    %convert_element_type3A = arith.sitofp %get3A_89 : vector<16xi32> to vector<16xf32>
    %mul3A_90 = arith.mulf %convert_element_type3A, %broadcast_in_dim3A_67 : vector<16xf32>
    %convert_element_type3A_91 = arith.fptosi %mul3A_90 : vector<16xf32> to vector<16xi32>
    %min3A = arith.minsi %convert_element_type3A_91, %broadcast_in_dim3A_69 : vector<16xi32>
    %convert_element_type3A_92 = arith.sitofp %min3A : vector<16xi32> to vector<16xf32>
    %add3A_93 = arith.addf %convert_element_type3A_92, %broadcast_in_dim3A_71 : vector<16xf32>
    %sub3A = arith.subf %add3A_93, %mul3A_90 : vector<16xf32>
    %swap3A = arith.constant 0 : index
    %swap3A_94 = tpu.vector_load %arg7[%swap3A] {strides = array<i32>} : memref<512xf32, #tpu.memory_space<vmem>>, vector<16xf32>,
    tpu.vector_store %arg7[%swap3A], %sub3A {strides = array<i32>} : memref<512xf32, #tpu.memory_space<vmem>>, vector<16xf32>,
    %sub3A_95 = arith.subf %mul3A_90, %convert_element_type3A_92 : vector<16xf32>
    %swap3A_96 = arith.constant 0 : index
    %swap3A_97 = tpu.vector_load %arg8[%swap3A_96] {strides = array<i32>} : memref<512xf32, #tpu.memory_space<vmem>>, vector<16xf32>,
    tpu.vector_store %arg8[%swap3A_96], %sub3A_95 {strides = array<i32>} : memref<512xf32, #tpu.memory_space<vmem>>, vector<16xf32>,
    %add3A_98 = arith.addi %min3A, %broadcast_in_dim3A_73 : vector<16xi32>
    %swap3A_99 = arith.constant 0 : index
    %swap3A_100 = tpu.vector_load %arg9[%swap3A_99] {strides = array<i32>} : memref<3072xi32, #tpu.memory_space<vmem>>, vector<16xi32>,
    tpu.vector_store %arg9[%swap3A_99], %add3A_98 {strides = array<i32>} : memref<3072xi32, #tpu.memory_space<vmem>>, vector<16xi32>,
    %add3A_101 = arith.addi %min3A, %broadcast_in_dim3A_75 : vector<16xi32>
    %swap3A_102 = arith.constant 128 : index
    %swap3A_103 = tpu.vector_load %arg9[%swap3A_102] {strides = array<i32>} : memref<3072xi32, #tpu.memory_space<vmem>>, vector<16xi32>,
    tpu.vector_store %arg9[%swap3A_102], %add3A_101 {strides = array<i32>} : memref<3072xi32, #tpu.memory_space<vmem>>, vector<16xi32>,
    %add3A_104 = arith.addi %min3A, %broadcast_in_dim3A_77 : vector<16xi32>
    %swap3A_105 = arith.constant 256 : index
    %swap3A_106 = tpu.vector_load %arg9[%swap3A_105] {strides = array<i32>} : memref<3072xi32, #tpu.memory_space<vmem>>, vector<16xi32>,
    tpu.vector_store %arg9[%swap3A_105], %add3A_104 {strides = array<i32>} : memref<3072xi32, #tpu.memory_space<vmem>>, vector<16xi32>,
    %add3A_107 = arith.addi %min3A, %broadcast_in_dim3A_79 : vector<16xi32>
    %swap3A_108 = arith.constant 384 : index
    %swap3A_109 = tpu.vector_load %arg9[%swap3A_108] {strides = array<i32>} : memref<3072xi32, #tpu.memory_space<vmem>>, vector<16xi32>,
    tpu.vector_store %arg9[%swap3A_108], %add3A_107 {strides = array<i32>} : memref<3072xi32, #tpu.memory_space<vmem>>, vector<16xi32>,
    %add3A_110 = arith.addi %min3A, %broadcast_in_dim3A_81 : vector<16xi32>
    %swap3A_111 = arith.constant 512 : index
    %swap3A_112 = tpu.vector_load %arg9[%swap3A_111] {strides = array<i32>} : memref<3072xi32, #tpu.memory_space<vmem>>, vector<16xi32>,
    tpu.vector_store %arg9[%swap3A_111], %add3A_110 {strides = array<i32>} : memref<3072xi32, #tpu.memory_space<vmem>>, vector<16xi32>,
    %add3A_113 = arith.addi %min3A, %broadcast_in_dim3A_83 : vector<16xi32>
    %swap3A_114 = arith.constant 640 : index
    %swap3A_115 = tpu.vector_load %arg9[%swap3A_114] {strides = array<i32>} : memref<3072xi32, #tpu.memory_space<vmem>>, vector<16xi32>,
    tpu.vector_store %arg9[%swap3A_114], %add3A_113 {strides = array<i32>} : memref<3072xi32, #tpu.memory_space<vmem>>, vector<16xi32>,
    %get3A_116 = arith.constant 16 : index
    %get3A_117 = tpu.vector_load %arg5[%get3A_116] {strides = array<i32>} : memref<512xi32, #tpu.memory_space<vmem>>, vector<16xi32>,
    %convert_element_type3A_118 = arith.sitofp %get3A_117 : vector<16xi32> to vector<16xf32>
    %mul3A_119 = arith.mulf %convert_element_type3A_118, %broadcast_in_dim3A_67 : vector<16xf32>
    %convert_element_type3A_120 = arith.fptosi %mul3A_119 : vector<16xf32> to vector<16xi32>
    %min3A_121 = arith.minsi %convert_element_type3A_120, %broadcast_in_dim3A_69 : vector<16xi32>
    %convert_element_type3A_122 = arith.sitofp %min3A_121 : vector<16xi32> to vector<16xf32>
    %add3A_123 = arith.addf %convert_element_type3A_122, %broadcast_in_dim3A_71 : vector<16xf32>
    %sub3A_124 = arith.subf %add3A_123, %mul3A_119 : vector<16xf32>
    %swap3A_125 = arith.constant 16 : index
    %swap3A_126 = tpu.vector_load %arg7[%swap3A_125] {strides = array<i32>} : memref<512xf32, #tpu.memory_space<vmem>>, vector<16xf32>,
    tpu.vector_store %arg7[%swap3A_125], %sub3A_124 {strides = array<i32>} : memref<512xf32, #tpu.memory_space<vmem>>, vector<16xf32>,
    %sub3A_127 = arith.subf %mul3A_119, %convert_element_type3A_122 : vector<16xf32>
    %swap3A_128 = arith.constant 16 : index
    %swap3A_129 = tpu.vector_load %arg8[%swap3A_128] {strides = array<i32>} : memref<512xf32, #tpu.memory_space<vmem>>, vector<16xf32>,
    tpu.vector_store %arg8[%swap3A_128], %sub3A_127 {strides = array<i32>} : memref<512xf32, #tpu.memory_space<vmem>>, vector<16xf32>,
    %add3A_130 = arith.addi %min3A_121, %broadcast_in_dim3A_73 : vector<16xi32>
    %swap3A_131 = arith.constant 16 : index
    %swap3A_132 = tpu.vector_load %arg9[%swap3A_131] {strides = array<i32>} : memref<3072xi32, #tpu.memory_space<vmem>>, vector<16xi32>,
    tpu.vector_store %arg9[%swap3A_131], %add3A_130 {strides = array<i32>} : memref<3072xi32, #tpu.memory_space<vmem>>, vector<16xi32>,
    %add3A_133 = arith.addi %min3A_121, %broadcast_in_dim3A_75 : vector<16xi32>
    %swap3A_134 = arith.constant 144 : index
    %swap3A_135 = tpu.vector_load %arg9[%swap3A_134] {strides = array<i32>} : memref<3072xi32, #tpu.memory_space<vmem>>, vector<16xi32>,
    tpu.vector_store %arg9[%swap3A_134], %add3A_133 {strides = array<i32>} : memref<3072xi32, #tpu.memory_space<vmem>>, vector<16xi32>,
    %add3A_136 = arith.addi %min3A_121, %broadcast_in_dim3A_77 : vector<16xi32>
    %swap3A_137 = arith.constant 272 : index
    %swap3A_138 = tpu.vector_load %arg9[%swap3A_137] {strides = array<i32>} : memref<3072xi32, #tpu.memory_space<vmem>>, vector<16xi32>,
    tpu.vector_store %arg9[%swap3A_137], %add3A_136 {strides = array<i32>} : memref<3072xi32, #tpu.memory_space<vmem>>, vector<16xi32>,
    %add3A_139 = arith.addi %min3A_121, %broadcast_in_dim3A_79 : vector<16xi32>
    %swap3A_140 = arith.constant 400 : index
    %swap3A_141 = tpu.vector_load %arg9[%swap3A_140] {strides = array<i32>} : memref<3072xi32, #tpu.memory_space<vmem>>, vector<16xi32>,
    tpu.vector_store %arg9[%swap3A_140], %add3A_139 {strides = array<i32>} : memref<3072xi32, #tpu.memory_space<vmem>>, vector<16xi32>,
    %add3A_142 = arith.addi %min3A_121, %broadcast_in_dim3A_81 : vector<16xi32>
    %swap3A_143 = arith.constant 528 : index
    %swap3A_144 = tpu.vector_load %arg9[%swap3A_143] {strides = array<i32>} : memref<3072xi32, #tpu.memory_space<vmem>>, vector<16xi32>,
    tpu.vector_store %arg9[%swap3A_143], %add3A_142 {strides = array<i32>} : memref<3072xi32, #tpu.memory_space<vmem>>, vector<16xi32>,
    %add3A_145 = arith.addi %min3A_121, %broadcast_in_dim3A_83 : vector<16xi32>
    %swap3A_146 = arith.constant 656 : index
    %swap3A_147 = tpu.vector_load %arg9[%swap3A_146] {strides = array<i32>} : memref<3072xi32, #tpu.memory_space<vmem>>, vector<16xi32>,
    tpu.vector_store %arg9[%swap3A_146], %add3A_145 {strides = array<i32>} : memref<3072xi32, #tpu.memory_space<vmem>>, vector<16xi32>,
    %get3A_148 = arith.constant 32 : index
    %get3A_149 = tpu.vector_load %arg5[%get3A_148] {strides = array<i32>} : memref<512xi32, #tpu.memory_space<vmem>>, vector<16xi32>,
    %convert_element_type3A_150 = arith.sitofp %get3A_149 : vector<16xi32> to vector<16xf32>
    %mul3A_151 = arith.mulf %convert_element_type3A_150, %broadcast_in_dim3A_67 : vector<16xf32>
    %convert_element_type3A_152 = arith.fptosi %mul3A_151 : vector<16xf32> to vector<16xi32>
    %min3A_153 = arith.minsi %convert_element_type3A_152, %broadcast_in_dim3A_69 : vector<16xi32>
    %convert_element_type3A_154 = arith.sitofp %min3A_153 : vector<16xi32> to vector<16xf32>
    %add3A_155 = arith.addf %convert_element_type3A_154, %broadcast_in_dim3A_71 : vector<16xf32>
    %sub3A_156 = arith.subf %add3A_155, %mul3A_151 : vector<16xf32>
    %swap3A_157 = arith.constant 32 : index
    %swap3A_158 = tpu.vector_load %arg7[%swap3A_157] {strides = array<i32>} : memref<512xf32, #tpu.memory_space<vmem>>, vector<16xf32>,
    tpu.vector_store %arg7[%swap3A_157], %sub3A_156 {strides = array<i32>} : memref<512xf32, #tpu.memory_space<vmem>>, vector<16xf32>,
    %sub3A_159 = arith.subf %mul3A_151, %convert_element_type3A_154 : vector<16xf32>
    %swap3A_160 = arith.constant 32 : index
    %swap3A_161 = tpu.vector_load %arg8[%swap3A_160] {strides = array<i32>} : memref<512xf32, #tpu.memory_space<vmem>>, vector<16xf32>,
    tpu.vector_store %arg8[%swap3A_160], %sub3A_159 {strides = array<i32>} : memref<512xf32, #tpu.memory_space<vmem>>, vector<16xf32>,
    %add3A_162 = arith.addi %min3A_153, %broadcast_in_dim3A_73 : vector<16xi32>
    %swap3A_163 = arith.constant 32 : index
    %swap3A_164 = tpu.vector_load %arg9[%swap3A_163] {strides = array<i32>} : memref<3072xi32, #tpu.memory_space<vmem>>, vector<16xi32>,
    tpu.vector_store %arg9[%swap3A_163], %add3A_162 {strides = array<i32>} : memref<3072xi32, #tpu.memory_space<vmem>>, vector<16xi32>,
    %add3A_165 = arith.addi %min3A_153, %broadcast_in_dim3A_75 : vector<16xi32>
    %swap3A_166 = arith.constant 160 : index
    %swap3A_167 = tpu.vector_load %arg9[%swap3A_166] {strides = array<i32>} : memref<3072xi32, #tpu.memory_space<vmem>>, vector<16xi32>,
    tpu.vector_store %arg9[%swap3A_166], %add3A_165 {strides = array<i32>} : memref<3072xi32, #tpu.memory_space<vmem>>, vector<16xi32>,
    %add3A_168 = arith.addi %min3A_153, %broadcast_in_dim3A_77 : vector<16xi32>
    %swap3A_169 = arith.constant 288 : index
    %swap3A_170 = tpu.vector_load %arg9[%swap3A_169] {strides = array<i32>} : memref<3072xi32, #tpu.memory_space<vmem>>, vector<16xi32>,
    tpu.vector_store %arg9[%swap3A_169], %add3A_168 {strides = array<i32>} : memref<3072xi32, #tpu.memory_space<vmem>>, vector<16xi32>,
    %add3A_171 = arith.addi %min3A_153, %broadcast_in_dim3A_79 : vector<16xi32>
    %swap3A_172 = arith.constant 416 : index
    %swap3A_173 = tpu.vector_load %arg9[%swap3A_172] {strides = array<i32>} : memref<3072xi32, #tpu.memory_space<vmem>>, vector<16xi32>,
    tpu.vector_store %arg9[%swap3A_172], %add3A_171 {strides = array<i32>} : memref<3072xi32, #tpu.memory_space<vmem>>, vector<16xi32>,
    %add3A_174 = arith.addi %min3A_153, %broadcast_in_dim3A_81 : vector<16xi32>
    %swap3A_175 = arith.constant 544 : index
    %swap3A_176 = tpu.vector_load %arg9[%swap3A_175] {strides = array<i32>} : memref<3072xi32, #tpu.memory_space<vmem>>, vector<16xi32>,
    tpu.vector_store %arg9[%swap3A_175], %add3A_174 {strides = array<i32>} : memref<3072xi32, #tpu.memory_space<vmem>>, vector<16xi32>,
    %add3A_177 = arith.addi %min3A_153, %broadcast_in_dim3A_83 : vector<16xi32>
    %swap3A_178 = arith.constant 672 : index
    %swap3A_179 = tpu.vector_load %arg9[%swap3A_178] {strides = array<i32>} : memref<3072xi32, #tpu.memory_space<vmem>>, vector<16xi32>,
    tpu.vector_store %arg9[%swap3A_178], %add3A_177 {strides = array<i32>} : memref<3072xi32, #tpu.memory_space<vmem>>, vector<16xi32>,
    %get3A_180 = arith.constant 48 : index
    %get3A_181 = tpu.vector_load %arg5[%get3A_180] {strides = array<i32>} : memref<512xi32, #tpu.memory_space<vmem>>, vector<16xi32>,
    %convert_element_type3A_182 = arith.sitofp %get3A_181 : vector<16xi32> to vector<16xf32>
    %mul3A_183 = arith.mulf %convert_element_type3A_182, %broadcast_in_dim3A_67 : vector<16xf32>
    %convert_element_type3A_184 = arith.fptosi %mul3A_183 : vector<16xf32> to vector<16xi32>
    %min3A_185 = arith.minsi %convert_element_type3A_184, %broadcast_in_dim3A_69 : vector<16xi32>
    %convert_element_type3A_186 = arith.sitofp %min3A_185 : vector<16xi32> to vector<16xf32>
    %add3A_187 = arith.addf %convert_element_type3A_186, %broadcast_in_dim3A_71 : vector<16xf32>
    %sub3A_188 = arith.subf %add3A_187, %mul3A_183 : vector<16xf32>
    %swap3A_189 = arith.constant 48 : index
    %swap3A_190 = tpu.vector_load %arg7[%swap3A_189] {strides = array<i32>} : memref<512xf32, #tpu.memory_space<vmem>>, vector<16xf32>,
    tpu.vector_store %arg7[%swap3A_189], %sub3A_188 {strides = array<i32>} : memref<512xf32, #tpu.memory_space<vmem>>, vector<16xf32>,
    %sub3A_191 = arith.subf %mul3A_183, %convert_element_type3A_186 : vector<16xf32>
    %swap3A_192 = arith.constant 48 : index
    %swap3A_193 = tpu.vector_load %arg8[%swap3A_192] {strides = array<i32>} : memref<512xf32, #tpu.memory_space<vmem>>, vector<16xf32>,
    tpu.vector_store %arg8[%swap3A_192], %sub3A_191 {strides = array<i32>} : memref<512xf32, #tpu.memory_space<vmem>>, vector<16xf32>,
    %add3A_194 = arith.addi %min3A_185, %broadcast_in_dim3A_73 : vector<16xi32>
    %swap3A_195 = arith.constant 48 : index
    %swap3A_196 = tpu.vector_load %arg9[%swap3A_195] {strides = array<i32>} : memref<3072xi32, #tpu.memory_space<vmem>>, vector<16xi32>,
    tpu.vector_store %arg9[%swap3A_195], %add3A_194 {strides = array<i32>} : memref<3072xi32, #tpu.memory_space<vmem>>, vector<16xi32>,
    %add3A_197 = arith.addi %min3A_185, %broadcast_in_dim3A_75 : vector<16xi32>
    %swap3A_198 = arith.constant 176 : index
    %swap3A_199 = tpu.vector_load %arg9[%swap3A_198] {strides = array<i32>} : memref<3072xi32, #tpu.memory_space<vmem>>, vector<16xi32>,
    tpu.vector_store %arg9[%swap3A_198], %add3A_197 {strides = array<i32>} : memref<3072xi32, #tpu.memory_space<vmem>>, vector<16xi32>,
    %add3A_200 = arith.addi %min3A_185, %broadcast_in_dim3A_77 : vector<16xi32>
    %swap3A_201 = arith.constant 304 : index
    %swap3A_202 = tpu.vector_load %arg9[%swap3A_201] {strides = array<i32>} : memref<3072xi32, #tpu.memory_space<vmem>>, vector<16xi32>,
    tpu.vector_store %arg9[%swap3A_201], %add3A_200 {strides = array<i32>} : memref<3072xi32, #tpu.memory_space<vmem>>, vector<16xi32>,
    %add3A_203 = arith.addi %min3A_185, %broadcast_in_dim3A_79 : vector<16xi32>
    %swap3A_204 = arith.constant 432 : index
    %swap3A_205 = tpu.vector_load %arg9[%swap3A_204] {strides = array<i32>} : memref<3072xi32, #tpu.memory_space<vmem>>, vector<16xi32>,
    tpu.vector_store %arg9[%swap3A_204], %add3A_203 {strides = array<i32>} : memref<3072xi32, #tpu.memory_space<vmem>>, vector<16xi32>,
    %add3A_206 = arith.addi %min3A_185, %broadcast_in_dim3A_81 : vector<16xi32>
    %swap3A_207 = arith.constant 560 : index
    %swap3A_208 = tpu.vector_load %arg9[%swap3A_207] {strides = array<i32>} : memref<3072xi32, #tpu.memory_space<vmem>>, vector<16xi32>,
    tpu.vector_store %arg9[%swap3A_207], %add3A_206 {strides = array<i32>} : memref<3072xi32, #tpu.memory_space<vmem>>, vector<16xi32>,
    %add3A_209 = arith.addi %min3A_185, %broadcast_in_dim3A_83 : vector<16xi32>
    %swap3A_210 = arith.constant 688 : index
    %swap3A_211 = tpu.vector_load %arg9[%swap3A_210] {strides = array<i32>} : memref<3072xi32, #tpu.memory_space<vmem>>, vector<16xi32>,
    tpu.vector_store %arg9[%swap3A_210], %add3A_209 {strides = array<i32>} : memref<3072xi32, #tpu.memory_space<vmem>>, vector<16xi32>,
    %get3A_212 = arith.constant 64 : index
    %get3A_213 = tpu.vector_load %arg5[%get3A_212] {strides = array<i32>} : memref<512xi32, #tpu.memory_space<vmem>>, vector<16xi32>,
    %convert_element_type3A_214 = arith.sitofp %get3A_213 : vector<16xi32> to vector<16xf32>
    %mul3A_215 = arith.mulf %convert_element_type3A_214, %broadcast_in_dim3A_67 : vector<16xf32>
    %convert_element_type3A_216 = arith.fptosi %mul3A_215 : vector<16xf32> to vector<16xi32>
    %min3A_217 = arith.minsi %convert_element_type3A_216, %broadcast_in_dim3A_69 : vector<16xi32>
    %convert_element_type3A_218 = arith.sitofp %min3A_217 : vector<16xi32> to vector<16xf32>
    %add3A_219 = arith.addf %convert_element_type3A_218, %broadcast_in_dim3A_71 : vector<16xf32>
    %sub3A_220 = arith.subf %add3A_219, %mul3A_215 : vector<16xf32>
    %swap3A_221 = arith.constant 64 : index
    %swap3A_222 = tpu.vector_load %arg7[%swap3A_221] {strides = array<i32>} : memref<512xf32, #tpu.memory_space<vmem>>, vector<16xf32>,
    tpu.vector_store %arg7[%swap3A_221], %sub3A_220 {strides = array<i32>} : memref<512xf32, #tpu.memory_space<vmem>>, vector<16xf32>,
    %sub3A_223 = arith.subf %mul3A_215, %convert_element_type3A_218 : vector<16xf32>
    %swap3A_224 = arith.constant 64 : index
    %swap3A_225 = tpu.vector_load %arg8[%swap3A_224] {strides = array<i32>} : memref<512xf32, #tpu.memory_space<vmem>>, vector<16xf32>,
    tpu.vector_store %arg8[%swap3A_224], %sub3A_223 {strides = array<i32>} : memref<512xf32, #tpu.memory_space<vmem>>, vector<16xf32>,
    %add3A_226 = arith.addi %min3A_217, %broadcast_in_dim3A_73 : vector<16xi32>
    %swap3A_227 = arith.constant 64 : index
    %swap3A_228 = tpu.vector_load %arg9[%swap3A_227] {strides = array<i32>} : memref<3072xi32, #tpu.memory_space<vmem>>, vector<16xi32>,
    tpu.vector_store %arg9[%swap3A_227], %add3A_226 {strides = array<i32>} : memref<3072xi32, #tpu.memory_space<vmem>>, vector<16xi32>,
    %add3A_229 = arith.addi %min3A_217, %broadcast_in_dim3A_75 : vector<16xi32>
    %swap3A_230 = arith.constant 192 : index
    %swap3A_231 = tpu.vector_load %arg9[%swap3A_230] {strides = array<i32>} : memref<3072xi32, #tpu.memory_space<vmem>>, vector<16xi32>,
    tpu.vector_store %arg9[%swap3A_230], %add3A_229 {strides = array<i32>} : memref<3072xi32, #tpu.memory_space<vmem>>, vector<16xi32>,
    %add3A_232 = arith.addi %min3A_217, %broadcast_in_dim3A_77 : vector<16xi32>
    %swap3A_233 = arith.constant 320 : index
    %swap3A_234 = tpu.vector_load %arg9[%swap3A_233] {strides = array<i32>} : memref<3072xi32, #tpu.memory_space<vmem>>, vector<16xi32>,
    tpu.vector_store %arg9[%swap3A_233], %add3A_232 {strides = array<i32>} : memref<3072xi32, #tpu.memory_space<vmem>>, vector<16xi32>,
    %add3A_235 = arith.addi %min3A_217, %broadcast_in_dim3A_79 : vector<16xi32>
    %swap3A_236 = arith.constant 448 : index
    %swap3A_237 = tpu.vector_load %arg9[%swap3A_236] {strides = array<i32>} : memref<3072xi32, #tpu.memory_space<vmem>>, vector<16xi32>,
    tpu.vector_store %arg9[%swap3A_236], %add3A_235 {strides = array<i32>} : memref<3072xi32, #tpu.memory_space<vmem>>, vector<16xi32>,
    %add3A_238 = arith.addi %min3A_217, %broadcast_in_dim3A_81 : vector<16xi32>
    %swap3A_239 = arith.constant 576 : index
    %swap3A_240 = tpu.vector_load %arg9[%swap3A_239] {strides = array<i32>} : memref<3072xi32, #tpu.memory_space<vmem>>, vector<16xi32>,
    tpu.vector_store %arg9[%swap3A_239], %add3A_238 {strides = array<i32>} : memref<3072xi32, #tpu.memory_space<vmem>>, vector<16xi32>,
    %add3A_241 = arith.addi %min3A_217, %broadcast_in_dim3A_83 : vector<16xi32>
    %swap3A_242 = arith.constant 704 : index
    %swap3A_243 = tpu.vector_load %arg9[%swap3A_242] {strides = array<i32>} : memref<3072xi32, #tpu.memory_space<vmem>>, vector<16xi32>,
    tpu.vector_store %arg9[%swap3A_242], %add3A_241 {strides = array<i32>} : memref<3072xi32, #tpu.memory_space<vmem>>, vector<16xi32>,
    %get3A_244 = arith.constant 80 : index
    %get3A_245 = tpu.vector_load %arg5[%get3A_244] {strides = array<i32>} : memref<512xi32, #tpu.memory_space<vmem>>, vector<16xi32>,
    %convert_element_type3A_246 = arith.sitofp %get3A_245 : vector<16xi32> to vector<16xf32>
    %mul3A_247 = arith.mulf %convert_element_type3A_246, %broadcast_in_dim3A_67 : vector<16xf32>
    %convert_element_type3A_248 = arith.fptosi %mul3A_247 : vector<16xf32> to vector<16xi32>
    %min3A_249 = arith.minsi %convert_element_type3A_248, %broadcast_in_dim3A_69 : vector<16xi32>
    %convert_element_type3A_250 = arith.sitofp %min3A_249 : vector<16xi32> to vector<16xf32>
    %add3A_251 = arith.addf %convert_element_type3A_250, %broadcast_in_dim3A_71 : vector<16xf32>
    %sub3A_252 = arith.subf %add3A_251, %mul3A_247 : vector<16xf32>
    %swap3A_253 = arith.constant 80 : index
    %swap3A_254 = tpu.vector_load %arg7[%swap3A_253] {strides = array<i32>} : memref<512xf32, #tpu.memory_space<vmem>>, vector<16xf32>,
    tpu.vector_store %arg7[%swap3A_253], %sub3A_252 {strides = array<i32>} : memref<512xf32, #tpu.memory_space<vmem>>, vector<16xf32>,
    %sub3A_255 = arith.subf %mul3A_247, %convert_element_type3A_250 : vector<16xf32>
    %swap3A_256 = arith.constant 80 : index
    %swap3A_257 = tpu.vector_load %arg8[%swap3A_256] {strides = array<i32>} : memref<512xf32, #tpu.memory_space<vmem>>, vector<16xf32>,
    tpu.vector_store %arg8[%swap3A_256], %sub3A_255 {strides = array<i32>} : memref<512xf32, #tpu.memory_space<vmem>>, vector<16xf32>,
    %add3A_258 = arith.addi %min3A_249, %broadcast_in_dim3A_73 : vector<16xi32>
    %swap3A_259 = arith.constant 80 : index
    %swap3A_260 = tpu.vector_load %arg9[%swap3A_259] {strides = array<i32>} : memref<3072xi32, #tpu.memory_space<vmem>>, vector<16xi32>,
    tpu.vector_store %arg9[%swap3A_259], %add3A_258 {strides = array<i32>} : memref<3072xi32, #tpu.memory_space<vmem>>, vector<16xi32>,
    %add3A_261 = arith.addi %min3A_249, %broadcast_in_dim3A_75 : vector<16xi32>
    %swap3A_262 = arith.constant 208 : index
    %swap3A_263 = tpu.vector_load %arg9[%swap3A_262] {strides = array<i32>} : memref<3072xi32, #tpu.memory_space<vmem>>, vector<16xi32>,
    tpu.vector_store %arg9[%swap3A_262], %add3A_261 {strides = array<i32>} : memref<3072xi32, #tpu.memory_space<vmem>>, vector<16xi32>,
    %add3A_264 = arith.addi %min3A_249, %broadcast_in_dim3A_77 : vector<16xi32>
    %swap3A_265 = arith.constant 336 : index
    %swap3A_266 = tpu.vector_load %arg9[%swap3A_265] {strides = array<i32>} : memref<3072xi32, #tpu.memory_space<vmem>>, vector<16xi32>,
    tpu.vector_store %arg9[%swap3A_265], %add3A_264 {strides = array<i32>} : memref<3072xi32, #tpu.memory_space<vmem>>, vector<16xi32>,
    %add3A_267 = arith.addi %min3A_249, %broadcast_in_dim3A_79 : vector<16xi32>
    %swap3A_268 = arith.constant 464 : index
    %swap3A_269 = tpu.vector_load %arg9[%swap3A_268] {strides = array<i32>} : memref<3072xi32, #tpu.memory_space<vmem>>, vector<16xi32>,
    tpu.vector_store %arg9[%swap3A_268], %add3A_267 {strides = array<i32>} : memref<3072xi32, #tpu.memory_space<vmem>>, vector<16xi32>,
    %add3A_270 = arith.addi %min3A_249, %broadcast_in_dim3A_81 : vector<16xi32>
    %swap3A_271 = arith.constant 592 : index
    %swap3A_272 = tpu.vector_load %arg9[%swap3A_271] {strides = array<i32>} : memref<3072xi32, #tpu.memory_space<vmem>>, vector<16xi32>,
    tpu.vector_store %arg9[%swap3A_271], %add3A_270 {strides = array<i32>} : memref<3072xi32, #tpu.memory_space<vmem>>, vector<16xi32>,
    %add3A_273 = arith.addi %min3A_249, %broadcast_in_dim3A_83 : vector<16xi32>
    %swap3A_274 = arith.constant 720 : index
    %swap3A_275 = tpu.vector_load %arg9[%swap3A_274] {strides = array<i32>} : memref<3072xi32, #tpu.memory_space<vmem>>, vector<16xi32>,
    tpu.vector_store %arg9[%swap3A_274], %add3A_273 {strides = array<i32>} : memref<3072xi32, #tpu.memory_space<vmem>>, vector<16xi32>,
    %get3A_276 = arith.constant 96 : index
    %get3A_277 = tpu.vector_load %arg5[%get3A_276] {strides = array<i32>} : memref<512xi32, #tpu.memory_space<vmem>>, vector<16xi32>,
    %convert_element_type3A_278 = arith.sitofp %get3A_277 : vector<16xi32> to vector<16xf32>
    %mul3A_279 = arith.mulf %convert_element_type3A_278, %broadcast_in_dim3A_67 : vector<16xf32>
    %convert_element_type3A_280 = arith.fptosi %mul3A_279 : vector<16xf32> to vector<16xi32>
    %min3A_281 = arith.minsi %convert_element_type3A_280, %broadcast_in_dim3A_69 : vector<16xi32>
    %convert_element_type3A_282 = arith.sitofp %min3A_281 : vector<16xi32> to vector<16xf32>
    %add3A_283 = arith.addf %convert_element_type3A_282, %broadcast_in_dim3A_71 : vector<16xf32>
    %sub3A_284 = arith.subf %add3A_283, %mul3A_279 : vector<16xf32>
    %swap3A_285 = arith.constant 96 : index
    %swap3A_286 = tpu.vector_load %arg7[%swap3A_285] {strides = array<i32>} : memref<512xf32, #tpu.memory_space<vmem>>, vector<16xf32>,
    tpu.vector_store %arg7[%swap3A_285], %sub3A_284 {strides = array<i32>} : memref<512xf32, #tpu.memory_space<vmem>>, vector<16xf32>,
    %sub3A_287 = arith.subf %mul3A_279, %convert_element_type3A_282 : vector<16xf32>
    %swap3A_288 = arith.constant 96 : index
    %swap3A_289 = tpu.vector_load %arg8[%swap3A_288] {strides = array<i32>} : memref<512xf32, #tpu.memory_space<vmem>>, vector<16xf32>,
    tpu.vector_store %arg8[%swap3A_288], %sub3A_287 {strides = array<i32>} : memref<512xf32, #tpu.memory_space<vmem>>, vector<16xf32>,
    %add3A_290 = arith.addi %min3A_281, %broadcast_in_dim3A_73 : vector<16xi32>
    %swap3A_291 = arith.constant 96 : index
    %swap3A_292 = tpu.vector_load %arg9[%swap3A_291] {strides = array<i32>} : memref<3072xi32, #tpu.memory_space<vmem>>, vector<16xi32>,
    tpu.vector_store %arg9[%swap3A_291], %add3A_290 {strides = array<i32>} : memref<3072xi32, #tpu.memory_space<vmem>>, vector<16xi32>,
    %add3A_293 = arith.addi %min3A_281, %broadcast_in_dim3A_75 : vector<16xi32>
    %swap3A_294 = arith.constant 224 : index
    %swap3A_295 = tpu.vector_load %arg9[%swap3A_294] {strides = array<i32>} : memref<3072xi32, #tpu.memory_space<vmem>>, vector<16xi32>,
    tpu.vector_store %arg9[%swap3A_294], %add3A_293 {strides = array<i32>} : memref<3072xi32, #tpu.memory_space<vmem>>, vector<16xi32>,
    %add3A_296 = arith.addi %min3A_281, %broadcast_in_dim3A_77 : vector<16xi32>
    %swap3A_297 = arith.constant 352 : index
    %swap3A_298 = tpu.vector_load %arg9[%swap3A_297] {strides = array<i32>} : memref<3072xi32, #tpu.memory_space<vmem>>, vector<16xi32>,
    tpu.vector_store %arg9[%swap3A_297], %add3A_296 {strides = array<i32>} : memref<3072xi32, #tpu.memory_space<vmem>>, vector<16xi32>,
    %add3A_299 = arith.addi %min3A_281, %broadcast_in_dim3A_79 : vector<16xi32>
    %swap3A_300 = arith.constant 480 : index
    %swap3A_301 = tpu.vector_load %arg9[%swap3A_300] {strides = array<i32>} : memref<3072xi32, #tpu.memory_space<vmem>>, vector<16xi32>,
    tpu.vector_store %arg9[%swap3A_300], %add3A_299 {strides = array<i32>} : memref<3072xi32, #tpu.memory_space<vmem>>, vector<16xi32>,
    %add3A_302 = arith.addi %min3A_281, %broadcast_in_dim3A_81 : vector<16xi32>
    %swap3A_303 = arith.constant 608 : index
    %swap3A_304 = tpu.vector_load %arg9[%swap3A_303] {strides = array<i32>} : memref<3072xi32, #tpu.memory_space<vmem>>, vector<16xi32>,
    tpu.vector_store %arg9[%swap3A_303], %add3A_302 {strides = array<i32>} : memref<3072xi32, #tpu.memory_space<vmem>>, vector<16xi32>,
    %add3A_305 = arith.addi %min3A_281, %broadcast_in_dim3A_83 : vector<16xi32>
    %swap3A_306 = arith.constant 736 : index
    %swap3A_307 = tpu.vector_load %arg9[%swap3A_306] {strides = array<i32>} : memref<3072xi32, #tpu.memory_space<vmem>>, vector<16xi32>,
    tpu.vector_store %arg9[%swap3A_306], %add3A_305 {strides = array<i32>} : memref<3072xi32, #tpu.memory_space<vmem>>, vector<16xi32>,
    %get3A_308 = arith.constant 112 : index
    %get3A_309 = tpu.vector_load %arg5[%get3A_308] {strides = array<i32>} : memref<512xi32, #tpu.memory_space<vmem>>, vector<16xi32>,
    %convert_element_type3A_310 = arith.sitofp %get3A_309 : vector<16xi32> to vector<16xf32>
    %mul3A_311 = arith.mulf %convert_element_type3A_310, %broadcast_in_dim3A_67 : vector<16xf32>
    %convert_element_type3A_312 = arith.fptosi %mul3A_311 : vector<16xf32> to vector<16xi32>
    %min3A_313 = arith.minsi %convert_element_type3A_312, %broadcast_in_dim3A_69 : vector<16xi32>
    %convert_element_type3A_314 = arith.sitofp %min3A_313 : vector<16xi32> to vector<16xf32>
    %add3A_315 = arith.addf %convert_element_type3A_314, %broadcast_in_dim3A_71 : vector<16xf32>
    %sub3A_316 = arith.subf %add3A_315, %mul3A_311 : vector<16xf32>
    %swap3A_317 = arith.constant 112 : index
    %swap3A_318 = tpu.vector_load %arg7[%swap3A_317] {strides = array<i32>} : memref<512xf32, #tpu.memory_space<vmem>>, vector<16xf32>,
    tpu.vector_store %arg7[%swap3A_317], %sub3A_316 {strides = array<i32>} : memref<512xf32, #tpu.memory_space<vmem>>, vector<16xf32>,
    %sub3A_319 = arith.subf %mul3A_311, %convert_element_type3A_314 : vector<16xf32>
    %swap3A_320 = arith.constant 112 : index
    %swap3A_321 = tpu.vector_load %arg8[%swap3A_320] {strides = array<i32>} : memref<512xf32, #tpu.memory_space<vmem>>, vector<16xf32>,
    tpu.vector_store %arg8[%swap3A_320], %sub3A_319 {strides = array<i32>} : memref<512xf32, #tpu.memory_space<vmem>>, vector<16xf32>,
    %add3A_322 = arith.addi %min3A_313, %broadcast_in_dim3A_73 : vector<16xi32>
    %swap3A_323 = arith.constant 112 : index
    %swap3A_324 = tpu.vector_load %arg9[%swap3A_323] {strides = array<i32>} : memref<3072xi32, #tpu.memory_space<vmem>>, vector<16xi32>,
    tpu.vector_store %arg9[%swap3A_323], %add3A_322 {strides = array<i32>} : memref<3072xi32, #tpu.memory_space<vmem>>, vector<16xi32>,
    %add3A_325 = arith.addi %min3A_313, %broadcast_in_dim3A_75 : vector<16xi32>
    %swap3A_326 = arith.constant 240 : index
    %swap3A_327 = tpu.vector_load %arg9[%swap3A_326] {strides = array<i32>} : memref<3072xi32, #tpu.memory_space<vmem>>, vector<16xi32>,
    tpu.vector_store %arg9[%swap3A_326], %add3A_325 {strides = array<i32>} : memref<3072xi32, #tpu.memory_space<vmem>>, vector<16xi32>,
    %add3A_328 = arith.addi %min3A_313, %broadcast_in_dim3A_77 : vector<16xi32>
    %swap3A_329 = arith.constant 368 : index
    %swap3A_330 = tpu.vector_load %arg9[%swap3A_329] {strides = array<i32>} : memref<3072xi32, #tpu.memory_space<vmem>>, vector<16xi32>,
    tpu.vector_store %arg9[%swap3A_329], %add3A_328 {strides = array<i32>} : memref<3072xi32, #tpu.memory_space<vmem>>, vector<16xi32>,
    %add3A_331 = arith.addi %min3A_313, %broadcast_in_dim3A_79 : vector<16xi32>
    %swap3A_332 = arith.constant 496 : index
    %swap3A_333 = tpu.vector_load %arg9[%swap3A_332] {strides = array<i32>} : memref<3072xi32, #tpu.memory_space<vmem>>, vector<16xi32>,
    tpu.vector_store %arg9[%swap3A_332], %add3A_331 {strides = array<i32>} : memref<3072xi32, #tpu.memory_space<vmem>>, vector<16xi32>,
    %add3A_334 = arith.addi %min3A_313, %broadcast_in_dim3A_81 : vector<16xi32>
    %swap3A_335 = arith.constant 624 : index
    %swap3A_336 = tpu.vector_load %arg9[%swap3A_335] {strides = array<i32>} : memref<3072xi32, #tpu.memory_space<vmem>>, vector<16xi32>,
    tpu.vector_store %arg9[%swap3A_335], %add3A_334 {strides = array<i32>} : memref<3072xi32, #tpu.memory_space<vmem>>, vector<16xi32>,
    %add3A_337 = arith.addi %min3A_313, %broadcast_in_dim3A_83 : vector<16xi32>
    %swap3A_338 = arith.constant 752 : index
    %swap3A_339 = tpu.vector_load %arg9[%swap3A_338] {strides = array<i32>} : memref<3072xi32, #tpu.memory_space<vmem>>, vector<16xi32>,
    tpu.vector_store %arg9[%swap3A_338], %add3A_337 {strides = array<i32>} : memref<3072xi32, #tpu.memory_space<vmem>>, vector<16xi32>,
    %dma_start3A_340 = arith.constant 0 : i32
    %dma_start3A_341 = tpu.memref_slice %arg10[%dma_start3A_340] : memref<3072xf32, #tpu.memory_space<vmem>> -> memref<768xf32, #tpu.memory_space<vmem>>
    %dma_start3A_342 = arith.constant 0 : i32
    %dma_start3A_343 = tpu.memref_slice %arg9[%dma_start3A_342] : memref<3072xi32, #tpu.memory_space<vmem>> -> memref<768xi32, #tpu.memory_space<vmem>>
    %dma_start3A_344 = arith.constant 0 : i32
    %dma_start3A_345 = tpu.memref_slice %arg2[%dma_start3A_344] : memref<349152xf32, #tpu.memory_space<hbm>> -> memref<349152xf32, #tpu.memory_space<hbm>>
    tpu.enqueue_indirect_dma source(%dma_start3A_345 : memref<349152xf32, #tpu.memory_space<hbm>>) target(%dma_start3A_341 : memref<768xf32, #tpu.memory_space<vmem>>) offsets(%dma_start3A_343 : memref<768xi32, #tpu.memory_space<vmem>>) semaphore(%arg15 : memref<!tpu.dma_semaphore, #tpu.memory_space<semaphore_mem>>)
    %dma_wait3A_346 = arith.constant 128 : i32
    %dma_wait3A_347 = tpu.memref_slice %arg5[%dma_wait3A_346] : memref<512xi32, #tpu.memory_space<vmem>> -> memref<128xi32, #tpu.memory_space<vmem>>
    %dma_wait3A_348 = tpu.memref_slice %arg3[%add3A_11] : memref<16384xi32, #tpu.memory_space<hbm>> -> memref<128xi32, #tpu.memory_space<hbm>>
    %dma_wait3A_349 = arith.constant 128 : i32
    %dma_wait3A_350 = tpu.memref_slice %arg5[%dma_wait3A_349] : memref<512xi32, #tpu.memory_space<vmem>> -> memref<128xi32, #tpu.memory_space<vmem>>
    %dma_wait3A_351 = tpu.memref_slice %arg3[%add3A_11] : memref<16384xi32, #tpu.memory_space<hbm>> -> memref<128xi32, #tpu.memory_space<hbm>>
    tpu.wait_dma2 semaphore(%arg12 : memref<!tpu.dma_semaphore, #tpu.memory_space<semaphore_mem>>) src(%dma_wait3A_351 : memref<128xi32, #tpu.memory_space<hbm>>) dst(%dma_wait3A_350 : memref<128xi32, #tpu.memory_space<vmem>>)
    %get3A_352 = arith.constant 128 : index
    %get3A_353 = tpu.vector_load %arg5[%get3A_352] {strides = array<i32>} : memref<512xi32, #tpu.memory_space<vmem>>, vector<16xi32>,
    %convert_element_type3A_354 = arith.sitofp %get3A_353 : vector<16xi32> to vector<16xf32>
    %mul3A_355 = arith.mulf %convert_element_type3A_354, %broadcast_in_dim3A_67 : vector<16xf32>
    %convert_element_type3A_356 = arith.fptosi %mul3A_355 : vector<16xf32> to vector<16xi32>
    %min3A_357 = arith.minsi %convert_element_type3A_356, %broadcast_in_dim3A_69 : vector<16xi32>
    %convert_element_type3A_358 = arith.sitofp %min3A_357 : vector<16xi32> to vector<16xf32>
    %add3A_359 = arith.addf %convert_element_type3A_358, %broadcast_in_dim3A_71 : vector<16xf32>
    %sub3A_360 = arith.subf %add3A_359, %mul3A_355 : vector<16xf32>
    %swap3A_361 = arith.constant 128 : index
    %swap3A_362 = tpu.vector_load %arg7[%swap3A_361] {strides = array<i32>} : memref<512xf32, #tpu.memory_space<vmem>>, vector<16xf32>,
    tpu.vector_store %arg7[%swap3A_361], %sub3A_360 {strides = array<i32>} : memref<512xf32, #tpu.memory_space<vmem>>, vector<16xf32>,
    %sub3A_363 = arith.subf %mul3A_355, %convert_element_type3A_358 : vector<16xf32>
    %swap3A_364 = arith.constant 128 : index
    %swap3A_365 = tpu.vector_load %arg8[%swap3A_364] {strides = array<i32>} : memref<512xf32, #tpu.memory_space<vmem>>, vector<16xf32>,
    tpu.vector_store %arg8[%swap3A_364], %sub3A_363 {strides = array<i32>} : memref<512xf32, #tpu.memory_space<vmem>>, vector<16xf32>,
    %add3A_366 = arith.addi %min3A_357, %broadcast_in_dim3A_73 : vector<16xi32>
    %swap3A_367 = arith.constant 768 : index
    %swap3A_368 = tpu.vector_load %arg9[%swap3A_367] {strides = array<i32>} : memref<3072xi32, #tpu.memory_space<vmem>>, vector<16xi32>,
    tpu.vector_store %arg9[%swap3A_367], %add3A_366 {strides = array<i32>} : memref<3072xi32, #tpu.memory_space<vmem>>, vector<16xi32>,
    %add3A_369 = arith.addi %min3A_357, %broadcast_in_dim3A_75 : vector<16xi32>
    %swap3A_370 = arith.constant 896 : index
    %swap3A_371 = tpu.vector_load %arg9[%swap3A_370] {strides = array<i32>} : memref<3072xi32, #tpu.memory_space<vmem>>, vector<16xi32>,
    tpu.vector_store %arg9[%swap3A_370], %add3A_369 {strides = array<i32>} : memref<3072xi32, #tpu.memory_space<vmem>>, vector<16xi32>,
    %add3A_372 = arith.addi %min3A_357, %broadcast_in_dim3A_77 : vector<16xi32>
    %swap3A_373 = arith.constant 1024 : index
    %swap3A_374 = tpu.vector_load %arg9[%swap3A_373] {strides = array<i32>} : memref<3072xi32, #tpu.memory_space<vmem>>, vector<16xi32>,
    tpu.vector_store %arg9[%swap3A_373], %add3A_372 {strides = array<i32>} : memref<3072xi32, #tpu.memory_space<vmem>>, vector<16xi32>,
    %add3A_375 = arith.addi %min3A_357, %broadcast_in_dim3A_79 : vector<16xi32>
    %swap3A_376 = arith.constant 1152 : index
    %swap3A_377 = tpu.vector_load %arg9[%swap3A_376] {strides = array<i32>} : memref<3072xi32, #tpu.memory_space<vmem>>, vector<16xi32>,
    tpu.vector_store %arg9[%swap3A_376], %add3A_375 {strides = array<i32>} : memref<3072xi32, #tpu.memory_space<vmem>>, vector<16xi32>,
    %add3A_378 = arith.addi %min3A_357, %broadcast_in_dim3A_81 : vector<16xi32>
    %swap3A_379 = arith.constant 1280 : index
    %swap3A_380 = tpu.vector_load %arg9[%swap3A_379] {strides = array<i32>} : memref<3072xi32, #tpu.memory_space<vmem>>, vector<16xi32>,
    tpu.vector_store %arg9[%swap3A_379], %add3A_378 {strides = array<i32>} : memref<3072xi32, #tpu.memory_space<vmem>>, vector<16xi32>,
    %add3A_381 = arith.addi %min3A_357, %broadcast_in_dim3A_83 : vector<16xi32>
    %swap3A_382 = arith.constant 1408 : index
    %swap3A_383 = tpu.vector_load %arg9[%swap3A_382] {strides = array<i32>} : memref<3072xi32, #tpu.memory_space<vmem>>, vector<16xi32>,
    tpu.vector_store %arg9[%swap3A_382], %add3A_381 {strides = array<i32>} : memref<3072xi32, #tpu.memory_space<vmem>>, vector<16xi32>,
    %get3A_384 = arith.constant 144 : index
    %get3A_385 = tpu.vector_load %arg5[%get3A_384] {strides = array<i32>} : memref<512xi32, #tpu.memory_space<vmem>>, vector<16xi32>,
    %convert_element_type3A_386 = arith.sitofp %get3A_385 : vector<16xi32> to vector<16xf32>
    %mul3A_387 = arith.mulf %convert_element_type3A_386, %broadcast_in_dim3A_67 : vector<16xf32>
    %convert_element_type3A_388 = arith.fptosi %mul3A_387 : vector<16xf32> to vector<16xi32>
    %min3A_389 = arith.minsi %convert_element_type3A_388, %broadcast_in_dim3A_69 : vector<16xi32>
    %convert_element_type3A_390 = arith.sitofp %min3A_389 : vector<16xi32> to vector<16xf32>
    %add3A_391 = arith.addf %convert_element_type3A_390, %broadcast_in_dim3A_71 : vector<16xf32>
    %sub3A_392 = arith.subf %add3A_391, %mul3A_387 : vector<16xf32>
    %swap3A_393 = arith.constant 144 : index
    %swap3A_394 = tpu.vector_load %arg7[%swap3A_393] {strides = array<i32>} : memref<512xf32, #tpu.memory_space<vmem>>, vector<16xf32>,
    tpu.vector_store %arg7[%swap3A_393], %sub3A_392 {strides = array<i32>} : memref<512xf32, #tpu.memory_space<vmem>>, vector<16xf32>,
    %sub3A_395 = arith.subf %mul3A_387, %convert_element_type3A_390 : vector<16xf32>
    %swap3A_396 = arith.constant 144 : index
    %swap3A_397 = tpu.vector_load %arg8[%swap3A_396] {strides = array<i32>} : memref<512xf32, #tpu.memory_space<vmem>>, vector<16xf32>,
    tpu.vector_store %arg8[%swap3A_396], %sub3A_395 {strides = array<i32>} : memref<512xf32, #tpu.memory_space<vmem>>, vector<16xf32>,
    %add3A_398 = arith.addi %min3A_389, %broadcast_in_dim3A_73 : vector<16xi32>
    %swap3A_399 = arith.constant 784 : index
    %swap3A_400 = tpu.vector_load %arg9[%swap3A_399] {strides = array<i32>} : memref<3072xi32, #tpu.memory_space<vmem>>, vector<16xi32>,
    tpu.vector_store %arg9[%swap3A_399], %add3A_398 {strides = array<i32>} : memref<3072xi32, #tpu.memory_space<vmem>>, vector<16xi32>,
    %add3A_401 = arith.addi %min3A_389, %broadcast_in_dim3A_75 : vector<16xi32>
    %swap3A_402 = arith.constant 912 : index
    %swap3A_403 = tpu.vector_load %arg9[%swap3A_402] {strides = array<i32>} : memref<3072xi32, #tpu.memory_space<vmem>>, vector<16xi32>,
    tpu.vector_store %arg9[%swap3A_402], %add3A_401 {strides = array<i32>} : memref<3072xi32, #tpu.memory_space<vmem>>, vector<16xi32>,
    %add3A_404 = arith.addi %min3A_389, %broadcast_in_dim3A_77 : vector<16xi32>
    %swap3A_405 = arith.constant 1040 : index
    %swap3A_406 = tpu.vector_load %arg9[%swap3A_405] {strides = array<i32>} : memref<3072xi32, #tpu.memory_space<vmem>>, vector<16xi32>,
    tpu.vector_store %arg9[%swap3A_405], %add3A_404 {strides = array<i32>} : memref<3072xi32, #tpu.memory_space<vmem>>, vector<16xi32>,
    %add3A_407 = arith.addi %min3A_389, %broadcast_in_dim3A_79 : vector<16xi32>
    %swap3A_408 = arith.constant 1168 : index
    %swap3A_409 = tpu.vector_load %arg9[%swap3A_408] {strides = array<i32>} : memref<3072xi32, #tpu.memory_space<vmem>>, vector<16xi32>,
    tpu.vector_store %arg9[%swap3A_408], %add3A_407 {strides = array<i32>} : memref<3072xi32, #tpu.memory_space<vmem>>, vector<16xi32>,
    %add3A_410 = arith.addi %min3A_389, %broadcast_in_dim3A_81 : vector<16xi32>
    %swap3A_411 = arith.constant 1296 : index
    %swap3A_412 = tpu.vector_load %arg9[%swap3A_411] {strides = array<i32>} : memref<3072xi32, #tpu.memory_space<vmem>>, vector<16xi32>,
    tpu.vector_store %arg9[%swap3A_411], %add3A_410 {strides = array<i32>} : memref<3072xi32, #tpu.memory_space<vmem>>, vector<16xi32>,
    %add3A_413 = arith.addi %min3A_389, %broadcast_in_dim3A_83 : vector<16xi32>
    %swap3A_414 = arith.constant 1424 : index
    %swap3A_415 = tpu.vector_load %arg9[%swap3A_414] {strides = array<i32>} : memref<3072xi32, #tpu.memory_space<vmem>>, vector<16xi32>,
    tpu.vector_store %arg9[%swap3A_414], %add3A_413 {strides = array<i32>} : memref<3072xi32, #tpu.memory_space<vmem>>, vector<16xi32>,
    %get3A_416 = arith.constant 160 : index
    %get3A_417 = tpu.vector_load %arg5[%get3A_416] {strides = array<i32>} : memref<512xi32, #tpu.memory_space<vmem>>, vector<16xi32>,
    %convert_element_type3A_418 = arith.sitofp %get3A_417 : vector<16xi32> to vector<16xf32>
    %mul3A_419 = arith.mulf %convert_element_type3A_418, %broadcast_in_dim3A_67 : vector<16xf32>
    %convert_element_type3A_420 = arith.fptosi %mul3A_419 : vector<16xf32> to vector<16xi32>
    %min3A_421 = arith.minsi %convert_element_type3A_420, %broadcast_in_dim3A_69 : vector<16xi32>
    %convert_element_type3A_422 = arith.sitofp %min3A_421 : vector<16xi32> to vector<16xf32>
    %add3A_423 = arith.addf %convert_element_type3A_422, %broadcast_in_dim3A_71 : vector<16xf32>
    %sub3A_424 = arith.subf %add3A_423, %mul3A_419 : vector<16xf32>
    %swap3A_425 = arith.constant 160 : index
    %swap3A_426 = tpu.vector_load %arg7[%swap3A_425] {strides = array<i32>} : memref<512xf32, #tpu.memory_space<vmem>>, vector<16xf32>,
    tpu.vector_store %arg7[%swap3A_425], %sub3A_424 {strides = array<i32>} : memref<512xf32, #tpu.memory_space<vmem>>, vector<16xf32>,
    %sub3A_427 = arith.subf %mul3A_419, %convert_element_type3A_422 : vector<16xf32>
    %swap3A_428 = arith.constant 160 : index
    %swap3A_429 = tpu.vector_load %arg8[%swap3A_428] {strides = array<i32>} : memref<512xf32, #tpu.memory_space<vmem>>, vector<16xf32>,
    tpu.vector_store %arg8[%swap3A_428], %sub3A_427 {strides = array<i32>} : memref<512xf32, #tpu.memory_space<vmem>>, vector<16xf32>,
    %add3A_430 = arith.addi %min3A_421, %broadcast_in_dim3A_73 : vector<16xi32>
    %swap3A_431 = arith.constant 800 : index
    %swap3A_432 = tpu.vector_load %arg9[%swap3A_431] {strides = array<i32>} : memref<3072xi32, #tpu.memory_space<vmem>>, vector<16xi32>,
    tpu.vector_store %arg9[%swap3A_431], %add3A_430 {strides = array<i32>} : memref<3072xi32, #tpu.memory_space<vmem>>, vector<16xi32>,
    %add3A_433 = arith.addi %min3A_421, %broadcast_in_dim3A_75 : vector<16xi32>
    %swap3A_434 = arith.constant 928 : index
    %swap3A_435 = tpu.vector_load %arg9[%swap3A_434] {strides = array<i32>} : memref<3072xi32, #tpu.memory_space<vmem>>, vector<16xi32>,
    tpu.vector_store %arg9[%swap3A_434], %add3A_433 {strides = array<i32>} : memref<3072xi32, #tpu.memory_space<vmem>>, vector<16xi32>,
    %add3A_436 = arith.addi %min3A_421, %broadcast_in_dim3A_77 : vector<16xi32>
    %swap3A_437 = arith.constant 1056 : index
    %swap3A_438 = tpu.vector_load %arg9[%swap3A_437] {strides = array<i32>} : memref<3072xi32, #tpu.memory_space<vmem>>, vector<16xi32>,
    tpu.vector_store %arg9[%swap3A_437], %add3A_436 {strides = array<i32>} : memref<3072xi32, #tpu.memory_space<vmem>>, vector<16xi32>,
    %add3A_439 = arith.addi %min3A_421, %broadcast_in_dim3A_79 : vector<16xi32>
    %swap3A_440 = arith.constant 1184 : index
    %swap3A_441 = tpu.vector_load %arg9[%swap3A_440] {strides = array<i32>} : memref<3072xi32, #tpu.memory_space<vmem>>, vector<16xi32>,
    tpu.vector_store %arg9[%swap3A_440], %add3A_439 {strides = array<i32>} : memref<3072xi32, #tpu.memory_space<vmem>>, vector<16xi32>,
    %add3A_442 = arith.addi %min3A_421, %broadcast_in_dim3A_81 : vector<16xi32>
    %swap3A_443 = arith.constant 1312 : index
    %swap3A_444 = tpu.vector_load %arg9[%swap3A_443] {strides = array<i32>} : memref<3072xi32, #tpu.memory_space<vmem>>, vector<16xi32>,
    tpu.vector_store %arg9[%swap3A_443], %add3A_442 {strides = array<i32>} : memref<3072xi32, #tpu.memory_space<vmem>>, vector<16xi32>,
    %add3A_445 = arith.addi %min3A_421, %broadcast_in_dim3A_83 : vector<16xi32>
    %swap3A_446 = arith.constant 1440 : index
    %swap3A_447 = tpu.vector_load %arg9[%swap3A_446] {strides = array<i32>} : memref<3072xi32, #tpu.memory_space<vmem>>, vector<16xi32>,
    tpu.vector_store %arg9[%swap3A_446], %add3A_445 {strides = array<i32>} : memref<3072xi32, #tpu.memory_space<vmem>>, vector<16xi32>,
    %get3A_448 = arith.constant 176 : index
    %get3A_449 = tpu.vector_load %arg5[%get3A_448] {strides = array<i32>} : memref<512xi32, #tpu.memory_space<vmem>>, vector<16xi32>,
    %convert_element_type3A_450 = arith.sitofp %get3A_449 : vector<16xi32> to vector<16xf32>
    %mul3A_451 = arith.mulf %convert_element_type3A_450, %broadcast_in_dim3A_67 : vector<16xf32>
    %convert_element_type3A_452 = arith.fptosi %mul3A_451 : vector<16xf32> to vector<16xi32>
    %min3A_453 = arith.minsi %convert_element_type3A_452, %broadcast_in_dim3A_69 : vector<16xi32>
    %convert_element_type3A_454 = arith.sitofp %min3A_453 : vector<16xi32> to vector<16xf32>
    %add3A_455 = arith.addf %convert_element_type3A_454, %broadcast_in_dim3A_71 : vector<16xf32>
    %sub3A_456 = arith.subf %add3A_455, %mul3A_451 : vector<16xf32>
    %swap3A_457 = arith.constant 176 : index
    %swap3A_458 = tpu.vector_load %arg7[%swap3A_457] {strides = array<i32>} : memref<512xf32, #tpu.memory_space<vmem>>, vector<16xf32>,
    tpu.vector_store %arg7[%swap3A_457], %sub3A_456 {strides = array<i32>} : memref<512xf32, #tpu.memory_space<vmem>>, vector<16xf32>,
    %sub3A_459 = arith.subf %mul3A_451, %convert_element_type3A_454 : vector<16xf32>
    %swap3A_460 = arith.constant 176 : index
    %swap3A_461 = tpu.vector_load %arg8[%swap3A_460] {strides = array<i32>} : memref<512xf32, #tpu.memory_space<vmem>>, vector<16xf32>,
    tpu.vector_store %arg8[%swap3A_460], %sub3A_459 {strides = array<i32>} : memref<512xf32, #tpu.memory_space<vmem>>, vector<16xf32>,
    %add3A_462 = arith.addi %min3A_453, %broadcast_in_dim3A_73 : vector<16xi32>
    %swap3A_463 = arith.constant 816 : index
    %swap3A_464 = tpu.vector_load %arg9[%swap3A_463] {strides = array<i32>} : memref<3072xi32, #tpu.memory_space<vmem>>, vector<16xi32>,
    tpu.vector_store %arg9[%swap3A_463], %add3A_462 {strides = array<i32>} : memref<3072xi32, #tpu.memory_space<vmem>>, vector<16xi32>,
    %add3A_465 = arith.addi %min3A_453, %broadcast_in_dim3A_75 : vector<16xi32>
    %swap3A_466 = arith.constant 944 : index
    %swap3A_467 = tpu.vector_load %arg9[%swap3A_466] {strides = array<i32>} : memref<3072xi32, #tpu.memory_space<vmem>>, vector<16xi32>,
    tpu.vector_store %arg9[%swap3A_466], %add3A_465 {strides = array<i32>} : memref<3072xi32, #tpu.memory_space<vmem>>, vector<16xi32>,
    %add3A_468 = arith.addi %min3A_453, %broadcast_in_dim3A_77 : vector<16xi32>
    %swap3A_469 = arith.constant 1072 : index
    %swap3A_470 = tpu.vector_load %arg9[%swap3A_469] {strides = array<i32>} : memref<3072xi32, #tpu.memory_space<vmem>>, vector<16xi32>,
    tpu.vector_store %arg9[%swap3A_469], %add3A_468 {strides = array<i32>} : memref<3072xi32, #tpu.memory_space<vmem>>, vector<16xi32>,
    %add3A_471 = arith.addi %min3A_453, %broadcast_in_dim3A_79 : vector<16xi32>
    %swap3A_472 = arith.constant 1200 : index
    %swap3A_473 = tpu.vector_load %arg9[%swap3A_472] {strides = array<i32>} : memref<3072xi32, #tpu.memory_space<vmem>>, vector<16xi32>,
    tpu.vector_store %arg9[%swap3A_472], %add3A_471 {strides = array<i32>} : memref<3072xi32, #tpu.memory_space<vmem>>, vector<16xi32>,
    %add3A_474 = arith.addi %min3A_453, %broadcast_in_dim3A_81 : vector<16xi32>
    %swap3A_475 = arith.constant 1328 : index
    %swap3A_476 = tpu.vector_load %arg9[%swap3A_475] {strides = array<i32>} : memref<3072xi32, #tpu.memory_space<vmem>>, vector<16xi32>,
    tpu.vector_store %arg9[%swap3A_475], %add3A_474 {strides = array<i32>} : memref<3072xi32, #tpu.memory_space<vmem>>, vector<16xi32>,
    %add3A_477 = arith.addi %min3A_453, %broadcast_in_dim3A_83 : vector<16xi32>
    %swap3A_478 = arith.constant 1456 : index
    %swap3A_479 = tpu.vector_load %arg9[%swap3A_478] {strides = array<i32>} : memref<3072xi32, #tpu.memory_space<vmem>>, vector<16xi32>,
    tpu.vector_store %arg9[%swap3A_478], %add3A_477 {strides = array<i32>} : memref<3072xi32, #tpu.memory_space<vmem>>, vector<16xi32>,
    %get3A_480 = arith.constant 192 : index
    %get3A_481 = tpu.vector_load %arg5[%get3A_480] {strides = array<i32>} : memref<512xi32, #tpu.memory_space<vmem>>, vector<16xi32>,
    %convert_element_type3A_482 = arith.sitofp %get3A_481 : vector<16xi32> to vector<16xf32>
    %mul3A_483 = arith.mulf %convert_element_type3A_482, %broadcast_in_dim3A_67 : vector<16xf32>
    %convert_element_type3A_484 = arith.fptosi %mul3A_483 : vector<16xf32> to vector<16xi32>
    %min3A_485 = arith.minsi %convert_element_type3A_484, %broadcast_in_dim3A_69 : vector<16xi32>
    %convert_element_type3A_486 = arith.sitofp %min3A_485 : vector<16xi32> to vector<16xf32>
    %add3A_487 = arith.addf %convert_element_type3A_486, %broadcast_in_dim3A_71 : vector<16xf32>
    %sub3A_488 = arith.subf %add3A_487, %mul3A_483 : vector<16xf32>
    %swap3A_489 = arith.constant 192 : index
    %swap3A_490 = tpu.vector_load %arg7[%swap3A_489] {strides = array<i32>} : memref<512xf32, #tpu.memory_space<vmem>>, vector<16xf32>,
    tpu.vector_store %arg7[%swap3A_489], %sub3A_488 {strides = array<i32>} : memref<512xf32, #tpu.memory_space<vmem>>, vector<16xf32>,
    %sub3A_491 = arith.subf %mul3A_483, %convert_element_type3A_486 : vector<16xf32>
    %swap3A_492 = arith.constant 192 : index
    %swap3A_493 = tpu.vector_load %arg8[%swap3A_492] {strides = array<i32>} : memref<512xf32, #tpu.memory_space<vmem>>, vector<16xf32>,
    tpu.vector_store %arg8[%swap3A_492], %sub3A_491 {strides = array<i32>} : memref<512xf32, #tpu.memory_space<vmem>>, vector<16xf32>,
    %add3A_494 = arith.addi %min3A_485, %broadcast_in_dim3A_73 : vector<16xi32>
    %swap3A_495 = arith.constant 832 : index
    %swap3A_496 = tpu.vector_load %arg9[%swap3A_495] {strides = array<i32>} : memref<3072xi32, #tpu.memory_space<vmem>>, vector<16xi32>,
    tpu.vector_store %arg9[%swap3A_495], %add3A_494 {strides = array<i32>} : memref<3072xi32, #tpu.memory_space<vmem>>, vector<16xi32>,
    %add3A_497 = arith.addi %min3A_485, %broadcast_in_dim3A_75 : vector<16xi32>
    %swap3A_498 = arith.constant 960 : index
    %swap3A_499 = tpu.vector_load %arg9[%swap3A_498] {strides = array<i32>} : memref<3072xi32, #tpu.memory_space<vmem>>, vector<16xi32>,
    tpu.vector_store %arg9[%swap3A_498], %add3A_497 {strides = array<i32>} : memref<3072xi32, #tpu.memory_space<vmem>>, vector<16xi32>,
    %add3A_500 = arith.addi %min3A_485, %broadcast_in_dim3A_77 : vector<16xi32>
    %swap3A_501 = arith.constant 1088 : index
    %swap3A_502 = tpu.vector_load %arg9[%swap3A_501] {strides = array<i32>} : memref<3072xi32, #tpu.memory_space<vmem>>, vector<16xi32>,
    tpu.vector_store %arg9[%swap3A_501], %add3A_500 {strides = array<i32>} : memref<3072xi32, #tpu.memory_space<vmem>>, vector<16xi32>,
    %add3A_503 = arith.addi %min3A_485, %broadcast_in_dim3A_79 : vector<16xi32>
    %swap3A_504 = arith.constant 1216 : index
    %swap3A_505 = tpu.vector_load %arg9[%swap3A_504] {strides = array<i32>} : memref<3072xi32, #tpu.memory_space<vmem>>, vector<16xi32>,
    tpu.vector_store %arg9[%swap3A_504], %add3A_503 {strides = array<i32>} : memref<3072xi32, #tpu.memory_space<vmem>>, vector<16xi32>,
    %add3A_506 = arith.addi %min3A_485, %broadcast_in_dim3A_81 : vector<16xi32>
    %swap3A_507 = arith.constant 1344 : index
    %swap3A_508 = tpu.vector_load %arg9[%swap3A_507] {strides = array<i32>} : memref<3072xi32, #tpu.memory_space<vmem>>, vector<16xi32>,
    tpu.vector_store %arg9[%swap3A_507], %add3A_506 {strides = array<i32>} : memref<3072xi32, #tpu.memory_space<vmem>>, vector<16xi32>,
    %add3A_509 = arith.addi %min3A_485, %broadcast_in_dim3A_83 : vector<16xi32>
    %swap3A_510 = arith.constant 1472 : index
    %swap3A_511 = tpu.vector_load %arg9[%swap3A_510] {strides = array<i32>} : memref<3072xi32, #tpu.memory_space<vmem>>, vector<16xi32>,
    tpu.vector_store %arg9[%swap3A_510], %add3A_509 {strides = array<i32>} : memref<3072xi32, #tpu.memory_space<vmem>>, vector<16xi32>,
    %get3A_512 = arith.constant 208 : index
    %get3A_513 = tpu.vector_load %arg5[%get3A_512] {strides = array<i32>} : memref<512xi32, #tpu.memory_space<vmem>>, vector<16xi32>,
    %convert_element_type3A_514 = arith.sitofp %get3A_513 : vector<16xi32> to vector<16xf32>
    %mul3A_515 = arith.mulf %convert_element_type3A_514, %broadcast_in_dim3A_67 : vector<16xf32>
    %convert_element_type3A_516 = arith.fptosi %mul3A_515 : vector<16xf32> to vector<16xi32>
    %min3A_517 = arith.minsi %convert_element_type3A_516, %broadcast_in_dim3A_69 : vector<16xi32>
    %convert_element_type3A_518 = arith.sitofp %min3A_517 : vector<16xi32> to vector<16xf32>
    %add3A_519 = arith.addf %convert_element_type3A_518, %broadcast_in_dim3A_71 : vector<16xf32>
    %sub3A_520 = arith.subf %add3A_519, %mul3A_515 : vector<16xf32>
    %swap3A_521 = arith.constant 208 : index
    %swap3A_522 = tpu.vector_load %arg7[%swap3A_521] {strides = array<i32>} : memref<512xf32, #tpu.memory_space<vmem>>, vector<16xf32>,
    tpu.vector_store %arg7[%swap3A_521], %sub3A_520 {strides = array<i32>} : memref<512xf32, #tpu.memory_space<vmem>>, vector<16xf32>,
    %sub3A_523 = arith.subf %mul3A_515, %convert_element_type3A_518 : vector<16xf32>
    %swap3A_524 = arith.constant 208 : index
    %swap3A_525 = tpu.vector_load %arg8[%swap3A_524] {strides = array<i32>} : memref<512xf32, #tpu.memory_space<vmem>>, vector<16xf32>,
    tpu.vector_store %arg8[%swap3A_524], %sub3A_523 {strides = array<i32>} : memref<512xf32, #tpu.memory_space<vmem>>, vector<16xf32>,
    %add3A_526 = arith.addi %min3A_517, %broadcast_in_dim3A_73 : vector<16xi32>
    %swap3A_527 = arith.constant 848 : index
    %swap3A_528 = tpu.vector_load %arg9[%swap3A_527] {strides = array<i32>} : memref<3072xi32, #tpu.memory_space<vmem>>, vector<16xi32>,
    tpu.vector_store %arg9[%swap3A_527], %add3A_526 {strides = array<i32>} : memref<3072xi32, #tpu.memory_space<vmem>>, vector<16xi32>,
    %add3A_529 = arith.addi %min3A_517, %broadcast_in_dim3A_75 : vector<16xi32>
    %swap3A_530 = arith.constant 976 : index
    %swap3A_531 = tpu.vector_load %arg9[%swap3A_530] {strides = array<i32>} : memref<3072xi32, #tpu.memory_space<vmem>>, vector<16xi32>,
    tpu.vector_store %arg9[%swap3A_530], %add3A_529 {strides = array<i32>} : memref<3072xi32, #tpu.memory_space<vmem>>, vector<16xi32>,
    %add3A_532 = arith.addi %min3A_517, %broadcast_in_dim3A_77 : vector<16xi32>
    %swap3A_533 = arith.constant 1104 : index
    %swap3A_534 = tpu.vector_load %arg9[%swap3A_533] {strides = array<i32>} : memref<3072xi32, #tpu.memory_space<vmem>>, vector<16xi32>,
    tpu.vector_store %arg9[%swap3A_533], %add3A_532 {strides = array<i32>} : memref<3072xi32, #tpu.memory_space<vmem>>, vector<16xi32>,
    %add3A_535 = arith.addi %min3A_517, %broadcast_in_dim3A_79 : vector<16xi32>
    %swap3A_536 = arith.constant 1232 : index
    %swap3A_537 = tpu.vector_load %arg9[%swap3A_536] {strides = array<i32>} : memref<3072xi32, #tpu.memory_space<vmem>>, vector<16xi32>,
    tpu.vector_store %arg9[%swap3A_536], %add3A_535 {strides = array<i32>} : memref<3072xi32, #tpu.memory_space<vmem>>, vector<16xi32>,
    %add3A_538 = arith.addi %min3A_517, %broadcast_in_dim3A_81 : vector<16xi32>
    %swap3A_539 = arith.constant 1360 : index
    %swap3A_540 = tpu.vector_load %arg9[%swap3A_539] {strides = array<i32>} : memref<3072xi32, #tpu.memory_space<vmem>>, vector<16xi32>,
    tpu.vector_store %arg9[%swap3A_539], %add3A_538 {strides = array<i32>} : memref<3072xi32, #tpu.memory_space<vmem>>, vector<16xi32>,
    %add3A_541 = arith.addi %min3A_517, %broadcast_in_dim3A_83 : vector<16xi32>
    %swap3A_542 = arith.constant 1488 : index
    %swap3A_543 = tpu.vector_load %arg9[%swap3A_542] {strides = array<i32>} : memref<3072xi32, #tpu.memory_space<vmem>>, vector<16xi32>,
    tpu.vector_store %arg9[%swap3A_542], %add3A_541 {strides = array<i32>} : memref<3072xi32, #tpu.memory_space<vmem>>, vector<16xi32>,
    %get3A_544 = arith.constant 224 : index
    %get3A_545 = tpu.vector_load %arg5[%get3A_544] {strides = array<i32>} : memref<512xi32, #tpu.memory_space<vmem>>, vector<16xi32>,
    %convert_element_type3A_546 = arith.sitofp %get3A_545 : vector<16xi32> to vector<16xf32>
    %mul3A_547 = arith.mulf %convert_element_type3A_546, %broadcast_in_dim3A_67 : vector<16xf32>
    %convert_element_type3A_548 = arith.fptosi %mul3A_547 : vector<16xf32> to vector<16xi32>
    %min3A_549 = arith.minsi %convert_element_type3A_548, %broadcast_in_dim3A_69 : vector<16xi32>
    %convert_element_type3A_550 = arith.sitofp %min3A_549 : vector<16xi32> to vector<16xf32>
    %add3A_551 = arith.addf %convert_element_type3A_550, %broadcast_in_dim3A_71 : vector<16xf32>
    %sub3A_552 = arith.subf %add3A_551, %mul3A_547 : vector<16xf32>
    %swap3A_553 = arith.constant 224 : index
    %swap3A_554 = tpu.vector_load %arg7[%swap3A_553] {strides = array<i32>} : memref<512xf32, #tpu.memory_space<vmem>>, vector<16xf32>,
    tpu.vector_store %arg7[%swap3A_553], %sub3A_552 {strides = array<i32>} : memref<512xf32, #tpu.memory_space<vmem>>, vector<16xf32>,
    %sub3A_555 = arith.subf %mul3A_547, %convert_element_type3A_550 : vector<16xf32>
    %swap3A_556 = arith.constant 224 : index
    %swap3A_557 = tpu.vector_load %arg8[%swap3A_556] {strides = array<i32>} : memref<512xf32, #tpu.memory_space<vmem>>, vector<16xf32>,
    tpu.vector_store %arg8[%swap3A_556], %sub3A_555 {strides = array<i32>} : memref<512xf32, #tpu.memory_space<vmem>>, vector<16xf32>,
    %add3A_558 = arith.addi %min3A_549, %broadcast_in_dim3A_73 : vector<16xi32>
    %swap3A_559 = arith.constant 864 : index
    %swap3A_560 = tpu.vector_load %arg9[%swap3A_559] {strides = array<i32>} : memref<3072xi32, #tpu.memory_space<vmem>>, vector<16xi32>,
    tpu.vector_store %arg9[%swap3A_559], %add3A_558 {strides = array<i32>} : memref<3072xi32, #tpu.memory_space<vmem>>, vector<16xi32>,
    %add3A_561 = arith.addi %min3A_549, %broadcast_in_dim3A_75 : vector<16xi32>
    %swap3A_562 = arith.constant 992 : index
    %swap3A_563 = tpu.vector_load %arg9[%swap3A_562] {strides = array<i32>} : memref<3072xi32, #tpu.memory_space<vmem>>, vector<16xi32>,
    tpu.vector_store %arg9[%swap3A_562], %add3A_561 {strides = array<i32>} : memref<3072xi32, #tpu.memory_space<vmem>>, vector<16xi32>,
    %add3A_564 = arith.addi %min3A_549, %broadcast_in_dim3A_77 : vector<16xi32>
    %swap3A_565 = arith.constant 1120 : index
    %swap3A_566 = tpu.vector_load %arg9[%swap3A_565] {strides = array<i32>} : memref<3072xi32, #tpu.memory_space<vmem>>, vector<16xi32>,
    tpu.vector_store %arg9[%swap3A_565], %add3A_564 {strides = array<i32>} : memref<3072xi32, #tpu.memory_space<vmem>>, vector<16xi32>,
    %add3A_567 = arith.addi %min3A_549, %broadcast_in_dim3A_79 : vector<16xi32>
    %swap3A_568 = arith.constant 1248 : index
    %swap3A_569 = tpu.vector_load %arg9[%swap3A_568] {strides = array<i32>} : memref<3072xi32, #tpu.memory_space<vmem>>, vector<16xi32>,
    tpu.vector_store %arg9[%swap3A_568], %add3A_567 {strides = array<i32>} : memref<3072xi32, #tpu.memory_space<vmem>>, vector<16xi32>,
    %add3A_570 = arith.addi %min3A_549, %broadcast_in_dim3A_81 : vector<16xi32>
    %swap3A_571 = arith.constant 1376 : index
    %swap3A_572 = tpu.vector_load %arg9[%swap3A_571] {strides = array<i32>} : memref<3072xi32, #tpu.memory_space<vmem>>, vector<16xi32>,
    tpu.vector_store %arg9[%swap3A_571], %add3A_570 {strides = array<i32>} : memref<3072xi32, #tpu.memory_space<vmem>>, vector<16xi32>,
    %add3A_573 = arith.addi %min3A_549, %broadcast_in_dim3A_83 : vector<16xi32>
    %swap3A_574 = arith.constant 1504 : index
    %swap3A_575 = tpu.vector_load %arg9[%swap3A_574] {strides = array<i32>} : memref<3072xi32, #tpu.memory_space<vmem>>, vector<16xi32>,
    tpu.vector_store %arg9[%swap3A_574], %add3A_573 {strides = array<i32>} : memref<3072xi32, #tpu.memory_space<vmem>>, vector<16xi32>,
    %get3A_576 = arith.constant 240 : index
    %get3A_577 = tpu.vector_load %arg5[%get3A_576] {strides = array<i32>} : memref<512xi32, #tpu.memory_space<vmem>>, vector<16xi32>,
    %convert_element_type3A_578 = arith.sitofp %get3A_577 : vector<16xi32> to vector<16xf32>
    %mul3A_579 = arith.mulf %convert_element_type3A_578, %broadcast_in_dim3A_67 : vector<16xf32>
    %convert_element_type3A_580 = arith.fptosi %mul3A_579 : vector<16xf32> to vector<16xi32>
    %min3A_581 = arith.minsi %convert_element_type3A_580, %broadcast_in_dim3A_69 : vector<16xi32>
    %convert_element_type3A_582 = arith.sitofp %min3A_581 : vector<16xi32> to vector<16xf32>
    %add3A_583 = arith.addf %convert_element_type3A_582, %broadcast_in_dim3A_71 : vector<16xf32>
    %sub3A_584 = arith.subf %add3A_583, %mul3A_579 : vector<16xf32>
    %swap3A_585 = arith.constant 240 : index
    %swap3A_586 = tpu.vector_load %arg7[%swap3A_585] {strides = array<i32>} : memref<512xf32, #tpu.memory_space<vmem>>, vector<16xf32>,
    tpu.vector_store %arg7[%swap3A_585], %sub3A_584 {strides = array<i32>} : memref<512xf32, #tpu.memory_space<vmem>>, vector<16xf32>,
    %sub3A_587 = arith.subf %mul3A_579, %convert_element_type3A_582 : vector<16xf32>
    %swap3A_588 = arith.constant 240 : index
    %swap3A_589 = tpu.vector_load %arg8[%swap3A_588] {strides = array<i32>} : memref<512xf32, #tpu.memory_space<vmem>>, vector<16xf32>,
    tpu.vector_store %arg8[%swap3A_588], %sub3A_587 {strides = array<i32>} : memref<512xf32, #tpu.memory_space<vmem>>, vector<16xf32>,
    %add3A_590 = arith.addi %min3A_581, %broadcast_in_dim3A_73 : vector<16xi32>
    %swap3A_591 = arith.constant 880 : index
    %swap3A_592 = tpu.vector_load %arg9[%swap3A_591] {strides = array<i32>} : memref<3072xi32, #tpu.memory_space<vmem>>, vector<16xi32>,
    tpu.vector_store %arg9[%swap3A_591], %add3A_590 {strides = array<i32>} : memref<3072xi32, #tpu.memory_space<vmem>>, vector<16xi32>,
    %add3A_593 = arith.addi %min3A_581, %broadcast_in_dim3A_75 : vector<16xi32>
    %swap3A_594 = arith.constant 1008 : index
    %swap3A_595 = tpu.vector_load %arg9[%swap3A_594] {strides = array<i32>} : memref<3072xi32, #tpu.memory_space<vmem>>, vector<16xi32>,
    tpu.vector_store %arg9[%swap3A_594], %add3A_593 {strides = array<i32>} : memref<3072xi32, #tpu.memory_space<vmem>>, vector<16xi32>,
    %add3A_596 = arith.addi %min3A_581, %broadcast_in_dim3A_77 : vector<16xi32>
    %swap3A_597 = arith.constant 1136 : index
    %swap3A_598 = tpu.vector_load %arg9[%swap3A_597] {strides = array<i32>} : memref<3072xi32, #tpu.memory_space<vmem>>, vector<16xi32>,
    tpu.vector_store %arg9[%swap3A_597], %add3A_596 {strides = array<i32>} : memref<3072xi32, #tpu.memory_space<vmem>>, vector<16xi32>,
    %add3A_599 = arith.addi %min3A_581, %broadcast_in_dim3A_79 : vector<16xi32>
    %swap3A_600 = arith.constant 1264 : index
    %swap3A_601 = tpu.vector_load %arg9[%swap3A_600] {strides = array<i32>} : memref<3072xi32, #tpu.memory_space<vmem>>, vector<16xi32>,
    tpu.vector_store %arg9[%swap3A_600], %add3A_599 {strides = array<i32>} : memref<3072xi32, #tpu.memory_space<vmem>>, vector<16xi32>,
    %add3A_602 = arith.addi %min3A_581, %broadcast_in_dim3A_81 : vector<16xi32>
    %swap3A_603 = arith.constant 1392 : index
    %swap3A_604 = tpu.vector_load %arg9[%swap3A_603] {strides = array<i32>} : memref<3072xi32, #tpu.memory_space<vmem>>, vector<16xi32>,
    tpu.vector_store %arg9[%swap3A_603], %add3A_602 {strides = array<i32>} : memref<3072xi32, #tpu.memory_space<vmem>>, vector<16xi32>,
    %add3A_605 = arith.addi %min3A_581, %broadcast_in_dim3A_83 : vector<16xi32>
    %swap3A_606 = arith.constant 1520 : index
    %swap3A_607 = tpu.vector_load %arg9[%swap3A_606] {strides = array<i32>} : memref<3072xi32, #tpu.memory_space<vmem>>, vector<16xi32>,
    tpu.vector_store %arg9[%swap3A_606], %add3A_605 {strides = array<i32>} : memref<3072xi32, #tpu.memory_space<vmem>>, vector<16xi32>,
    %dma_start3A_608 = arith.constant 768 : i32
    %dma_start3A_609 = tpu.memref_slice %arg10[%dma_start3A_608] : memref<3072xf32, #tpu.memory_space<vmem>> -> memref<768xf32, #tpu.memory_space<vmem>>
    %dma_start3A_610 = arith.constant 768 : i32
    %dma_start3A_611 = tpu.memref_slice %arg9[%dma_start3A_610] : memref<3072xi32, #tpu.memory_space<vmem>> -> memref<768xi32, #tpu.memory_space<vmem>>
    %dma_start3A_612 = arith.constant 0 : i32
    %dma_start3A_613 = tpu.memref_slice %arg2[%dma_start3A_612] : memref<349152xf32, #tpu.memory_space<hbm>> -> memref<349152xf32, #tpu.memory_space<hbm>>
    tpu.enqueue_indirect_dma source(%dma_start3A_613 : memref<349152xf32, #tpu.memory_space<hbm>>) target(%dma_start3A_609 : memref<768xf32, #tpu.memory_space<vmem>>) offsets(%dma_start3A_611 : memref<768xi32, #tpu.memory_space<vmem>>) semaphore(%arg16 : memref<!tpu.dma_semaphore, #tpu.memory_space<semaphore_mem>>)
    %dma_wait3A_614 = arith.constant 256 : i32
    %dma_wait3A_615 = tpu.memref_slice %arg5[%dma_wait3A_614] : memref<512xi32, #tpu.memory_space<vmem>> -> memref<128xi32, #tpu.memory_space<vmem>>
    %dma_wait3A_616 = tpu.memref_slice %arg3[%add3A_19] : memref<16384xi32, #tpu.memory_space<hbm>> -> memref<128xi32, #tpu.memory_space<hbm>>
    %dma_wait3A_617 = arith.constant 256 : i32
    %dma_wait3A_618 = tpu.memref_slice %arg5[%dma_wait3A_617] : memref<512xi32, #tpu.memory_space<vmem>> -> memref<128xi32, #tpu.memory_space<vmem>>
    %dma_wait3A_619 = tpu.memref_slice %arg3[%add3A_19] : memref<16384xi32, #tpu.memory_space<hbm>> -> memref<128xi32, #tpu.memory_space<hbm>>
    tpu.wait_dma2 semaphore(%arg12 : memref<!tpu.dma_semaphore, #tpu.memory_space<semaphore_mem>>) src(%dma_wait3A_619 : memref<128xi32, #tpu.memory_space<hbm>>) dst(%dma_wait3A_618 : memref<128xi32, #tpu.memory_space<vmem>>)
    %get3A_620 = arith.constant 256 : index
    %get3A_621 = tpu.vector_load %arg5[%get3A_620] {strides = array<i32>} : memref<512xi32, #tpu.memory_space<vmem>>, vector<16xi32>,
    %convert_element_type3A_622 = arith.sitofp %get3A_621 : vector<16xi32> to vector<16xf32>
    %mul3A_623 = arith.mulf %convert_element_type3A_622, %broadcast_in_dim3A_67 : vector<16xf32>
    %convert_element_type3A_624 = arith.fptosi %mul3A_623 : vector<16xf32> to vector<16xi32>
    %min3A_625 = arith.minsi %convert_element_type3A_624, %broadcast_in_dim3A_69 : vector<16xi32>
    %convert_element_type3A_626 = arith.sitofp %min3A_625 : vector<16xi32> to vector<16xf32>
    %add3A_627 = arith.addf %convert_element_type3A_626, %broadcast_in_dim3A_71 : vector<16xf32>
    %sub3A_628 = arith.subf %add3A_627, %mul3A_623 : vector<16xf32>
    %swap3A_629 = arith.constant 256 : index
    %swap3A_630 = tpu.vector_load %arg7[%swap3A_629] {strides = array<i32>} : memref<512xf32, #tpu.memory_space<vmem>>, vector<16xf32>,
    tpu.vector_store %arg7[%swap3A_629], %sub3A_628 {strides = array<i32>} : memref<512xf32, #tpu.memory_space<vmem>>, vector<16xf32>,
    %sub3A_631 = arith.subf %mul3A_623, %convert_element_type3A_626 : vector<16xf32>
    %swap3A_632 = arith.constant 256 : index
    %swap3A_633 = tpu.vector_load %arg8[%swap3A_632] {strides = array<i32>} : memref<512xf32, #tpu.memory_space<vmem>>, vector<16xf32>,
    tpu.vector_store %arg8[%swap3A_632], %sub3A_631 {strides = array<i32>} : memref<512xf32, #tpu.memory_space<vmem>>, vector<16xf32>,
    %add3A_634 = arith.addi %min3A_625, %broadcast_in_dim3A_73 : vector<16xi32>
    %swap3A_635 = arith.constant 1536 : index
    %swap3A_636 = tpu.vector_load %arg9[%swap3A_635] {strides = array<i32>} : memref<3072xi32, #tpu.memory_space<vmem>>, vector<16xi32>,
    tpu.vector_store %arg9[%swap3A_635], %add3A_634 {strides = array<i32>} : memref<3072xi32, #tpu.memory_space<vmem>>, vector<16xi32>,
    %add3A_637 = arith.addi %min3A_625, %broadcast_in_dim3A_75 : vector<16xi32>
    %swap3A_638 = arith.constant 1664 : index
    %swap3A_639 = tpu.vector_load %arg9[%swap3A_638] {strides = array<i32>} : memref<3072xi32, #tpu.memory_space<vmem>>, vector<16xi32>,
    tpu.vector_store %arg9[%swap3A_638], %add3A_637 {strides = array<i32>} : memref<3072xi32, #tpu.memory_space<vmem>>, vector<16xi32>,
    %add3A_640 = arith.addi %min3A_625, %broadcast_in_dim3A_77 : vector<16xi32>
    %swap3A_641 = arith.constant 1792 : index
    %swap3A_642 = tpu.vector_load %arg9[%swap3A_641] {strides = array<i32>} : memref<3072xi32, #tpu.memory_space<vmem>>, vector<16xi32>,
    tpu.vector_store %arg9[%swap3A_641], %add3A_640 {strides = array<i32>} : memref<3072xi32, #tpu.memory_space<vmem>>, vector<16xi32>,
    %add3A_643 = arith.addi %min3A_625, %broadcast_in_dim3A_79 : vector<16xi32>
    %swap3A_644 = arith.constant 1920 : index
    %swap3A_645 = tpu.vector_load %arg9[%swap3A_644] {strides = array<i32>} : memref<3072xi32, #tpu.memory_space<vmem>>, vector<16xi32>,
    tpu.vector_store %arg9[%swap3A_644], %add3A_643 {strides = array<i32>} : memref<3072xi32, #tpu.memory_space<vmem>>, vector<16xi32>,
    %add3A_646 = arith.addi %min3A_625, %broadcast_in_dim3A_81 : vector<16xi32>
    %swap3A_647 = arith.constant 2048 : index
    %swap3A_648 = tpu.vector_load %arg9[%swap3A_647] {strides = array<i32>} : memref<3072xi32, #tpu.memory_space<vmem>>, vector<16xi32>,
    tpu.vector_store %arg9[%swap3A_647], %add3A_646 {strides = array<i32>} : memref<3072xi32, #tpu.memory_space<vmem>>, vector<16xi32>,
    %add3A_649 = arith.addi %min3A_625, %broadcast_in_dim3A_83 : vector<16xi32>
    %swap3A_650 = arith.constant 2176 : index
    %swap3A_651 = tpu.vector_load %arg9[%swap3A_650] {strides = array<i32>} : memref<3072xi32, #tpu.memory_space<vmem>>, vector<16xi32>,
    tpu.vector_store %arg9[%swap3A_650], %add3A_649 {strides = array<i32>} : memref<3072xi32, #tpu.memory_space<vmem>>, vector<16xi32>,
    %get3A_652 = arith.constant 272 : index
    %get3A_653 = tpu.vector_load %arg5[%get3A_652] {strides = array<i32>} : memref<512xi32, #tpu.memory_space<vmem>>, vector<16xi32>,
    %convert_element_type3A_654 = arith.sitofp %get3A_653 : vector<16xi32> to vector<16xf32>
    %mul3A_655 = arith.mulf %convert_element_type3A_654, %broadcast_in_dim3A_67 : vector<16xf32>
    %convert_element_type3A_656 = arith.fptosi %mul3A_655 : vector<16xf32> to vector<16xi32>
    %min3A_657 = arith.minsi %convert_element_type3A_656, %broadcast_in_dim3A_69 : vector<16xi32>
    %convert_element_type3A_658 = arith.sitofp %min3A_657 : vector<16xi32> to vector<16xf32>
    %add3A_659 = arith.addf %convert_element_type3A_658, %broadcast_in_dim3A_71 : vector<16xf32>
    %sub3A_660 = arith.subf %add3A_659, %mul3A_655 : vector<16xf32>
    %swap3A_661 = arith.constant 272 : index
    %swap3A_662 = tpu.vector_load %arg7[%swap3A_661] {strides = array<i32>} : memref<512xf32, #tpu.memory_space<vmem>>, vector<16xf32>,
    tpu.vector_store %arg7[%swap3A_661], %sub3A_660 {strides = array<i32>} : memref<512xf32, #tpu.memory_space<vmem>>, vector<16xf32>,
    %sub3A_663 = arith.subf %mul3A_655, %convert_element_type3A_658 : vector<16xf32>
    %swap3A_664 = arith.constant 272 : index
    %swap3A_665 = tpu.vector_load %arg8[%swap3A_664] {strides = array<i32>} : memref<512xf32, #tpu.memory_space<vmem>>, vector<16xf32>,
    tpu.vector_store %arg8[%swap3A_664], %sub3A_663 {strides = array<i32>} : memref<512xf32, #tpu.memory_space<vmem>>, vector<16xf32>,
    %add3A_666 = arith.addi %min3A_657, %broadcast_in_dim3A_73 : vector<16xi32>
    %swap3A_667 = arith.constant 1552 : index
    %swap3A_668 = tpu.vector_load %arg9[%swap3A_667] {strides = array<i32>} : memref<3072xi32, #tpu.memory_space<vmem>>, vector<16xi32>,
    tpu.vector_store %arg9[%swap3A_667], %add3A_666 {strides = array<i32>} : memref<3072xi32, #tpu.memory_space<vmem>>, vector<16xi32>,
    %add3A_669 = arith.addi %min3A_657, %broadcast_in_dim3A_75 : vector<16xi32>
    %swap3A_670 = arith.constant 1680 : index
    %swap3A_671 = tpu.vector_load %arg9[%swap3A_670] {strides = array<i32>} : memref<3072xi32, #tpu.memory_space<vmem>>, vector<16xi32>,
    tpu.vector_store %arg9[%swap3A_670], %add3A_669 {strides = array<i32>} : memref<3072xi32, #tpu.memory_space<vmem>>, vector<16xi32>,
    %add3A_672 = arith.addi %min3A_657, %broadcast_in_dim3A_77 : vector<16xi32>
    %swap3A_673 = arith.constant 1808 : index
    %swap3A_674 = tpu.vector_load %arg9[%swap3A_673] {strides = array<i32>} : memref<3072xi32, #tpu.memory_space<vmem>>, vector<16xi32>,
    tpu.vector_store %arg9[%swap3A_673], %add3A_672 {strides = array<i32>} : memref<3072xi32, #tpu.memory_space<vmem>>, vector<16xi32>,
    %add3A_675 = arith.addi %min3A_657, %broadcast_in_dim3A_79 : vector<16xi32>
    %swap3A_676 = arith.constant 1936 : index
    %swap3A_677 = tpu.vector_load %arg9[%swap3A_676] {strides = array<i32>} : memref<3072xi32, #tpu.memory_space<vmem>>, vector<16xi32>,
    tpu.vector_store %arg9[%swap3A_676], %add3A_675 {strides = array<i32>} : memref<3072xi32, #tpu.memory_space<vmem>>, vector<16xi32>,
    %add3A_678 = arith.addi %min3A_657, %broadcast_in_dim3A_81 : vector<16xi32>
    %swap3A_679 = arith.constant 2064 : index
    %swap3A_680 = tpu.vector_load %arg9[%swap3A_679] {strides = array<i32>} : memref<3072xi32, #tpu.memory_space<vmem>>, vector<16xi32>,
    tpu.vector_store %arg9[%swap3A_679], %add3A_678 {strides = array<i32>} : memref<3072xi32, #tpu.memory_space<vmem>>, vector<16xi32>,
    %add3A_681 = arith.addi %min3A_657, %broadcast_in_dim3A_83 : vector<16xi32>
    %swap3A_682 = arith.constant 2192 : index
    %swap3A_683 = tpu.vector_load %arg9[%swap3A_682] {strides = array<i32>} : memref<3072xi32, #tpu.memory_space<vmem>>, vector<16xi32>,
    tpu.vector_store %arg9[%swap3A_682], %add3A_681 {strides = array<i32>} : memref<3072xi32, #tpu.memory_space<vmem>>, vector<16xi32>,
    %get3A_684 = arith.constant 288 : index
    %get3A_685 = tpu.vector_load %arg5[%get3A_684] {strides = array<i32>} : memref<512xi32, #tpu.memory_space<vmem>>, vector<16xi32>,
    %convert_element_type3A_686 = arith.sitofp %get3A_685 : vector<16xi32> to vector<16xf32>
    %mul3A_687 = arith.mulf %convert_element_type3A_686, %broadcast_in_dim3A_67 : vector<16xf32>
    %convert_element_type3A_688 = arith.fptosi %mul3A_687 : vector<16xf32> to vector<16xi32>
    %min3A_689 = arith.minsi %convert_element_type3A_688, %broadcast_in_dim3A_69 : vector<16xi32>
    %convert_element_type3A_690 = arith.sitofp %min3A_689 : vector<16xi32> to vector<16xf32>
    %add3A_691 = arith.addf %convert_element_type3A_690, %broadcast_in_dim3A_71 : vector<16xf32>
    %sub3A_692 = arith.subf %add3A_691, %mul3A_687 : vector<16xf32>
    %swap3A_693 = arith.constant 288 : index
    %swap3A_694 = tpu.vector_load %arg7[%swap3A_693] {strides = array<i32>} : memref<512xf32, #tpu.memory_space<vmem>>, vector<16xf32>,
    tpu.vector_store %arg7[%swap3A_693], %sub3A_692 {strides = array<i32>} : memref<512xf32, #tpu.memory_space<vmem>>, vector<16xf32>,
    %sub3A_695 = arith.subf %mul3A_687, %convert_element_type3A_690 : vector<16xf32>
    %swap3A_696 = arith.constant 288 : index
    %swap3A_697 = tpu.vector_load %arg8[%swap3A_696] {strides = array<i32>} : memref<512xf32, #tpu.memory_space<vmem>>, vector<16xf32>,
    tpu.vector_store %arg8[%swap3A_696], %sub3A_695 {strides = array<i32>} : memref<512xf32, #tpu.memory_space<vmem>>, vector<16xf32>,
    %add3A_698 = arith.addi %min3A_689, %broadcast_in_dim3A_73 : vector<16xi32>
    %swap3A_699 = arith.constant 1568 : index
    %swap3A_700 = tpu.vector_load %arg9[%swap3A_699] {strides = array<i32>} : memref<3072xi32, #tpu.memory_space<vmem>>, vector<16xi32>,
    tpu.vector_store %arg9[%swap3A_699], %add3A_698 {strides = array<i32>} : memref<3072xi32, #tpu.memory_space<vmem>>, vector<16xi32>,
    %add3A_701 = arith.addi %min3A_689, %broadcast_in_dim3A_75 : vector<16xi32>
    %swap3A_702 = arith.constant 1696 : index
    %swap3A_703 = tpu.vector_load %arg9[%swap3A_702] {strides = array<i32>} : memref<3072xi32, #tpu.memory_space<vmem>>, vector<16xi32>,
    tpu.vector_store %arg9[%swap3A_702], %add3A_701 {strides = array<i32>} : memref<3072xi32, #tpu.memory_space<vmem>>, vector<16xi32>,
    %add3A_704 = arith.addi %min3A_689, %broadcast_in_dim3A_77 : vector<16xi32>
    %swap3A_705 = arith.constant 1824 : index
    %swap3A_706 = tpu.vector_load %arg9[%swap3A_705] {strides = array<i32>} : memref<3072xi32, #tpu.memory_space<vmem>>, vector<16xi32>,
    tpu.vector_store %arg9[%swap3A_705], %add3A_704 {strides = array<i32>} : memref<3072xi32, #tpu.memory_space<vmem>>, vector<16xi32>,
    %add3A_707 = arith.addi %min3A_689, %broadcast_in_dim3A_79 : vector<16xi32>
    %swap3A_708 = arith.constant 1952 : index
    %swap3A_709 = tpu.vector_load %arg9[%swap3A_708] {strides = array<i32>} : memref<3072xi32, #tpu.memory_space<vmem>>, vector<16xi32>,
    tpu.vector_store %arg9[%swap3A_708], %add3A_707 {strides = array<i32>} : memref<3072xi32, #tpu.memory_space<vmem>>, vector<16xi32>,
    %add3A_710 = arith.addi %min3A_689, %broadcast_in_dim3A_81 : vector<16xi32>
    %swap3A_711 = arith.constant 2080 : index
    %swap3A_712 = tpu.vector_load %arg9[%swap3A_711] {strides = array<i32>} : memref<3072xi32, #tpu.memory_space<vmem>>, vector<16xi32>,
    tpu.vector_store %arg9[%swap3A_711], %add3A_710 {strides = array<i32>} : memref<3072xi32, #tpu.memory_space<vmem>>, vector<16xi32>,
    %add3A_713 = arith.addi %min3A_689, %broadcast_in_dim3A_83 : vector<16xi32>
    %swap3A_714 = arith.constant 2208 : index
    %swap3A_715 = tpu.vector_load %arg9[%swap3A_714] {strides = array<i32>} : memref<3072xi32, #tpu.memory_space<vmem>>, vector<16xi32>,
    tpu.vector_store %arg9[%swap3A_714], %add3A_713 {strides = array<i32>} : memref<3072xi32, #tpu.memory_space<vmem>>, vector<16xi32>,
    %get3A_716 = arith.constant 304 : index
    %get3A_717 = tpu.vector_load %arg5[%get3A_716] {strides = array<i32>} : memref<512xi32, #tpu.memory_space<vmem>>, vector<16xi32>,
    %convert_element_type3A_718 = arith.sitofp %get3A_717 : vector<16xi32> to vector<16xf32>
    %mul3A_719 = arith.mulf %convert_element_type3A_718, %broadcast_in_dim3A_67 : vector<16xf32>
    %convert_element_type3A_720 = arith.fptosi %mul3A_719 : vector<16xf32> to vector<16xi32>
    %min3A_721 = arith.minsi %convert_element_type3A_720, %broadcast_in_dim3A_69 : vector<16xi32>
    %convert_element_type3A_722 = arith.sitofp %min3A_721 : vector<16xi32> to vector<16xf32>
    %add3A_723 = arith.addf %convert_element_type3A_722, %broadcast_in_dim3A_71 : vector<16xf32>
    %sub3A_724 = arith.subf %add3A_723, %mul3A_719 : vector<16xf32>
    %swap3A_725 = arith.constant 304 : index
    %swap3A_726 = tpu.vector_load %arg7[%swap3A_725] {strides = array<i32>} : memref<512xf32, #tpu.memory_space<vmem>>, vector<16xf32>,
    tpu.vector_store %arg7[%swap3A_725], %sub3A_724 {strides = array<i32>} : memref<512xf32, #tpu.memory_space<vmem>>, vector<16xf32>,
    %sub3A_727 = arith.subf %mul3A_719, %convert_element_type3A_722 : vector<16xf32>
    %swap3A_728 = arith.constant 304 : index
    %swap3A_729 = tpu.vector_load %arg8[%swap3A_728] {strides = array<i32>} : memref<512xf32, #tpu.memory_space<vmem>>, vector<16xf32>,
    tpu.vector_store %arg8[%swap3A_728], %sub3A_727 {strides = array<i32>} : memref<512xf32, #tpu.memory_space<vmem>>, vector<16xf32>,
    %add3A_730 = arith.addi %min3A_721, %broadcast_in_dim3A_73 : vector<16xi32>
    %swap3A_731 = arith.constant 1584 : index
    %swap3A_732 = tpu.vector_load %arg9[%swap3A_731] {strides = array<i32>} : memref<3072xi32, #tpu.memory_space<vmem>>, vector<16xi32>,
    tpu.vector_store %arg9[%swap3A_731], %add3A_730 {strides = array<i32>} : memref<3072xi32, #tpu.memory_space<vmem>>, vector<16xi32>,
    %add3A_733 = arith.addi %min3A_721, %broadcast_in_dim3A_75 : vector<16xi32>
    %swap3A_734 = arith.constant 1712 : index
    %swap3A_735 = tpu.vector_load %arg9[%swap3A_734] {strides = array<i32>} : memref<3072xi32, #tpu.memory_space<vmem>>, vector<16xi32>,
    tpu.vector_store %arg9[%swap3A_734], %add3A_733 {strides = array<i32>} : memref<3072xi32, #tpu.memory_space<vmem>>, vector<16xi32>,
    %add3A_736 = arith.addi %min3A_721, %broadcast_in_dim3A_77 : vector<16xi32>
    %swap3A_737 = arith.constant 1840 : index
    %swap3A_738 = tpu.vector_load %arg9[%swap3A_737] {strides = array<i32>} : memref<3072xi32, #tpu.memory_space<vmem>>, vector<16xi32>,
    tpu.vector_store %arg9[%swap3A_737], %add3A_736 {strides = array<i32>} : memref<3072xi32, #tpu.memory_space<vmem>>, vector<16xi32>,
    %add3A_739 = arith.addi %min3A_721, %broadcast_in_dim3A_79 : vector<16xi32>
    %swap3A_740 = arith.constant 1968 : index
    %swap3A_741 = tpu.vector_load %arg9[%swap3A_740] {strides = array<i32>} : memref<3072xi32, #tpu.memory_space<vmem>>, vector<16xi32>,
    tpu.vector_store %arg9[%swap3A_740], %add3A_739 {strides = array<i32>} : memref<3072xi32, #tpu.memory_space<vmem>>, vector<16xi32>,
    %add3A_742 = arith.addi %min3A_721, %broadcast_in_dim3A_81 : vector<16xi32>
    %swap3A_743 = arith.constant 2096 : index
    %swap3A_744 = tpu.vector_load %arg9[%swap3A_743] {strides = array<i32>} : memref<3072xi32, #tpu.memory_space<vmem>>, vector<16xi32>,
    tpu.vector_store %arg9[%swap3A_743], %add3A_742 {strides = array<i32>} : memref<3072xi32, #tpu.memory_space<vmem>>, vector<16xi32>,
    %add3A_745 = arith.addi %min3A_721, %broadcast_in_dim3A_83 : vector<16xi32>
    %swap3A_746 = arith.constant 2224 : index
    %swap3A_747 = tpu.vector_load %arg9[%swap3A_746] {strides = array<i32>} : memref<3072xi32, #tpu.memory_space<vmem>>, vector<16xi32>,
    tpu.vector_store %arg9[%swap3A_746], %add3A_745 {strides = array<i32>} : memref<3072xi32, #tpu.memory_space<vmem>>, vector<16xi32>,
    %get3A_748 = arith.constant 320 : index
    %get3A_749 = tpu.vector_load %arg5[%get3A_748] {strides = array<i32>} : memref<512xi32, #tpu.memory_space<vmem>>, vector<16xi32>,
    %convert_element_type3A_750 = arith.sitofp %get3A_749 : vector<16xi32> to vector<16xf32>
    %mul3A_751 = arith.mulf %convert_element_type3A_750, %broadcast_in_dim3A_67 : vector<16xf32>
    %convert_element_type3A_752 = arith.fptosi %mul3A_751 : vector<16xf32> to vector<16xi32>
    %min3A_753 = arith.minsi %convert_element_type3A_752, %broadcast_in_dim3A_69 : vector<16xi32>
    %convert_element_type3A_754 = arith.sitofp %min3A_753 : vector<16xi32> to vector<16xf32>
    %add3A_755 = arith.addf %convert_element_type3A_754, %broadcast_in_dim3A_71 : vector<16xf32>
    %sub3A_756 = arith.subf %add3A_755, %mul3A_751 : vector<16xf32>
    %swap3A_757 = arith.constant 320 : index
    %swap3A_758 = tpu.vector_load %arg7[%swap3A_757] {strides = array<i32>} : memref<512xf32, #tpu.memory_space<vmem>>, vector<16xf32>,
    tpu.vector_store %arg7[%swap3A_757], %sub3A_756 {strides = array<i32>} : memref<512xf32, #tpu.memory_space<vmem>>, vector<16xf32>,
    %sub3A_759 = arith.subf %mul3A_751, %convert_element_type3A_754 : vector<16xf32>
    %swap3A_760 = arith.constant 320 : index
    %swap3A_761 = tpu.vector_load %arg8[%swap3A_760] {strides = array<i32>} : memref<512xf32, #tpu.memory_space<vmem>>, vector<16xf32>,
    tpu.vector_store %arg8[%swap3A_760], %sub3A_759 {strides = array<i32>} : memref<512xf32, #tpu.memory_space<vmem>>, vector<16xf32>,
    %add3A_762 = arith.addi %min3A_753, %broadcast_in_dim3A_73 : vector<16xi32>
    %swap3A_763 = arith.constant 1600 : index
    %swap3A_764 = tpu.vector_load %arg9[%swap3A_763] {strides = array<i32>} : memref<3072xi32, #tpu.memory_space<vmem>>, vector<16xi32>,
    tpu.vector_store %arg9[%swap3A_763], %add3A_762 {strides = array<i32>} : memref<3072xi32, #tpu.memory_space<vmem>>, vector<16xi32>,
    %add3A_765 = arith.addi %min3A_753, %broadcast_in_dim3A_75 : vector<16xi32>
    %swap3A_766 = arith.constant 1728 : index
    %swap3A_767 = tpu.vector_load %arg9[%swap3A_766] {strides = array<i32>} : memref<3072xi32, #tpu.memory_space<vmem>>, vector<16xi32>,
    tpu.vector_store %arg9[%swap3A_766], %add3A_765 {strides = array<i32>} : memref<3072xi32, #tpu.memory_space<vmem>>, vector<16xi32>,
    %add3A_768 = arith.addi %min3A_753, %broadcast_in_dim3A_77 : vector<16xi32>
    %swap3A_769 = arith.constant 1856 : index
    %swap3A_770 = tpu.vector_load %arg9[%swap3A_769] {strides = array<i32>} : memref<3072xi32, #tpu.memory_space<vmem>>, vector<16xi32>,
    tpu.vector_store %arg9[%swap3A_769], %add3A_768 {strides = array<i32>} : memref<3072xi32, #tpu.memory_space<vmem>>, vector<16xi32>,
    %add3A_771 = arith.addi %min3A_753, %broadcast_in_dim3A_79 : vector<16xi32>
    %swap3A_772 = arith.constant 1984 : index
    %swap3A_773 = tpu.vector_load %arg9[%swap3A_772] {strides = array<i32>} : memref<3072xi32, #tpu.memory_space<vmem>>, vector<16xi32>,
    tpu.vector_store %arg9[%swap3A_772], %add3A_771 {strides = array<i32>} : memref<3072xi32, #tpu.memory_space<vmem>>, vector<16xi32>,
    %add3A_774 = arith.addi %min3A_753, %broadcast_in_dim3A_81 : vector<16xi32>
    %swap3A_775 = arith.constant 2112 : index
    %swap3A_776 = tpu.vector_load %arg9[%swap3A_775] {strides = array<i32>} : memref<3072xi32, #tpu.memory_space<vmem>>, vector<16xi32>,
    tpu.vector_store %arg9[%swap3A_775], %add3A_774 {strides = array<i32>} : memref<3072xi32, #tpu.memory_space<vmem>>, vector<16xi32>,
    %add3A_777 = arith.addi %min3A_753, %broadcast_in_dim3A_83 : vector<16xi32>
    %swap3A_778 = arith.constant 2240 : index
    %swap3A_779 = tpu.vector_load %arg9[%swap3A_778] {strides = array<i32>} : memref<3072xi32, #tpu.memory_space<vmem>>, vector<16xi32>,
    tpu.vector_store %arg9[%swap3A_778], %add3A_777 {strides = array<i32>} : memref<3072xi32, #tpu.memory_space<vmem>>, vector<16xi32>,
    %get3A_780 = arith.constant 336 : index
    %get3A_781 = tpu.vector_load %arg5[%get3A_780] {strides = array<i32>} : memref<512xi32, #tpu.memory_space<vmem>>, vector<16xi32>,
    %convert_element_type3A_782 = arith.sitofp %get3A_781 : vector<16xi32> to vector<16xf32>
    %mul3A_783 = arith.mulf %convert_element_type3A_782, %broadcast_in_dim3A_67 : vector<16xf32>
    %convert_element_type3A_784 = arith.fptosi %mul3A_783 : vector<16xf32> to vector<16xi32>
    %min3A_785 = arith.minsi %convert_element_type3A_784, %broadcast_in_dim3A_69 : vector<16xi32>
    %convert_element_type3A_786 = arith.sitofp %min3A_785 : vector<16xi32> to vector<16xf32>
    %add3A_787 = arith.addf %convert_element_type3A_786, %broadcast_in_dim3A_71 : vector<16xf32>
    %sub3A_788 = arith.subf %add3A_787, %mul3A_783 : vector<16xf32>
    %swap3A_789 = arith.constant 336 : index
    %swap3A_790 = tpu.vector_load %arg7[%swap3A_789] {strides = array<i32>} : memref<512xf32, #tpu.memory_space<vmem>>, vector<16xf32>,
    tpu.vector_store %arg7[%swap3A_789], %sub3A_788 {strides = array<i32>} : memref<512xf32, #tpu.memory_space<vmem>>, vector<16xf32>,
    %sub3A_791 = arith.subf %mul3A_783, %convert_element_type3A_786 : vector<16xf32>
    %swap3A_792 = arith.constant 336 : index
    %swap3A_793 = tpu.vector_load %arg8[%swap3A_792] {strides = array<i32>} : memref<512xf32, #tpu.memory_space<vmem>>, vector<16xf32>,
    tpu.vector_store %arg8[%swap3A_792], %sub3A_791 {strides = array<i32>} : memref<512xf32, #tpu.memory_space<vmem>>, vector<16xf32>,
    %add3A_794 = arith.addi %min3A_785, %broadcast_in_dim3A_73 : vector<16xi32>
    %swap3A_795 = arith.constant 1616 : index
    %swap3A_796 = tpu.vector_load %arg9[%swap3A_795] {strides = array<i32>} : memref<3072xi32, #tpu.memory_space<vmem>>, vector<16xi32>,
    tpu.vector_store %arg9[%swap3A_795], %add3A_794 {strides = array<i32>} : memref<3072xi32, #tpu.memory_space<vmem>>, vector<16xi32>,
    %add3A_797 = arith.addi %min3A_785, %broadcast_in_dim3A_75 : vector<16xi32>
    %swap3A_798 = arith.constant 1744 : index
    %swap3A_799 = tpu.vector_load %arg9[%swap3A_798] {strides = array<i32>} : memref<3072xi32, #tpu.memory_space<vmem>>, vector<16xi32>,
    tpu.vector_store %arg9[%swap3A_798], %add3A_797 {strides = array<i32>} : memref<3072xi32, #tpu.memory_space<vmem>>, vector<16xi32>,
    %add3A_800 = arith.addi %min3A_785, %broadcast_in_dim3A_77 : vector<16xi32>
    %swap3A_801 = arith.constant 1872 : index
    %swap3A_802 = tpu.vector_load %arg9[%swap3A_801] {strides = array<i32>} : memref<3072xi32, #tpu.memory_space<vmem>>, vector<16xi32>,
    tpu.vector_store %arg9[%swap3A_801], %add3A_800 {strides = array<i32>} : memref<3072xi32, #tpu.memory_space<vmem>>, vector<16xi32>,
    %add3A_803 = arith.addi %min3A_785, %broadcast_in_dim3A_79 : vector<16xi32>
    %swap3A_804 = arith.constant 2000 : index
    %swap3A_805 = tpu.vector_load %arg9[%swap3A_804] {strides = array<i32>} : memref<3072xi32, #tpu.memory_space<vmem>>, vector<16xi32>,
    tpu.vector_store %arg9[%swap3A_804], %add3A_803 {strides = array<i32>} : memref<3072xi32, #tpu.memory_space<vmem>>, vector<16xi32>,
    %add3A_806 = arith.addi %min3A_785, %broadcast_in_dim3A_81 : vector<16xi32>
    %swap3A_807 = arith.constant 2128 : index
    %swap3A_808 = tpu.vector_load %arg9[%swap3A_807] {strides = array<i32>} : memref<3072xi32, #tpu.memory_space<vmem>>, vector<16xi32>,
    tpu.vector_store %arg9[%swap3A_807], %add3A_806 {strides = array<i32>} : memref<3072xi32, #tpu.memory_space<vmem>>, vector<16xi32>,
    %add3A_809 = arith.addi %min3A_785, %broadcast_in_dim3A_83 : vector<16xi32>
    %swap3A_810 = arith.constant 2256 : index
    %swap3A_811 = tpu.vector_load %arg9[%swap3A_810] {strides = array<i32>} : memref<3072xi32, #tpu.memory_space<vmem>>, vector<16xi32>,
    tpu.vector_store %arg9[%swap3A_810], %add3A_809 {strides = array<i32>} : memref<3072xi32, #tpu.memory_space<vmem>>, vector<16xi32>,
    %get3A_812 = arith.constant 352 : index
    %get3A_813 = tpu.vector_load %arg5[%get3A_812] {strides = array<i32>} : memref<512xi32, #tpu.memory_space<vmem>>, vector<16xi32>,
    %convert_element_type3A_814 = arith.sitofp %get3A_813 : vector<16xi32> to vector<16xf32>
    %mul3A_815 = arith.mulf %convert_element_type3A_814, %broadcast_in_dim3A_67 : vector<16xf32>
    %convert_element_type3A_816 = arith.fptosi %mul3A_815 : vector<16xf32> to vector<16xi32>
    %min3A_817 = arith.minsi %convert_element_type3A_816, %broadcast_in_dim3A_69 : vector<16xi32>
    %convert_element_type3A_818 = arith.sitofp %min3A_817 : vector<16xi32> to vector<16xf32>
    %add3A_819 = arith.addf %convert_element_type3A_818, %broadcast_in_dim3A_71 : vector<16xf32>
    %sub3A_820 = arith.subf %add3A_819, %mul3A_815 : vector<16xf32>
    %swap3A_821 = arith.constant 352 : index
    %swap3A_822 = tpu.vector_load %arg7[%swap3A_821] {strides = array<i32>} : memref<512xf32, #tpu.memory_space<vmem>>, vector<16xf32>,
    tpu.vector_store %arg7[%swap3A_821], %sub3A_820 {strides = array<i32>} : memref<512xf32, #tpu.memory_space<vmem>>, vector<16xf32>,
    %sub3A_823 = arith.subf %mul3A_815, %convert_element_type3A_818 : vector<16xf32>
    %swap3A_824 = arith.constant 352 : index
    %swap3A_825 = tpu.vector_load %arg8[%swap3A_824] {strides = array<i32>} : memref<512xf32, #tpu.memory_space<vmem>>, vector<16xf32>,
    tpu.vector_store %arg8[%swap3A_824], %sub3A_823 {strides = array<i32>} : memref<512xf32, #tpu.memory_space<vmem>>, vector<16xf32>,
    %add3A_826 = arith.addi %min3A_817, %broadcast_in_dim3A_73 : vector<16xi32>
    %swap3A_827 = arith.constant 1632 : index
    %swap3A_828 = tpu.vector_load %arg9[%swap3A_827] {strides = array<i32>} : memref<3072xi32, #tpu.memory_space<vmem>>, vector<16xi32>,
    tpu.vector_store %arg9[%swap3A_827], %add3A_826 {strides = array<i32>} : memref<3072xi32, #tpu.memory_space<vmem>>, vector<16xi32>,
    %add3A_829 = arith.addi %min3A_817, %broadcast_in_dim3A_75 : vector<16xi32>
    %swap3A_830 = arith.constant 1760 : index
    %swap3A_831 = tpu.vector_load %arg9[%swap3A_830] {strides = array<i32>} : memref<3072xi32, #tpu.memory_space<vmem>>, vector<16xi32>,
    tpu.vector_store %arg9[%swap3A_830], %add3A_829 {strides = array<i32>} : memref<3072xi32, #tpu.memory_space<vmem>>, vector<16xi32>,
    %add3A_832 = arith.addi %min3A_817, %broadcast_in_dim3A_77 : vector<16xi32>
    %swap3A_833 = arith.constant 1888 : index
    %swap3A_834 = tpu.vector_load %arg9[%swap3A_833] {strides = array<i32>} : memref<3072xi32, #tpu.memory_space<vmem>>, vector<16xi32>,
    tpu.vector_store %arg9[%swap3A_833], %add3A_832 {strides = array<i32>} : memref<3072xi32, #tpu.memory_space<vmem>>, vector<16xi32>,
    %add3A_835 = arith.addi %min3A_817, %broadcast_in_dim3A_79 : vector<16xi32>
    %swap3A_836 = arith.constant 2016 : index
    %swap3A_837 = tpu.vector_load %arg9[%swap3A_836] {strides = array<i32>} : memref<3072xi32, #tpu.memory_space<vmem>>, vector<16xi32>,
    tpu.vector_store %arg9[%swap3A_836], %add3A_835 {strides = array<i32>} : memref<3072xi32, #tpu.memory_space<vmem>>, vector<16xi32>,
    %add3A_838 = arith.addi %min3A_817, %broadcast_in_dim3A_81 : vector<16xi32>
    %swap3A_839 = arith.constant 2144 : index
    %swap3A_840 = tpu.vector_load %arg9[%swap3A_839] {strides = array<i32>} : memref<3072xi32, #tpu.memory_space<vmem>>, vector<16xi32>,
    tpu.vector_store %arg9[%swap3A_839], %add3A_838 {strides = array<i32>} : memref<3072xi32, #tpu.memory_space<vmem>>, vector<16xi32>,
    %add3A_841 = arith.addi %min3A_817, %broadcast_in_dim3A_83 : vector<16xi32>
    %swap3A_842 = arith.constant 2272 : index
    %swap3A_843 = tpu.vector_load %arg9[%swap3A_842] {strides = array<i32>} : memref<3072xi32, #tpu.memory_space<vmem>>, vector<16xi32>,
    tpu.vector_store %arg9[%swap3A_842], %add3A_841 {strides = array<i32>} : memref<3072xi32, #tpu.memory_space<vmem>>, vector<16xi32>,
    %get3A_844 = arith.constant 368 : index
    %get3A_845 = tpu.vector_load %arg5[%get3A_844] {strides = array<i32>} : memref<512xi32, #tpu.memory_space<vmem>>, vector<16xi32>,
    %convert_element_type3A_846 = arith.sitofp %get3A_845 : vector<16xi32> to vector<16xf32>
    %mul3A_847 = arith.mulf %convert_element_type3A_846, %broadcast_in_dim3A_67 : vector<16xf32>
    %convert_element_type3A_848 = arith.fptosi %mul3A_847 : vector<16xf32> to vector<16xi32>
    %min3A_849 = arith.minsi %convert_element_type3A_848, %broadcast_in_dim3A_69 : vector<16xi32>
    %convert_element_type3A_850 = arith.sitofp %min3A_849 : vector<16xi32> to vector<16xf32>
    %add3A_851 = arith.addf %convert_element_type3A_850, %broadcast_in_dim3A_71 : vector<16xf32>
    %sub3A_852 = arith.subf %add3A_851, %mul3A_847 : vector<16xf32>
    %swap3A_853 = arith.constant 368 : index
    %swap3A_854 = tpu.vector_load %arg7[%swap3A_853] {strides = array<i32>} : memref<512xf32, #tpu.memory_space<vmem>>, vector<16xf32>,
    tpu.vector_store %arg7[%swap3A_853], %sub3A_852 {strides = array<i32>} : memref<512xf32, #tpu.memory_space<vmem>>, vector<16xf32>,
    %sub3A_855 = arith.subf %mul3A_847, %convert_element_type3A_850 : vector<16xf32>
    %swap3A_856 = arith.constant 368 : index
    %swap3A_857 = tpu.vector_load %arg8[%swap3A_856] {strides = array<i32>} : memref<512xf32, #tpu.memory_space<vmem>>, vector<16xf32>,
    tpu.vector_store %arg8[%swap3A_856], %sub3A_855 {strides = array<i32>} : memref<512xf32, #tpu.memory_space<vmem>>, vector<16xf32>,
    %add3A_858 = arith.addi %min3A_849, %broadcast_in_dim3A_73 : vector<16xi32>
    %swap3A_859 = arith.constant 1648 : index
    %swap3A_860 = tpu.vector_load %arg9[%swap3A_859] {strides = array<i32>} : memref<3072xi32, #tpu.memory_space<vmem>>, vector<16xi32>,
    tpu.vector_store %arg9[%swap3A_859], %add3A_858 {strides = array<i32>} : memref<3072xi32, #tpu.memory_space<vmem>>, vector<16xi32>,
    %add3A_861 = arith.addi %min3A_849, %broadcast_in_dim3A_75 : vector<16xi32>
    %swap3A_862 = arith.constant 1776 : index
    %swap3A_863 = tpu.vector_load %arg9[%swap3A_862] {strides = array<i32>} : memref<3072xi32, #tpu.memory_space<vmem>>, vector<16xi32>,
    tpu.vector_store %arg9[%swap3A_862], %add3A_861 {strides = array<i32>} : memref<3072xi32, #tpu.memory_space<vmem>>, vector<16xi32>,
    %add3A_864 = arith.addi %min3A_849, %broadcast_in_dim3A_77 : vector<16xi32>
    %swap3A_865 = arith.constant 1904 : index
    %swap3A_866 = tpu.vector_load %arg9[%swap3A_865] {strides = array<i32>} : memref<3072xi32, #tpu.memory_space<vmem>>, vector<16xi32>,
    tpu.vector_store %arg9[%swap3A_865], %add3A_864 {strides = array<i32>} : memref<3072xi32, #tpu.memory_space<vmem>>, vector<16xi32>,
    %add3A_867 = arith.addi %min3A_849, %broadcast_in_dim3A_79 : vector<16xi32>
    %swap3A_868 = arith.constant 2032 : index
    %swap3A_869 = tpu.vector_load %arg9[%swap3A_868] {strides = array<i32>} : memref<3072xi32, #tpu.memory_space<vmem>>, vector<16xi32>,
    tpu.vector_store %arg9[%swap3A_868], %add3A_867 {strides = array<i32>} : memref<3072xi32, #tpu.memory_space<vmem>>, vector<16xi32>,
    %add3A_870 = arith.addi %min3A_849, %broadcast_in_dim3A_81 : vector<16xi32>
    %swap3A_871 = arith.constant 2160 : index
    %swap3A_872 = tpu.vector_load %arg9[%swap3A_871] {strides = array<i32>} : memref<3072xi32, #tpu.memory_space<vmem>>, vector<16xi32>,
    tpu.vector_store %arg9[%swap3A_871], %add3A_870 {strides = array<i32>} : memref<3072xi32, #tpu.memory_space<vmem>>, vector<16xi32>,
    %add3A_873 = arith.addi %min3A_849, %broadcast_in_dim3A_83 : vector<16xi32>
    %swap3A_874 = arith.constant 2288 : index
    %swap3A_875 = tpu.vector_load %arg9[%swap3A_874] {strides = array<i32>} : memref<3072xi32, #tpu.memory_space<vmem>>, vector<16xi32>,
    tpu.vector_store %arg9[%swap3A_874], %add3A_873 {strides = array<i32>} : memref<3072xi32, #tpu.memory_space<vmem>>, vector<16xi32>,
    %dma_start3A_876 = arith.constant 1536 : i32
    %dma_start3A_877 = tpu.memref_slice %arg10[%dma_start3A_876] : memref<3072xf32, #tpu.memory_space<vmem>> -> memref<768xf32, #tpu.memory_space<vmem>>
    %dma_start3A_878 = arith.constant 1536 : i32
    %dma_start3A_879 = tpu.memref_slice %arg9[%dma_start3A_878] : memref<3072xi32, #tpu.memory_space<vmem>> -> memref<768xi32, #tpu.memory_space<vmem>>
    %dma_start3A_880 = arith.constant 0 : i32
    %dma_start3A_881 = tpu.memref_slice %arg2[%dma_start3A_880] : memref<349152xf32, #tpu.memory_space<hbm>> -> memref<349152xf32, #tpu.memory_space<hbm>>
    tpu.enqueue_indirect_dma source(%dma_start3A_881 : memref<349152xf32, #tpu.memory_space<hbm>>) target(%dma_start3A_877 : memref<768xf32, #tpu.memory_space<vmem>>) offsets(%dma_start3A_879 : memref<768xi32, #tpu.memory_space<vmem>>) semaphore(%arg17 : memref<!tpu.dma_semaphore, #tpu.memory_space<semaphore_mem>>)
    %dma_wait3A_882 = arith.constant 384 : i32
    %dma_wait3A_883 = tpu.memref_slice %arg5[%dma_wait3A_882] : memref<512xi32, #tpu.memory_space<vmem>> -> memref<128xi32, #tpu.memory_space<vmem>>
    %dma_wait3A_884 = tpu.memref_slice %arg3[%add3A_27] : memref<16384xi32, #tpu.memory_space<hbm>> -> memref<128xi32, #tpu.memory_space<hbm>>
    %dma_wait3A_885 = arith.constant 384 : i32
    %dma_wait3A_886 = tpu.memref_slice %arg5[%dma_wait3A_885] : memref<512xi32, #tpu.memory_space<vmem>> -> memref<128xi32, #tpu.memory_space<vmem>>
    %dma_wait3A_887 = tpu.memref_slice %arg3[%add3A_27] : memref<16384xi32, #tpu.memory_space<hbm>> -> memref<128xi32, #tpu.memory_space<hbm>>
    tpu.wait_dma2 semaphore(%arg12 : memref<!tpu.dma_semaphore, #tpu.memory_space<semaphore_mem>>) src(%dma_wait3A_887 : memref<128xi32, #tpu.memory_space<hbm>>) dst(%dma_wait3A_886 : memref<128xi32, #tpu.memory_space<vmem>>)
    %get3A_888 = arith.constant 384 : index
    %get3A_889 = tpu.vector_load %arg5[%get3A_888] {strides = array<i32>} : memref<512xi32, #tpu.memory_space<vmem>>, vector<16xi32>,
    %convert_element_type3A_890 = arith.sitofp %get3A_889 : vector<16xi32> to vector<16xf32>
    %mul3A_891 = arith.mulf %convert_element_type3A_890, %broadcast_in_dim3A_67 : vector<16xf32>
    %convert_element_type3A_892 = arith.fptosi %mul3A_891 : vector<16xf32> to vector<16xi32>
    %min3A_893 = arith.minsi %convert_element_type3A_892, %broadcast_in_dim3A_69 : vector<16xi32>
    %convert_element_type3A_894 = arith.sitofp %min3A_893 : vector<16xi32> to vector<16xf32>
    %add3A_895 = arith.addf %convert_element_type3A_894, %broadcast_in_dim3A_71 : vector<16xf32>
    %sub3A_896 = arith.subf %add3A_895, %mul3A_891 : vector<16xf32>
    %swap3A_897 = arith.constant 384 : index
    %swap3A_898 = tpu.vector_load %arg7[%swap3A_897] {strides = array<i32>} : memref<512xf32, #tpu.memory_space<vmem>>, vector<16xf32>,
    tpu.vector_store %arg7[%swap3A_897], %sub3A_896 {strides = array<i32>} : memref<512xf32, #tpu.memory_space<vmem>>, vector<16xf32>,
    %sub3A_899 = arith.subf %mul3A_891, %convert_element_type3A_894 : vector<16xf32>
    %swap3A_900 = arith.constant 384 : index
    %swap3A_901 = tpu.vector_load %arg8[%swap3A_900] {strides = array<i32>} : memref<512xf32, #tpu.memory_space<vmem>>, vector<16xf32>,
    tpu.vector_store %arg8[%swap3A_900], %sub3A_899 {strides = array<i32>} : memref<512xf32, #tpu.memory_space<vmem>>, vector<16xf32>,
    %add3A_902 = arith.addi %min3A_893, %broadcast_in_dim3A_73 : vector<16xi32>
    %swap3A_903 = arith.constant 2304 : index
    %swap3A_904 = tpu.vector_load %arg9[%swap3A_903] {strides = array<i32>} : memref<3072xi32, #tpu.memory_space<vmem>>, vector<16xi32>,
    tpu.vector_store %arg9[%swap3A_903], %add3A_902 {strides = array<i32>} : memref<3072xi32, #tpu.memory_space<vmem>>, vector<16xi32>,
    %add3A_905 = arith.addi %min3A_893, %broadcast_in_dim3A_75 : vector<16xi32>
    %swap3A_906 = arith.constant 2432 : index
    %swap3A_907 = tpu.vector_load %arg9[%swap3A_906] {strides = array<i32>} : memref<3072xi32, #tpu.memory_space<vmem>>, vector<16xi32>,
    tpu.vector_store %arg9[%swap3A_906], %add3A_905 {strides = array<i32>} : memref<3072xi32, #tpu.memory_space<vmem>>, vector<16xi32>,
    %add3A_908 = arith.addi %min3A_893, %broadcast_in_dim3A_77 : vector<16xi32>
    %swap3A_909 = arith.constant 2560 : index
    %swap3A_910 = tpu.vector_load %arg9[%swap3A_909] {strides = array<i32>} : memref<3072xi32, #tpu.memory_space<vmem>>, vector<16xi32>,
    tpu.vector_store %arg9[%swap3A_909], %add3A_908 {strides = array<i32>} : memref<3072xi32, #tpu.memory_space<vmem>>, vector<16xi32>,
    %add3A_911 = arith.addi %min3A_893, %broadcast_in_dim3A_79 : vector<16xi32>
    %swap3A_912 = arith.constant 2688 : index
    %swap3A_913 = tpu.vector_load %arg9[%swap3A_912] {strides = array<i32>} : memref<3072xi32, #tpu.memory_space<vmem>>, vector<16xi32>,
    tpu.vector_store %arg9[%swap3A_912], %add3A_911 {strides = array<i32>} : memref<3072xi32, #tpu.memory_space<vmem>>, vector<16xi32>,
    %add3A_914 = arith.addi %min3A_893, %broadcast_in_dim3A_81 : vector<16xi32>
    %swap3A_915 = arith.constant 2816 : index
    %swap3A_916 = tpu.vector_load %arg9[%swap3A_915] {strides = array<i32>} : memref<3072xi32, #tpu.memory_space<vmem>>, vector<16xi32>,
    tpu.vector_store %arg9[%swap3A_915], %add3A_914 {strides = array<i32>} : memref<3072xi32, #tpu.memory_space<vmem>>, vector<16xi32>,
    %add3A_917 = arith.addi %min3A_893, %broadcast_in_dim3A_83 : vector<16xi32>
    %swap3A_918 = arith.constant 2944 : index
    %swap3A_919 = tpu.vector_load %arg9[%swap3A_918] {strides = array<i32>} : memref<3072xi32, #tpu.memory_space<vmem>>, vector<16xi32>,
    tpu.vector_store %arg9[%swap3A_918], %add3A_917 {strides = array<i32>} : memref<3072xi32, #tpu.memory_space<vmem>>, vector<16xi32>,
    %get3A_920 = arith.constant 400 : index
    %get3A_921 = tpu.vector_load %arg5[%get3A_920] {strides = array<i32>} : memref<512xi32, #tpu.memory_space<vmem>>, vector<16xi32>,
    %convert_element_type3A_922 = arith.sitofp %get3A_921 : vector<16xi32> to vector<16xf32>
    %mul3A_923 = arith.mulf %convert_element_type3A_922, %broadcast_in_dim3A_67 : vector<16xf32>
    %convert_element_type3A_924 = arith.fptosi %mul3A_923 : vector<16xf32> to vector<16xi32>
    %min3A_925 = arith.minsi %convert_element_type3A_924, %broadcast_in_dim3A_69 : vector<16xi32>
    %convert_element_type3A_926 = arith.sitofp %min3A_925 : vector<16xi32> to vector<16xf32>
    %add3A_927 = arith.addf %convert_element_type3A_926, %broadcast_in_dim3A_71 : vector<16xf32>
    %sub3A_928 = arith.subf %add3A_927, %mul3A_923 : vector<16xf32>
    %swap3A_929 = arith.constant 400 : index
    %swap3A_930 = tpu.vector_load %arg7[%swap3A_929] {strides = array<i32>} : memref<512xf32, #tpu.memory_space<vmem>>, vector<16xf32>,
    tpu.vector_store %arg7[%swap3A_929], %sub3A_928 {strides = array<i32>} : memref<512xf32, #tpu.memory_space<vmem>>, vector<16xf32>,
    %sub3A_931 = arith.subf %mul3A_923, %convert_element_type3A_926 : vector<16xf32>
    %swap3A_932 = arith.constant 400 : index
    %swap3A_933 = tpu.vector_load %arg8[%swap3A_932] {strides = array<i32>} : memref<512xf32, #tpu.memory_space<vmem>>, vector<16xf32>,
    tpu.vector_store %arg8[%swap3A_932], %sub3A_931 {strides = array<i32>} : memref<512xf32, #tpu.memory_space<vmem>>, vector<16xf32>,
    %add3A_934 = arith.addi %min3A_925, %broadcast_in_dim3A_73 : vector<16xi32>
    %swap3A_935 = arith.constant 2320 : index
    %swap3A_936 = tpu.vector_load %arg9[%swap3A_935] {strides = array<i32>} : memref<3072xi32, #tpu.memory_space<vmem>>, vector<16xi32>,
    tpu.vector_store %arg9[%swap3A_935], %add3A_934 {strides = array<i32>} : memref<3072xi32, #tpu.memory_space<vmem>>, vector<16xi32>,
    %add3A_937 = arith.addi %min3A_925, %broadcast_in_dim3A_75 : vector<16xi32>
    %swap3A_938 = arith.constant 2448 : index
    %swap3A_939 = tpu.vector_load %arg9[%swap3A_938] {strides = array<i32>} : memref<3072xi32, #tpu.memory_space<vmem>>, vector<16xi32>,
    tpu.vector_store %arg9[%swap3A_938], %add3A_937 {strides = array<i32>} : memref<3072xi32, #tpu.memory_space<vmem>>, vector<16xi32>,
    %add3A_940 = arith.addi %min3A_925, %broadcast_in_dim3A_77 : vector<16xi32>
    %swap3A_941 = arith.constant 2576 : index
    %swap3A_942 = tpu.vector_load %arg9[%swap3A_941] {strides = array<i32>} : memref<3072xi32, #tpu.memory_space<vmem>>, vector<16xi32>,
    tpu.vector_store %arg9[%swap3A_941], %add3A_940 {strides = array<i32>} : memref<3072xi32, #tpu.memory_space<vmem>>, vector<16xi32>,
    %add3A_943 = arith.addi %min3A_925, %broadcast_in_dim3A_79 : vector<16xi32>
    %swap3A_944 = arith.constant 2704 : index
    %swap3A_945 = tpu.vector_load %arg9[%swap3A_944] {strides = array<i32>} : memref<3072xi32, #tpu.memory_space<vmem>>, vector<16xi32>,
    tpu.vector_store %arg9[%swap3A_944], %add3A_943 {strides = array<i32>} : memref<3072xi32, #tpu.memory_space<vmem>>, vector<16xi32>,
    %add3A_946 = arith.addi %min3A_925, %broadcast_in_dim3A_81 : vector<16xi32>
    %swap3A_947 = arith.constant 2832 : index
    %swap3A_948 = tpu.vector_load %arg9[%swap3A_947] {strides = array<i32>} : memref<3072xi32, #tpu.memory_space<vmem>>, vector<16xi32>,
    tpu.vector_store %arg9[%swap3A_947], %add3A_946 {strides = array<i32>} : memref<3072xi32, #tpu.memory_space<vmem>>, vector<16xi32>,
    %add3A_949 = arith.addi %min3A_925, %broadcast_in_dim3A_83 : vector<16xi32>
    %swap3A_950 = arith.constant 2960 : index
    %swap3A_951 = tpu.vector_load %arg9[%swap3A_950] {strides = array<i32>} : memref<3072xi32, #tpu.memory_space<vmem>>, vector<16xi32>,
    tpu.vector_store %arg9[%swap3A_950], %add3A_949 {strides = array<i32>} : memref<3072xi32, #tpu.memory_space<vmem>>, vector<16xi32>,
    %get3A_952 = arith.constant 416 : index
    %get3A_953 = tpu.vector_load %arg5[%get3A_952] {strides = array<i32>} : memref<512xi32, #tpu.memory_space<vmem>>, vector<16xi32>,
    %convert_element_type3A_954 = arith.sitofp %get3A_953 : vector<16xi32> to vector<16xf32>
    %mul3A_955 = arith.mulf %convert_element_type3A_954, %broadcast_in_dim3A_67 : vector<16xf32>
    %convert_element_type3A_956 = arith.fptosi %mul3A_955 : vector<16xf32> to vector<16xi32>
    %min3A_957 = arith.minsi %convert_element_type3A_956, %broadcast_in_dim3A_69 : vector<16xi32>
    %convert_element_type3A_958 = arith.sitofp %min3A_957 : vector<16xi32> to vector<16xf32>
    %add3A_959 = arith.addf %convert_element_type3A_958, %broadcast_in_dim3A_71 : vector<16xf32>
    %sub3A_960 = arith.subf %add3A_959, %mul3A_955 : vector<16xf32>
    %swap3A_961 = arith.constant 416 : index
    %swap3A_962 = tpu.vector_load %arg7[%swap3A_961] {strides = array<i32>} : memref<512xf32, #tpu.memory_space<vmem>>, vector<16xf32>,
    tpu.vector_store %arg7[%swap3A_961], %sub3A_960 {strides = array<i32>} : memref<512xf32, #tpu.memory_space<vmem>>, vector<16xf32>,
    %sub3A_963 = arith.subf %mul3A_955, %convert_element_type3A_958 : vector<16xf32>
    %swap3A_964 = arith.constant 416 : index
    %swap3A_965 = tpu.vector_load %arg8[%swap3A_964] {strides = array<i32>} : memref<512xf32, #tpu.memory_space<vmem>>, vector<16xf32>,
    tpu.vector_store %arg8[%swap3A_964], %sub3A_963 {strides = array<i32>} : memref<512xf32, #tpu.memory_space<vmem>>, vector<16xf32>,
    %add3A_966 = arith.addi %min3A_957, %broadcast_in_dim3A_73 : vector<16xi32>
    %swap3A_967 = arith.constant 2336 : index
    %swap3A_968 = tpu.vector_load %arg9[%swap3A_967] {strides = array<i32>} : memref<3072xi32, #tpu.memory_space<vmem>>, vector<16xi32>,
    tpu.vector_store %arg9[%swap3A_967], %add3A_966 {strides = array<i32>} : memref<3072xi32, #tpu.memory_space<vmem>>, vector<16xi32>,
    %add3A_969 = arith.addi %min3A_957, %broadcast_in_dim3A_75 : vector<16xi32>
    %swap3A_970 = arith.constant 2464 : index
    %swap3A_971 = tpu.vector_load %arg9[%swap3A_970] {strides = array<i32>} : memref<3072xi32, #tpu.memory_space<vmem>>, vector<16xi32>,
    tpu.vector_store %arg9[%swap3A_970], %add3A_969 {strides = array<i32>} : memref<3072xi32, #tpu.memory_space<vmem>>, vector<16xi32>,
    %add3A_972 = arith.addi %min3A_957, %broadcast_in_dim3A_77 : vector<16xi32>
    %swap3A_973 = arith.constant 2592 : index
    %swap3A_974 = tpu.vector_load %arg9[%swap3A_973] {strides = array<i32>} : memref<3072xi32, #tpu.memory_space<vmem>>, vector<16xi32>,
    tpu.vector_store %arg9[%swap3A_973], %add3A_972 {strides = array<i32>} : memref<3072xi32, #tpu.memory_space<vmem>>, vector<16xi32>,
    %add3A_975 = arith.addi %min3A_957, %broadcast_in_dim3A_79 : vector<16xi32>
    %swap3A_976 = arith.constant 2720 : index
    %swap3A_977 = tpu.vector_load %arg9[%swap3A_976] {strides = array<i32>} : memref<3072xi32, #tpu.memory_space<vmem>>, vector<16xi32>,
    tpu.vector_store %arg9[%swap3A_976], %add3A_975 {strides = array<i32>} : memref<3072xi32, #tpu.memory_space<vmem>>, vector<16xi32>,
    %add3A_978 = arith.addi %min3A_957, %broadcast_in_dim3A_81 : vector<16xi32>
    %swap3A_979 = arith.constant 2848 : index
    %swap3A_980 = tpu.vector_load %arg9[%swap3A_979] {strides = array<i32>} : memref<3072xi32, #tpu.memory_space<vmem>>, vector<16xi32>,
    tpu.vector_store %arg9[%swap3A_979], %add3A_978 {strides = array<i32>} : memref<3072xi32, #tpu.memory_space<vmem>>, vector<16xi32>,
    %add3A_981 = arith.addi %min3A_957, %broadcast_in_dim3A_83 : vector<16xi32>
    %swap3A_982 = arith.constant 2976 : index
    %swap3A_983 = tpu.vector_load %arg9[%swap3A_982] {strides = array<i32>} : memref<3072xi32, #tpu.memory_space<vmem>>, vector<16xi32>,
    tpu.vector_store %arg9[%swap3A_982], %add3A_981 {strides = array<i32>} : memref<3072xi32, #tpu.memory_space<vmem>>, vector<16xi32>,
    %get3A_984 = arith.constant 432 : index
    %get3A_985 = tpu.vector_load %arg5[%get3A_984] {strides = array<i32>} : memref<512xi32, #tpu.memory_space<vmem>>, vector<16xi32>,
    %convert_element_type3A_986 = arith.sitofp %get3A_985 : vector<16xi32> to vector<16xf32>
    %mul3A_987 = arith.mulf %convert_element_type3A_986, %broadcast_in_dim3A_67 : vector<16xf32>
    %convert_element_type3A_988 = arith.fptosi %mul3A_987 : vector<16xf32> to vector<16xi32>
    %min3A_989 = arith.minsi %convert_element_type3A_988, %broadcast_in_dim3A_69 : vector<16xi32>
    %convert_element_type3A_990 = arith.sitofp %min3A_989 : vector<16xi32> to vector<16xf32>
    %add3A_991 = arith.addf %convert_element_type3A_990, %broadcast_in_dim3A_71 : vector<16xf32>
    %sub3A_992 = arith.subf %add3A_991, %mul3A_987 : vector<16xf32>
    %swap3A_993 = arith.constant 432 : index
    %swap3A_994 = tpu.vector_load %arg7[%swap3A_993] {strides = array<i32>} : memref<512xf32, #tpu.memory_space<vmem>>, vector<16xf32>,
    tpu.vector_store %arg7[%swap3A_993], %sub3A_992 {strides = array<i32>} : memref<512xf32, #tpu.memory_space<vmem>>, vector<16xf32>,
    %sub3A_995 = arith.subf %mul3A_987, %convert_element_type3A_990 : vector<16xf32>
    %swap3A_996 = arith.constant 432 : index
    %swap3A_997 = tpu.vector_load %arg8[%swap3A_996] {strides = array<i32>} : memref<512xf32, #tpu.memory_space<vmem>>, vector<16xf32>,
    tpu.vector_store %arg8[%swap3A_996], %sub3A_995 {strides = array<i32>} : memref<512xf32, #tpu.memory_space<vmem>>, vector<16xf32>,
    %add3A_998 = arith.addi %min3A_989, %broadcast_in_dim3A_73 : vector<16xi32>
    %swap3A_999 = arith.constant 2352 : index
    %swap3A_1000 = tpu.vector_load %arg9[%swap3A_999] {strides = array<i32>} : memref<3072xi32, #tpu.memory_space<vmem>>, vector<16xi32>,
    tpu.vector_store %arg9[%swap3A_999], %add3A_998 {strides = array<i32>} : memref<3072xi32, #tpu.memory_space<vmem>>, vector<16xi32>,
    %add3A_1001 = arith.addi %min3A_989, %broadcast_in_dim3A_75 : vector<16xi32>
    %swap3A_1002 = arith.constant 2480 : index
    %swap3A_1003 = tpu.vector_load %arg9[%swap3A_1002] {strides = array<i32>} : memref<3072xi32, #tpu.memory_space<vmem>>, vector<16xi32>,
    tpu.vector_store %arg9[%swap3A_1002], %add3A_1001 {strides = array<i32>} : memref<3072xi32, #tpu.memory_space<vmem>>, vector<16xi32>,
    %add3A_1004 = arith.addi %min3A_989, %broadcast_in_dim3A_77 : vector<16xi32>
    %swap3A_1005 = arith.constant 2608 : index
    %swap3A_1006 = tpu.vector_load %arg9[%swap3A_1005] {strides = array<i32>} : memref<3072xi32, #tpu.memory_space<vmem>>, vector<16xi32>,
    tpu.vector_store %arg9[%swap3A_1005], %add3A_1004 {strides = array<i32>} : memref<3072xi32, #tpu.memory_space<vmem>>, vector<16xi32>,
    %add3A_1007 = arith.addi %min3A_989, %broadcast_in_dim3A_79 : vector<16xi32>
    %swap3A_1008 = arith.constant 2736 : index
    %swap3A_1009 = tpu.vector_load %arg9[%swap3A_1008] {strides = array<i32>} : memref<3072xi32, #tpu.memory_space<vmem>>, vector<16xi32>,
    tpu.vector_store %arg9[%swap3A_1008], %add3A_1007 {strides = array<i32>} : memref<3072xi32, #tpu.memory_space<vmem>>, vector<16xi32>,
    %add3A_1010 = arith.addi %min3A_989, %broadcast_in_dim3A_81 : vector<16xi32>
    %swap3A_1011 = arith.constant 2864 : index
    %swap3A_1012 = tpu.vector_load %arg9[%swap3A_1011] {strides = array<i32>} : memref<3072xi32, #tpu.memory_space<vmem>>, vector<16xi32>,
    tpu.vector_store %arg9[%swap3A_1011], %add3A_1010 {strides = array<i32>} : memref<3072xi32, #tpu.memory_space<vmem>>, vector<16xi32>,
    %add3A_1013 = arith.addi %min3A_989, %broadcast_in_dim3A_83 : vector<16xi32>
    %swap3A_1014 = arith.constant 2992 : index
    %swap3A_1015 = tpu.vector_load %arg9[%swap3A_1014] {strides = array<i32>} : memref<3072xi32, #tpu.memory_space<vmem>>, vector<16xi32>,
    tpu.vector_store %arg9[%swap3A_1014], %add3A_1013 {strides = array<i32>} : memref<3072xi32, #tpu.memory_space<vmem>>, vector<16xi32>,
    %get3A_1016 = arith.constant 448 : index
    %get3A_1017 = tpu.vector_load %arg5[%get3A_1016] {strides = array<i32>} : memref<512xi32, #tpu.memory_space<vmem>>, vector<16xi32>,
    %convert_element_type3A_1018 = arith.sitofp %get3A_1017 : vector<16xi32> to vector<16xf32>
    %mul3A_1019 = arith.mulf %convert_element_type3A_1018, %broadcast_in_dim3A_67 : vector<16xf32>
    %convert_element_type3A_1020 = arith.fptosi %mul3A_1019 : vector<16xf32> to vector<16xi32>
    %min3A_1021 = arith.minsi %convert_element_type3A_1020, %broadcast_in_dim3A_69 : vector<16xi32>
    %convert_element_type3A_1022 = arith.sitofp %min3A_1021 : vector<16xi32> to vector<16xf32>
    %add3A_1023 = arith.addf %convert_element_type3A_1022, %broadcast_in_dim3A_71 : vector<16xf32>
    %sub3A_1024 = arith.subf %add3A_1023, %mul3A_1019 : vector<16xf32>
    %swap3A_1025 = arith.constant 448 : index
    %swap3A_1026 = tpu.vector_load %arg7[%swap3A_1025] {strides = array<i32>} : memref<512xf32, #tpu.memory_space<vmem>>, vector<16xf32>,
    tpu.vector_store %arg7[%swap3A_1025], %sub3A_1024 {strides = array<i32>} : memref<512xf32, #tpu.memory_space<vmem>>, vector<16xf32>,
    %sub3A_1027 = arith.subf %mul3A_1019, %convert_element_type3A_1022 : vector<16xf32>
    %swap3A_1028 = arith.constant 448 : index
    %swap3A_1029 = tpu.vector_load %arg8[%swap3A_1028] {strides = array<i32>} : memref<512xf32, #tpu.memory_space<vmem>>, vector<16xf32>,
    tpu.vector_store %arg8[%swap3A_1028], %sub3A_1027 {strides = array<i32>} : memref<512xf32, #tpu.memory_space<vmem>>, vector<16xf32>,
    %add3A_1030 = arith.addi %min3A_1021, %broadcast_in_dim3A_73 : vector<16xi32>
    %swap3A_1031 = arith.constant 2368 : index
    %swap3A_1032 = tpu.vector_load %arg9[%swap3A_1031] {strides = array<i32>} : memref<3072xi32, #tpu.memory_space<vmem>>, vector<16xi32>,
    tpu.vector_store %arg9[%swap3A_1031], %add3A_1030 {strides = array<i32>} : memref<3072xi32, #tpu.memory_space<vmem>>, vector<16xi32>,
    %add3A_1033 = arith.addi %min3A_1021, %broadcast_in_dim3A_75 : vector<16xi32>
    %swap3A_1034 = arith.constant 2496 : index
    %swap3A_1035 = tpu.vector_load %arg9[%swap3A_1034] {strides = array<i32>} : memref<3072xi32, #tpu.memory_space<vmem>>, vector<16xi32>,
    tpu.vector_store %arg9[%swap3A_1034], %add3A_1033 {strides = array<i32>} : memref<3072xi32, #tpu.memory_space<vmem>>, vector<16xi32>,
    %add3A_1036 = arith.addi %min3A_1021, %broadcast_in_dim3A_77 : vector<16xi32>
    %swap3A_1037 = arith.constant 2624 : index
    %swap3A_1038 = tpu.vector_load %arg9[%swap3A_1037] {strides = array<i32>} : memref<3072xi32, #tpu.memory_space<vmem>>, vector<16xi32>,
    tpu.vector_store %arg9[%swap3A_1037], %add3A_1036 {strides = array<i32>} : memref<3072xi32, #tpu.memory_space<vmem>>, vector<16xi32>,
    %add3A_1039 = arith.addi %min3A_1021, %broadcast_in_dim3A_79 : vector<16xi32>
    %swap3A_1040 = arith.constant 2752 : index
    %swap3A_1041 = tpu.vector_load %arg9[%swap3A_1040] {strides = array<i32>} : memref<3072xi32, #tpu.memory_space<vmem>>, vector<16xi32>,
    tpu.vector_store %arg9[%swap3A_1040], %add3A_1039 {strides = array<i32>} : memref<3072xi32, #tpu.memory_space<vmem>>, vector<16xi32>,
    %add3A_1042 = arith.addi %min3A_1021, %broadcast_in_dim3A_81 : vector<16xi32>
    %swap3A_1043 = arith.constant 2880 : index
    %swap3A_1044 = tpu.vector_load %arg9[%swap3A_1043] {strides = array<i32>} : memref<3072xi32, #tpu.memory_space<vmem>>, vector<16xi32>,
    tpu.vector_store %arg9[%swap3A_1043], %add3A_1042 {strides = array<i32>} : memref<3072xi32, #tpu.memory_space<vmem>>, vector<16xi32>,
    %add3A_1045 = arith.addi %min3A_1021, %broadcast_in_dim3A_83 : vector<16xi32>
    %swap3A_1046 = arith.constant 3008 : index
    %swap3A_1047 = tpu.vector_load %arg9[%swap3A_1046] {strides = array<i32>} : memref<3072xi32, #tpu.memory_space<vmem>>, vector<16xi32>,
    tpu.vector_store %arg9[%swap3A_1046], %add3A_1045 {strides = array<i32>} : memref<3072xi32, #tpu.memory_space<vmem>>, vector<16xi32>,
    %get3A_1048 = arith.constant 464 : index
    %get3A_1049 = tpu.vector_load %arg5[%get3A_1048] {strides = array<i32>} : memref<512xi32, #tpu.memory_space<vmem>>, vector<16xi32>,
    %convert_element_type3A_1050 = arith.sitofp %get3A_1049 : vector<16xi32> to vector<16xf32>
    %mul3A_1051 = arith.mulf %convert_element_type3A_1050, %broadcast_in_dim3A_67 : vector<16xf32>
    %convert_element_type3A_1052 = arith.fptosi %mul3A_1051 : vector<16xf32> to vector<16xi32>
    %min3A_1053 = arith.minsi %convert_element_type3A_1052, %broadcast_in_dim3A_69 : vector<16xi32>
    %convert_element_type3A_1054 = arith.sitofp %min3A_1053 : vector<16xi32> to vector<16xf32>
    %add3A_1055 = arith.addf %convert_element_type3A_1054, %broadcast_in_dim3A_71 : vector<16xf32>
    %sub3A_1056 = arith.subf %add3A_1055, %mul3A_1051 : vector<16xf32>
    %swap3A_1057 = arith.constant 464 : index
    %swap3A_1058 = tpu.vector_load %arg7[%swap3A_1057] {strides = array<i32>} : memref<512xf32, #tpu.memory_space<vmem>>, vector<16xf32>,
    tpu.vector_store %arg7[%swap3A_1057], %sub3A_1056 {strides = array<i32>} : memref<512xf32, #tpu.memory_space<vmem>>, vector<16xf32>,
    %sub3A_1059 = arith.subf %mul3A_1051, %convert_element_type3A_1054 : vector<16xf32>
    %swap3A_1060 = arith.constant 464 : index
    %swap3A_1061 = tpu.vector_load %arg8[%swap3A_1060] {strides = array<i32>} : memref<512xf32, #tpu.memory_space<vmem>>, vector<16xf32>,
    tpu.vector_store %arg8[%swap3A_1060], %sub3A_1059 {strides = array<i32>} : memref<512xf32, #tpu.memory_space<vmem>>, vector<16xf32>,
    %add3A_1062 = arith.addi %min3A_1053, %broadcast_in_dim3A_73 : vector<16xi32>
    %swap3A_1063 = arith.constant 2384 : index
    %swap3A_1064 = tpu.vector_load %arg9[%swap3A_1063] {strides = array<i32>} : memref<3072xi32, #tpu.memory_space<vmem>>, vector<16xi32>,
    tpu.vector_store %arg9[%swap3A_1063], %add3A_1062 {strides = array<i32>} : memref<3072xi32, #tpu.memory_space<vmem>>, vector<16xi32>,
    %add3A_1065 = arith.addi %min3A_1053, %broadcast_in_dim3A_75 : vector<16xi32>
    %swap3A_1066 = arith.constant 2512 : index
    %swap3A_1067 = tpu.vector_load %arg9[%swap3A_1066] {strides = array<i32>} : memref<3072xi32, #tpu.memory_space<vmem>>, vector<16xi32>,
    tpu.vector_store %arg9[%swap3A_1066], %add3A_1065 {strides = array<i32>} : memref<3072xi32, #tpu.memory_space<vmem>>, vector<16xi32>,
    %add3A_1068 = arith.addi %min3A_1053, %broadcast_in_dim3A_77 : vector<16xi32>
    %swap3A_1069 = arith.constant 2640 : index
    %swap3A_1070 = tpu.vector_load %arg9[%swap3A_1069] {strides = array<i32>} : memref<3072xi32, #tpu.memory_space<vmem>>, vector<16xi32>,
    tpu.vector_store %arg9[%swap3A_1069], %add3A_1068 {strides = array<i32>} : memref<3072xi32, #tpu.memory_space<vmem>>, vector<16xi32>,
    %add3A_1071 = arith.addi %min3A_1053, %broadcast_in_dim3A_79 : vector<16xi32>
    %swap3A_1072 = arith.constant 2768 : index
    %swap3A_1073 = tpu.vector_load %arg9[%swap3A_1072] {strides = array<i32>} : memref<3072xi32, #tpu.memory_space<vmem>>, vector<16xi32>,
    tpu.vector_store %arg9[%swap3A_1072], %add3A_1071 {strides = array<i32>} : memref<3072xi32, #tpu.memory_space<vmem>>, vector<16xi32>,
    %add3A_1074 = arith.addi %min3A_1053, %broadcast_in_dim3A_81 : vector<16xi32>
    %swap3A_1075 = arith.constant 2896 : index
    %swap3A_1076 = tpu.vector_load %arg9[%swap3A_1075] {strides = array<i32>} : memref<3072xi32, #tpu.memory_space<vmem>>, vector<16xi32>,
    tpu.vector_store %arg9[%swap3A_1075], %add3A_1074 {strides = array<i32>} : memref<3072xi32, #tpu.memory_space<vmem>>, vector<16xi32>,
    %add3A_1077 = arith.addi %min3A_1053, %broadcast_in_dim3A_83 : vector<16xi32>
    %swap3A_1078 = arith.constant 3024 : index
    %swap3A_1079 = tpu.vector_load %arg9[%swap3A_1078] {strides = array<i32>} : memref<3072xi32, #tpu.memory_space<vmem>>, vector<16xi32>,
    tpu.vector_store %arg9[%swap3A_1078], %add3A_1077 {strides = array<i32>} : memref<3072xi32, #tpu.memory_space<vmem>>, vector<16xi32>,
    %get3A_1080 = arith.constant 480 : index
    %get3A_1081 = tpu.vector_load %arg5[%get3A_1080] {strides = array<i32>} : memref<512xi32, #tpu.memory_space<vmem>>, vector<16xi32>,
    %convert_element_type3A_1082 = arith.sitofp %get3A_1081 : vector<16xi32> to vector<16xf32>
    %mul3A_1083 = arith.mulf %convert_element_type3A_1082, %broadcast_in_dim3A_67 : vector<16xf32>
    %convert_element_type3A_1084 = arith.fptosi %mul3A_1083 : vector<16xf32> to vector<16xi32>
    %min3A_1085 = arith.minsi %convert_element_type3A_1084, %broadcast_in_dim3A_69 : vector<16xi32>
    %convert_element_type3A_1086 = arith.sitofp %min3A_1085 : vector<16xi32> to vector<16xf32>
    %add3A_1087 = arith.addf %convert_element_type3A_1086, %broadcast_in_dim3A_71 : vector<16xf32>
    %sub3A_1088 = arith.subf %add3A_1087, %mul3A_1083 : vector<16xf32>
    %swap3A_1089 = arith.constant 480 : index
    %swap3A_1090 = tpu.vector_load %arg7[%swap3A_1089] {strides = array<i32>} : memref<512xf32, #tpu.memory_space<vmem>>, vector<16xf32>,
    tpu.vector_store %arg7[%swap3A_1089], %sub3A_1088 {strides = array<i32>} : memref<512xf32, #tpu.memory_space<vmem>>, vector<16xf32>,
    %sub3A_1091 = arith.subf %mul3A_1083, %convert_element_type3A_1086 : vector<16xf32>
    %swap3A_1092 = arith.constant 480 : index
    %swap3A_1093 = tpu.vector_load %arg8[%swap3A_1092] {strides = array<i32>} : memref<512xf32, #tpu.memory_space<vmem>>, vector<16xf32>,
    tpu.vector_store %arg8[%swap3A_1092], %sub3A_1091 {strides = array<i32>} : memref<512xf32, #tpu.memory_space<vmem>>, vector<16xf32>,
    %add3A_1094 = arith.addi %min3A_1085, %broadcast_in_dim3A_73 : vector<16xi32>
    %swap3A_1095 = arith.constant 2400 : index
    %swap3A_1096 = tpu.vector_load %arg9[%swap3A_1095] {strides = array<i32>} : memref<3072xi32, #tpu.memory_space<vmem>>, vector<16xi32>,
    tpu.vector_store %arg9[%swap3A_1095], %add3A_1094 {strides = array<i32>} : memref<3072xi32, #tpu.memory_space<vmem>>, vector<16xi32>,
    %add3A_1097 = arith.addi %min3A_1085, %broadcast_in_dim3A_75 : vector<16xi32>
    %swap3A_1098 = arith.constant 2528 : index
    %swap3A_1099 = tpu.vector_load %arg9[%swap3A_1098] {strides = array<i32>} : memref<3072xi32, #tpu.memory_space<vmem>>, vector<16xi32>,
    tpu.vector_store %arg9[%swap3A_1098], %add3A_1097 {strides = array<i32>} : memref<3072xi32, #tpu.memory_space<vmem>>, vector<16xi32>,
    %add3A_1100 = arith.addi %min3A_1085, %broadcast_in_dim3A_77 : vector<16xi32>
    %swap3A_1101 = arith.constant 2656 : index
    %swap3A_1102 = tpu.vector_load %arg9[%swap3A_1101] {strides = array<i32>} : memref<3072xi32, #tpu.memory_space<vmem>>, vector<16xi32>,
    tpu.vector_store %arg9[%swap3A_1101], %add3A_1100 {strides = array<i32>} : memref<3072xi32, #tpu.memory_space<vmem>>, vector<16xi32>,
    %add3A_1103 = arith.addi %min3A_1085, %broadcast_in_dim3A_79 : vector<16xi32>
    %swap3A_1104 = arith.constant 2784 : index
    %swap3A_1105 = tpu.vector_load %arg9[%swap3A_1104] {strides = array<i32>} : memref<3072xi32, #tpu.memory_space<vmem>>, vector<16xi32>,
    tpu.vector_store %arg9[%swap3A_1104], %add3A_1103 {strides = array<i32>} : memref<3072xi32, #tpu.memory_space<vmem>>, vector<16xi32>,
    %add3A_1106 = arith.addi %min3A_1085, %broadcast_in_dim3A_81 : vector<16xi32>
    %swap3A_1107 = arith.constant 2912 : index
    %swap3A_1108 = tpu.vector_load %arg9[%swap3A_1107] {strides = array<i32>} : memref<3072xi32, #tpu.memory_space<vmem>>, vector<16xi32>,
    tpu.vector_store %arg9[%swap3A_1107], %add3A_1106 {strides = array<i32>} : memref<3072xi32, #tpu.memory_space<vmem>>, vector<16xi32>,
    %add3A_1109 = arith.addi %min3A_1085, %broadcast_in_dim3A_83 : vector<16xi32>
    %swap3A_1110 = arith.constant 3040 : index
    %swap3A_1111 = tpu.vector_load %arg9[%swap3A_1110] {strides = array<i32>} : memref<3072xi32, #tpu.memory_space<vmem>>, vector<16xi32>,
    tpu.vector_store %arg9[%swap3A_1110], %add3A_1109 {strides = array<i32>} : memref<3072xi32, #tpu.memory_space<vmem>>, vector<16xi32>,
    %get3A_1112 = arith.constant 496 : index
    %get3A_1113 = tpu.vector_load %arg5[%get3A_1112] {strides = array<i32>} : memref<512xi32, #tpu.memory_space<vmem>>, vector<16xi32>,
    %convert_element_type3A_1114 = arith.sitofp %get3A_1113 : vector<16xi32> to vector<16xf32>
    %mul3A_1115 = arith.mulf %convert_element_type3A_1114, %broadcast_in_dim3A_67 : vector<16xf32>
    %convert_element_type3A_1116 = arith.fptosi %mul3A_1115 : vector<16xf32> to vector<16xi32>
    %min3A_1117 = arith.minsi %convert_element_type3A_1116, %broadcast_in_dim3A_69 : vector<16xi32>
    %convert_element_type3A_1118 = arith.sitofp %min3A_1117 : vector<16xi32> to vector<16xf32>
    %add3A_1119 = arith.addf %convert_element_type3A_1118, %broadcast_in_dim3A_71 : vector<16xf32>
    %sub3A_1120 = arith.subf %add3A_1119, %mul3A_1115 : vector<16xf32>
    %swap3A_1121 = arith.constant 496 : index
    %swap3A_1122 = tpu.vector_load %arg7[%swap3A_1121] {strides = array<i32>} : memref<512xf32, #tpu.memory_space<vmem>>, vector<16xf32>,
    tpu.vector_store %arg7[%swap3A_1121], %sub3A_1120 {strides = array<i32>} : memref<512xf32, #tpu.memory_space<vmem>>, vector<16xf32>,
    %sub3A_1123 = arith.subf %mul3A_1115, %convert_element_type3A_1118 : vector<16xf32>
    %swap3A_1124 = arith.constant 496 : index
    %swap3A_1125 = tpu.vector_load %arg8[%swap3A_1124] {strides = array<i32>} : memref<512xf32, #tpu.memory_space<vmem>>, vector<16xf32>,
    tpu.vector_store %arg8[%swap3A_1124], %sub3A_1123 {strides = array<i32>} : memref<512xf32, #tpu.memory_space<vmem>>, vector<16xf32>,
    %add3A_1126 = arith.addi %min3A_1117, %broadcast_in_dim3A_73 : vector<16xi32>
    %swap3A_1127 = arith.constant 2416 : index
    %swap3A_1128 = tpu.vector_load %arg9[%swap3A_1127] {strides = array<i32>} : memref<3072xi32, #tpu.memory_space<vmem>>, vector<16xi32>,
    tpu.vector_store %arg9[%swap3A_1127], %add3A_1126 {strides = array<i32>} : memref<3072xi32, #tpu.memory_space<vmem>>, vector<16xi32>,
    %add3A_1129 = arith.addi %min3A_1117, %broadcast_in_dim3A_75 : vector<16xi32>
    %swap3A_1130 = arith.constant 2544 : index
    %swap3A_1131 = tpu.vector_load %arg9[%swap3A_1130] {strides = array<i32>} : memref<3072xi32, #tpu.memory_space<vmem>>, vector<16xi32>,
    tpu.vector_store %arg9[%swap3A_1130], %add3A_1129 {strides = array<i32>} : memref<3072xi32, #tpu.memory_space<vmem>>, vector<16xi32>,
    %add3A_1132 = arith.addi %min3A_1117, %broadcast_in_dim3A_77 : vector<16xi32>
    %swap3A_1133 = arith.constant 2672 : index
    %swap3A_1134 = tpu.vector_load %arg9[%swap3A_1133] {strides = array<i32>} : memref<3072xi32, #tpu.memory_space<vmem>>, vector<16xi32>,
    tpu.vector_store %arg9[%swap3A_1133], %add3A_1132 {strides = array<i32>} : memref<3072xi32, #tpu.memory_space<vmem>>, vector<16xi32>,
    %add3A_1135 = arith.addi %min3A_1117, %broadcast_in_dim3A_79 : vector<16xi32>
    %swap3A_1136 = arith.constant 2800 : index
    %swap3A_1137 = tpu.vector_load %arg9[%swap3A_1136] {strides = array<i32>} : memref<3072xi32, #tpu.memory_space<vmem>>, vector<16xi32>,
    tpu.vector_store %arg9[%swap3A_1136], %add3A_1135 {strides = array<i32>} : memref<3072xi32, #tpu.memory_space<vmem>>, vector<16xi32>,
    %add3A_1138 = arith.addi %min3A_1117, %broadcast_in_dim3A_81 : vector<16xi32>
    %swap3A_1139 = arith.constant 2928 : index
    %swap3A_1140 = tpu.vector_load %arg9[%swap3A_1139] {strides = array<i32>} : memref<3072xi32, #tpu.memory_space<vmem>>, vector<16xi32>,
    tpu.vector_store %arg9[%swap3A_1139], %add3A_1138 {strides = array<i32>} : memref<3072xi32, #tpu.memory_space<vmem>>, vector<16xi32>,
    %add3A_1141 = arith.addi %min3A_1117, %broadcast_in_dim3A_83 : vector<16xi32>
    %swap3A_1142 = arith.constant 3056 : index
    %swap3A_1143 = tpu.vector_load %arg9[%swap3A_1142] {strides = array<i32>} : memref<3072xi32, #tpu.memory_space<vmem>>, vector<16xi32>,
    tpu.vector_store %arg9[%swap3A_1142], %add3A_1141 {strides = array<i32>} : memref<3072xi32, #tpu.memory_space<vmem>>, vector<16xi32>,
    %dma_start3A_1144 = arith.constant 2304 : i32
    %dma_start3A_1145 = tpu.memref_slice %arg10[%dma_start3A_1144] : memref<3072xf32, #tpu.memory_space<vmem>> -> memref<768xf32, #tpu.memory_space<vmem>>
    %dma_start3A_1146 = arith.constant 2304 : i32
    %dma_start3A_1147 = tpu.memref_slice %arg9[%dma_start3A_1146] : memref<3072xi32, #tpu.memory_space<vmem>> -> memref<768xi32, #tpu.memory_space<vmem>>
    %dma_start3A_1148 = arith.constant 0 : i32
    %dma_start3A_1149 = tpu.memref_slice %arg2[%dma_start3A_1148] : memref<349152xf32, #tpu.memory_space<hbm>> -> memref<349152xf32, #tpu.memory_space<hbm>>
    tpu.enqueue_indirect_dma source(%dma_start3A_1149 : memref<349152xf32, #tpu.memory_space<hbm>>) target(%dma_start3A_1145 : memref<768xf32, #tpu.memory_space<vmem>>) offsets(%dma_start3A_1147 : memref<768xi32, #tpu.memory_space<vmem>>) semaphore(%arg18 : memref<!tpu.dma_semaphore, #tpu.memory_space<semaphore_mem>>)
    %dma_wait3A_1150 = arith.constant 0 : i32
    %dma_wait3A_1151 = arith.constant 0 : i32
    %dma_wait3A_1152 = tpu.memref_slice %arg6[%dma_wait3A_1150, %dma_wait3A_1151] : memref<3x512xf32, #tpu.memory_space<vmem>> -> memref<1x512xf32, #tpu.memory_space<vmem>>
    %dma_wait3A_1153 = tpu.memref_squeeze %dma_wait3A_1152 : memref<1x512xf32, #tpu.memory_space<vmem>> -> memref<512xf32, #tpu.memory_space<vmem>>
    %dma_wait3A_1154 = tpu.memref_slice %arg2[%add3A_35] : memref<349152xf32, #tpu.memory_space<hbm>> -> memref<512xf32, #tpu.memory_space<hbm>>
    %dma_wait3A_1155 = arith.constant 0 : i32
    %dma_wait3A_1156 = tpu.memref_slice %arg6[%dma_wait3A_1150, %dma_wait3A_1155] : memref<3x512xf32, #tpu.memory_space<vmem>> -> memref<1x512xf32, #tpu.memory_space<vmem>>
    %dma_wait3A_1157 = tpu.memref_squeeze %dma_wait3A_1156 : memref<1x512xf32, #tpu.memory_space<vmem>> -> memref<512xf32, #tpu.memory_space<vmem>>
    %dma_wait3A_1158 = tpu.memref_slice %arg2[%add3A_35] : memref<349152xf32, #tpu.memory_space<hbm>> -> memref<512xf32, #tpu.memory_space<hbm>>
    tpu.wait_dma2 semaphore(%arg13 : memref<!tpu.dma_semaphore, #tpu.memory_space<semaphore_mem>>) src(%dma_wait3A_1158 : memref<512xf32, #tpu.memory_space<hbm>>) dst(%dma_wait3A_1157 : memref<512xf32, #tpu.memory_space<vmem>>)
    %dma_wait3A_1159 = arith.constant 1 : i32
    %dma_wait3A_1160 = arith.constant 0 : i32
    %dma_wait3A_1161 = tpu.memref_slice %arg6[%dma_wait3A_1159, %dma_wait3A_1160] : memref<3x512xf32, #tpu.memory_space<vmem>> -> memref<1x512xf32, #tpu.memory_space<vmem>>
    %dma_wait3A_1162 = tpu.memref_squeeze %dma_wait3A_1161 : memref<1x512xf32, #tpu.memory_space<vmem>> -> memref<512xf32, #tpu.memory_space<vmem>>
    %dma_wait3A_1163 = tpu.memref_slice %arg2[%add3A_46] : memref<349152xf32, #tpu.memory_space<hbm>> -> memref<512xf32, #tpu.memory_space<hbm>>
    %dma_wait3A_1164 = arith.constant 0 : i32
    %dma_wait3A_1165 = tpu.memref_slice %arg6[%dma_wait3A_1159, %dma_wait3A_1164] : memref<3x512xf32, #tpu.memory_space<vmem>> -> memref<1x512xf32, #tpu.memory_space<vmem>>
    %dma_wait3A_1166 = tpu.memref_squeeze %dma_wait3A_1165 : memref<1x512xf32, #tpu.memory_space<vmem>> -> memref<512xf32, #tpu.memory_space<vmem>>
    %dma_wait3A_1167 = tpu.memref_slice %arg2[%add3A_46] : memref<349152xf32, #tpu.memory_space<hbm>> -> memref<512xf32, #tpu.memory_space<hbm>>
    tpu.wait_dma2 semaphore(%arg13 : memref<!tpu.dma_semaphore, #tpu.memory_space<semaphore_mem>>) src(%dma_wait3A_1167 : memref<512xf32, #tpu.memory_space<hbm>>) dst(%dma_wait3A_1166 : memref<512xf32, #tpu.memory_space<vmem>>)
    %dma_wait3A_1168 = arith.constant 2 : i32
    %dma_wait3A_1169 = arith.constant 0 : i32
    %dma_wait3A_1170 = tpu.memref_slice %arg6[%dma_wait3A_1168, %dma_wait3A_1169] : memref<3x512xf32, #tpu.memory_space<vmem>> -> memref<1x512xf32, #tpu.memory_space<vmem>>
    %dma_wait3A_1171 = tpu.memref_squeeze %dma_wait3A_1170 : memref<1x512xf32, #tpu.memory_space<vmem>> -> memref<512xf32, #tpu.memory_space<vmem>>
    %dma_wait3A_1172 = tpu.memref_slice %arg2[%add3A_57] : memref<349152xf32, #tpu.memory_space<hbm>> -> memref<512xf32, #tpu.memory_space<hbm>>
    %dma_wait3A_1173 = arith.constant 0 : i32
    %dma_wait3A_1174 = tpu.memref_slice %arg6[%dma_wait3A_1168, %dma_wait3A_1173] : memref<3x512xf32, #tpu.memory_space<vmem>> -> memref<1x512xf32, #tpu.memory_space<vmem>>
    %dma_wait3A_1175 = tpu.memref_squeeze %dma_wait3A_1174 : memref<1x512xf32, #tpu.memory_space<vmem>> -> memref<512xf32, #tpu.memory_space<vmem>>
    %dma_wait3A_1176 = tpu.memref_slice %arg2[%add3A_57] : memref<349152xf32, #tpu.memory_space<hbm>> -> memref<512xf32, #tpu.memory_space<hbm>>
    tpu.wait_dma2 semaphore(%arg13 : memref<!tpu.dma_semaphore, #tpu.memory_space<semaphore_mem>>) src(%dma_wait3A_1176 : memref<512xf32, #tpu.memory_space<hbm>>) dst(%dma_wait3A_1175 : memref<512xf32, #tpu.memory_space<vmem>>)
    %dma_wait3A_1177 = arith.constant 0 : i32
    %dma_wait3A_1178 = tpu.memref_slice %arg10[%dma_wait3A_1177] : memref<3072xf32, #tpu.memory_space<vmem>> -> memref<768xf32, #tpu.memory_space<vmem>>
    %dma_wait3A_1179 = arith.constant 0 : i32
    %dma_wait3A_1180 = tpu.memref_slice %arg9[%dma_wait3A_1179] : memref<3072xi32, #tpu.memory_space<vmem>> -> memref<768xi32, #tpu.memory_space<vmem>>
    %dma_wait3A_1181 = arith.constant 0 : i32
    %dma_wait3A_1182 = tpu.memref_slice %arg2[%dma_wait3A_1181] : memref<349152xf32, #tpu.memory_space<hbm>> -> memref<349152xf32, #tpu.memory_space<hbm>>
    tpu.wait_indirect_dma semaphore(%arg15 : memref<!tpu.dma_semaphore, #tpu.memory_space<semaphore_mem>>) src(%dma_wait3A_1182 : memref<349152xf32, #tpu.memory_space<hbm>>) dst(%dma_wait3A_1178 : memref<768xf32, #tpu.memory_space<vmem>>)
    %get3A_1183 = arith.constant 0 : index
    %get3A_1184 = tpu.vector_load %arg7[%get3A_1183] {strides = array<i32>} : memref<512xf32, #tpu.memory_space<vmem>>, vector<16xf32>,
    %get3A_1185 = arith.constant 0 : index
    %get3A_1186 = tpu.vector_load %arg8[%get3A_1185] {strides = array<i32>} : memref<512xf32, #tpu.memory_space<vmem>>, vector<16xf32>,
    %get3A_1187 = arith.constant 0 : index
    %get3A_1188 = tpu.vector_load %arg10[%get3A_1187] {strides = array<i32>} : memref<3072xf32, #tpu.memory_space<vmem>>, vector<16xf32>,
    %get3A_1189 = arith.constant 128 : index
    %get3A_1190 = tpu.vector_load %arg10[%get3A_1189] {strides = array<i32>} : memref<3072xf32, #tpu.memory_space<vmem>>, vector<16xf32>,
    %get3A_1191 = arith.constant 0 : i32
    %get3A_1192 = arith.index_cast %get3A_1191 : i32 to index
    %get3A_1193 = arith.constant 0 : index
    %get3A_1194 = tpu.vector_load %arg6[%get3A_1192, %get3A_1193] {strides = array<i32>} : memref<3x512xf32, #tpu.memory_space<vmem>>, vector<16xf32>,
    %mul3A_1195 = arith.mulf %get3A_1184, %get3A_1188 : vector<16xf32>
    %add3A_1196 = arith.addf %get3A_1194, %mul3A_1195 : vector<16xf32>
    %mul3A_1197 = arith.mulf %get3A_1186, %get3A_1190 : vector<16xf32>
    %add3A_1198 = arith.addf %add3A_1196, %mul3A_1197 : vector<16xf32>
    %swap3A_1199 = arith.constant 0 : i32
    %swap3A_1200 = arith.index_cast %swap3A_1199 : i32 to index
    %swap3A_1201 = arith.constant 0 : index
    %swap3A_1202 = tpu.vector_load %arg11[%swap3A_1200, %swap3A_1201] {strides = array<i32>} : memref<3x512xf32, #tpu.memory_space<vmem>>, vector<16xf32>,
    tpu.vector_store %arg11[%swap3A_1200, %swap3A_1201], %add3A_1198 {strides = array<i32>} : memref<3x512xf32, #tpu.memory_space<vmem>>, vector<16xf32>,
    %get3A_1203 = arith.constant 256 : index
    %get3A_1204 = tpu.vector_load %arg10[%get3A_1203] {strides = array<i32>} : memref<3072xf32, #tpu.memory_space<vmem>>, vector<16xf32>,
    %get3A_1205 = arith.constant 384 : index
    %get3A_1206 = tpu.vector_load %arg10[%get3A_1205] {strides = array<i32>} : memref<3072xf32, #tpu.memory_space<vmem>>, vector<16xf32>,
    %get3A_1207 = arith.constant 1 : i32
    %get3A_1208 = arith.index_cast %get3A_1207 : i32 to index
    %get3A_1209 = arith.constant 0 : index
    %get3A_1210 = tpu.vector_load %arg6[%get3A_1208, %get3A_1209] {strides = array<i32>} : memref<3x512xf32, #tpu.memory_space<vmem>>, vector<16xf32>,
    %mul3A_1211 = arith.mulf %get3A_1184, %get3A_1204 : vector<16xf32>
    %add3A_1212 = arith.addf %get3A_1210, %mul3A_1211 : vector<16xf32>
    %mul3A_1213 = arith.mulf %get3A_1186, %get3A_1206 : vector<16xf32>
    %add3A_1214 = arith.addf %add3A_1212, %mul3A_1213 : vector<16xf32>
    %swap3A_1215 = arith.constant 1 : i32
    %swap3A_1216 = arith.index_cast %swap3A_1215 : i32 to index
    %swap3A_1217 = arith.constant 0 : index
    %swap3A_1218 = tpu.vector_load %arg11[%swap3A_1216, %swap3A_1217] {strides = array<i32>} : memref<3x512xf32, #tpu.memory_space<vmem>>, vector<16xf32>,
    tpu.vector_store %arg11[%swap3A_1216, %swap3A_1217], %add3A_1214 {strides = array<i32>} : memref<3x512xf32, #tpu.memory_space<vmem>>, vector<16xf32>,
    %get3A_1219 = arith.constant 512 : index
    %get3A_1220 = tpu.vector_load %arg10[%get3A_1219] {strides = array<i32>} : memref<3072xf32, #tpu.memory_space<vmem>>, vector<16xf32>,
    %get3A_1221 = arith.constant 640 : index
    %get3A_1222 = tpu.vector_load %arg10[%get3A_1221] {strides = array<i32>} : memref<3072xf32, #tpu.memory_space<vmem>>, vector<16xf32>,
    %get3A_1223 = arith.constant 2 : i32
    %get3A_1224 = arith.index_cast %get3A_1223 : i32 to index
    %get3A_1225 = arith.constant 0 : index
    %get3A_1226 = tpu.vector_load %arg6[%get3A_1224, %get3A_1225] {strides = array<i32>} : memref<3x512xf32, #tpu.memory_space<vmem>>, vector<16xf32>,
    %mul3A_1227 = arith.mulf %get3A_1184, %get3A_1220 : vector<16xf32>
    %add3A_1228 = arith.addf %get3A_1226, %mul3A_1227 : vector<16xf32>
    %mul3A_1229 = arith.mulf %get3A_1186, %get3A_1222 : vector<16xf32>
    %add3A_1230 = arith.addf %add3A_1228, %mul3A_1229 : vector<16xf32>
    %swap3A_1231 = arith.constant 2 : i32
    %swap3A_1232 = arith.index_cast %swap3A_1231 : i32 to index
    %swap3A_1233 = arith.constant 0 : index
    %swap3A_1234 = tpu.vector_load %arg11[%swap3A_1232, %swap3A_1233] {strides = array<i32>} : memref<3x512xf32, #tpu.memory_space<vmem>>, vector<16xf32>,
    tpu.vector_store %arg11[%swap3A_1232, %swap3A_1233], %add3A_1230 {strides = array<i32>} : memref<3x512xf32, #tpu.memory_space<vmem>>, vector<16xf32>,
    %get3A_1235 = arith.constant 16 : index
    %get3A_1236 = tpu.vector_load %arg7[%get3A_1235] {strides = array<i32>} : memref<512xf32, #tpu.memory_space<vmem>>, vector<16xf32>,
    %get3A_1237 = arith.constant 16 : index
    %get3A_1238 = tpu.vector_load %arg8[%get3A_1237] {strides = array<i32>} : memref<512xf32, #tpu.memory_space<vmem>>, vector<16xf32>,
    %get3A_1239 = arith.constant 16 : index
    %get3A_1240 = tpu.vector_load %arg10[%get3A_1239] {strides = array<i32>} : memref<3072xf32, #tpu.memory_space<vmem>>, vector<16xf32>,
    %get3A_1241 = arith.constant 144 : index
    %get3A_1242 = tpu.vector_load %arg10[%get3A_1241] {strides = array<i32>} : memref<3072xf32, #tpu.memory_space<vmem>>, vector<16xf32>,
    %get3A_1243 = arith.constant 0 : i32
    %get3A_1244 = arith.index_cast %get3A_1243 : i32 to index
    %get3A_1245 = arith.constant 16 : index
    %get3A_1246 = tpu.vector_load %arg6[%get3A_1244, %get3A_1245] {strides = array<i32>} : memref<3x512xf32, #tpu.memory_space<vmem>>, vector<16xf32>,
    %mul3A_1247 = arith.mulf %get3A_1236, %get3A_1240 : vector<16xf32>
    %add3A_1248 = arith.addf %get3A_1246, %mul3A_1247 : vector<16xf32>
    %mul3A_1249 = arith.mulf %get3A_1238, %get3A_1242 : vector<16xf32>
    %add3A_1250 = arith.addf %add3A_1248, %mul3A_1249 : vector<16xf32>
    %swap3A_1251 = arith.constant 0 : i32
    %swap3A_1252 = arith.index_cast %swap3A_1251 : i32 to index
    %swap3A_1253 = arith.constant 16 : index
    %swap3A_1254 = tpu.vector_load %arg11[%swap3A_1252, %swap3A_1253] {strides = array<i32>} : memref<3x512xf32, #tpu.memory_space<vmem>>, vector<16xf32>,
    tpu.vector_store %arg11[%swap3A_1252, %swap3A_1253], %add3A_1250 {strides = array<i32>} : memref<3x512xf32, #tpu.memory_space<vmem>>, vector<16xf32>,
    %get3A_1255 = arith.constant 272 : index
    %get3A_1256 = tpu.vector_load %arg10[%get3A_1255] {strides = array<i32>} : memref<3072xf32, #tpu.memory_space<vmem>>, vector<16xf32>,
    %get3A_1257 = arith.constant 400 : index
    %get3A_1258 = tpu.vector_load %arg10[%get3A_1257] {strides = array<i32>} : memref<3072xf32, #tpu.memory_space<vmem>>, vector<16xf32>,
    %get3A_1259 = arith.constant 1 : i32
    %get3A_1260 = arith.index_cast %get3A_1259 : i32 to index
    %get3A_1261 = arith.constant 16 : index
    %get3A_1262 = tpu.vector_load %arg6[%get3A_1260, %get3A_1261] {strides = array<i32>} : memref<3x512xf32, #tpu.memory_space<vmem>>, vector<16xf32>,
    %mul3A_1263 = arith.mulf %get3A_1236, %get3A_1256 : vector<16xf32>
    %add3A_1264 = arith.addf %get3A_1262, %mul3A_1263 : vector<16xf32>
    %mul3A_1265 = arith.mulf %get3A_1238, %get3A_1258 : vector<16xf32>
    %add3A_1266 = arith.addf %add3A_1264, %mul3A_1265 : vector<16xf32>
    %swap3A_1267 = arith.constant 1 : i32
    %swap3A_1268 = arith.index_cast %swap3A_1267 : i32 to index
    %swap3A_1269 = arith.constant 16 : index
    %swap3A_1270 = tpu.vector_load %arg11[%swap3A_1268, %swap3A_1269] {strides = array<i32>} : memref<3x512xf32, #tpu.memory_space<vmem>>, vector<16xf32>,
    tpu.vector_store %arg11[%swap3A_1268, %swap3A_1269], %add3A_1266 {strides = array<i32>} : memref<3x512xf32, #tpu.memory_space<vmem>>, vector<16xf32>,
    %get3A_1271 = arith.constant 528 : index
    %get3A_1272 = tpu.vector_load %arg10[%get3A_1271] {strides = array<i32>} : memref<3072xf32, #tpu.memory_space<vmem>>, vector<16xf32>,
    %get3A_1273 = arith.constant 656 : index
    %get3A_1274 = tpu.vector_load %arg10[%get3A_1273] {strides = array<i32>} : memref<3072xf32, #tpu.memory_space<vmem>>, vector<16xf32>,
    %get3A_1275 = arith.constant 2 : i32
    %get3A_1276 = arith.index_cast %get3A_1275 : i32 to index
    %get3A_1277 = arith.constant 16 : index
    %get3A_1278 = tpu.vector_load %arg6[%get3A_1276, %get3A_1277] {strides = array<i32>} : memref<3x512xf32, #tpu.memory_space<vmem>>, vector<16xf32>,
    %mul3A_1279 = arith.mulf %get3A_1236, %get3A_1272 : vector<16xf32>
    %add3A_1280 = arith.addf %get3A_1278, %mul3A_1279 : vector<16xf32>
    %mul3A_1281 = arith.mulf %get3A_1238, %get3A_1274 : vector<16xf32>
    %add3A_1282 = arith.addf %add3A_1280, %mul3A_1281 : vector<16xf32>
    %swap3A_1283 = arith.constant 2 : i32
    %swap3A_1284 = arith.index_cast %swap3A_1283 : i32 to index
    %swap3A_1285 = arith.constant 16 : index
    %swap3A_1286 = tpu.vector_load %arg11[%swap3A_1284, %swap3A_1285] {strides = array<i32>} : memref<3x512xf32, #tpu.memory_space<vmem>>, vector<16xf32>,
    tpu.vector_store %arg11[%swap3A_1284, %swap3A_1285], %add3A_1282 {strides = array<i32>} : memref<3x512xf32, #tpu.memory_space<vmem>>, vector<16xf32>,
    %get3A_1287 = arith.constant 32 : index
    %get3A_1288 = tpu.vector_load %arg7[%get3A_1287] {strides = array<i32>} : memref<512xf32, #tpu.memory_space<vmem>>, vector<16xf32>,
    %get3A_1289 = arith.constant 32 : index
    %get3A_1290 = tpu.vector_load %arg8[%get3A_1289] {strides = array<i32>} : memref<512xf32, #tpu.memory_space<vmem>>, vector<16xf32>,
    %get3A_1291 = arith.constant 32 : index
    %get3A_1292 = tpu.vector_load %arg10[%get3A_1291] {strides = array<i32>} : memref<3072xf32, #tpu.memory_space<vmem>>, vector<16xf32>,
    %get3A_1293 = arith.constant 160 : index
    %get3A_1294 = tpu.vector_load %arg10[%get3A_1293] {strides = array<i32>} : memref<3072xf32, #tpu.memory_space<vmem>>, vector<16xf32>,
    %get3A_1295 = arith.constant 0 : i32
    %get3A_1296 = arith.index_cast %get3A_1295 : i32 to index
    %get3A_1297 = arith.constant 32 : index
    %get3A_1298 = tpu.vector_load %arg6[%get3A_1296, %get3A_1297] {strides = array<i32>} : memref<3x512xf32, #tpu.memory_space<vmem>>, vector<16xf32>,
    %mul3A_1299 = arith.mulf %get3A_1288, %get3A_1292 : vector<16xf32>
    %add3A_1300 = arith.addf %get3A_1298, %mul3A_1299 : vector<16xf32>
    %mul3A_1301 = arith.mulf %get3A_1290, %get3A_1294 : vector<16xf32>
    %add3A_1302 = arith.addf %add3A_1300, %mul3A_1301 : vector<16xf32>
    %swap3A_1303 = arith.constant 0 : i32
    %swap3A_1304 = arith.index_cast %swap3A_1303 : i32 to index
    %swap3A_1305 = arith.constant 32 : index
    %swap3A_1306 = tpu.vector_load %arg11[%swap3A_1304, %swap3A_1305] {strides = array<i32>} : memref<3x512xf32, #tpu.memory_space<vmem>>, vector<16xf32>,
    tpu.vector_store %arg11[%swap3A_1304, %swap3A_1305], %add3A_1302 {strides = array<i32>} : memref<3x512xf32, #tpu.memory_space<vmem>>, vector<16xf32>,
    %get3A_1307 = arith.constant 288 : index
    %get3A_1308 = tpu.vector_load %arg10[%get3A_1307] {strides = array<i32>} : memref<3072xf32, #tpu.memory_space<vmem>>, vector<16xf32>,
    %get3A_1309 = arith.constant 416 : index
    %get3A_1310 = tpu.vector_load %arg10[%get3A_1309] {strides = array<i32>} : memref<3072xf32, #tpu.memory_space<vmem>>, vector<16xf32>,
    %get3A_1311 = arith.constant 1 : i32
    %get3A_1312 = arith.index_cast %get3A_1311 : i32 to index
    %get3A_1313 = arith.constant 32 : index
    %get3A_1314 = tpu.vector_load %arg6[%get3A_1312, %get3A_1313] {strides = array<i32>} : memref<3x512xf32, #tpu.memory_space<vmem>>, vector<16xf32>,
    %mul3A_1315 = arith.mulf %get3A_1288, %get3A_1308 : vector<16xf32>
    %add3A_1316 = arith.addf %get3A_1314, %mul3A_1315 : vector<16xf32>
    %mul3A_1317 = arith.mulf %get3A_1290, %get3A_1310 : vector<16xf32>
    %add3A_1318 = arith.addf %add3A_1316, %mul3A_1317 : vector<16xf32>
    %swap3A_1319 = arith.constant 1 : i32
    %swap3A_1320 = arith.index_cast %swap3A_1319 : i32 to index
    %swap3A_1321 = arith.constant 32 : index
    %swap3A_1322 = tpu.vector_load %arg11[%swap3A_1320, %swap3A_1321] {strides = array<i32>} : memref<3x512xf32, #tpu.memory_space<vmem>>, vector<16xf32>,
    tpu.vector_store %arg11[%swap3A_1320, %swap3A_1321], %add3A_1318 {strides = array<i32>} : memref<3x512xf32, #tpu.memory_space<vmem>>, vector<16xf32>,
    %get3A_1323 = arith.constant 544 : index
    %get3A_1324 = tpu.vector_load %arg10[%get3A_1323] {strides = array<i32>} : memref<3072xf32, #tpu.memory_space<vmem>>, vector<16xf32>,
    %get3A_1325 = arith.constant 672 : index
    %get3A_1326 = tpu.vector_load %arg10[%get3A_1325] {strides = array<i32>} : memref<3072xf32, #tpu.memory_space<vmem>>, vector<16xf32>,
    %get3A_1327 = arith.constant 2 : i32
    %get3A_1328 = arith.index_cast %get3A_1327 : i32 to index
    %get3A_1329 = arith.constant 32 : index
    %get3A_1330 = tpu.vector_load %arg6[%get3A_1328, %get3A_1329] {strides = array<i32>} : memref<3x512xf32, #tpu.memory_space<vmem>>, vector<16xf32>,
    %mul3A_1331 = arith.mulf %get3A_1288, %get3A_1324 : vector<16xf32>
    %add3A_1332 = arith.addf %get3A_1330, %mul3A_1331 : vector<16xf32>
    %mul3A_1333 = arith.mulf %get3A_1290, %get3A_1326 : vector<16xf32>
    %add3A_1334 = arith.addf %add3A_1332, %mul3A_1333 : vector<16xf32>
    %swap3A_1335 = arith.constant 2 : i32
    %swap3A_1336 = arith.index_cast %swap3A_1335 : i32 to index
    %swap3A_1337 = arith.constant 32 : index
    %swap3A_1338 = tpu.vector_load %arg11[%swap3A_1336, %swap3A_1337] {strides = array<i32>} : memref<3x512xf32, #tpu.memory_space<vmem>>, vector<16xf32>,
    tpu.vector_store %arg11[%swap3A_1336, %swap3A_1337], %add3A_1334 {strides = array<i32>} : memref<3x512xf32, #tpu.memory_space<vmem>>, vector<16xf32>,
    %get3A_1339 = arith.constant 48 : index
    %get3A_1340 = tpu.vector_load %arg7[%get3A_1339] {strides = array<i32>} : memref<512xf32, #tpu.memory_space<vmem>>, vector<16xf32>,
    %get3A_1341 = arith.constant 48 : index
    %get3A_1342 = tpu.vector_load %arg8[%get3A_1341] {strides = array<i32>} : memref<512xf32, #tpu.memory_space<vmem>>, vector<16xf32>,
    %get3A_1343 = arith.constant 48 : index
    %get3A_1344 = tpu.vector_load %arg10[%get3A_1343] {strides = array<i32>} : memref<3072xf32, #tpu.memory_space<vmem>>, vector<16xf32>,
    %get3A_1345 = arith.constant 176 : index
    %get3A_1346 = tpu.vector_load %arg10[%get3A_1345] {strides = array<i32>} : memref<3072xf32, #tpu.memory_space<vmem>>, vector<16xf32>,
    %get3A_1347 = arith.constant 0 : i32
    %get3A_1348 = arith.index_cast %get3A_1347 : i32 to index
    %get3A_1349 = arith.constant 48 : index
    %get3A_1350 = tpu.vector_load %arg6[%get3A_1348, %get3A_1349] {strides = array<i32>} : memref<3x512xf32, #tpu.memory_space<vmem>>, vector<16xf32>,
    %mul3A_1351 = arith.mulf %get3A_1340, %get3A_1344 : vector<16xf32>
    %add3A_1352 = arith.addf %get3A_1350, %mul3A_1351 : vector<16xf32>
    %mul3A_1353 = arith.mulf %get3A_1342, %get3A_1346 : vector<16xf32>
    %add3A_1354 = arith.addf %add3A_1352, %mul3A_1353 : vector<16xf32>
    %swap3A_1355 = arith.constant 0 : i32
    %swap3A_1356 = arith.index_cast %swap3A_1355 : i32 to index
    %swap3A_1357 = arith.constant 48 : index
    %swap3A_1358 = tpu.vector_load %arg11[%swap3A_1356, %swap3A_1357] {strides = array<i32>} : memref<3x512xf32, #tpu.memory_space<vmem>>, vector<16xf32>,
    tpu.vector_store %arg11[%swap3A_1356, %swap3A_1357], %add3A_1354 {strides = array<i32>} : memref<3x512xf32, #tpu.memory_space<vmem>>, vector<16xf32>,
    %get3A_1359 = arith.constant 304 : index
    %get3A_1360 = tpu.vector_load %arg10[%get3A_1359] {strides = array<i32>} : memref<3072xf32, #tpu.memory_space<vmem>>, vector<16xf32>,
    %get3A_1361 = arith.constant 432 : index
    %get3A_1362 = tpu.vector_load %arg10[%get3A_1361] {strides = array<i32>} : memref<3072xf32, #tpu.memory_space<vmem>>, vector<16xf32>,
    %get3A_1363 = arith.constant 1 : i32
    %get3A_1364 = arith.index_cast %get3A_1363 : i32 to index
    %get3A_1365 = arith.constant 48 : index
    %get3A_1366 = tpu.vector_load %arg6[%get3A_1364, %get3A_1365] {strides = array<i32>} : memref<3x512xf32, #tpu.memory_space<vmem>>, vector<16xf32>,
    %mul3A_1367 = arith.mulf %get3A_1340, %get3A_1360 : vector<16xf32>
    %add3A_1368 = arith.addf %get3A_1366, %mul3A_1367 : vector<16xf32>
    %mul3A_1369 = arith.mulf %get3A_1342, %get3A_1362 : vector<16xf32>
    %add3A_1370 = arith.addf %add3A_1368, %mul3A_1369 : vector<16xf32>
    %swap3A_1371 = arith.constant 1 : i32
    %swap3A_1372 = arith.index_cast %swap3A_1371 : i32 to index
    %swap3A_1373 = arith.constant 48 : index
    %swap3A_1374 = tpu.vector_load %arg11[%swap3A_1372, %swap3A_1373] {strides = array<i32>} : memref<3x512xf32, #tpu.memory_space<vmem>>, vector<16xf32>,
    tpu.vector_store %arg11[%swap3A_1372, %swap3A_1373], %add3A_1370 {strides = array<i32>} : memref<3x512xf32, #tpu.memory_space<vmem>>, vector<16xf32>,
    %get3A_1375 = arith.constant 560 : index
    %get3A_1376 = tpu.vector_load %arg10[%get3A_1375] {strides = array<i32>} : memref<3072xf32, #tpu.memory_space<vmem>>, vector<16xf32>,
    %get3A_1377 = arith.constant 688 : index
    %get3A_1378 = tpu.vector_load %arg10[%get3A_1377] {strides = array<i32>} : memref<3072xf32, #tpu.memory_space<vmem>>, vector<16xf32>,
    %get3A_1379 = arith.constant 2 : i32
    %get3A_1380 = arith.index_cast %get3A_1379 : i32 to index
    %get3A_1381 = arith.constant 48 : index
    %get3A_1382 = tpu.vector_load %arg6[%get3A_1380, %get3A_1381] {strides = array<i32>} : memref<3x512xf32, #tpu.memory_space<vmem>>, vector<16xf32>,
    %mul3A_1383 = arith.mulf %get3A_1340, %get3A_1376 : vector<16xf32>
    %add3A_1384 = arith.addf %get3A_1382, %mul3A_1383 : vector<16xf32>
    %mul3A_1385 = arith.mulf %get3A_1342, %get3A_1378 : vector<16xf32>
    %add3A_1386 = arith.addf %add3A_1384, %mul3A_1385 : vector<16xf32>
    %swap3A_1387 = arith.constant 2 : i32
    %swap3A_1388 = arith.index_cast %swap3A_1387 : i32 to index
    %swap3A_1389 = arith.constant 48 : index
    %swap3A_1390 = tpu.vector_load %arg11[%swap3A_1388, %swap3A_1389] {strides = array<i32>} : memref<3x512xf32, #tpu.memory_space<vmem>>, vector<16xf32>,
    tpu.vector_store %arg11[%swap3A_1388, %swap3A_1389], %add3A_1386 {strides = array<i32>} : memref<3x512xf32, #tpu.memory_space<vmem>>, vector<16xf32>,
    %get3A_1391 = arith.constant 64 : index
    %get3A_1392 = tpu.vector_load %arg7[%get3A_1391] {strides = array<i32>} : memref<512xf32, #tpu.memory_space<vmem>>, vector<16xf32>,
    %get3A_1393 = arith.constant 64 : index
    %get3A_1394 = tpu.vector_load %arg8[%get3A_1393] {strides = array<i32>} : memref<512xf32, #tpu.memory_space<vmem>>, vector<16xf32>,
    %get3A_1395 = arith.constant 64 : index
    %get3A_1396 = tpu.vector_load %arg10[%get3A_1395] {strides = array<i32>} : memref<3072xf32, #tpu.memory_space<vmem>>, vector<16xf32>,
    %get3A_1397 = arith.constant 192 : index
    %get3A_1398 = tpu.vector_load %arg10[%get3A_1397] {strides = array<i32>} : memref<3072xf32, #tpu.memory_space<vmem>>, vector<16xf32>,
    %get3A_1399 = arith.constant 0 : i32
    %get3A_1400 = arith.index_cast %get3A_1399 : i32 to index
    %get3A_1401 = arith.constant 64 : index
    %get3A_1402 = tpu.vector_load %arg6[%get3A_1400, %get3A_1401] {strides = array<i32>} : memref<3x512xf32, #tpu.memory_space<vmem>>, vector<16xf32>,
    %mul3A_1403 = arith.mulf %get3A_1392, %get3A_1396 : vector<16xf32>
    %add3A_1404 = arith.addf %get3A_1402, %mul3A_1403 : vector<16xf32>
    %mul3A_1405 = arith.mulf %get3A_1394, %get3A_1398 : vector<16xf32>
    %add3A_1406 = arith.addf %add3A_1404, %mul3A_1405 : vector<16xf32>
    %swap3A_1407 = arith.constant 0 : i32
    %swap3A_1408 = arith.index_cast %swap3A_1407 : i32 to index
    %swap3A_1409 = arith.constant 64 : index
    %swap3A_1410 = tpu.vector_load %arg11[%swap3A_1408, %swap3A_1409] {strides = array<i32>} : memref<3x512xf32, #tpu.memory_space<vmem>>, vector<16xf32>,
    tpu.vector_store %arg11[%swap3A_1408, %swap3A_1409], %add3A_1406 {strides = array<i32>} : memref<3x512xf32, #tpu.memory_space<vmem>>, vector<16xf32>,
    %get3A_1411 = arith.constant 320 : index
    %get3A_1412 = tpu.vector_load %arg10[%get3A_1411] {strides = array<i32>} : memref<3072xf32, #tpu.memory_space<vmem>>, vector<16xf32>,
    %get3A_1413 = arith.constant 448 : index
    %get3A_1414 = tpu.vector_load %arg10[%get3A_1413] {strides = array<i32>} : memref<3072xf32, #tpu.memory_space<vmem>>, vector<16xf32>,
    %get3A_1415 = arith.constant 1 : i32
    %get3A_1416 = arith.index_cast %get3A_1415 : i32 to index
    %get3A_1417 = arith.constant 64 : index
    %get3A_1418 = tpu.vector_load %arg6[%get3A_1416, %get3A_1417] {strides = array<i32>} : memref<3x512xf32, #tpu.memory_space<vmem>>, vector<16xf32>,
    %mul3A_1419 = arith.mulf %get3A_1392, %get3A_1412 : vector<16xf32>
    %add3A_1420 = arith.addf %get3A_1418, %mul3A_1419 : vector<16xf32>
    %mul3A_1421 = arith.mulf %get3A_1394, %get3A_1414 : vector<16xf32>
    %add3A_1422 = arith.addf %add3A_1420, %mul3A_1421 : vector<16xf32>
    %swap3A_1423 = arith.constant 1 : i32
    %swap3A_1424 = arith.index_cast %swap3A_1423 : i32 to index
    %swap3A_1425 = arith.constant 64 : index
    %swap3A_1426 = tpu.vector_load %arg11[%swap3A_1424, %swap3A_1425] {strides = array<i32>} : memref<3x512xf32, #tpu.memory_space<vmem>>, vector<16xf32>,
    tpu.vector_store %arg11[%swap3A_1424, %swap3A_1425], %add3A_1422 {strides = array<i32>} : memref<3x512xf32, #tpu.memory_space<vmem>>, vector<16xf32>,
    %get3A_1427 = arith.constant 576 : index
    %get3A_1428 = tpu.vector_load %arg10[%get3A_1427] {strides = array<i32>} : memref<3072xf32, #tpu.memory_space<vmem>>, vector<16xf32>,
    %get3A_1429 = arith.constant 704 : index
    %get3A_1430 = tpu.vector_load %arg10[%get3A_1429] {strides = array<i32>} : memref<3072xf32, #tpu.memory_space<vmem>>, vector<16xf32>,
    %get3A_1431 = arith.constant 2 : i32
    %get3A_1432 = arith.index_cast %get3A_1431 : i32 to index
    %get3A_1433 = arith.constant 64 : index
    %get3A_1434 = tpu.vector_load %arg6[%get3A_1432, %get3A_1433] {strides = array<i32>} : memref<3x512xf32, #tpu.memory_space<vmem>>, vector<16xf32>,
    %mul3A_1435 = arith.mulf %get3A_1392, %get3A_1428 : vector<16xf32>
    %add3A_1436 = arith.addf %get3A_1434, %mul3A_1435 : vector<16xf32>
    %mul3A_1437 = arith.mulf %get3A_1394, %get3A_1430 : vector<16xf32>
    %add3A_1438 = arith.addf %add3A_1436, %mul3A_1437 : vector<16xf32>
    %swap3A_1439 = arith.constant 2 : i32
    %swap3A_1440 = arith.index_cast %swap3A_1439 : i32 to index
    %swap3A_1441 = arith.constant 64 : index
    %swap3A_1442 = tpu.vector_load %arg11[%swap3A_1440, %swap3A_1441] {strides = array<i32>} : memref<3x512xf32, #tpu.memory_space<vmem>>, vector<16xf32>,
    tpu.vector_store %arg11[%swap3A_1440, %swap3A_1441], %add3A_1438 {strides = array<i32>} : memref<3x512xf32, #tpu.memory_space<vmem>>, vector<16xf32>,
    %get3A_1443 = arith.constant 80 : index
    %get3A_1444 = tpu.vector_load %arg7[%get3A_1443] {strides = array<i32>} : memref<512xf32, #tpu.memory_space<vmem>>, vector<16xf32>,
    %get3A_1445 = arith.constant 80 : index
    %get3A_1446 = tpu.vector_load %arg8[%get3A_1445] {strides = array<i32>} : memref<512xf32, #tpu.memory_space<vmem>>, vector<16xf32>,
    %get3A_1447 = arith.constant 80 : index
    %get3A_1448 = tpu.vector_load %arg10[%get3A_1447] {strides = array<i32>} : memref<3072xf32, #tpu.memory_space<vmem>>, vector<16xf32>,
    %get3A_1449 = arith.constant 208 : index
    %get3A_1450 = tpu.vector_load %arg10[%get3A_1449] {strides = array<i32>} : memref<3072xf32, #tpu.memory_space<vmem>>, vector<16xf32>,
    %get3A_1451 = arith.constant 0 : i32
    %get3A_1452 = arith.index_cast %get3A_1451 : i32 to index
    %get3A_1453 = arith.constant 80 : index
    %get3A_1454 = tpu.vector_load %arg6[%get3A_1452, %get3A_1453] {strides = array<i32>} : memref<3x512xf32, #tpu.memory_space<vmem>>, vector<16xf32>,
    %mul3A_1455 = arith.mulf %get3A_1444, %get3A_1448 : vector<16xf32>
    %add3A_1456 = arith.addf %get3A_1454, %mul3A_1455 : vector<16xf32>
    %mul3A_1457 = arith.mulf %get3A_1446, %get3A_1450 : vector<16xf32>
    %add3A_1458 = arith.addf %add3A_1456, %mul3A_1457 : vector<16xf32>
    %swap3A_1459 = arith.constant 0 : i32
    %swap3A_1460 = arith.index_cast %swap3A_1459 : i32 to index
    %swap3A_1461 = arith.constant 80 : index
    %swap3A_1462 = tpu.vector_load %arg11[%swap3A_1460, %swap3A_1461] {strides = array<i32>} : memref<3x512xf32, #tpu.memory_space<vmem>>, vector<16xf32>,
    tpu.vector_store %arg11[%swap3A_1460, %swap3A_1461], %add3A_1458 {strides = array<i32>} : memref<3x512xf32, #tpu.memory_space<vmem>>, vector<16xf32>,
    %get3A_1463 = arith.constant 336 : index
    %get3A_1464 = tpu.vector_load %arg10[%get3A_1463] {strides = array<i32>} : memref<3072xf32, #tpu.memory_space<vmem>>, vector<16xf32>,
    %get3A_1465 = arith.constant 464 : index
    %get3A_1466 = tpu.vector_load %arg10[%get3A_1465] {strides = array<i32>} : memref<3072xf32, #tpu.memory_space<vmem>>, vector<16xf32>,
    %get3A_1467 = arith.constant 1 : i32
    %get3A_1468 = arith.index_cast %get3A_1467 : i32 to index
    %get3A_1469 = arith.constant 80 : index
    %get3A_1470 = tpu.vector_load %arg6[%get3A_1468, %get3A_1469] {strides = array<i32>} : memref<3x512xf32, #tpu.memory_space<vmem>>, vector<16xf32>,
    %mul3A_1471 = arith.mulf %get3A_1444, %get3A_1464 : vector<16xf32>
    %add3A_1472 = arith.addf %get3A_1470, %mul3A_1471 : vector<16xf32>
    %mul3A_1473 = arith.mulf %get3A_1446, %get3A_1466 : vector<16xf32>
    %add3A_1474 = arith.addf %add3A_1472, %mul3A_1473 : vector<16xf32>
    %swap3A_1475 = arith.constant 1 : i32
    %swap3A_1476 = arith.index_cast %swap3A_1475 : i32 to index
    %swap3A_1477 = arith.constant 80 : index
    %swap3A_1478 = tpu.vector_load %arg11[%swap3A_1476, %swap3A_1477] {strides = array<i32>} : memref<3x512xf32, #tpu.memory_space<vmem>>, vector<16xf32>,
    tpu.vector_store %arg11[%swap3A_1476, %swap3A_1477], %add3A_1474 {strides = array<i32>} : memref<3x512xf32, #tpu.memory_space<vmem>>, vector<16xf32>,
    %get3A_1479 = arith.constant 592 : index
    %get3A_1480 = tpu.vector_load %arg10[%get3A_1479] {strides = array<i32>} : memref<3072xf32, #tpu.memory_space<vmem>>, vector<16xf32>,
    %get3A_1481 = arith.constant 720 : index
    %get3A_1482 = tpu.vector_load %arg10[%get3A_1481] {strides = array<i32>} : memref<3072xf32, #tpu.memory_space<vmem>>, vector<16xf32>,
    %get3A_1483 = arith.constant 2 : i32
    %get3A_1484 = arith.index_cast %get3A_1483 : i32 to index
    %get3A_1485 = arith.constant 80 : index
    %get3A_1486 = tpu.vector_load %arg6[%get3A_1484, %get3A_1485] {strides = array<i32>} : memref<3x512xf32, #tpu.memory_space<vmem>>, vector<16xf32>,
    %mul3A_1487 = arith.mulf %get3A_1444, %get3A_1480 : vector<16xf32>
    %add3A_1488 = arith.addf %get3A_1486, %mul3A_1487 : vector<16xf32>
    %mul3A_1489 = arith.mulf %get3A_1446, %get3A_1482 : vector<16xf32>
    %add3A_1490 = arith.addf %add3A_1488, %mul3A_1489 : vector<16xf32>
    %swap3A_1491 = arith.constant 2 : i32
    %swap3A_1492 = arith.index_cast %swap3A_1491 : i32 to index
    %swap3A_1493 = arith.constant 80 : index
    %swap3A_1494 = tpu.vector_load %arg11[%swap3A_1492, %swap3A_1493] {strides = array<i32>} : memref<3x512xf32, #tpu.memory_space<vmem>>, vector<16xf32>,
    tpu.vector_store %arg11[%swap3A_1492, %swap3A_1493], %add3A_1490 {strides = array<i32>} : memref<3x512xf32, #tpu.memory_space<vmem>>, vector<16xf32>,
    %get3A_1495 = arith.constant 96 : index
    %get3A_1496 = tpu.vector_load %arg7[%get3A_1495] {strides = array<i32>} : memref<512xf32, #tpu.memory_space<vmem>>, vector<16xf32>,
    %get3A_1497 = arith.constant 96 : index
    %get3A_1498 = tpu.vector_load %arg8[%get3A_1497] {strides = array<i32>} : memref<512xf32, #tpu.memory_space<vmem>>, vector<16xf32>,
    %get3A_1499 = arith.constant 96 : index
    %get3A_1500 = tpu.vector_load %arg10[%get3A_1499] {strides = array<i32>} : memref<3072xf32, #tpu.memory_space<vmem>>, vector<16xf32>,
    %get3A_1501 = arith.constant 224 : index
    %get3A_1502 = tpu.vector_load %arg10[%get3A_1501] {strides = array<i32>} : memref<3072xf32, #tpu.memory_space<vmem>>, vector<16xf32>,
    %get3A_1503 = arith.constant 0 : i32
    %get3A_1504 = arith.index_cast %get3A_1503 : i32 to index
    %get3A_1505 = arith.constant 96 : index
    %get3A_1506 = tpu.vector_load %arg6[%get3A_1504, %get3A_1505] {strides = array<i32>} : memref<3x512xf32, #tpu.memory_space<vmem>>, vector<16xf32>,
    %mul3A_1507 = arith.mulf %get3A_1496, %get3A_1500 : vector<16xf32>
    %add3A_1508 = arith.addf %get3A_1506, %mul3A_1507 : vector<16xf32>
    %mul3A_1509 = arith.mulf %get3A_1498, %get3A_1502 : vector<16xf32>
    %add3A_1510 = arith.addf %add3A_1508, %mul3A_1509 : vector<16xf32>
    %swap3A_1511 = arith.constant 0 : i32
    %swap3A_1512 = arith.index_cast %swap3A_1511 : i32 to index
    %swap3A_1513 = arith.constant 96 : index
    %swap3A_1514 = tpu.vector_load %arg11[%swap3A_1512, %swap3A_1513] {strides = array<i32>} : memref<3x512xf32, #tpu.memory_space<vmem>>, vector<16xf32>,
    tpu.vector_store %arg11[%swap3A_1512, %swap3A_1513], %add3A_1510 {strides = array<i32>} : memref<3x512xf32, #tpu.memory_space<vmem>>, vector<16xf32>,
    %get3A_1515 = arith.constant 352 : index
    %get3A_1516 = tpu.vector_load %arg10[%get3A_1515] {strides = array<i32>} : memref<3072xf32, #tpu.memory_space<vmem>>, vector<16xf32>,
    %get3A_1517 = arith.constant 480 : index
    %get3A_1518 = tpu.vector_load %arg10[%get3A_1517] {strides = array<i32>} : memref<3072xf32, #tpu.memory_space<vmem>>, vector<16xf32>,
    %get3A_1519 = arith.constant 1 : i32
    %get3A_1520 = arith.index_cast %get3A_1519 : i32 to index
    %get3A_1521 = arith.constant 96 : index
    %get3A_1522 = tpu.vector_load %arg6[%get3A_1520, %get3A_1521] {strides = array<i32>} : memref<3x512xf32, #tpu.memory_space<vmem>>, vector<16xf32>,
    %mul3A_1523 = arith.mulf %get3A_1496, %get3A_1516 : vector<16xf32>
    %add3A_1524 = arith.addf %get3A_1522, %mul3A_1523 : vector<16xf32>
    %mul3A_1525 = arith.mulf %get3A_1498, %get3A_1518 : vector<16xf32>
    %add3A_1526 = arith.addf %add3A_1524, %mul3A_1525 : vector<16xf32>
    %swap3A_1527 = arith.constant 1 : i32
    %swap3A_1528 = arith.index_cast %swap3A_1527 : i32 to index
    %swap3A_1529 = arith.constant 96 : index
    %swap3A_1530 = tpu.vector_load %arg11[%swap3A_1528, %swap3A_1529] {strides = array<i32>} : memref<3x512xf32, #tpu.memory_space<vmem>>, vector<16xf32>,
    tpu.vector_store %arg11[%swap3A_1528, %swap3A_1529], %add3A_1526 {strides = array<i32>} : memref<3x512xf32, #tpu.memory_space<vmem>>, vector<16xf32>,
    %get3A_1531 = arith.constant 608 : index
    %get3A_1532 = tpu.vector_load %arg10[%get3A_1531] {strides = array<i32>} : memref<3072xf32, #tpu.memory_space<vmem>>, vector<16xf32>,
    %get3A_1533 = arith.constant 736 : index
    %get3A_1534 = tpu.vector_load %arg10[%get3A_1533] {strides = array<i32>} : memref<3072xf32, #tpu.memory_space<vmem>>, vector<16xf32>,
    %get3A_1535 = arith.constant 2 : i32
    %get3A_1536 = arith.index_cast %get3A_1535 : i32 to index
    %get3A_1537 = arith.constant 96 : index
    %get3A_1538 = tpu.vector_load %arg6[%get3A_1536, %get3A_1537] {strides = array<i32>} : memref<3x512xf32, #tpu.memory_space<vmem>>, vector<16xf32>,
    %mul3A_1539 = arith.mulf %get3A_1496, %get3A_1532 : vector<16xf32>
    %add3A_1540 = arith.addf %get3A_1538, %mul3A_1539 : vector<16xf32>
    %mul3A_1541 = arith.mulf %get3A_1498, %get3A_1534 : vector<16xf32>
    %add3A_1542 = arith.addf %add3A_1540, %mul3A_1541 : vector<16xf32>
    %swap3A_1543 = arith.constant 2 : i32
    %swap3A_1544 = arith.index_cast %swap3A_1543 : i32 to index
    %swap3A_1545 = arith.constant 96 : index
    %swap3A_1546 = tpu.vector_load %arg11[%swap3A_1544, %swap3A_1545] {strides = array<i32>} : memref<3x512xf32, #tpu.memory_space<vmem>>, vector<16xf32>,
    tpu.vector_store %arg11[%swap3A_1544, %swap3A_1545], %add3A_1542 {strides = array<i32>} : memref<3x512xf32, #tpu.memory_space<vmem>>, vector<16xf32>,
    %get3A_1547 = arith.constant 112 : index
    %get3A_1548 = tpu.vector_load %arg7[%get3A_1547] {strides = array<i32>} : memref<512xf32, #tpu.memory_space<vmem>>, vector<16xf32>,
    %get3A_1549 = arith.constant 112 : index
    %get3A_1550 = tpu.vector_load %arg8[%get3A_1549] {strides = array<i32>} : memref<512xf32, #tpu.memory_space<vmem>>, vector<16xf32>,
    %get3A_1551 = arith.constant 112 : index
    %get3A_1552 = tpu.vector_load %arg10[%get3A_1551] {strides = array<i32>} : memref<3072xf32, #tpu.memory_space<vmem>>, vector<16xf32>,
    %get3A_1553 = arith.constant 240 : index
    %get3A_1554 = tpu.vector_load %arg10[%get3A_1553] {strides = array<i32>} : memref<3072xf32, #tpu.memory_space<vmem>>, vector<16xf32>,
    %get3A_1555 = arith.constant 0 : i32
    %get3A_1556 = arith.index_cast %get3A_1555 : i32 to index
    %get3A_1557 = arith.constant 112 : index
    %get3A_1558 = tpu.vector_load %arg6[%get3A_1556, %get3A_1557] {strides = array<i32>} : memref<3x512xf32, #tpu.memory_space<vmem>>, vector<16xf32>,
    %mul3A_1559 = arith.mulf %get3A_1548, %get3A_1552 : vector<16xf32>
    %add3A_1560 = arith.addf %get3A_1558, %mul3A_1559 : vector<16xf32>
    %mul3A_1561 = arith.mulf %get3A_1550, %get3A_1554 : vector<16xf32>
    %add3A_1562 = arith.addf %add3A_1560, %mul3A_1561 : vector<16xf32>
    %swap3A_1563 = arith.constant 0 : i32
    %swap3A_1564 = arith.index_cast %swap3A_1563 : i32 to index
    %swap3A_1565 = arith.constant 112 : index
    %swap3A_1566 = tpu.vector_load %arg11[%swap3A_1564, %swap3A_1565] {strides = array<i32>} : memref<3x512xf32, #tpu.memory_space<vmem>>, vector<16xf32>,
    tpu.vector_store %arg11[%swap3A_1564, %swap3A_1565], %add3A_1562 {strides = array<i32>} : memref<3x512xf32, #tpu.memory_space<vmem>>, vector<16xf32>,
    %get3A_1567 = arith.constant 368 : index
    %get3A_1568 = tpu.vector_load %arg10[%get3A_1567] {strides = array<i32>} : memref<3072xf32, #tpu.memory_space<vmem>>, vector<16xf32>,
    %get3A_1569 = arith.constant 496 : index
    %get3A_1570 = tpu.vector_load %arg10[%get3A_1569] {strides = array<i32>} : memref<3072xf32, #tpu.memory_space<vmem>>, vector<16xf32>,
    %get3A_1571 = arith.constant 1 : i32
    %get3A_1572 = arith.index_cast %get3A_1571 : i32 to index
    %get3A_1573 = arith.constant 112 : index
    %get3A_1574 = tpu.vector_load %arg6[%get3A_1572, %get3A_1573] {strides = array<i32>} : memref<3x512xf32, #tpu.memory_space<vmem>>, vector<16xf32>,
    %mul3A_1575 = arith.mulf %get3A_1548, %get3A_1568 : vector<16xf32>
    %add3A_1576 = arith.addf %get3A_1574, %mul3A_1575 : vector<16xf32>
    %mul3A_1577 = arith.mulf %get3A_1550, %get3A_1570 : vector<16xf32>
    %add3A_1578 = arith.addf %add3A_1576, %mul3A_1577 : vector<16xf32>
    %swap3A_1579 = arith.constant 1 : i32
    %swap3A_1580 = arith.index_cast %swap3A_1579 : i32 to index
    %swap3A_1581 = arith.constant 112 : index
    %swap3A_1582 = tpu.vector_load %arg11[%swap3A_1580, %swap3A_1581] {strides = array<i32>} : memref<3x512xf32, #tpu.memory_space<vmem>>, vector<16xf32>,
    tpu.vector_store %arg11[%swap3A_1580, %swap3A_1581], %add3A_1578 {strides = array<i32>} : memref<3x512xf32, #tpu.memory_space<vmem>>, vector<16xf32>,
    %get3A_1583 = arith.constant 624 : index
    %get3A_1584 = tpu.vector_load %arg10[%get3A_1583] {strides = array<i32>} : memref<3072xf32, #tpu.memory_space<vmem>>, vector<16xf32>,
    %get3A_1585 = arith.constant 752 : index
    %get3A_1586 = tpu.vector_load %arg10[%get3A_1585] {strides = array<i32>} : memref<3072xf32, #tpu.memory_space<vmem>>, vector<16xf32>,
    %get3A_1587 = arith.constant 2 : i32
    %get3A_1588 = arith.index_cast %get3A_1587 : i32 to index
    %get3A_1589 = arith.constant 112 : index
    %get3A_1590 = tpu.vector_load %arg6[%get3A_1588, %get3A_1589] {strides = array<i32>} : memref<3x512xf32, #tpu.memory_space<vmem>>, vector<16xf32>,
    %mul3A_1591 = arith.mulf %get3A_1548, %get3A_1584 : vector<16xf32>
    %add3A_1592 = arith.addf %get3A_1590, %mul3A_1591 : vector<16xf32>
    %mul3A_1593 = arith.mulf %get3A_1550, %get3A_1586 : vector<16xf32>
    %add3A_1594 = arith.addf %add3A_1592, %mul3A_1593 : vector<16xf32>
    %swap3A_1595 = arith.constant 2 : i32
    %swap3A_1596 = arith.index_cast %swap3A_1595 : i32 to index
    %swap3A_1597 = arith.constant 112 : index
    %swap3A_1598 = tpu.vector_load %arg11[%swap3A_1596, %swap3A_1597] {strides = array<i32>} : memref<3x512xf32, #tpu.memory_space<vmem>>, vector<16xf32>,
    tpu.vector_store %arg11[%swap3A_1596, %swap3A_1597], %add3A_1594 {strides = array<i32>} : memref<3x512xf32, #tpu.memory_space<vmem>>, vector<16xf32>,
    %add3A_1599 = arith.constant 0 : i32
    %add3A_1600 = arith.addi %add3A_1599, %mul3A_2 : i32
    %add3A_1601 = arith.constant 0 : i32
    %add3A_1602 = arith.addi %add3A_1600, %add3A_1601 : i32
    %dma_start3A_1603 = arith.constant 0 : i32
    %dma_start3A_1604 = arith.constant 0 : i32
    %dma_start3A_1605 = tpu.memref_slice %arg11[%dma_start3A_1603, %dma_start3A_1604] : memref<3x512xf32, #tpu.memory_space<vmem>> -> memref<1x128xf32, #tpu.memory_space<vmem>>
    %dma_start3A_1606 = tpu.memref_squeeze %dma_start3A_1605 : memref<1x128xf32, #tpu.memory_space<vmem>> -> memref<128xf32, #tpu.memory_space<vmem>>
    %dma_start3A_1607 = tpu.memref_slice %arg4[%add3A_1602] : memref<49152xf32, #tpu.memory_space<hbm>> -> memref<128xf32, #tpu.memory_space<hbm>>
    %dma_start3A_1608 = tpu.memref_slice %arg4[%add3A_1602] : memref<49152xf32, #tpu.memory_space<hbm>> -> memref<128xf32, #tpu.memory_space<hbm>>
    %dma_start3A_1609 = arith.constant 0 : i32
    %dma_start3A_1610 = tpu.memref_slice %arg11[%dma_start3A_1603, %dma_start3A_1609] : memref<3x512xf32, #tpu.memory_space<vmem>> -> memref<1x128xf32, #tpu.memory_space<vmem>>
    %dma_start3A_1611 = tpu.memref_squeeze %dma_start3A_1610 : memref<1x128xf32, #tpu.memory_space<vmem>> -> memref<128xf32, #tpu.memory_space<vmem>>
    tpu.enqueue_dma source(%dma_start3A_1611 : memref<128xf32, #tpu.memory_space<vmem>>) target(%dma_start3A_1608 : memref<128xf32, #tpu.memory_space<hbm>>) target_semaphore(%arg14 : memref<!tpu.dma_semaphore, #tpu.memory_space<semaphore_mem>>)
    %add3A_1612 = arith.constant 16384 : i32
    %add3A_1613 = arith.addi %add3A_1612, %mul3A_2 : i32
    %add3A_1614 = arith.constant 0 : i32
    %add3A_1615 = arith.addi %add3A_1613, %add3A_1614 : i32
    %dma_start3A_1616 = arith.constant 1 : i32
    %dma_start3A_1617 = arith.constant 0 : i32
    %dma_start3A_1618 = tpu.memref_slice %arg11[%dma_start3A_1616, %dma_start3A_1617] : memref<3x512xf32, #tpu.memory_space<vmem>> -> memref<1x128xf32, #tpu.memory_space<vmem>>
    %dma_start3A_1619 = tpu.memref_squeeze %dma_start3A_1618 : memref<1x128xf32, #tpu.memory_space<vmem>> -> memref<128xf32, #tpu.memory_space<vmem>>
    %dma_start3A_1620 = tpu.memref_slice %arg4[%add3A_1615] : memref<49152xf32, #tpu.memory_space<hbm>> -> memref<128xf32, #tpu.memory_space<hbm>>
    %dma_start3A_1621 = tpu.memref_slice %arg4[%add3A_1615] : memref<49152xf32, #tpu.memory_space<hbm>> -> memref<128xf32, #tpu.memory_space<hbm>>
    %dma_start3A_1622 = arith.constant 0 : i32
    %dma_start3A_1623 = tpu.memref_slice %arg11[%dma_start3A_1616, %dma_start3A_1622] : memref<3x512xf32, #tpu.memory_space<vmem>> -> memref<1x128xf32, #tpu.memory_space<vmem>>
    %dma_start3A_1624 = tpu.memref_squeeze %dma_start3A_1623 : memref<1x128xf32, #tpu.memory_space<vmem>> -> memref<128xf32, #tpu.memory_space<vmem>>
    tpu.enqueue_dma source(%dma_start3A_1624 : memref<128xf32, #tpu.memory_space<vmem>>) target(%dma_start3A_1621 : memref<128xf32, #tpu.memory_space<hbm>>) target_semaphore(%arg14 : memref<!tpu.dma_semaphore, #tpu.memory_space<semaphore_mem>>)
    %add3A_1625 = arith.constant 32768 : i32
    %add3A_1626 = arith.addi %add3A_1625, %mul3A_2 : i32
    %add3A_1627 = arith.constant 0 : i32
    %add3A_1628 = arith.addi %add3A_1626, %add3A_1627 : i32
    %dma_start3A_1629 = arith.constant 2 : i32
    %dma_start3A_1630 = arith.constant 0 : i32
    %dma_start3A_1631 = tpu.memref_slice %arg11[%dma_start3A_1629, %dma_start3A_1630] : memref<3x512xf32, #tpu.memory_space<vmem>> -> memref<1x128xf32, #tpu.memory_space<vmem>>
    %dma_start3A_1632 = tpu.memref_squeeze %dma_start3A_1631 : memref<1x128xf32, #tpu.memory_space<vmem>> -> memref<128xf32, #tpu.memory_space<vmem>>
    %dma_start3A_1633 = tpu.memref_slice %arg4[%add3A_1628] : memref<49152xf32, #tpu.memory_space<hbm>> -> memref<128xf32, #tpu.memory_space<hbm>>
    %dma_start3A_1634 = tpu.memref_slice %arg4[%add3A_1628] : memref<49152xf32, #tpu.memory_space<hbm>> -> memref<128xf32, #tpu.memory_space<hbm>>
    %dma_start3A_1635 = arith.constant 0 : i32
    %dma_start3A_1636 = tpu.memref_slice %arg11[%dma_start3A_1629, %dma_start3A_1635] : memref<3x512xf32, #tpu.memory_space<vmem>> -> memref<1x128xf32, #tpu.memory_space<vmem>>
    %dma_start3A_1637 = tpu.memref_squeeze %dma_start3A_1636 : memref<1x128xf32, #tpu.memory_space<vmem>> -> memref<128xf32, #tpu.memory_space<vmem>>
    tpu.enqueue_dma source(%dma_start3A_1637 : memref<128xf32, #tpu.memory_space<vmem>>) target(%dma_start3A_1634 : memref<128xf32, #tpu.memory_space<hbm>>) target_semaphore(%arg14 : memref<!tpu.dma_semaphore, #tpu.memory_space<semaphore_mem>>)
    %dma_wait3A_1638 = arith.constant 768 : i32
    %dma_wait3A_1639 = tpu.memref_slice %arg10[%dma_wait3A_1638] : memref<3072xf32, #tpu.memory_space<vmem>> -> memref<768xf32, #tpu.memory_space<vmem>>
    %dma_wait3A_1640 = arith.constant 768 : i32
    %dma_wait3A_1641 = tpu.memref_slice %arg9[%dma_wait3A_1640] : memref<3072xi32, #tpu.memory_space<vmem>> -> memref<768xi32, #tpu.memory_space<vmem>>
    %dma_wait3A_1642 = arith.constant 0 : i32
    %dma_wait3A_1643 = tpu.memref_slice %arg2[%dma_wait3A_1642] : memref<349152xf32, #tpu.memory_space<hbm>> -> memref<349152xf32, #tpu.memory_space<hbm>>
    tpu.wait_indirect_dma semaphore(%arg16 : memref<!tpu.dma_semaphore, #tpu.memory_space<semaphore_mem>>) src(%dma_wait3A_1643 : memref<349152xf32, #tpu.memory_space<hbm>>) dst(%dma_wait3A_1639 : memref<768xf32, #tpu.memory_space<vmem>>)
    %get3A_1644 = arith.constant 128 : index
    %get3A_1645 = tpu.vector_load %arg7[%get3A_1644] {strides = array<i32>} : memref<512xf32, #tpu.memory_space<vmem>>, vector<16xf32>,
    %get3A_1646 = arith.constant 128 : index
    %get3A_1647 = tpu.vector_load %arg8[%get3A_1646] {strides = array<i32>} : memref<512xf32, #tpu.memory_space<vmem>>, vector<16xf32>,
    %get3A_1648 = arith.constant 768 : index
    %get3A_1649 = tpu.vector_load %arg10[%get3A_1648] {strides = array<i32>} : memref<3072xf32, #tpu.memory_space<vmem>>, vector<16xf32>,
    %get3A_1650 = arith.constant 896 : index
    %get3A_1651 = tpu.vector_load %arg10[%get3A_1650] {strides = array<i32>} : memref<3072xf32, #tpu.memory_space<vmem>>, vector<16xf32>,
    %get3A_1652 = arith.constant 0 : i32
    %get3A_1653 = arith.index_cast %get3A_1652 : i32 to index
    %get3A_1654 = arith.constant 128 : index
    %get3A_1655 = tpu.vector_load %arg6[%get3A_1653, %get3A_1654] {strides = array<i32>} : memref<3x512xf32, #tpu.memory_space<vmem>>, vector<16xf32>,
    %mul3A_1656 = arith.mulf %get3A_1645, %get3A_1649 : vector<16xf32>
    %add3A_1657 = arith.addf %get3A_1655, %mul3A_1656 : vector<16xf32>
    %mul3A_1658 = arith.mulf %get3A_1647, %get3A_1651 : vector<16xf32>
    %add3A_1659 = arith.addf %add3A_1657, %mul3A_1658 : vector<16xf32>
    %swap3A_1660 = arith.constant 0 : i32
    %swap3A_1661 = arith.index_cast %swap3A_1660 : i32 to index
    %swap3A_1662 = arith.constant 128 : index
    %swap3A_1663 = tpu.vector_load %arg11[%swap3A_1661, %swap3A_1662] {strides = array<i32>} : memref<3x512xf32, #tpu.memory_space<vmem>>, vector<16xf32>,
    tpu.vector_store %arg11[%swap3A_1661, %swap3A_1662], %add3A_1659 {strides = array<i32>} : memref<3x512xf32, #tpu.memory_space<vmem>>, vector<16xf32>,
    %get3A_1664 = arith.constant 1024 : index
    %get3A_1665 = tpu.vector_load %arg10[%get3A_1664] {strides = array<i32>} : memref<3072xf32, #tpu.memory_space<vmem>>, vector<16xf32>,
    %get3A_1666 = arith.constant 1152 : index
    %get3A_1667 = tpu.vector_load %arg10[%get3A_1666] {strides = array<i32>} : memref<3072xf32, #tpu.memory_space<vmem>>, vector<16xf32>,
    %get3A_1668 = arith.constant 1 : i32
    %get3A_1669 = arith.index_cast %get3A_1668 : i32 to index
    %get3A_1670 = arith.constant 128 : index
    %get3A_1671 = tpu.vector_load %arg6[%get3A_1669, %get3A_1670] {strides = array<i32>} : memref<3x512xf32, #tpu.memory_space<vmem>>, vector<16xf32>,
    %mul3A_1672 = arith.mulf %get3A_1645, %get3A_1665 : vector<16xf32>
    %add3A_1673 = arith.addf %get3A_1671, %mul3A_1672 : vector<16xf32>
    %mul3A_1674 = arith.mulf %get3A_1647, %get3A_1667 : vector<16xf32>
    %add3A_1675 = arith.addf %add3A_1673, %mul3A_1674 : vector<16xf32>
    %swap3A_1676 = arith.constant 1 : i32
    %swap3A_1677 = arith.index_cast %swap3A_1676 : i32 to index
    %swap3A_1678 = arith.constant 128 : index
    %swap3A_1679 = tpu.vector_load %arg11[%swap3A_1677, %swap3A_1678] {strides = array<i32>} : memref<3x512xf32, #tpu.memory_space<vmem>>, vector<16xf32>,
    tpu.vector_store %arg11[%swap3A_1677, %swap3A_1678], %add3A_1675 {strides = array<i32>} : memref<3x512xf32, #tpu.memory_space<vmem>>, vector<16xf32>,
    %get3A_1680 = arith.constant 1280 : index
    %get3A_1681 = tpu.vector_load %arg10[%get3A_1680] {strides = array<i32>} : memref<3072xf32, #tpu.memory_space<vmem>>, vector<16xf32>,
    %get3A_1682 = arith.constant 1408 : index
    %get3A_1683 = tpu.vector_load %arg10[%get3A_1682] {strides = array<i32>} : memref<3072xf32, #tpu.memory_space<vmem>>, vector<16xf32>,
    %get3A_1684 = arith.constant 2 : i32
    %get3A_1685 = arith.index_cast %get3A_1684 : i32 to index
    %get3A_1686 = arith.constant 128 : index
    %get3A_1687 = tpu.vector_load %arg6[%get3A_1685, %get3A_1686] {strides = array<i32>} : memref<3x512xf32, #tpu.memory_space<vmem>>, vector<16xf32>,
    %mul3A_1688 = arith.mulf %get3A_1645, %get3A_1681 : vector<16xf32>
    %add3A_1689 = arith.addf %get3A_1687, %mul3A_1688 : vector<16xf32>
    %mul3A_1690 = arith.mulf %get3A_1647, %get3A_1683 : vector<16xf32>
    %add3A_1691 = arith.addf %add3A_1689, %mul3A_1690 : vector<16xf32>
    %swap3A_1692 = arith.constant 2 : i32
    %swap3A_1693 = arith.index_cast %swap3A_1692 : i32 to index
    %swap3A_1694 = arith.constant 128 : index
    %swap3A_1695 = tpu.vector_load %arg11[%swap3A_1693, %swap3A_1694] {strides = array<i32>} : memref<3x512xf32, #tpu.memory_space<vmem>>, vector<16xf32>,
    tpu.vector_store %arg11[%swap3A_1693, %swap3A_1694], %add3A_1691 {strides = array<i32>} : memref<3x512xf32, #tpu.memory_space<vmem>>, vector<16xf32>,
    %get3A_1696 = arith.constant 144 : index
    %get3A_1697 = tpu.vector_load %arg7[%get3A_1696] {strides = array<i32>} : memref<512xf32, #tpu.memory_space<vmem>>, vector<16xf32>,
    %get3A_1698 = arith.constant 144 : index
    %get3A_1699 = tpu.vector_load %arg8[%get3A_1698] {strides = array<i32>} : memref<512xf32, #tpu.memory_space<vmem>>, vector<16xf32>,
    %get3A_1700 = arith.constant 784 : index
    %get3A_1701 = tpu.vector_load %arg10[%get3A_1700] {strides = array<i32>} : memref<3072xf32, #tpu.memory_space<vmem>>, vector<16xf32>,
    %get3A_1702 = arith.constant 912 : index
    %get3A_1703 = tpu.vector_load %arg10[%get3A_1702] {strides = array<i32>} : memref<3072xf32, #tpu.memory_space<vmem>>, vector<16xf32>,
    %get3A_1704 = arith.constant 0 : i32
    %get3A_1705 = arith.index_cast %get3A_1704 : i32 to index
    %get3A_1706 = arith.constant 144 : index
    %get3A_1707 = tpu.vector_load %arg6[%get3A_1705, %get3A_1706] {strides = array<i32>} : memref<3x512xf32, #tpu.memory_space<vmem>>, vector<16xf32>,
    %mul3A_1708 = arith.mulf %get3A_1697, %get3A_1701 : vector<16xf32>
    %add3A_1709 = arith.addf %get3A_1707, %mul3A_1708 : vector<16xf32>
    %mul3A_1710 = arith.mulf %get3A_1699, %get3A_1703 : vector<16xf32>
    %add3A_1711 = arith.addf %add3A_1709, %mul3A_1710 : vector<16xf32>
    %swap3A_1712 = arith.constant 0 : i32
    %swap3A_1713 = arith.index_cast %swap3A_1712 : i32 to index
    %swap3A_1714 = arith.constant 144 : index
    %swap3A_1715 = tpu.vector_load %arg11[%swap3A_1713, %swap3A_1714] {strides = array<i32>} : memref<3x512xf32, #tpu.memory_space<vmem>>, vector<16xf32>,
    tpu.vector_store %arg11[%swap3A_1713, %swap3A_1714], %add3A_1711 {strides = array<i32>} : memref<3x512xf32, #tpu.memory_space<vmem>>, vector<16xf32>,
    %get3A_1716 = arith.constant 1040 : index
    %get3A_1717 = tpu.vector_load %arg10[%get3A_1716] {strides = array<i32>} : memref<3072xf32, #tpu.memory_space<vmem>>, vector<16xf32>,
    %get3A_1718 = arith.constant 1168 : index
    %get3A_1719 = tpu.vector_load %arg10[%get3A_1718] {strides = array<i32>} : memref<3072xf32, #tpu.memory_space<vmem>>, vector<16xf32>,
    %get3A_1720 = arith.constant 1 : i32
    %get3A_1721 = arith.index_cast %get3A_1720 : i32 to index
    %get3A_1722 = arith.constant 144 : index
    %get3A_1723 = tpu.vector_load %arg6[%get3A_1721, %get3A_1722] {strides = array<i32>} : memref<3x512xf32, #tpu.memory_space<vmem>>, vector<16xf32>,
    %mul3A_1724 = arith.mulf %get3A_1697, %get3A_1717 : vector<16xf32>
    %add3A_1725 = arith.addf %get3A_1723, %mul3A_1724 : vector<16xf32>
    %mul3A_1726 = arith.mulf %get3A_1699, %get3A_1719 : vector<16xf32>
    %add3A_1727 = arith.addf %add3A_1725, %mul3A_1726 : vector<16xf32>
    %swap3A_1728 = arith.constant 1 : i32
    %swap3A_1729 = arith.index_cast %swap3A_1728 : i32 to index
    %swap3A_1730 = arith.constant 144 : index
    %swap3A_1731 = tpu.vector_load %arg11[%swap3A_1729, %swap3A_1730] {strides = array<i32>} : memref<3x512xf32, #tpu.memory_space<vmem>>, vector<16xf32>,
    tpu.vector_store %arg11[%swap3A_1729, %swap3A_1730], %add3A_1727 {strides = array<i32>} : memref<3x512xf32, #tpu.memory_space<vmem>>, vector<16xf32>,
    %get3A_1732 = arith.constant 1296 : index
    %get3A_1733 = tpu.vector_load %arg10[%get3A_1732] {strides = array<i32>} : memref<3072xf32, #tpu.memory_space<vmem>>, vector<16xf32>,
    %get3A_1734 = arith.constant 1424 : index
    %get3A_1735 = tpu.vector_load %arg10[%get3A_1734] {strides = array<i32>} : memref<3072xf32, #tpu.memory_space<vmem>>, vector<16xf32>,
    %get3A_1736 = arith.constant 2 : i32
    %get3A_1737 = arith.index_cast %get3A_1736 : i32 to index
    %get3A_1738 = arith.constant 144 : index
    %get3A_1739 = tpu.vector_load %arg6[%get3A_1737, %get3A_1738] {strides = array<i32>} : memref<3x512xf32, #tpu.memory_space<vmem>>, vector<16xf32>,
    %mul3A_1740 = arith.mulf %get3A_1697, %get3A_1733 : vector<16xf32>
    %add3A_1741 = arith.addf %get3A_1739, %mul3A_1740 : vector<16xf32>
    %mul3A_1742 = arith.mulf %get3A_1699, %get3A_1735 : vector<16xf32>
    %add3A_1743 = arith.addf %add3A_1741, %mul3A_1742 : vector<16xf32>
    %swap3A_1744 = arith.constant 2 : i32
    %swap3A_1745 = arith.index_cast %swap3A_1744 : i32 to index
    %swap3A_1746 = arith.constant 144 : index
    %swap3A_1747 = tpu.vector_load %arg11[%swap3A_1745, %swap3A_1746] {strides = array<i32>} : memref<3x512xf32, #tpu.memory_space<vmem>>, vector<16xf32>,
    tpu.vector_store %arg11[%swap3A_1745, %swap3A_1746], %add3A_1743 {strides = array<i32>} : memref<3x512xf32, #tpu.memory_space<vmem>>, vector<16xf32>,
    %get3A_1748 = arith.constant 160 : index
    %get3A_1749 = tpu.vector_load %arg7[%get3A_1748] {strides = array<i32>} : memref<512xf32, #tpu.memory_space<vmem>>, vector<16xf32>,
    %get3A_1750 = arith.constant 160 : index
    %get3A_1751 = tpu.vector_load %arg8[%get3A_1750] {strides = array<i32>} : memref<512xf32, #tpu.memory_space<vmem>>, vector<16xf32>,
    %get3A_1752 = arith.constant 800 : index
    %get3A_1753 = tpu.vector_load %arg10[%get3A_1752] {strides = array<i32>} : memref<3072xf32, #tpu.memory_space<vmem>>, vector<16xf32>,
    %get3A_1754 = arith.constant 928 : index
    %get3A_1755 = tpu.vector_load %arg10[%get3A_1754] {strides = array<i32>} : memref<3072xf32, #tpu.memory_space<vmem>>, vector<16xf32>,
    %get3A_1756 = arith.constant 0 : i32
    %get3A_1757 = arith.index_cast %get3A_1756 : i32 to index
    %get3A_1758 = arith.constant 160 : index
    %get3A_1759 = tpu.vector_load %arg6[%get3A_1757, %get3A_1758] {strides = array<i32>} : memref<3x512xf32, #tpu.memory_space<vmem>>, vector<16xf32>,
    %mul3A_1760 = arith.mulf %get3A_1749, %get3A_1753 : vector<16xf32>
    %add3A_1761 = arith.addf %get3A_1759, %mul3A_1760 : vector<16xf32>
    %mul3A_1762 = arith.mulf %get3A_1751, %get3A_1755 : vector<16xf32>
    %add3A_1763 = arith.addf %add3A_1761, %mul3A_1762 : vector<16xf32>
    %swap3A_1764 = arith.constant 0 : i32
    %swap3A_1765 = arith.index_cast %swap3A_1764 : i32 to index
    %swap3A_1766 = arith.constant 160 : index
    %swap3A_1767 = tpu.vector_load %arg11[%swap3A_1765, %swap3A_1766] {strides = array<i32>} : memref<3x512xf32, #tpu.memory_space<vmem>>, vector<16xf32>,
    tpu.vector_store %arg11[%swap3A_1765, %swap3A_1766], %add3A_1763 {strides = array<i32>} : memref<3x512xf32, #tpu.memory_space<vmem>>, vector<16xf32>,
    %get3A_1768 = arith.constant 1056 : index
    %get3A_1769 = tpu.vector_load %arg10[%get3A_1768] {strides = array<i32>} : memref<3072xf32, #tpu.memory_space<vmem>>, vector<16xf32>,
    %get3A_1770 = arith.constant 1184 : index
    %get3A_1771 = tpu.vector_load %arg10[%get3A_1770] {strides = array<i32>} : memref<3072xf32, #tpu.memory_space<vmem>>, vector<16xf32>,
    %get3A_1772 = arith.constant 1 : i32
    %get3A_1773 = arith.index_cast %get3A_1772 : i32 to index
    %get3A_1774 = arith.constant 160 : index
    %get3A_1775 = tpu.vector_load %arg6[%get3A_1773, %get3A_1774] {strides = array<i32>} : memref<3x512xf32, #tpu.memory_space<vmem>>, vector<16xf32>,
    %mul3A_1776 = arith.mulf %get3A_1749, %get3A_1769 : vector<16xf32>
    %add3A_1777 = arith.addf %get3A_1775, %mul3A_1776 : vector<16xf32>
    %mul3A_1778 = arith.mulf %get3A_1751, %get3A_1771 : vector<16xf32>
    %add3A_1779 = arith.addf %add3A_1777, %mul3A_1778 : vector<16xf32>
    %swap3A_1780 = arith.constant 1 : i32
    %swap3A_1781 = arith.index_cast %swap3A_1780 : i32 to index
    %swap3A_1782 = arith.constant 160 : index
    %swap3A_1783 = tpu.vector_load %arg11[%swap3A_1781, %swap3A_1782] {strides = array<i32>} : memref<3x512xf32, #tpu.memory_space<vmem>>, vector<16xf32>,
    tpu.vector_store %arg11[%swap3A_1781, %swap3A_1782], %add3A_1779 {strides = array<i32>} : memref<3x512xf32, #tpu.memory_space<vmem>>, vector<16xf32>,
    %get3A_1784 = arith.constant 1312 : index
    %get3A_1785 = tpu.vector_load %arg10[%get3A_1784] {strides = array<i32>} : memref<3072xf32, #tpu.memory_space<vmem>>, vector<16xf32>,
    %get3A_1786 = arith.constant 1440 : index
    %get3A_1787 = tpu.vector_load %arg10[%get3A_1786] {strides = array<i32>} : memref<3072xf32, #tpu.memory_space<vmem>>, vector<16xf32>,
    %get3A_1788 = arith.constant 2 : i32
    %get3A_1789 = arith.index_cast %get3A_1788 : i32 to index
    %get3A_1790 = arith.constant 160 : index
    %get3A_1791 = tpu.vector_load %arg6[%get3A_1789, %get3A_1790] {strides = array<i32>} : memref<3x512xf32, #tpu.memory_space<vmem>>, vector<16xf32>,
    %mul3A_1792 = arith.mulf %get3A_1749, %get3A_1785 : vector<16xf32>
    %add3A_1793 = arith.addf %get3A_1791, %mul3A_1792 : vector<16xf32>
    %mul3A_1794 = arith.mulf %get3A_1751, %get3A_1787 : vector<16xf32>
    %add3A_1795 = arith.addf %add3A_1793, %mul3A_1794 : vector<16xf32>
    %swap3A_1796 = arith.constant 2 : i32
    %swap3A_1797 = arith.index_cast %swap3A_1796 : i32 to index
    %swap3A_1798 = arith.constant 160 : index
    %swap3A_1799 = tpu.vector_load %arg11[%swap3A_1797, %swap3A_1798] {strides = array<i32>} : memref<3x512xf32, #tpu.memory_space<vmem>>, vector<16xf32>,
    tpu.vector_store %arg11[%swap3A_1797, %swap3A_1798], %add3A_1795 {strides = array<i32>} : memref<3x512xf32, #tpu.memory_space<vmem>>, vector<16xf32>,
    %get3A_1800 = arith.constant 176 : index
    %get3A_1801 = tpu.vector_load %arg7[%get3A_1800] {strides = array<i32>} : memref<512xf32, #tpu.memory_space<vmem>>, vector<16xf32>,
    %get3A_1802 = arith.constant 176 : index
    %get3A_1803 = tpu.vector_load %arg8[%get3A_1802] {strides = array<i32>} : memref<512xf32, #tpu.memory_space<vmem>>, vector<16xf32>,
    %get3A_1804 = arith.constant 816 : index
    %get3A_1805 = tpu.vector_load %arg10[%get3A_1804] {strides = array<i32>} : memref<3072xf32, #tpu.memory_space<vmem>>, vector<16xf32>,
    %get3A_1806 = arith.constant 944 : index
    %get3A_1807 = tpu.vector_load %arg10[%get3A_1806] {strides = array<i32>} : memref<3072xf32, #tpu.memory_space<vmem>>, vector<16xf32>,
    %get3A_1808 = arith.constant 0 : i32
    %get3A_1809 = arith.index_cast %get3A_1808 : i32 to index
    %get3A_1810 = arith.constant 176 : index
    %get3A_1811 = tpu.vector_load %arg6[%get3A_1809, %get3A_1810] {strides = array<i32>} : memref<3x512xf32, #tpu.memory_space<vmem>>, vector<16xf32>,
    %mul3A_1812 = arith.mulf %get3A_1801, %get3A_1805 : vector<16xf32>
    %add3A_1813 = arith.addf %get3A_1811, %mul3A_1812 : vector<16xf32>
    %mul3A_1814 = arith.mulf %get3A_1803, %get3A_1807 : vector<16xf32>
    %add3A_1815 = arith.addf %add3A_1813, %mul3A_1814 : vector<16xf32>
    %swap3A_1816 = arith.constant 0 : i32
    %swap3A_1817 = arith.index_cast %swap3A_1816 : i32 to index
    %swap3A_1818 = arith.constant 176 : index
    %swap3A_1819 = tpu.vector_load %arg11[%swap3A_1817, %swap3A_1818] {strides = array<i32>} : memref<3x512xf32, #tpu.memory_space<vmem>>, vector<16xf32>,
    tpu.vector_store %arg11[%swap3A_1817, %swap3A_1818], %add3A_1815 {strides = array<i32>} : memref<3x512xf32, #tpu.memory_space<vmem>>, vector<16xf32>,
    %get3A_1820 = arith.constant 1072 : index
    %get3A_1821 = tpu.vector_load %arg10[%get3A_1820] {strides = array<i32>} : memref<3072xf32, #tpu.memory_space<vmem>>, vector<16xf32>,
    %get3A_1822 = arith.constant 1200 : index
    %get3A_1823 = tpu.vector_load %arg10[%get3A_1822] {strides = array<i32>} : memref<3072xf32, #tpu.memory_space<vmem>>, vector<16xf32>,
    %get3A_1824 = arith.constant 1 : i32
    %get3A_1825 = arith.index_cast %get3A_1824 : i32 to index
    %get3A_1826 = arith.constant 176 : index
    %get3A_1827 = tpu.vector_load %arg6[%get3A_1825, %get3A_1826] {strides = array<i32>} : memref<3x512xf32, #tpu.memory_space<vmem>>, vector<16xf32>,
    %mul3A_1828 = arith.mulf %get3A_1801, %get3A_1821 : vector<16xf32>
    %add3A_1829 = arith.addf %get3A_1827, %mul3A_1828 : vector<16xf32>
    %mul3A_1830 = arith.mulf %get3A_1803, %get3A_1823 : vector<16xf32>
    %add3A_1831 = arith.addf %add3A_1829, %mul3A_1830 : vector<16xf32>
    %swap3A_1832 = arith.constant 1 : i32
    %swap3A_1833 = arith.index_cast %swap3A_1832 : i32 to index
    %swap3A_1834 = arith.constant 176 : index
    %swap3A_1835 = tpu.vector_load %arg11[%swap3A_1833, %swap3A_1834] {strides = array<i32>} : memref<3x512xf32, #tpu.memory_space<vmem>>, vector<16xf32>,
    tpu.vector_store %arg11[%swap3A_1833, %swap3A_1834], %add3A_1831 {strides = array<i32>} : memref<3x512xf32, #tpu.memory_space<vmem>>, vector<16xf32>,
    %get3A_1836 = arith.constant 1328 : index
    %get3A_1837 = tpu.vector_load %arg10[%get3A_1836] {strides = array<i32>} : memref<3072xf32, #tpu.memory_space<vmem>>, vector<16xf32>,
    %get3A_1838 = arith.constant 1456 : index
    %get3A_1839 = tpu.vector_load %arg10[%get3A_1838] {strides = array<i32>} : memref<3072xf32, #tpu.memory_space<vmem>>, vector<16xf32>,
    %get3A_1840 = arith.constant 2 : i32
    %get3A_1841 = arith.index_cast %get3A_1840 : i32 to index
    %get3A_1842 = arith.constant 176 : index
    %get3A_1843 = tpu.vector_load %arg6[%get3A_1841, %get3A_1842] {strides = array<i32>} : memref<3x512xf32, #tpu.memory_space<vmem>>, vector<16xf32>,
    %mul3A_1844 = arith.mulf %get3A_1801, %get3A_1837 : vector<16xf32>
    %add3A_1845 = arith.addf %get3A_1843, %mul3A_1844 : vector<16xf32>
    %mul3A_1846 = arith.mulf %get3A_1803, %get3A_1839 : vector<16xf32>
    %add3A_1847 = arith.addf %add3A_1845, %mul3A_1846 : vector<16xf32>
    %swap3A_1848 = arith.constant 2 : i32
    %swap3A_1849 = arith.index_cast %swap3A_1848 : i32 to index
    %swap3A_1850 = arith.constant 176 : index
    %swap3A_1851 = tpu.vector_load %arg11[%swap3A_1849, %swap3A_1850] {strides = array<i32>} : memref<3x512xf32, #tpu.memory_space<vmem>>, vector<16xf32>,
    tpu.vector_store %arg11[%swap3A_1849, %swap3A_1850], %add3A_1847 {strides = array<i32>} : memref<3x512xf32, #tpu.memory_space<vmem>>, vector<16xf32>,
    %get3A_1852 = arith.constant 192 : index
    %get3A_1853 = tpu.vector_load %arg7[%get3A_1852] {strides = array<i32>} : memref<512xf32, #tpu.memory_space<vmem>>, vector<16xf32>,
    %get3A_1854 = arith.constant 192 : index
    %get3A_1855 = tpu.vector_load %arg8[%get3A_1854] {strides = array<i32>} : memref<512xf32, #tpu.memory_space<vmem>>, vector<16xf32>,
    %get3A_1856 = arith.constant 832 : index
    %get3A_1857 = tpu.vector_load %arg10[%get3A_1856] {strides = array<i32>} : memref<3072xf32, #tpu.memory_space<vmem>>, vector<16xf32>,
    %get3A_1858 = arith.constant 960 : index
    %get3A_1859 = tpu.vector_load %arg10[%get3A_1858] {strides = array<i32>} : memref<3072xf32, #tpu.memory_space<vmem>>, vector<16xf32>,
    %get3A_1860 = arith.constant 0 : i32
    %get3A_1861 = arith.index_cast %get3A_1860 : i32 to index
    %get3A_1862 = arith.constant 192 : index
    %get3A_1863 = tpu.vector_load %arg6[%get3A_1861, %get3A_1862] {strides = array<i32>} : memref<3x512xf32, #tpu.memory_space<vmem>>, vector<16xf32>,
    %mul3A_1864 = arith.mulf %get3A_1853, %get3A_1857 : vector<16xf32>
    %add3A_1865 = arith.addf %get3A_1863, %mul3A_1864 : vector<16xf32>
    %mul3A_1866 = arith.mulf %get3A_1855, %get3A_1859 : vector<16xf32>
    %add3A_1867 = arith.addf %add3A_1865, %mul3A_1866 : vector<16xf32>
    %swap3A_1868 = arith.constant 0 : i32
    %swap3A_1869 = arith.index_cast %swap3A_1868 : i32 to index
    %swap3A_1870 = arith.constant 192 : index
    %swap3A_1871 = tpu.vector_load %arg11[%swap3A_1869, %swap3A_1870] {strides = array<i32>} : memref<3x512xf32, #tpu.memory_space<vmem>>, vector<16xf32>,
    tpu.vector_store %arg11[%swap3A_1869, %swap3A_1870], %add3A_1867 {strides = array<i32>} : memref<3x512xf32, #tpu.memory_space<vmem>>, vector<16xf32>,
    %get3A_1872 = arith.constant 1088 : index
    %get3A_1873 = tpu.vector_load %arg10[%get3A_1872] {strides = array<i32>} : memref<3072xf32, #tpu.memory_space<vmem>>, vector<16xf32>,
    %get3A_1874 = arith.constant 1216 : index
    %get3A_1875 = tpu.vector_load %arg10[%get3A_1874] {strides = array<i32>} : memref<3072xf32, #tpu.memory_space<vmem>>, vector<16xf32>,
    %get3A_1876 = arith.constant 1 : i32
    %get3A_1877 = arith.index_cast %get3A_1876 : i32 to index
    %get3A_1878 = arith.constant 192 : index
    %get3A_1879 = tpu.vector_load %arg6[%get3A_1877, %get3A_1878] {strides = array<i32>} : memref<3x512xf32, #tpu.memory_space<vmem>>, vector<16xf32>,
    %mul3A_1880 = arith.mulf %get3A_1853, %get3A_1873 : vector<16xf32>
    %add3A_1881 = arith.addf %get3A_1879, %mul3A_1880 : vector<16xf32>
    %mul3A_1882 = arith.mulf %get3A_1855, %get3A_1875 : vector<16xf32>
    %add3A_1883 = arith.addf %add3A_1881, %mul3A_1882 : vector<16xf32>
    %swap3A_1884 = arith.constant 1 : i32
    %swap3A_1885 = arith.index_cast %swap3A_1884 : i32 to index
    %swap3A_1886 = arith.constant 192 : index
    %swap3A_1887 = tpu.vector_load %arg11[%swap3A_1885, %swap3A_1886] {strides = array<i32>} : memref<3x512xf32, #tpu.memory_space<vmem>>, vector<16xf32>,
    tpu.vector_store %arg11[%swap3A_1885, %swap3A_1886], %add3A_1883 {strides = array<i32>} : memref<3x512xf32, #tpu.memory_space<vmem>>, vector<16xf32>,
    %get3A_1888 = arith.constant 1344 : index
    %get3A_1889 = tpu.vector_load %arg10[%get3A_1888] {strides = array<i32>} : memref<3072xf32, #tpu.memory_space<vmem>>, vector<16xf32>,
    %get3A_1890 = arith.constant 1472 : index
    %get3A_1891 = tpu.vector_load %arg10[%get3A_1890] {strides = array<i32>} : memref<3072xf32, #tpu.memory_space<vmem>>, vector<16xf32>,
    %get3A_1892 = arith.constant 2 : i32
    %get3A_1893 = arith.index_cast %get3A_1892 : i32 to index
    %get3A_1894 = arith.constant 192 : index
    %get3A_1895 = tpu.vector_load %arg6[%get3A_1893, %get3A_1894] {strides = array<i32>} : memref<3x512xf32, #tpu.memory_space<vmem>>, vector<16xf32>,
    %mul3A_1896 = arith.mulf %get3A_1853, %get3A_1889 : vector<16xf32>
    %add3A_1897 = arith.addf %get3A_1895, %mul3A_1896 : vector<16xf32>
    %mul3A_1898 = arith.mulf %get3A_1855, %get3A_1891 : vector<16xf32>
    %add3A_1899 = arith.addf %add3A_1897, %mul3A_1898 : vector<16xf32>
    %swap3A_1900 = arith.constant 2 : i32
    %swap3A_1901 = arith.index_cast %swap3A_1900 : i32 to index
    %swap3A_1902 = arith.constant 192 : index
    %swap3A_1903 = tpu.vector_load %arg11[%swap3A_1901, %swap3A_1902] {strides = array<i32>} : memref<3x512xf32, #tpu.memory_space<vmem>>, vector<16xf32>,
    tpu.vector_store %arg11[%swap3A_1901, %swap3A_1902], %add3A_1899 {strides = array<i32>} : memref<3x512xf32, #tpu.memory_space<vmem>>, vector<16xf32>,
    %get3A_1904 = arith.constant 208 : index
    %get3A_1905 = tpu.vector_load %arg7[%get3A_1904] {strides = array<i32>} : memref<512xf32, #tpu.memory_space<vmem>>, vector<16xf32>,
    %get3A_1906 = arith.constant 208 : index
    %get3A_1907 = tpu.vector_load %arg8[%get3A_1906] {strides = array<i32>} : memref<512xf32, #tpu.memory_space<vmem>>, vector<16xf32>,
    %get3A_1908 = arith.constant 848 : index
    %get3A_1909 = tpu.vector_load %arg10[%get3A_1908] {strides = array<i32>} : memref<3072xf32, #tpu.memory_space<vmem>>, vector<16xf32>,
    %get3A_1910 = arith.constant 976 : index
    %get3A_1911 = tpu.vector_load %arg10[%get3A_1910] {strides = array<i32>} : memref<3072xf32, #tpu.memory_space<vmem>>, vector<16xf32>,
    %get3A_1912 = arith.constant 0 : i32
    %get3A_1913 = arith.index_cast %get3A_1912 : i32 to index
    %get3A_1914 = arith.constant 208 : index
    %get3A_1915 = tpu.vector_load %arg6[%get3A_1913, %get3A_1914] {strides = array<i32>} : memref<3x512xf32, #tpu.memory_space<vmem>>, vector<16xf32>,
    %mul3A_1916 = arith.mulf %get3A_1905, %get3A_1909 : vector<16xf32>
    %add3A_1917 = arith.addf %get3A_1915, %mul3A_1916 : vector<16xf32>
    %mul3A_1918 = arith.mulf %get3A_1907, %get3A_1911 : vector<16xf32>
    %add3A_1919 = arith.addf %add3A_1917, %mul3A_1918 : vector<16xf32>
    %swap3A_1920 = arith.constant 0 : i32
    %swap3A_1921 = arith.index_cast %swap3A_1920 : i32 to index
    %swap3A_1922 = arith.constant 208 : index
    %swap3A_1923 = tpu.vector_load %arg11[%swap3A_1921, %swap3A_1922] {strides = array<i32>} : memref<3x512xf32, #tpu.memory_space<vmem>>, vector<16xf32>,
    tpu.vector_store %arg11[%swap3A_1921, %swap3A_1922], %add3A_1919 {strides = array<i32>} : memref<3x512xf32, #tpu.memory_space<vmem>>, vector<16xf32>,
    %get3A_1924 = arith.constant 1104 : index
    %get3A_1925 = tpu.vector_load %arg10[%get3A_1924] {strides = array<i32>} : memref<3072xf32, #tpu.memory_space<vmem>>, vector<16xf32>,
    %get3A_1926 = arith.constant 1232 : index
    %get3A_1927 = tpu.vector_load %arg10[%get3A_1926] {strides = array<i32>} : memref<3072xf32, #tpu.memory_space<vmem>>, vector<16xf32>,
    %get3A_1928 = arith.constant 1 : i32
    %get3A_1929 = arith.index_cast %get3A_1928 : i32 to index
    %get3A_1930 = arith.constant 208 : index
    %get3A_1931 = tpu.vector_load %arg6[%get3A_1929, %get3A_1930] {strides = array<i32>} : memref<3x512xf32, #tpu.memory_space<vmem>>, vector<16xf32>,
    %mul3A_1932 = arith.mulf %get3A_1905, %get3A_1925 : vector<16xf32>
    %add3A_1933 = arith.addf %get3A_1931, %mul3A_1932 : vector<16xf32>
    %mul3A_1934 = arith.mulf %get3A_1907, %get3A_1927 : vector<16xf32>
    %add3A_1935 = arith.addf %add3A_1933, %mul3A_1934 : vector<16xf32>
    %swap3A_1936 = arith.constant 1 : i32
    %swap3A_1937 = arith.index_cast %swap3A_1936 : i32 to index
    %swap3A_1938 = arith.constant 208 : index
    %swap3A_1939 = tpu.vector_load %arg11[%swap3A_1937, %swap3A_1938] {strides = array<i32>} : memref<3x512xf32, #tpu.memory_space<vmem>>, vector<16xf32>,
    tpu.vector_store %arg11[%swap3A_1937, %swap3A_1938], %add3A_1935 {strides = array<i32>} : memref<3x512xf32, #tpu.memory_space<vmem>>, vector<16xf32>,
    %get3A_1940 = arith.constant 1360 : index
    %get3A_1941 = tpu.vector_load %arg10[%get3A_1940] {strides = array<i32>} : memref<3072xf32, #tpu.memory_space<vmem>>, vector<16xf32>,
    %get3A_1942 = arith.constant 1488 : index
    %get3A_1943 = tpu.vector_load %arg10[%get3A_1942] {strides = array<i32>} : memref<3072xf32, #tpu.memory_space<vmem>>, vector<16xf32>,
    %get3A_1944 = arith.constant 2 : i32
    %get3A_1945 = arith.index_cast %get3A_1944 : i32 to index
    %get3A_1946 = arith.constant 208 : index
    %get3A_1947 = tpu.vector_load %arg6[%get3A_1945, %get3A_1946] {strides = array<i32>} : memref<3x512xf32, #tpu.memory_space<vmem>>, vector<16xf32>,
    %mul3A_1948 = arith.mulf %get3A_1905, %get3A_1941 : vector<16xf32>
    %add3A_1949 = arith.addf %get3A_1947, %mul3A_1948 : vector<16xf32>
    %mul3A_1950 = arith.mulf %get3A_1907, %get3A_1943 : vector<16xf32>
    %add3A_1951 = arith.addf %add3A_1949, %mul3A_1950 : vector<16xf32>
    %swap3A_1952 = arith.constant 2 : i32
    %swap3A_1953 = arith.index_cast %swap3A_1952 : i32 to index
    %swap3A_1954 = arith.constant 208 : index
    %swap3A_1955 = tpu.vector_load %arg11[%swap3A_1953, %swap3A_1954] {strides = array<i32>} : memref<3x512xf32, #tpu.memory_space<vmem>>, vector<16xf32>,
    tpu.vector_store %arg11[%swap3A_1953, %swap3A_1954], %add3A_1951 {strides = array<i32>} : memref<3x512xf32, #tpu.memory_space<vmem>>, vector<16xf32>,
    %get3A_1956 = arith.constant 224 : index
    %get3A_1957 = tpu.vector_load %arg7[%get3A_1956] {strides = array<i32>} : memref<512xf32, #tpu.memory_space<vmem>>, vector<16xf32>,
    %get3A_1958 = arith.constant 224 : index
    %get3A_1959 = tpu.vector_load %arg8[%get3A_1958] {strides = array<i32>} : memref<512xf32, #tpu.memory_space<vmem>>, vector<16xf32>,
    %get3A_1960 = arith.constant 864 : index
    %get3A_1961 = tpu.vector_load %arg10[%get3A_1960] {strides = array<i32>} : memref<3072xf32, #tpu.memory_space<vmem>>, vector<16xf32>,
    %get3A_1962 = arith.constant 992 : index
    %get3A_1963 = tpu.vector_load %arg10[%get3A_1962] {strides = array<i32>} : memref<3072xf32, #tpu.memory_space<vmem>>, vector<16xf32>,
    %get3A_1964 = arith.constant 0 : i32
    %get3A_1965 = arith.index_cast %get3A_1964 : i32 to index
    %get3A_1966 = arith.constant 224 : index
    %get3A_1967 = tpu.vector_load %arg6[%get3A_1965, %get3A_1966] {strides = array<i32>} : memref<3x512xf32, #tpu.memory_space<vmem>>, vector<16xf32>,
    %mul3A_1968 = arith.mulf %get3A_1957, %get3A_1961 : vector<16xf32>
    %add3A_1969 = arith.addf %get3A_1967, %mul3A_1968 : vector<16xf32>
    %mul3A_1970 = arith.mulf %get3A_1959, %get3A_1963 : vector<16xf32>
    %add3A_1971 = arith.addf %add3A_1969, %mul3A_1970 : vector<16xf32>
    %swap3A_1972 = arith.constant 0 : i32
    %swap3A_1973 = arith.index_cast %swap3A_1972 : i32 to index
    %swap3A_1974 = arith.constant 224 : index
    %swap3A_1975 = tpu.vector_load %arg11[%swap3A_1973, %swap3A_1974] {strides = array<i32>} : memref<3x512xf32, #tpu.memory_space<vmem>>, vector<16xf32>,
    tpu.vector_store %arg11[%swap3A_1973, %swap3A_1974], %add3A_1971 {strides = array<i32>} : memref<3x512xf32, #tpu.memory_space<vmem>>, vector<16xf32>,
    %get3A_1976 = arith.constant 1120 : index
    %get3A_1977 = tpu.vector_load %arg10[%get3A_1976] {strides = array<i32>} : memref<3072xf32, #tpu.memory_space<vmem>>, vector<16xf32>,
    %get3A_1978 = arith.constant 1248 : index
    %get3A_1979 = tpu.vector_load %arg10[%get3A_1978] {strides = array<i32>} : memref<3072xf32, #tpu.memory_space<vmem>>, vector<16xf32>,
    %get3A_1980 = arith.constant 1 : i32
    %get3A_1981 = arith.index_cast %get3A_1980 : i32 to index
    %get3A_1982 = arith.constant 224 : index
    %get3A_1983 = tpu.vector_load %arg6[%get3A_1981, %get3A_1982] {strides = array<i32>} : memref<3x512xf32, #tpu.memory_space<vmem>>, vector<16xf32>,
    %mul3A_1984 = arith.mulf %get3A_1957, %get3A_1977 : vector<16xf32>
    %add3A_1985 = arith.addf %get3A_1983, %mul3A_1984 : vector<16xf32>
    %mul3A_1986 = arith.mulf %get3A_1959, %get3A_1979 : vector<16xf32>
    %add3A_1987 = arith.addf %add3A_1985, %mul3A_1986 : vector<16xf32>
    %swap3A_1988 = arith.constant 1 : i32
    %swap3A_1989 = arith.index_cast %swap3A_1988 : i32 to index
    %swap3A_1990 = arith.constant 224 : index
    %swap3A_1991 = tpu.vector_load %arg11[%swap3A_1989, %swap3A_1990] {strides = array<i32>} : memref<3x512xf32, #tpu.memory_space<vmem>>, vector<16xf32>,
    tpu.vector_store %arg11[%swap3A_1989, %swap3A_1990], %add3A_1987 {strides = array<i32>} : memref<3x512xf32, #tpu.memory_space<vmem>>, vector<16xf32>,
    %get3A_1992 = arith.constant 1376 : index
    %get3A_1993 = tpu.vector_load %arg10[%get3A_1992] {strides = array<i32>} : memref<3072xf32, #tpu.memory_space<vmem>>, vector<16xf32>,
    %get3A_1994 = arith.constant 1504 : index
    %get3A_1995 = tpu.vector_load %arg10[%get3A_1994] {strides = array<i32>} : memref<3072xf32, #tpu.memory_space<vmem>>, vector<16xf32>,
    %get3A_1996 = arith.constant 2 : i32
    %get3A_1997 = arith.index_cast %get3A_1996 : i32 to index
    %get3A_1998 = arith.constant 224 : index
    %get3A_1999 = tpu.vector_load %arg6[%get3A_1997, %get3A_1998] {strides = array<i32>} : memref<3x512xf32, #tpu.memory_space<vmem>>, vector<16xf32>,
    %mul3A_2000 = arith.mulf %get3A_1957, %get3A_1993 : vector<16xf32>
    %add3A_2001 = arith.addf %get3A_1999, %mul3A_2000 : vector<16xf32>
    %mul3A_2002 = arith.mulf %get3A_1959, %get3A_1995 : vector<16xf32>
    %add3A_2003 = arith.addf %add3A_2001, %mul3A_2002 : vector<16xf32>
    %swap3A_2004 = arith.constant 2 : i32
    %swap3A_2005 = arith.index_cast %swap3A_2004 : i32 to index
    %swap3A_2006 = arith.constant 224 : index
    %swap3A_2007 = tpu.vector_load %arg11[%swap3A_2005, %swap3A_2006] {strides = array<i32>} : memref<3x512xf32, #tpu.memory_space<vmem>>, vector<16xf32>,
    tpu.vector_store %arg11[%swap3A_2005, %swap3A_2006], %add3A_2003 {strides = array<i32>} : memref<3x512xf32, #tpu.memory_space<vmem>>, vector<16xf32>,
    %get3A_2008 = arith.constant 240 : index
    %get3A_2009 = tpu.vector_load %arg7[%get3A_2008] {strides = array<i32>} : memref<512xf32, #tpu.memory_space<vmem>>, vector<16xf32>,
    %get3A_2010 = arith.constant 240 : index
    %get3A_2011 = tpu.vector_load %arg8[%get3A_2010] {strides = array<i32>} : memref<512xf32, #tpu.memory_space<vmem>>, vector<16xf32>,
    %get3A_2012 = arith.constant 880 : index
    %get3A_2013 = tpu.vector_load %arg10[%get3A_2012] {strides = array<i32>} : memref<3072xf32, #tpu.memory_space<vmem>>, vector<16xf32>,
    %get3A_2014 = arith.constant 1008 : index
    %get3A_2015 = tpu.vector_load %arg10[%get3A_2014] {strides = array<i32>} : memref<3072xf32, #tpu.memory_space<vmem>>, vector<16xf32>,
    %get3A_2016 = arith.constant 0 : i32
    %get3A_2017 = arith.index_cast %get3A_2016 : i32 to index
    %get3A_2018 = arith.constant 240 : index
    %get3A_2019 = tpu.vector_load %arg6[%get3A_2017, %get3A_2018] {strides = array<i32>} : memref<3x512xf32, #tpu.memory_space<vmem>>, vector<16xf32>,
    %mul3A_2020 = arith.mulf %get3A_2009, %get3A_2013 : vector<16xf32>
    %add3A_2021 = arith.addf %get3A_2019, %mul3A_2020 : vector<16xf32>
    %mul3A_2022 = arith.mulf %get3A_2011, %get3A_2015 : vector<16xf32>
    %add3A_2023 = arith.addf %add3A_2021, %mul3A_2022 : vector<16xf32>
    %swap3A_2024 = arith.constant 0 : i32
    %swap3A_2025 = arith.index_cast %swap3A_2024 : i32 to index
    %swap3A_2026 = arith.constant 240 : index
    %swap3A_2027 = tpu.vector_load %arg11[%swap3A_2025, %swap3A_2026] {strides = array<i32>} : memref<3x512xf32, #tpu.memory_space<vmem>>, vector<16xf32>,
    tpu.vector_store %arg11[%swap3A_2025, %swap3A_2026], %add3A_2023 {strides = array<i32>} : memref<3x512xf32, #tpu.memory_space<vmem>>, vector<16xf32>,
    %get3A_2028 = arith.constant 1136 : index
    %get3A_2029 = tpu.vector_load %arg10[%get3A_2028] {strides = array<i32>} : memref<3072xf32, #tpu.memory_space<vmem>>, vector<16xf32>,
    %get3A_2030 = arith.constant 1264 : index
    %get3A_2031 = tpu.vector_load %arg10[%get3A_2030] {strides = array<i32>} : memref<3072xf32, #tpu.memory_space<vmem>>, vector<16xf32>,
    %get3A_2032 = arith.constant 1 : i32
    %get3A_2033 = arith.index_cast %get3A_2032 : i32 to index
    %get3A_2034 = arith.constant 240 : index
    %get3A_2035 = tpu.vector_load %arg6[%get3A_2033, %get3A_2034] {strides = array<i32>} : memref<3x512xf32, #tpu.memory_space<vmem>>, vector<16xf32>,
    %mul3A_2036 = arith.mulf %get3A_2009, %get3A_2029 : vector<16xf32>
    %add3A_2037 = arith.addf %get3A_2035, %mul3A_2036 : vector<16xf32>
    %mul3A_2038 = arith.mulf %get3A_2011, %get3A_2031 : vector<16xf32>
    %add3A_2039 = arith.addf %add3A_2037, %mul3A_2038 : vector<16xf32>
    %swap3A_2040 = arith.constant 1 : i32
    %swap3A_2041 = arith.index_cast %swap3A_2040 : i32 to index
    %swap3A_2042 = arith.constant 240 : index
    %swap3A_2043 = tpu.vector_load %arg11[%swap3A_2041, %swap3A_2042] {strides = array<i32>} : memref<3x512xf32, #tpu.memory_space<vmem>>, vector<16xf32>,
    tpu.vector_store %arg11[%swap3A_2041, %swap3A_2042], %add3A_2039 {strides = array<i32>} : memref<3x512xf32, #tpu.memory_space<vmem>>, vector<16xf32>,
    %get3A_2044 = arith.constant 1392 : index
    %get3A_2045 = tpu.vector_load %arg10[%get3A_2044] {strides = array<i32>} : memref<3072xf32, #tpu.memory_space<vmem>>, vector<16xf32>,
    %get3A_2046 = arith.constant 1520 : index
    %get3A_2047 = tpu.vector_load %arg10[%get3A_2046] {strides = array<i32>} : memref<3072xf32, #tpu.memory_space<vmem>>, vector<16xf32>,
    %get3A_2048 = arith.constant 2 : i32
    %get3A_2049 = arith.index_cast %get3A_2048 : i32 to index
    %get3A_2050 = arith.constant 240 : index
    %get3A_2051 = tpu.vector_load %arg6[%get3A_2049, %get3A_2050] {strides = array<i32>} : memref<3x512xf32, #tpu.memory_space<vmem>>, vector<16xf32>,
    %mul3A_2052 = arith.mulf %get3A_2009, %get3A_2045 : vector<16xf32>
    %add3A_2053 = arith.addf %get3A_2051, %mul3A_2052 : vector<16xf32>
    %mul3A_2054 = arith.mulf %get3A_2011, %get3A_2047 : vector<16xf32>
    %add3A_2055 = arith.addf %add3A_2053, %mul3A_2054 : vector<16xf32>
    %swap3A_2056 = arith.constant 2 : i32
    %swap3A_2057 = arith.index_cast %swap3A_2056 : i32 to index
    %swap3A_2058 = arith.constant 240 : index
    %swap3A_2059 = tpu.vector_load %arg11[%swap3A_2057, %swap3A_2058] {strides = array<i32>} : memref<3x512xf32, #tpu.memory_space<vmem>>, vector<16xf32>,
    tpu.vector_store %arg11[%swap3A_2057, %swap3A_2058], %add3A_2055 {strides = array<i32>} : memref<3x512xf32, #tpu.memory_space<vmem>>, vector<16xf32>,
    %add3A_2060 = arith.constant 0 : i32
    %add3A_2061 = arith.addi %add3A_2060, %mul3A_2 : i32
    %add3A_2062 = arith.constant 128 : i32
    %add3A_2063 = arith.addi %add3A_2061, %add3A_2062 : i32
    %dma_start3A_2064 = arith.constant 0 : i32
    %dma_start3A_2065 = arith.constant 128 : i32
    %dma_start3A_2066 = tpu.memref_slice %arg11[%dma_start3A_2064, %dma_start3A_2065] : memref<3x512xf32, #tpu.memory_space<vmem>> -> memref<1x128xf32, #tpu.memory_space<vmem>>
    %dma_start3A_2067 = tpu.memref_squeeze %dma_start3A_2066 : memref<1x128xf32, #tpu.memory_space<vmem>> -> memref<128xf32, #tpu.memory_space<vmem>>
    %dma_start3A_2068 = tpu.memref_slice %arg4[%add3A_2063] : memref<49152xf32, #tpu.memory_space<hbm>> -> memref<128xf32, #tpu.memory_space<hbm>>
    %dma_start3A_2069 = tpu.memref_slice %arg4[%add3A_2063] : memref<49152xf32, #tpu.memory_space<hbm>> -> memref<128xf32, #tpu.memory_space<hbm>>
    %dma_start3A_2070 = arith.constant 128 : i32
    %dma_start3A_2071 = tpu.memref_slice %arg11[%dma_start3A_2064, %dma_start3A_2070] : memref<3x512xf32, #tpu.memory_space<vmem>> -> memref<1x128xf32, #tpu.memory_space<vmem>>
    %dma_start3A_2072 = tpu.memref_squeeze %dma_start3A_2071 : memref<1x128xf32, #tpu.memory_space<vmem>> -> memref<128xf32, #tpu.memory_space<vmem>>
    tpu.enqueue_dma source(%dma_start3A_2072 : memref<128xf32, #tpu.memory_space<vmem>>) target(%dma_start3A_2069 : memref<128xf32, #tpu.memory_space<hbm>>) target_semaphore(%arg14 : memref<!tpu.dma_semaphore, #tpu.memory_space<semaphore_mem>>)
    %add3A_2073 = arith.constant 16384 : i32
    %add3A_2074 = arith.addi %add3A_2073, %mul3A_2 : i32
    %add3A_2075 = arith.constant 128 : i32
    %add3A_2076 = arith.addi %add3A_2074, %add3A_2075 : i32
    %dma_start3A_2077 = arith.constant 1 : i32
    %dma_start3A_2078 = arith.constant 128 : i32
    %dma_start3A_2079 = tpu.memref_slice %arg11[%dma_start3A_2077, %dma_start3A_2078] : memref<3x512xf32, #tpu.memory_space<vmem>> -> memref<1x128xf32, #tpu.memory_space<vmem>>
    %dma_start3A_2080 = tpu.memref_squeeze %dma_start3A_2079 : memref<1x128xf32, #tpu.memory_space<vmem>> -> memref<128xf32, #tpu.memory_space<vmem>>
    %dma_start3A_2081 = tpu.memref_slice %arg4[%add3A_2076] : memref<49152xf32, #tpu.memory_space<hbm>> -> memref<128xf32, #tpu.memory_space<hbm>>
    %dma_start3A_2082 = tpu.memref_slice %arg4[%add3A_2076] : memref<49152xf32, #tpu.memory_space<hbm>> -> memref<128xf32, #tpu.memory_space<hbm>>
    %dma_start3A_2083 = arith.constant 128 : i32
    %dma_start3A_2084 = tpu.memref_slice %arg11[%dma_start3A_2077, %dma_start3A_2083] : memref<3x512xf32, #tpu.memory_space<vmem>> -> memref<1x128xf32, #tpu.memory_space<vmem>>
    %dma_start3A_2085 = tpu.memref_squeeze %dma_start3A_2084 : memref<1x128xf32, #tpu.memory_space<vmem>> -> memref<128xf32, #tpu.memory_space<vmem>>
    tpu.enqueue_dma source(%dma_start3A_2085 : memref<128xf32, #tpu.memory_space<vmem>>) target(%dma_start3A_2082 : memref<128xf32, #tpu.memory_space<hbm>>) target_semaphore(%arg14 : memref<!tpu.dma_semaphore, #tpu.memory_space<semaphore_mem>>)
    %add3A_2086 = arith.constant 32768 : i32
    %add3A_2087 = arith.addi %add3A_2086, %mul3A_2 : i32
    %add3A_2088 = arith.constant 128 : i32
    %add3A_2089 = arith.addi %add3A_2087, %add3A_2088 : i32
    %dma_start3A_2090 = arith.constant 2 : i32
    %dma_start3A_2091 = arith.constant 128 : i32
    %dma_start3A_2092 = tpu.memref_slice %arg11[%dma_start3A_2090, %dma_start3A_2091] : memref<3x512xf32, #tpu.memory_space<vmem>> -> memref<1x128xf32, #tpu.memory_space<vmem>>
    %dma_start3A_2093 = tpu.memref_squeeze %dma_start3A_2092 : memref<1x128xf32, #tpu.memory_space<vmem>> -> memref<128xf32, #tpu.memory_space<vmem>>
    %dma_start3A_2094 = tpu.memref_slice %arg4[%add3A_2089] : memref<49152xf32, #tpu.memory_space<hbm>> -> memref<128xf32, #tpu.memory_space<hbm>>
    %dma_start3A_2095 = tpu.memref_slice %arg4[%add3A_2089] : memref<49152xf32, #tpu.memory_space<hbm>> -> memref<128xf32, #tpu.memory_space<hbm>>
    %dma_start3A_2096 = arith.constant 128 : i32
    %dma_start3A_2097 = tpu.memref_slice %arg11[%dma_start3A_2090, %dma_start3A_2096] : memref<3x512xf32, #tpu.memory_space<vmem>> -> memref<1x128xf32, #tpu.memory_space<vmem>>
    %dma_start3A_2098 = tpu.memref_squeeze %dma_start3A_2097 : memref<1x128xf32, #tpu.memory_space<vmem>> -> memref<128xf32, #tpu.memory_space<vmem>>
    tpu.enqueue_dma source(%dma_start3A_2098 : memref<128xf32, #tpu.memory_space<vmem>>) target(%dma_start3A_2095 : memref<128xf32, #tpu.memory_space<hbm>>) target_semaphore(%arg14 : memref<!tpu.dma_semaphore, #tpu.memory_space<semaphore_mem>>)
    %dma_wait3A_2099 = arith.constant 1536 : i32
    %dma_wait3A_2100 = tpu.memref_slice %arg10[%dma_wait3A_2099] : memref<3072xf32, #tpu.memory_space<vmem>> -> memref<768xf32, #tpu.memory_space<vmem>>
    %dma_wait3A_2101 = arith.constant 1536 : i32
    %dma_wait3A_2102 = tpu.memref_slice %arg9[%dma_wait3A_2101] : memref<3072xi32, #tpu.memory_space<vmem>> -> memref<768xi32, #tpu.memory_space<vmem>>
    %dma_wait3A_2103 = arith.constant 0 : i32
    %dma_wait3A_2104 = tpu.memref_slice %arg2[%dma_wait3A_2103] : memref<349152xf32, #tpu.memory_space<hbm>> -> memref<349152xf32, #tpu.memory_space<hbm>>
    tpu.wait_indirect_dma semaphore(%arg17 : memref<!tpu.dma_semaphore, #tpu.memory_space<semaphore_mem>>) src(%dma_wait3A_2104 : memref<349152xf32, #tpu.memory_space<hbm>>) dst(%dma_wait3A_2100 : memref<768xf32, #tpu.memory_space<vmem>>)
    %get3A_2105 = arith.constant 256 : index
    %get3A_2106 = tpu.vector_load %arg7[%get3A_2105] {strides = array<i32>} : memref<512xf32, #tpu.memory_space<vmem>>, vector<16xf32>,
    %get3A_2107 = arith.constant 256 : index
    %get3A_2108 = tpu.vector_load %arg8[%get3A_2107] {strides = array<i32>} : memref<512xf32, #tpu.memory_space<vmem>>, vector<16xf32>,
    %get3A_2109 = arith.constant 1536 : index
    %get3A_2110 = tpu.vector_load %arg10[%get3A_2109] {strides = array<i32>} : memref<3072xf32, #tpu.memory_space<vmem>>, vector<16xf32>,
    %get3A_2111 = arith.constant 1664 : index
    %get3A_2112 = tpu.vector_load %arg10[%get3A_2111] {strides = array<i32>} : memref<3072xf32, #tpu.memory_space<vmem>>, vector<16xf32>,
    %get3A_2113 = arith.constant 0 : i32
    %get3A_2114 = arith.index_cast %get3A_2113 : i32 to index
    %get3A_2115 = arith.constant 256 : index
    %get3A_2116 = tpu.vector_load %arg6[%get3A_2114, %get3A_2115] {strides = array<i32>} : memref<3x512xf32, #tpu.memory_space<vmem>>, vector<16xf32>,
    %mul3A_2117 = arith.mulf %get3A_2106, %get3A_2110 : vector<16xf32>
    %add3A_2118 = arith.addf %get3A_2116, %mul3A_2117 : vector<16xf32>
    %mul3A_2119 = arith.mulf %get3A_2108, %get3A_2112 : vector<16xf32>
    %add3A_2120 = arith.addf %add3A_2118, %mul3A_2119 : vector<16xf32>
    %swap3A_2121 = arith.constant 0 : i32
    %swap3A_2122 = arith.index_cast %swap3A_2121 : i32 to index
    %swap3A_2123 = arith.constant 256 : index
    %swap3A_2124 = tpu.vector_load %arg11[%swap3A_2122, %swap3A_2123] {strides = array<i32>} : memref<3x512xf32, #tpu.memory_space<vmem>>, vector<16xf32>,
    tpu.vector_store %arg11[%swap3A_2122, %swap3A_2123], %add3A_2120 {strides = array<i32>} : memref<3x512xf32, #tpu.memory_space<vmem>>, vector<16xf32>,
    %get3A_2125 = arith.constant 1792 : index
    %get3A_2126 = tpu.vector_load %arg10[%get3A_2125] {strides = array<i32>} : memref<3072xf32, #tpu.memory_space<vmem>>, vector<16xf32>,
    %get3A_2127 = arith.constant 1920 : index
    %get3A_2128 = tpu.vector_load %arg10[%get3A_2127] {strides = array<i32>} : memref<3072xf32, #tpu.memory_space<vmem>>, vector<16xf32>,
    %get3A_2129 = arith.constant 1 : i32
    %get3A_2130 = arith.index_cast %get3A_2129 : i32 to index
    %get3A_2131 = arith.constant 256 : index
    %get3A_2132 = tpu.vector_load %arg6[%get3A_2130, %get3A_2131] {strides = array<i32>} : memref<3x512xf32, #tpu.memory_space<vmem>>, vector<16xf32>,
    %mul3A_2133 = arith.mulf %get3A_2106, %get3A_2126 : vector<16xf32>
    %add3A_2134 = arith.addf %get3A_2132, %mul3A_2133 : vector<16xf32>
    %mul3A_2135 = arith.mulf %get3A_2108, %get3A_2128 : vector<16xf32>
    %add3A_2136 = arith.addf %add3A_2134, %mul3A_2135 : vector<16xf32>
    %swap3A_2137 = arith.constant 1 : i32
    %swap3A_2138 = arith.index_cast %swap3A_2137 : i32 to index
    %swap3A_2139 = arith.constant 256 : index
    %swap3A_2140 = tpu.vector_load %arg11[%swap3A_2138, %swap3A_2139] {strides = array<i32>} : memref<3x512xf32, #tpu.memory_space<vmem>>, vector<16xf32>,
    tpu.vector_store %arg11[%swap3A_2138, %swap3A_2139], %add3A_2136 {strides = array<i32>} : memref<3x512xf32, #tpu.memory_space<vmem>>, vector<16xf32>,
    %get3A_2141 = arith.constant 2048 : index
    %get3A_2142 = tpu.vector_load %arg10[%get3A_2141] {strides = array<i32>} : memref<3072xf32, #tpu.memory_space<vmem>>, vector<16xf32>,
    %get3A_2143 = arith.constant 2176 : index
    %get3A_2144 = tpu.vector_load %arg10[%get3A_2143] {strides = array<i32>} : memref<3072xf32, #tpu.memory_space<vmem>>, vector<16xf32>,
    %get3A_2145 = arith.constant 2 : i32
    %get3A_2146 = arith.index_cast %get3A_2145 : i32 to index
    %get3A_2147 = arith.constant 256 : index
    %get3A_2148 = tpu.vector_load %arg6[%get3A_2146, %get3A_2147] {strides = array<i32>} : memref<3x512xf32, #tpu.memory_space<vmem>>, vector<16xf32>,
    %mul3A_2149 = arith.mulf %get3A_2106, %get3A_2142 : vector<16xf32>
    %add3A_2150 = arith.addf %get3A_2148, %mul3A_2149 : vector<16xf32>
    %mul3A_2151 = arith.mulf %get3A_2108, %get3A_2144 : vector<16xf32>
    %add3A_2152 = arith.addf %add3A_2150, %mul3A_2151 : vector<16xf32>
    %swap3A_2153 = arith.constant 2 : i32
    %swap3A_2154 = arith.index_cast %swap3A_2153 : i32 to index
    %swap3A_2155 = arith.constant 256 : index
    %swap3A_2156 = tpu.vector_load %arg11[%swap3A_2154, %swap3A_2155] {strides = array<i32>} : memref<3x512xf32, #tpu.memory_space<vmem>>, vector<16xf32>,
    tpu.vector_store %arg11[%swap3A_2154, %swap3A_2155], %add3A_2152 {strides = array<i32>} : memref<3x512xf32, #tpu.memory_space<vmem>>, vector<16xf32>,
    %get3A_2157 = arith.constant 272 : index
    %get3A_2158 = tpu.vector_load %arg7[%get3A_2157] {strides = array<i32>} : memref<512xf32, #tpu.memory_space<vmem>>, vector<16xf32>,
    %get3A_2159 = arith.constant 272 : index
    %get3A_2160 = tpu.vector_load %arg8[%get3A_2159] {strides = array<i32>} : memref<512xf32, #tpu.memory_space<vmem>>, vector<16xf32>,
    %get3A_2161 = arith.constant 1552 : index
    %get3A_2162 = tpu.vector_load %arg10[%get3A_2161] {strides = array<i32>} : memref<3072xf32, #tpu.memory_space<vmem>>, vector<16xf32>,
    %get3A_2163 = arith.constant 1680 : index
    %get3A_2164 = tpu.vector_load %arg10[%get3A_2163] {strides = array<i32>} : memref<3072xf32, #tpu.memory_space<vmem>>, vector<16xf32>,
    %get3A_2165 = arith.constant 0 : i32
    %get3A_2166 = arith.index_cast %get3A_2165 : i32 to index
    %get3A_2167 = arith.constant 272 : index
    %get3A_2168 = tpu.vector_load %arg6[%get3A_2166, %get3A_2167] {strides = array<i32>} : memref<3x512xf32, #tpu.memory_space<vmem>>, vector<16xf32>,
    %mul3A_2169 = arith.mulf %get3A_2158, %get3A_2162 : vector<16xf32>
    %add3A_2170 = arith.addf %get3A_2168, %mul3A_2169 : vector<16xf32>
    %mul3A_2171 = arith.mulf %get3A_2160, %get3A_2164 : vector<16xf32>
    %add3A_2172 = arith.addf %add3A_2170, %mul3A_2171 : vector<16xf32>
    %swap3A_2173 = arith.constant 0 : i32
    %swap3A_2174 = arith.index_cast %swap3A_2173 : i32 to index
    %swap3A_2175 = arith.constant 272 : index
    %swap3A_2176 = tpu.vector_load %arg11[%swap3A_2174, %swap3A_2175] {strides = array<i32>} : memref<3x512xf32, #tpu.memory_space<vmem>>, vector<16xf32>,
    tpu.vector_store %arg11[%swap3A_2174, %swap3A_2175], %add3A_2172 {strides = array<i32>} : memref<3x512xf32, #tpu.memory_space<vmem>>, vector<16xf32>,
    %get3A_2177 = arith.constant 1808 : index
    %get3A_2178 = tpu.vector_load %arg10[%get3A_2177] {strides = array<i32>} : memref<3072xf32, #tpu.memory_space<vmem>>, vector<16xf32>,
    %get3A_2179 = arith.constant 1936 : index
    %get3A_2180 = tpu.vector_load %arg10[%get3A_2179] {strides = array<i32>} : memref<3072xf32, #tpu.memory_space<vmem>>, vector<16xf32>,
    %get3A_2181 = arith.constant 1 : i32
    %get3A_2182 = arith.index_cast %get3A_2181 : i32 to index
    %get3A_2183 = arith.constant 272 : index
    %get3A_2184 = tpu.vector_load %arg6[%get3A_2182, %get3A_2183] {strides = array<i32>} : memref<3x512xf32, #tpu.memory_space<vmem>>, vector<16xf32>,
    %mul3A_2185 = arith.mulf %get3A_2158, %get3A_2178 : vector<16xf32>
    %add3A_2186 = arith.addf %get3A_2184, %mul3A_2185 : vector<16xf32>
    %mul3A_2187 = arith.mulf %get3A_2160, %get3A_2180 : vector<16xf32>
    %add3A_2188 = arith.addf %add3A_2186, %mul3A_2187 : vector<16xf32>
    %swap3A_2189 = arith.constant 1 : i32
    %swap3A_2190 = arith.index_cast %swap3A_2189 : i32 to index
    %swap3A_2191 = arith.constant 272 : index
    %swap3A_2192 = tpu.vector_load %arg11[%swap3A_2190, %swap3A_2191] {strides = array<i32>} : memref<3x512xf32, #tpu.memory_space<vmem>>, vector<16xf32>,
    tpu.vector_store %arg11[%swap3A_2190, %swap3A_2191], %add3A_2188 {strides = array<i32>} : memref<3x512xf32, #tpu.memory_space<vmem>>, vector<16xf32>,
    %get3A_2193 = arith.constant 2064 : index
    %get3A_2194 = tpu.vector_load %arg10[%get3A_2193] {strides = array<i32>} : memref<3072xf32, #tpu.memory_space<vmem>>, vector<16xf32>,
    %get3A_2195 = arith.constant 2192 : index
    %get3A_2196 = tpu.vector_load %arg10[%get3A_2195] {strides = array<i32>} : memref<3072xf32, #tpu.memory_space<vmem>>, vector<16xf32>,
    %get3A_2197 = arith.constant 2 : i32
    %get3A_2198 = arith.index_cast %get3A_2197 : i32 to index
    %get3A_2199 = arith.constant 272 : index
    %get3A_2200 = tpu.vector_load %arg6[%get3A_2198, %get3A_2199] {strides = array<i32>} : memref<3x512xf32, #tpu.memory_space<vmem>>, vector<16xf32>,
    %mul3A_2201 = arith.mulf %get3A_2158, %get3A_2194 : vector<16xf32>
    %add3A_2202 = arith.addf %get3A_2200, %mul3A_2201 : vector<16xf32>
    %mul3A_2203 = arith.mulf %get3A_2160, %get3A_2196 : vector<16xf32>
    %add3A_2204 = arith.addf %add3A_2202, %mul3A_2203 : vector<16xf32>
    %swap3A_2205 = arith.constant 2 : i32
    %swap3A_2206 = arith.index_cast %swap3A_2205 : i32 to index
    %swap3A_2207 = arith.constant 272 : index
    %swap3A_2208 = tpu.vector_load %arg11[%swap3A_2206, %swap3A_2207] {strides = array<i32>} : memref<3x512xf32, #tpu.memory_space<vmem>>, vector<16xf32>,
    tpu.vector_store %arg11[%swap3A_2206, %swap3A_2207], %add3A_2204 {strides = array<i32>} : memref<3x512xf32, #tpu.memory_space<vmem>>, vector<16xf32>,
    %get3A_2209 = arith.constant 288 : index
    %get3A_2210 = tpu.vector_load %arg7[%get3A_2209] {strides = array<i32>} : memref<512xf32, #tpu.memory_space<vmem>>, vector<16xf32>,
    %get3A_2211 = arith.constant 288 : index
    %get3A_2212 = tpu.vector_load %arg8[%get3A_2211] {strides = array<i32>} : memref<512xf32, #tpu.memory_space<vmem>>, vector<16xf32>,
    %get3A_2213 = arith.constant 1568 : index
    %get3A_2214 = tpu.vector_load %arg10[%get3A_2213] {strides = array<i32>} : memref<3072xf32, #tpu.memory_space<vmem>>, vector<16xf32>,
    %get3A_2215 = arith.constant 1696 : index
    %get3A_2216 = tpu.vector_load %arg10[%get3A_2215] {strides = array<i32>} : memref<3072xf32, #tpu.memory_space<vmem>>, vector<16xf32>,
    %get3A_2217 = arith.constant 0 : i32
    %get3A_2218 = arith.index_cast %get3A_2217 : i32 to index
    %get3A_2219 = arith.constant 288 : index
    %get3A_2220 = tpu.vector_load %arg6[%get3A_2218, %get3A_2219] {strides = array<i32>} : memref<3x512xf32, #tpu.memory_space<vmem>>, vector<16xf32>,
    %mul3A_2221 = arith.mulf %get3A_2210, %get3A_2214 : vector<16xf32>
    %add3A_2222 = arith.addf %get3A_2220, %mul3A_2221 : vector<16xf32>
    %mul3A_2223 = arith.mulf %get3A_2212, %get3A_2216 : vector<16xf32>
    %add3A_2224 = arith.addf %add3A_2222, %mul3A_2223 : vector<16xf32>
    %swap3A_2225 = arith.constant 0 : i32
    %swap3A_2226 = arith.index_cast %swap3A_2225 : i32 to index
    %swap3A_2227 = arith.constant 288 : index
    %swap3A_2228 = tpu.vector_load %arg11[%swap3A_2226, %swap3A_2227] {strides = array<i32>} : memref<3x512xf32, #tpu.memory_space<vmem>>, vector<16xf32>,
    tpu.vector_store %arg11[%swap3A_2226, %swap3A_2227], %add3A_2224 {strides = array<i32>} : memref<3x512xf32, #tpu.memory_space<vmem>>, vector<16xf32>,
    %get3A_2229 = arith.constant 1824 : index
    %get3A_2230 = tpu.vector_load %arg10[%get3A_2229] {strides = array<i32>} : memref<3072xf32, #tpu.memory_space<vmem>>, vector<16xf32>,
    %get3A_2231 = arith.constant 1952 : index
    %get3A_2232 = tpu.vector_load %arg10[%get3A_2231] {strides = array<i32>} : memref<3072xf32, #tpu.memory_space<vmem>>, vector<16xf32>,
    %get3A_2233 = arith.constant 1 : i32
    %get3A_2234 = arith.index_cast %get3A_2233 : i32 to index
    %get3A_2235 = arith.constant 288 : index
    %get3A_2236 = tpu.vector_load %arg6[%get3A_2234, %get3A_2235] {strides = array<i32>} : memref<3x512xf32, #tpu.memory_space<vmem>>, vector<16xf32>,
    %mul3A_2237 = arith.mulf %get3A_2210, %get3A_2230 : vector<16xf32>
    %add3A_2238 = arith.addf %get3A_2236, %mul3A_2237 : vector<16xf32>
    %mul3A_2239 = arith.mulf %get3A_2212, %get3A_2232 : vector<16xf32>
    %add3A_2240 = arith.addf %add3A_2238, %mul3A_2239 : vector<16xf32>
    %swap3A_2241 = arith.constant 1 : i32
    %swap3A_2242 = arith.index_cast %swap3A_2241 : i32 to index
    %swap3A_2243 = arith.constant 288 : index
    %swap3A_2244 = tpu.vector_load %arg11[%swap3A_2242, %swap3A_2243] {strides = array<i32>} : memref<3x512xf32, #tpu.memory_space<vmem>>, vector<16xf32>,
    tpu.vector_store %arg11[%swap3A_2242, %swap3A_2243], %add3A_2240 {strides = array<i32>} : memref<3x512xf32, #tpu.memory_space<vmem>>, vector<16xf32>,
    %get3A_2245 = arith.constant 2080 : index
    %get3A_2246 = tpu.vector_load %arg10[%get3A_2245] {strides = array<i32>} : memref<3072xf32, #tpu.memory_space<vmem>>, vector<16xf32>,
    %get3A_2247 = arith.constant 2208 : index
    %get3A_2248 = tpu.vector_load %arg10[%get3A_2247] {strides = array<i32>} : memref<3072xf32, #tpu.memory_space<vmem>>, vector<16xf32>,
    %get3A_2249 = arith.constant 2 : i32
    %get3A_2250 = arith.index_cast %get3A_2249 : i32 to index
    %get3A_2251 = arith.constant 288 : index
    %get3A_2252 = tpu.vector_load %arg6[%get3A_2250, %get3A_2251] {strides = array<i32>} : memref<3x512xf32, #tpu.memory_space<vmem>>, vector<16xf32>,
    %mul3A_2253 = arith.mulf %get3A_2210, %get3A_2246 : vector<16xf32>
    %add3A_2254 = arith.addf %get3A_2252, %mul3A_2253 : vector<16xf32>
    %mul3A_2255 = arith.mulf %get3A_2212, %get3A_2248 : vector<16xf32>
    %add3A_2256 = arith.addf %add3A_2254, %mul3A_2255 : vector<16xf32>
    %swap3A_2257 = arith.constant 2 : i32
    %swap3A_2258 = arith.index_cast %swap3A_2257 : i32 to index
    %swap3A_2259 = arith.constant 288 : index
    %swap3A_2260 = tpu.vector_load %arg11[%swap3A_2258, %swap3A_2259] {strides = array<i32>} : memref<3x512xf32, #tpu.memory_space<vmem>>, vector<16xf32>,
    tpu.vector_store %arg11[%swap3A_2258, %swap3A_2259], %add3A_2256 {strides = array<i32>} : memref<3x512xf32, #tpu.memory_space<vmem>>, vector<16xf32>,
    %get3A_2261 = arith.constant 304 : index
    %get3A_2262 = tpu.vector_load %arg7[%get3A_2261] {strides = array<i32>} : memref<512xf32, #tpu.memory_space<vmem>>, vector<16xf32>,
    %get3A_2263 = arith.constant 304 : index
    %get3A_2264 = tpu.vector_load %arg8[%get3A_2263] {strides = array<i32>} : memref<512xf32, #tpu.memory_space<vmem>>, vector<16xf32>,
    %get3A_2265 = arith.constant 1584 : index
    %get3A_2266 = tpu.vector_load %arg10[%get3A_2265] {strides = array<i32>} : memref<3072xf32, #tpu.memory_space<vmem>>, vector<16xf32>,
    %get3A_2267 = arith.constant 1712 : index
    %get3A_2268 = tpu.vector_load %arg10[%get3A_2267] {strides = array<i32>} : memref<3072xf32, #tpu.memory_space<vmem>>, vector<16xf32>,
    %get3A_2269 = arith.constant 0 : i32
    %get3A_2270 = arith.index_cast %get3A_2269 : i32 to index
    %get3A_2271 = arith.constant 304 : index
    %get3A_2272 = tpu.vector_load %arg6[%get3A_2270, %get3A_2271] {strides = array<i32>} : memref<3x512xf32, #tpu.memory_space<vmem>>, vector<16xf32>,
    %mul3A_2273 = arith.mulf %get3A_2262, %get3A_2266 : vector<16xf32>
    %add3A_2274 = arith.addf %get3A_2272, %mul3A_2273 : vector<16xf32>
    %mul3A_2275 = arith.mulf %get3A_2264, %get3A_2268 : vector<16xf32>
    %add3A_2276 = arith.addf %add3A_2274, %mul3A_2275 : vector<16xf32>
    %swap3A_2277 = arith.constant 0 : i32
    %swap3A_2278 = arith.index_cast %swap3A_2277 : i32 to index
    %swap3A_2279 = arith.constant 304 : index
    %swap3A_2280 = tpu.vector_load %arg11[%swap3A_2278, %swap3A_2279] {strides = array<i32>} : memref<3x512xf32, #tpu.memory_space<vmem>>, vector<16xf32>,
    tpu.vector_store %arg11[%swap3A_2278, %swap3A_2279], %add3A_2276 {strides = array<i32>} : memref<3x512xf32, #tpu.memory_space<vmem>>, vector<16xf32>,
    %get3A_2281 = arith.constant 1840 : index
    %get3A_2282 = tpu.vector_load %arg10[%get3A_2281] {strides = array<i32>} : memref<3072xf32, #tpu.memory_space<vmem>>, vector<16xf32>,
    %get3A_2283 = arith.constant 1968 : index
    %get3A_2284 = tpu.vector_load %arg10[%get3A_2283] {strides = array<i32>} : memref<3072xf32, #tpu.memory_space<vmem>>, vector<16xf32>,
    %get3A_2285 = arith.constant 1 : i32
    %get3A_2286 = arith.index_cast %get3A_2285 : i32 to index
    %get3A_2287 = arith.constant 304 : index
    %get3A_2288 = tpu.vector_load %arg6[%get3A_2286, %get3A_2287] {strides = array<i32>} : memref<3x512xf32, #tpu.memory_space<vmem>>, vector<16xf32>,
    %mul3A_2289 = arith.mulf %get3A_2262, %get3A_2282 : vector<16xf32>
    %add3A_2290 = arith.addf %get3A_2288, %mul3A_2289 : vector<16xf32>
    %mul3A_2291 = arith.mulf %get3A_2264, %get3A_2284 : vector<16xf32>
    %add3A_2292 = arith.addf %add3A_2290, %mul3A_2291 : vector<16xf32>
    %swap3A_2293 = arith.constant 1 : i32
    %swap3A_2294 = arith.index_cast %swap3A_2293 : i32 to index
    %swap3A_2295 = arith.constant 304 : index
    %swap3A_2296 = tpu.vector_load %arg11[%swap3A_2294, %swap3A_2295] {strides = array<i32>} : memref<3x512xf32, #tpu.memory_space<vmem>>, vector<16xf32>,
    tpu.vector_store %arg11[%swap3A_2294, %swap3A_2295], %add3A_2292 {strides = array<i32>} : memref<3x512xf32, #tpu.memory_space<vmem>>, vector<16xf32>,
    %get3A_2297 = arith.constant 2096 : index
    %get3A_2298 = tpu.vector_load %arg10[%get3A_2297] {strides = array<i32>} : memref<3072xf32, #tpu.memory_space<vmem>>, vector<16xf32>,
    %get3A_2299 = arith.constant 2224 : index
    %get3A_2300 = tpu.vector_load %arg10[%get3A_2299] {strides = array<i32>} : memref<3072xf32, #tpu.memory_space<vmem>>, vector<16xf32>,
    %get3A_2301 = arith.constant 2 : i32
    %get3A_2302 = arith.index_cast %get3A_2301 : i32 to index
    %get3A_2303 = arith.constant 304 : index
    %get3A_2304 = tpu.vector_load %arg6[%get3A_2302, %get3A_2303] {strides = array<i32>} : memref<3x512xf32, #tpu.memory_space<vmem>>, vector<16xf32>,
    %mul3A_2305 = arith.mulf %get3A_2262, %get3A_2298 : vector<16xf32>
    %add3A_2306 = arith.addf %get3A_2304, %mul3A_2305 : vector<16xf32>
    %mul3A_2307 = arith.mulf %get3A_2264, %get3A_2300 : vector<16xf32>
    %add3A_2308 = arith.addf %add3A_2306, %mul3A_2307 : vector<16xf32>
    %swap3A_2309 = arith.constant 2 : i32
    %swap3A_2310 = arith.index_cast %swap3A_2309 : i32 to index
    %swap3A_2311 = arith.constant 304 : index
    %swap3A_2312 = tpu.vector_load %arg11[%swap3A_2310, %swap3A_2311] {strides = array<i32>} : memref<3x512xf32, #tpu.memory_space<vmem>>, vector<16xf32>,
    tpu.vector_store %arg11[%swap3A_2310, %swap3A_2311], %add3A_2308 {strides = array<i32>} : memref<3x512xf32, #tpu.memory_space<vmem>>, vector<16xf32>,
    %get3A_2313 = arith.constant 320 : index
    %get3A_2314 = tpu.vector_load %arg7[%get3A_2313] {strides = array<i32>} : memref<512xf32, #tpu.memory_space<vmem>>, vector<16xf32>,
    %get3A_2315 = arith.constant 320 : index
    %get3A_2316 = tpu.vector_load %arg8[%get3A_2315] {strides = array<i32>} : memref<512xf32, #tpu.memory_space<vmem>>, vector<16xf32>,
    %get3A_2317 = arith.constant 1600 : index
    %get3A_2318 = tpu.vector_load %arg10[%get3A_2317] {strides = array<i32>} : memref<3072xf32, #tpu.memory_space<vmem>>, vector<16xf32>,
    %get3A_2319 = arith.constant 1728 : index
    %get3A_2320 = tpu.vector_load %arg10[%get3A_2319] {strides = array<i32>} : memref<3072xf32, #tpu.memory_space<vmem>>, vector<16xf32>,
    %get3A_2321 = arith.constant 0 : i32
    %get3A_2322 = arith.index_cast %get3A_2321 : i32 to index
    %get3A_2323 = arith.constant 320 : index
    %get3A_2324 = tpu.vector_load %arg6[%get3A_2322, %get3A_2323] {strides = array<i32>} : memref<3x512xf32, #tpu.memory_space<vmem>>, vector<16xf32>,
    %mul3A_2325 = arith.mulf %get3A_2314, %get3A_2318 : vector<16xf32>
    %add3A_2326 = arith.addf %get3A_2324, %mul3A_2325 : vector<16xf32>
    %mul3A_2327 = arith.mulf %get3A_2316, %get3A_2320 : vector<16xf32>
    %add3A_2328 = arith.addf %add3A_2326, %mul3A_2327 : vector<16xf32>
    %swap3A_2329 = arith.constant 0 : i32
    %swap3A_2330 = arith.index_cast %swap3A_2329 : i32 to index
    %swap3A_2331 = arith.constant 320 : index
    %swap3A_2332 = tpu.vector_load %arg11[%swap3A_2330, %swap3A_2331] {strides = array<i32>} : memref<3x512xf32, #tpu.memory_space<vmem>>, vector<16xf32>,
    tpu.vector_store %arg11[%swap3A_2330, %swap3A_2331], %add3A_2328 {strides = array<i32>} : memref<3x512xf32, #tpu.memory_space<vmem>>, vector<16xf32>,
    %get3A_2333 = arith.constant 1856 : index
    %get3A_2334 = tpu.vector_load %arg10[%get3A_2333] {strides = array<i32>} : memref<3072xf32, #tpu.memory_space<vmem>>, vector<16xf32>,
    %get3A_2335 = arith.constant 1984 : index
    %get3A_2336 = tpu.vector_load %arg10[%get3A_2335] {strides = array<i32>} : memref<3072xf32, #tpu.memory_space<vmem>>, vector<16xf32>,
    %get3A_2337 = arith.constant 1 : i32
    %get3A_2338 = arith.index_cast %get3A_2337 : i32 to index
    %get3A_2339 = arith.constant 320 : index
    %get3A_2340 = tpu.vector_load %arg6[%get3A_2338, %get3A_2339] {strides = array<i32>} : memref<3x512xf32, #tpu.memory_space<vmem>>, vector<16xf32>,
    %mul3A_2341 = arith.mulf %get3A_2314, %get3A_2334 : vector<16xf32>
    %add3A_2342 = arith.addf %get3A_2340, %mul3A_2341 : vector<16xf32>
    %mul3A_2343 = arith.mulf %get3A_2316, %get3A_2336 : vector<16xf32>
    %add3A_2344 = arith.addf %add3A_2342, %mul3A_2343 : vector<16xf32>
    %swap3A_2345 = arith.constant 1 : i32
    %swap3A_2346 = arith.index_cast %swap3A_2345 : i32 to index
    %swap3A_2347 = arith.constant 320 : index
    %swap3A_2348 = tpu.vector_load %arg11[%swap3A_2346, %swap3A_2347] {strides = array<i32>} : memref<3x512xf32, #tpu.memory_space<vmem>>, vector<16xf32>,
    tpu.vector_store %arg11[%swap3A_2346, %swap3A_2347], %add3A_2344 {strides = array<i32>} : memref<3x512xf32, #tpu.memory_space<vmem>>, vector<16xf32>,
    %get3A_2349 = arith.constant 2112 : index
    %get3A_2350 = tpu.vector_load %arg10[%get3A_2349] {strides = array<i32>} : memref<3072xf32, #tpu.memory_space<vmem>>, vector<16xf32>,
    %get3A_2351 = arith.constant 2240 : index
    %get3A_2352 = tpu.vector_load %arg10[%get3A_2351] {strides = array<i32>} : memref<3072xf32, #tpu.memory_space<vmem>>, vector<16xf32>,
    %get3A_2353 = arith.constant 2 : i32
    %get3A_2354 = arith.index_cast %get3A_2353 : i32 to index
    %get3A_2355 = arith.constant 320 : index
    %get3A_2356 = tpu.vector_load %arg6[%get3A_2354, %get3A_2355] {strides = array<i32>} : memref<3x512xf32, #tpu.memory_space<vmem>>, vector<16xf32>,
    %mul3A_2357 = arith.mulf %get3A_2314, %get3A_2350 : vector<16xf32>
    %add3A_2358 = arith.addf %get3A_2356, %mul3A_2357 : vector<16xf32>
    %mul3A_2359 = arith.mulf %get3A_2316, %get3A_2352 : vector<16xf32>
    %add3A_2360 = arith.addf %add3A_2358, %mul3A_2359 : vector<16xf32>
    %swap3A_2361 = arith.constant 2 : i32
    %swap3A_2362 = arith.index_cast %swap3A_2361 : i32 to index
    %swap3A_2363 = arith.constant 320 : index
    %swap3A_2364 = tpu.vector_load %arg11[%swap3A_2362, %swap3A_2363] {strides = array<i32>} : memref<3x512xf32, #tpu.memory_space<vmem>>, vector<16xf32>,
    tpu.vector_store %arg11[%swap3A_2362, %swap3A_2363], %add3A_2360 {strides = array<i32>} : memref<3x512xf32, #tpu.memory_space<vmem>>, vector<16xf32>,
    %get3A_2365 = arith.constant 336 : index
    %get3A_2366 = tpu.vector_load %arg7[%get3A_2365] {strides = array<i32>} : memref<512xf32, #tpu.memory_space<vmem>>, vector<16xf32>,
    %get3A_2367 = arith.constant 336 : index
    %get3A_2368 = tpu.vector_load %arg8[%get3A_2367] {strides = array<i32>} : memref<512xf32, #tpu.memory_space<vmem>>, vector<16xf32>,
    %get3A_2369 = arith.constant 1616 : index
    %get3A_2370 = tpu.vector_load %arg10[%get3A_2369] {strides = array<i32>} : memref<3072xf32, #tpu.memory_space<vmem>>, vector<16xf32>,
    %get3A_2371 = arith.constant 1744 : index
    %get3A_2372 = tpu.vector_load %arg10[%get3A_2371] {strides = array<i32>} : memref<3072xf32, #tpu.memory_space<vmem>>, vector<16xf32>,
    %get3A_2373 = arith.constant 0 : i32
    %get3A_2374 = arith.index_cast %get3A_2373 : i32 to index
    %get3A_2375 = arith.constant 336 : index
    %get3A_2376 = tpu.vector_load %arg6[%get3A_2374, %get3A_2375] {strides = array<i32>} : memref<3x512xf32, #tpu.memory_space<vmem>>, vector<16xf32>,
    %mul3A_2377 = arith.mulf %get3A_2366, %get3A_2370 : vector<16xf32>
    %add3A_2378 = arith.addf %get3A_2376, %mul3A_2377 : vector<16xf32>
    %mul3A_2379 = arith.mulf %get3A_2368, %get3A_2372 : vector<16xf32>
    %add3A_2380 = arith.addf %add3A_2378, %mul3A_2379 : vector<16xf32>
    %swap3A_2381 = arith.constant 0 : i32
    %swap3A_2382 = arith.index_cast %swap3A_2381 : i32 to index
    %swap3A_2383 = arith.constant 336 : index
    %swap3A_2384 = tpu.vector_load %arg11[%swap3A_2382, %swap3A_2383] {strides = array<i32>} : memref<3x512xf32, #tpu.memory_space<vmem>>, vector<16xf32>,
    tpu.vector_store %arg11[%swap3A_2382, %swap3A_2383], %add3A_2380 {strides = array<i32>} : memref<3x512xf32, #tpu.memory_space<vmem>>, vector<16xf32>,
    %get3A_2385 = arith.constant 1872 : index
    %get3A_2386 = tpu.vector_load %arg10[%get3A_2385] {strides = array<i32>} : memref<3072xf32, #tpu.memory_space<vmem>>, vector<16xf32>,
    %get3A_2387 = arith.constant 2000 : index
    %get3A_2388 = tpu.vector_load %arg10[%get3A_2387] {strides = array<i32>} : memref<3072xf32, #tpu.memory_space<vmem>>, vector<16xf32>,
    %get3A_2389 = arith.constant 1 : i32
    %get3A_2390 = arith.index_cast %get3A_2389 : i32 to index
    %get3A_2391 = arith.constant 336 : index
    %get3A_2392 = tpu.vector_load %arg6[%get3A_2390, %get3A_2391] {strides = array<i32>} : memref<3x512xf32, #tpu.memory_space<vmem>>, vector<16xf32>,
    %mul3A_2393 = arith.mulf %get3A_2366, %get3A_2386 : vector<16xf32>
    %add3A_2394 = arith.addf %get3A_2392, %mul3A_2393 : vector<16xf32>
    %mul3A_2395 = arith.mulf %get3A_2368, %get3A_2388 : vector<16xf32>
    %add3A_2396 = arith.addf %add3A_2394, %mul3A_2395 : vector<16xf32>
    %swap3A_2397 = arith.constant 1 : i32
    %swap3A_2398 = arith.index_cast %swap3A_2397 : i32 to index
    %swap3A_2399 = arith.constant 336 : index
    %swap3A_2400 = tpu.vector_load %arg11[%swap3A_2398, %swap3A_2399] {strides = array<i32>} : memref<3x512xf32, #tpu.memory_space<vmem>>, vector<16xf32>,
    tpu.vector_store %arg11[%swap3A_2398, %swap3A_2399], %add3A_2396 {strides = array<i32>} : memref<3x512xf32, #tpu.memory_space<vmem>>, vector<16xf32>,
    %get3A_2401 = arith.constant 2128 : index
    %get3A_2402 = tpu.vector_load %arg10[%get3A_2401] {strides = array<i32>} : memref<3072xf32, #tpu.memory_space<vmem>>, vector<16xf32>,
    %get3A_2403 = arith.constant 2256 : index
    %get3A_2404 = tpu.vector_load %arg10[%get3A_2403] {strides = array<i32>} : memref<3072xf32, #tpu.memory_space<vmem>>, vector<16xf32>,
    %get3A_2405 = arith.constant 2 : i32
    %get3A_2406 = arith.index_cast %get3A_2405 : i32 to index
    %get3A_2407 = arith.constant 336 : index
    %get3A_2408 = tpu.vector_load %arg6[%get3A_2406, %get3A_2407] {strides = array<i32>} : memref<3x512xf32, #tpu.memory_space<vmem>>, vector<16xf32>,
    %mul3A_2409 = arith.mulf %get3A_2366, %get3A_2402 : vector<16xf32>
    %add3A_2410 = arith.addf %get3A_2408, %mul3A_2409 : vector<16xf32>
    %mul3A_2411 = arith.mulf %get3A_2368, %get3A_2404 : vector<16xf32>
    %add3A_2412 = arith.addf %add3A_2410, %mul3A_2411 : vector<16xf32>
    %swap3A_2413 = arith.constant 2 : i32
    %swap3A_2414 = arith.index_cast %swap3A_2413 : i32 to index
    %swap3A_2415 = arith.constant 336 : index
    %swap3A_2416 = tpu.vector_load %arg11[%swap3A_2414, %swap3A_2415] {strides = array<i32>} : memref<3x512xf32, #tpu.memory_space<vmem>>, vector<16xf32>,
    tpu.vector_store %arg11[%swap3A_2414, %swap3A_2415], %add3A_2412 {strides = array<i32>} : memref<3x512xf32, #tpu.memory_space<vmem>>, vector<16xf32>,
    %get3A_2417 = arith.constant 352 : index
    %get3A_2418 = tpu.vector_load %arg7[%get3A_2417] {strides = array<i32>} : memref<512xf32, #tpu.memory_space<vmem>>, vector<16xf32>,
    %get3A_2419 = arith.constant 352 : index
    %get3A_2420 = tpu.vector_load %arg8[%get3A_2419] {strides = array<i32>} : memref<512xf32, #tpu.memory_space<vmem>>, vector<16xf32>,
    %get3A_2421 = arith.constant 1632 : index
    %get3A_2422 = tpu.vector_load %arg10[%get3A_2421] {strides = array<i32>} : memref<3072xf32, #tpu.memory_space<vmem>>, vector<16xf32>,
    %get3A_2423 = arith.constant 1760 : index
    %get3A_2424 = tpu.vector_load %arg10[%get3A_2423] {strides = array<i32>} : memref<3072xf32, #tpu.memory_space<vmem>>, vector<16xf32>,
    %get3A_2425 = arith.constant 0 : i32
    %get3A_2426 = arith.index_cast %get3A_2425 : i32 to index
    %get3A_2427 = arith.constant 352 : index
    %get3A_2428 = tpu.vector_load %arg6[%get3A_2426, %get3A_2427] {strides = array<i32>} : memref<3x512xf32, #tpu.memory_space<vmem>>, vector<16xf32>,
    %mul3A_2429 = arith.mulf %get3A_2418, %get3A_2422 : vector<16xf32>
    %add3A_2430 = arith.addf %get3A_2428, %mul3A_2429 : vector<16xf32>
    %mul3A_2431 = arith.mulf %get3A_2420, %get3A_2424 : vector<16xf32>
    %add3A_2432 = arith.addf %add3A_2430, %mul3A_2431 : vector<16xf32>
    %swap3A_2433 = arith.constant 0 : i32
    %swap3A_2434 = arith.index_cast %swap3A_2433 : i32 to index
    %swap3A_2435 = arith.constant 352 : index
    %swap3A_2436 = tpu.vector_load %arg11[%swap3A_2434, %swap3A_2435] {strides = array<i32>} : memref<3x512xf32, #tpu.memory_space<vmem>>, vector<16xf32>,
    tpu.vector_store %arg11[%swap3A_2434, %swap3A_2435], %add3A_2432 {strides = array<i32>} : memref<3x512xf32, #tpu.memory_space<vmem>>, vector<16xf32>,
    %get3A_2437 = arith.constant 1888 : index
    %get3A_2438 = tpu.vector_load %arg10[%get3A_2437] {strides = array<i32>} : memref<3072xf32, #tpu.memory_space<vmem>>, vector<16xf32>,
    %get3A_2439 = arith.constant 2016 : index
    %get3A_2440 = tpu.vector_load %arg10[%get3A_2439] {strides = array<i32>} : memref<3072xf32, #tpu.memory_space<vmem>>, vector<16xf32>,
    %get3A_2441 = arith.constant 1 : i32
    %get3A_2442 = arith.index_cast %get3A_2441 : i32 to index
    %get3A_2443 = arith.constant 352 : index
    %get3A_2444 = tpu.vector_load %arg6[%get3A_2442, %get3A_2443] {strides = array<i32>} : memref<3x512xf32, #tpu.memory_space<vmem>>, vector<16xf32>,
    %mul3A_2445 = arith.mulf %get3A_2418, %get3A_2438 : vector<16xf32>
    %add3A_2446 = arith.addf %get3A_2444, %mul3A_2445 : vector<16xf32>
    %mul3A_2447 = arith.mulf %get3A_2420, %get3A_2440 : vector<16xf32>
    %add3A_2448 = arith.addf %add3A_2446, %mul3A_2447 : vector<16xf32>
    %swap3A_2449 = arith.constant 1 : i32
    %swap3A_2450 = arith.index_cast %swap3A_2449 : i32 to index
    %swap3A_2451 = arith.constant 352 : index
    %swap3A_2452 = tpu.vector_load %arg11[%swap3A_2450, %swap3A_2451] {strides = array<i32>} : memref<3x512xf32, #tpu.memory_space<vmem>>, vector<16xf32>,
    tpu.vector_store %arg11[%swap3A_2450, %swap3A_2451], %add3A_2448 {strides = array<i32>} : memref<3x512xf32, #tpu.memory_space<vmem>>, vector<16xf32>,
    %get3A_2453 = arith.constant 2144 : index
    %get3A_2454 = tpu.vector_load %arg10[%get3A_2453] {strides = array<i32>} : memref<3072xf32, #tpu.memory_space<vmem>>, vector<16xf32>,
    %get3A_2455 = arith.constant 2272 : index
    %get3A_2456 = tpu.vector_load %arg10[%get3A_2455] {strides = array<i32>} : memref<3072xf32, #tpu.memory_space<vmem>>, vector<16xf32>,
    %get3A_2457 = arith.constant 2 : i32
    %get3A_2458 = arith.index_cast %get3A_2457 : i32 to index
    %get3A_2459 = arith.constant 352 : index
    %get3A_2460 = tpu.vector_load %arg6[%get3A_2458, %get3A_2459] {strides = array<i32>} : memref<3x512xf32, #tpu.memory_space<vmem>>, vector<16xf32>,
    %mul3A_2461 = arith.mulf %get3A_2418, %get3A_2454 : vector<16xf32>
    %add3A_2462 = arith.addf %get3A_2460, %mul3A_2461 : vector<16xf32>
    %mul3A_2463 = arith.mulf %get3A_2420, %get3A_2456 : vector<16xf32>
    %add3A_2464 = arith.addf %add3A_2462, %mul3A_2463 : vector<16xf32>
    %swap3A_2465 = arith.constant 2 : i32
    %swap3A_2466 = arith.index_cast %swap3A_2465 : i32 to index
    %swap3A_2467 = arith.constant 352 : index
    %swap3A_2468 = tpu.vector_load %arg11[%swap3A_2466, %swap3A_2467] {strides = array<i32>} : memref<3x512xf32, #tpu.memory_space<vmem>>, vector<16xf32>,
    tpu.vector_store %arg11[%swap3A_2466, %swap3A_2467], %add3A_2464 {strides = array<i32>} : memref<3x512xf32, #tpu.memory_space<vmem>>, vector<16xf32>,
    %get3A_2469 = arith.constant 368 : index
    %get3A_2470 = tpu.vector_load %arg7[%get3A_2469] {strides = array<i32>} : memref<512xf32, #tpu.memory_space<vmem>>, vector<16xf32>,
    %get3A_2471 = arith.constant 368 : index
    %get3A_2472 = tpu.vector_load %arg8[%get3A_2471] {strides = array<i32>} : memref<512xf32, #tpu.memory_space<vmem>>, vector<16xf32>,
    %get3A_2473 = arith.constant 1648 : index
    %get3A_2474 = tpu.vector_load %arg10[%get3A_2473] {strides = array<i32>} : memref<3072xf32, #tpu.memory_space<vmem>>, vector<16xf32>,
    %get3A_2475 = arith.constant 1776 : index
    %get3A_2476 = tpu.vector_load %arg10[%get3A_2475] {strides = array<i32>} : memref<3072xf32, #tpu.memory_space<vmem>>, vector<16xf32>,
    %get3A_2477 = arith.constant 0 : i32
    %get3A_2478 = arith.index_cast %get3A_2477 : i32 to index
    %get3A_2479 = arith.constant 368 : index
    %get3A_2480 = tpu.vector_load %arg6[%get3A_2478, %get3A_2479] {strides = array<i32>} : memref<3x512xf32, #tpu.memory_space<vmem>>, vector<16xf32>,
    %mul3A_2481 = arith.mulf %get3A_2470, %get3A_2474 : vector<16xf32>
    %add3A_2482 = arith.addf %get3A_2480, %mul3A_2481 : vector<16xf32>
    %mul3A_2483 = arith.mulf %get3A_2472, %get3A_2476 : vector<16xf32>
    %add3A_2484 = arith.addf %add3A_2482, %mul3A_2483 : vector<16xf32>
    %swap3A_2485 = arith.constant 0 : i32
    %swap3A_2486 = arith.index_cast %swap3A_2485 : i32 to index
    %swap3A_2487 = arith.constant 368 : index
    %swap3A_2488 = tpu.vector_load %arg11[%swap3A_2486, %swap3A_2487] {strides = array<i32>} : memref<3x512xf32, #tpu.memory_space<vmem>>, vector<16xf32>,
    tpu.vector_store %arg11[%swap3A_2486, %swap3A_2487], %add3A_2484 {strides = array<i32>} : memref<3x512xf32, #tpu.memory_space<vmem>>, vector<16xf32>,
    %get3A_2489 = arith.constant 1904 : index
    %get3A_2490 = tpu.vector_load %arg10[%get3A_2489] {strides = array<i32>} : memref<3072xf32, #tpu.memory_space<vmem>>, vector<16xf32>,
    %get3A_2491 = arith.constant 2032 : index
    %get3A_2492 = tpu.vector_load %arg10[%get3A_2491] {strides = array<i32>} : memref<3072xf32, #tpu.memory_space<vmem>>, vector<16xf32>,
    %get3A_2493 = arith.constant 1 : i32
    %get3A_2494 = arith.index_cast %get3A_2493 : i32 to index
    %get3A_2495 = arith.constant 368 : index
    %get3A_2496 = tpu.vector_load %arg6[%get3A_2494, %get3A_2495] {strides = array<i32>} : memref<3x512xf32, #tpu.memory_space<vmem>>, vector<16xf32>,
    %mul3A_2497 = arith.mulf %get3A_2470, %get3A_2490 : vector<16xf32>
    %add3A_2498 = arith.addf %get3A_2496, %mul3A_2497 : vector<16xf32>
    %mul3A_2499 = arith.mulf %get3A_2472, %get3A_2492 : vector<16xf32>
    %add3A_2500 = arith.addf %add3A_2498, %mul3A_2499 : vector<16xf32>
    %swap3A_2501 = arith.constant 1 : i32
    %swap3A_2502 = arith.index_cast %swap3A_2501 : i32 to index
    %swap3A_2503 = arith.constant 368 : index
    %swap3A_2504 = tpu.vector_load %arg11[%swap3A_2502, %swap3A_2503] {strides = array<i32>} : memref<3x512xf32, #tpu.memory_space<vmem>>, vector<16xf32>,
    tpu.vector_store %arg11[%swap3A_2502, %swap3A_2503], %add3A_2500 {strides = array<i32>} : memref<3x512xf32, #tpu.memory_space<vmem>>, vector<16xf32>,
    %get3A_2505 = arith.constant 2160 : index
    %get3A_2506 = tpu.vector_load %arg10[%get3A_2505] {strides = array<i32>} : memref<3072xf32, #tpu.memory_space<vmem>>, vector<16xf32>,
    %get3A_2507 = arith.constant 2288 : index
    %get3A_2508 = tpu.vector_load %arg10[%get3A_2507] {strides = array<i32>} : memref<3072xf32, #tpu.memory_space<vmem>>, vector<16xf32>,
    %get3A_2509 = arith.constant 2 : i32
    %get3A_2510 = arith.index_cast %get3A_2509 : i32 to index
    %get3A_2511 = arith.constant 368 : index
    %get3A_2512 = tpu.vector_load %arg6[%get3A_2510, %get3A_2511] {strides = array<i32>} : memref<3x512xf32, #tpu.memory_space<vmem>>, vector<16xf32>,
    %mul3A_2513 = arith.mulf %get3A_2470, %get3A_2506 : vector<16xf32>
    %add3A_2514 = arith.addf %get3A_2512, %mul3A_2513 : vector<16xf32>
    %mul3A_2515 = arith.mulf %get3A_2472, %get3A_2508 : vector<16xf32>
    %add3A_2516 = arith.addf %add3A_2514, %mul3A_2515 : vector<16xf32>
    %swap3A_2517 = arith.constant 2 : i32
    %swap3A_2518 = arith.index_cast %swap3A_2517 : i32 to index
    %swap3A_2519 = arith.constant 368 : index
    %swap3A_2520 = tpu.vector_load %arg11[%swap3A_2518, %swap3A_2519] {strides = array<i32>} : memref<3x512xf32, #tpu.memory_space<vmem>>, vector<16xf32>,
    tpu.vector_store %arg11[%swap3A_2518, %swap3A_2519], %add3A_2516 {strides = array<i32>} : memref<3x512xf32, #tpu.memory_space<vmem>>, vector<16xf32>,
    %add3A_2521 = arith.constant 0 : i32
    %add3A_2522 = arith.addi %add3A_2521, %mul3A_2 : i32
    %add3A_2523 = arith.constant 256 : i32
    %add3A_2524 = arith.addi %add3A_2522, %add3A_2523 : i32
    %dma_start3A_2525 = arith.constant 0 : i32
    %dma_start3A_2526 = arith.constant 256 : i32
    %dma_start3A_2527 = tpu.memref_slice %arg11[%dma_start3A_2525, %dma_start3A_2526] : memref<3x512xf32, #tpu.memory_space<vmem>> -> memref<1x128xf32, #tpu.memory_space<vmem>>
    %dma_start3A_2528 = tpu.memref_squeeze %dma_start3A_2527 : memref<1x128xf32, #tpu.memory_space<vmem>> -> memref<128xf32, #tpu.memory_space<vmem>>
    %dma_start3A_2529 = tpu.memref_slice %arg4[%add3A_2524] : memref<49152xf32, #tpu.memory_space<hbm>> -> memref<128xf32, #tpu.memory_space<hbm>>
    %dma_start3A_2530 = tpu.memref_slice %arg4[%add3A_2524] : memref<49152xf32, #tpu.memory_space<hbm>> -> memref<128xf32, #tpu.memory_space<hbm>>
    %dma_start3A_2531 = arith.constant 256 : i32
    %dma_start3A_2532 = tpu.memref_slice %arg11[%dma_start3A_2525, %dma_start3A_2531] : memref<3x512xf32, #tpu.memory_space<vmem>> -> memref<1x128xf32, #tpu.memory_space<vmem>>
    %dma_start3A_2533 = tpu.memref_squeeze %dma_start3A_2532 : memref<1x128xf32, #tpu.memory_space<vmem>> -> memref<128xf32, #tpu.memory_space<vmem>>
    tpu.enqueue_dma source(%dma_start3A_2533 : memref<128xf32, #tpu.memory_space<vmem>>) target(%dma_start3A_2530 : memref<128xf32, #tpu.memory_space<hbm>>) target_semaphore(%arg14 : memref<!tpu.dma_semaphore, #tpu.memory_space<semaphore_mem>>)
    %add3A_2534 = arith.constant 16384 : i32
    %add3A_2535 = arith.addi %add3A_2534, %mul3A_2 : i32
    %add3A_2536 = arith.constant 256 : i32
    %add3A_2537 = arith.addi %add3A_2535, %add3A_2536 : i32
    %dma_start3A_2538 = arith.constant 1 : i32
    %dma_start3A_2539 = arith.constant 256 : i32
    %dma_start3A_2540 = tpu.memref_slice %arg11[%dma_start3A_2538, %dma_start3A_2539] : memref<3x512xf32, #tpu.memory_space<vmem>> -> memref<1x128xf32, #tpu.memory_space<vmem>>
    %dma_start3A_2541 = tpu.memref_squeeze %dma_start3A_2540 : memref<1x128xf32, #tpu.memory_space<vmem>> -> memref<128xf32, #tpu.memory_space<vmem>>
    %dma_start3A_2542 = tpu.memref_slice %arg4[%add3A_2537] : memref<49152xf32, #tpu.memory_space<hbm>> -> memref<128xf32, #tpu.memory_space<hbm>>
    %dma_start3A_2543 = tpu.memref_slice %arg4[%add3A_2537] : memref<49152xf32, #tpu.memory_space<hbm>> -> memref<128xf32, #tpu.memory_space<hbm>>
    %dma_start3A_2544 = arith.constant 256 : i32
    %dma_start3A_2545 = tpu.memref_slice %arg11[%dma_start3A_2538, %dma_start3A_2544] : memref<3x512xf32, #tpu.memory_space<vmem>> -> memref<1x128xf32, #tpu.memory_space<vmem>>
    %dma_start3A_2546 = tpu.memref_squeeze %dma_start3A_2545 : memref<1x128xf32, #tpu.memory_space<vmem>> -> memref<128xf32, #tpu.memory_space<vmem>>
    tpu.enqueue_dma source(%dma_start3A_2546 : memref<128xf32, #tpu.memory_space<vmem>>) target(%dma_start3A_2543 : memref<128xf32, #tpu.memory_space<hbm>>) target_semaphore(%arg14 : memref<!tpu.dma_semaphore, #tpu.memory_space<semaphore_mem>>)
    %add3A_2547 = arith.constant 32768 : i32
    %add3A_2548 = arith.addi %add3A_2547, %mul3A_2 : i32
    %add3A_2549 = arith.constant 256 : i32
    %add3A_2550 = arith.addi %add3A_2548, %add3A_2549 : i32
    %dma_start3A_2551 = arith.constant 2 : i32
    %dma_start3A_2552 = arith.constant 256 : i32
    %dma_start3A_2553 = tpu.memref_slice %arg11[%dma_start3A_2551, %dma_start3A_2552] : memref<3x512xf32, #tpu.memory_space<vmem>> -> memref<1x128xf32, #tpu.memory_space<vmem>>
    %dma_start3A_2554 = tpu.memref_squeeze %dma_start3A_2553 : memref<1x128xf32, #tpu.memory_space<vmem>> -> memref<128xf32, #tpu.memory_space<vmem>>
    %dma_start3A_2555 = tpu.memref_slice %arg4[%add3A_2550] : memref<49152xf32, #tpu.memory_space<hbm>> -> memref<128xf32, #tpu.memory_space<hbm>>
    %dma_start3A_2556 = tpu.memref_slice %arg4[%add3A_2550] : memref<49152xf32, #tpu.memory_space<hbm>> -> memref<128xf32, #tpu.memory_space<hbm>>
    %dma_start3A_2557 = arith.constant 256 : i32
    %dma_start3A_2558 = tpu.memref_slice %arg11[%dma_start3A_2551, %dma_start3A_2557] : memref<3x512xf32, #tpu.memory_space<vmem>> -> memref<1x128xf32, #tpu.memory_space<vmem>>
    %dma_start3A_2559 = tpu.memref_squeeze %dma_start3A_2558 : memref<1x128xf32, #tpu.memory_space<vmem>> -> memref<128xf32, #tpu.memory_space<vmem>>
    tpu.enqueue_dma source(%dma_start3A_2559 : memref<128xf32, #tpu.memory_space<vmem>>) target(%dma_start3A_2556 : memref<128xf32, #tpu.memory_space<hbm>>) target_semaphore(%arg14 : memref<!tpu.dma_semaphore, #tpu.memory_space<semaphore_mem>>)
    %dma_wait3A_2560 = arith.constant 2304 : i32
    %dma_wait3A_2561 = tpu.memref_slice %arg10[%dma_wait3A_2560] : memref<3072xf32, #tpu.memory_space<vmem>> -> memref<768xf32, #tpu.memory_space<vmem>>
    %dma_wait3A_2562 = arith.constant 2304 : i32
    %dma_wait3A_2563 = tpu.memref_slice %arg9[%dma_wait3A_2562] : memref<3072xi32, #tpu.memory_space<vmem>> -> memref<768xi32, #tpu.memory_space<vmem>>
    %dma_wait3A_2564 = arith.constant 0 : i32
    %dma_wait3A_2565 = tpu.memref_slice %arg2[%dma_wait3A_2564] : memref<349152xf32, #tpu.memory_space<hbm>> -> memref<349152xf32, #tpu.memory_space<hbm>>
    tpu.wait_indirect_dma semaphore(%arg18 : memref<!tpu.dma_semaphore, #tpu.memory_space<semaphore_mem>>) src(%dma_wait3A_2565 : memref<349152xf32, #tpu.memory_space<hbm>>) dst(%dma_wait3A_2561 : memref<768xf32, #tpu.memory_space<vmem>>)
    %get3A_2566 = arith.constant 384 : index
    %get3A_2567 = tpu.vector_load %arg7[%get3A_2566] {strides = array<i32>} : memref<512xf32, #tpu.memory_space<vmem>>, vector<16xf32>,
    %get3A_2568 = arith.constant 384 : index
    %get3A_2569 = tpu.vector_load %arg8[%get3A_2568] {strides = array<i32>} : memref<512xf32, #tpu.memory_space<vmem>>, vector<16xf32>,
    %get3A_2570 = arith.constant 2304 : index
    %get3A_2571 = tpu.vector_load %arg10[%get3A_2570] {strides = array<i32>} : memref<3072xf32, #tpu.memory_space<vmem>>, vector<16xf32>,
    %get3A_2572 = arith.constant 2432 : index
    %get3A_2573 = tpu.vector_load %arg10[%get3A_2572] {strides = array<i32>} : memref<3072xf32, #tpu.memory_space<vmem>>, vector<16xf32>,
    %get3A_2574 = arith.constant 0 : i32
    %get3A_2575 = arith.index_cast %get3A_2574 : i32 to index
    %get3A_2576 = arith.constant 384 : index
    %get3A_2577 = tpu.vector_load %arg6[%get3A_2575, %get3A_2576] {strides = array<i32>} : memref<3x512xf32, #tpu.memory_space<vmem>>, vector<16xf32>,
    %mul3A_2578 = arith.mulf %get3A_2567, %get3A_2571 : vector<16xf32>
    %add3A_2579 = arith.addf %get3A_2577, %mul3A_2578 : vector<16xf32>
    %mul3A_2580 = arith.mulf %get3A_2569, %get3A_2573 : vector<16xf32>
    %add3A_2581 = arith.addf %add3A_2579, %mul3A_2580 : vector<16xf32>
    %swap3A_2582 = arith.constant 0 : i32
    %swap3A_2583 = arith.index_cast %swap3A_2582 : i32 to index
    %swap3A_2584 = arith.constant 384 : index
    %swap3A_2585 = tpu.vector_load %arg11[%swap3A_2583, %swap3A_2584] {strides = array<i32>} : memref<3x512xf32, #tpu.memory_space<vmem>>, vector<16xf32>,
    tpu.vector_store %arg11[%swap3A_2583, %swap3A_2584], %add3A_2581 {strides = array<i32>} : memref<3x512xf32, #tpu.memory_space<vmem>>, vector<16xf32>,
    %get3A_2586 = arith.constant 2560 : index
    %get3A_2587 = tpu.vector_load %arg10[%get3A_2586] {strides = array<i32>} : memref<3072xf32, #tpu.memory_space<vmem>>, vector<16xf32>,
    %get3A_2588 = arith.constant 2688 : index
    %get3A_2589 = tpu.vector_load %arg10[%get3A_2588] {strides = array<i32>} : memref<3072xf32, #tpu.memory_space<vmem>>, vector<16xf32>,
    %get3A_2590 = arith.constant 1 : i32
    %get3A_2591 = arith.index_cast %get3A_2590 : i32 to index
    %get3A_2592 = arith.constant 384 : index
    %get3A_2593 = tpu.vector_load %arg6[%get3A_2591, %get3A_2592] {strides = array<i32>} : memref<3x512xf32, #tpu.memory_space<vmem>>, vector<16xf32>,
    %mul3A_2594 = arith.mulf %get3A_2567, %get3A_2587 : vector<16xf32>
    %add3A_2595 = arith.addf %get3A_2593, %mul3A_2594 : vector<16xf32>
    %mul3A_2596 = arith.mulf %get3A_2569, %get3A_2589 : vector<16xf32>
    %add3A_2597 = arith.addf %add3A_2595, %mul3A_2596 : vector<16xf32>
    %swap3A_2598 = arith.constant 1 : i32
    %swap3A_2599 = arith.index_cast %swap3A_2598 : i32 to index
    %swap3A_2600 = arith.constant 384 : index
    %swap3A_2601 = tpu.vector_load %arg11[%swap3A_2599, %swap3A_2600] {strides = array<i32>} : memref<3x512xf32, #tpu.memory_space<vmem>>, vector<16xf32>,
    tpu.vector_store %arg11[%swap3A_2599, %swap3A_2600], %add3A_2597 {strides = array<i32>} : memref<3x512xf32, #tpu.memory_space<vmem>>, vector<16xf32>,
    %get3A_2602 = arith.constant 2816 : index
    %get3A_2603 = tpu.vector_load %arg10[%get3A_2602] {strides = array<i32>} : memref<3072xf32, #tpu.memory_space<vmem>>, vector<16xf32>,
    %get3A_2604 = arith.constant 2944 : index
    %get3A_2605 = tpu.vector_load %arg10[%get3A_2604] {strides = array<i32>} : memref<3072xf32, #tpu.memory_space<vmem>>, vector<16xf32>,
    %get3A_2606 = arith.constant 2 : i32
    %get3A_2607 = arith.index_cast %get3A_2606 : i32 to index
    %get3A_2608 = arith.constant 384 : index
    %get3A_2609 = tpu.vector_load %arg6[%get3A_2607, %get3A_2608] {strides = array<i32>} : memref<3x512xf32, #tpu.memory_space<vmem>>, vector<16xf32>,
    %mul3A_2610 = arith.mulf %get3A_2567, %get3A_2603 : vector<16xf32>
    %add3A_2611 = arith.addf %get3A_2609, %mul3A_2610 : vector<16xf32>
    %mul3A_2612 = arith.mulf %get3A_2569, %get3A_2605 : vector<16xf32>
    %add3A_2613 = arith.addf %add3A_2611, %mul3A_2612 : vector<16xf32>
    %swap3A_2614 = arith.constant 2 : i32
    %swap3A_2615 = arith.index_cast %swap3A_2614 : i32 to index
    %swap3A_2616 = arith.constant 384 : index
    %swap3A_2617 = tpu.vector_load %arg11[%swap3A_2615, %swap3A_2616] {strides = array<i32>} : memref<3x512xf32, #tpu.memory_space<vmem>>, vector<16xf32>,
    tpu.vector_store %arg11[%swap3A_2615, %swap3A_2616], %add3A_2613 {strides = array<i32>} : memref<3x512xf32, #tpu.memory_space<vmem>>, vector<16xf32>,
    %get3A_2618 = arith.constant 400 : index
    %get3A_2619 = tpu.vector_load %arg7[%get3A_2618] {strides = array<i32>} : memref<512xf32, #tpu.memory_space<vmem>>, vector<16xf32>,
    %get3A_2620 = arith.constant 400 : index
    %get3A_2621 = tpu.vector_load %arg8[%get3A_2620] {strides = array<i32>} : memref<512xf32, #tpu.memory_space<vmem>>, vector<16xf32>,
    %get3A_2622 = arith.constant 2320 : index
    %get3A_2623 = tpu.vector_load %arg10[%get3A_2622] {strides = array<i32>} : memref<3072xf32, #tpu.memory_space<vmem>>, vector<16xf32>,
    %get3A_2624 = arith.constant 2448 : index
    %get3A_2625 = tpu.vector_load %arg10[%get3A_2624] {strides = array<i32>} : memref<3072xf32, #tpu.memory_space<vmem>>, vector<16xf32>,
    %get3A_2626 = arith.constant 0 : i32
    %get3A_2627 = arith.index_cast %get3A_2626 : i32 to index
    %get3A_2628 = arith.constant 400 : index
    %get3A_2629 = tpu.vector_load %arg6[%get3A_2627, %get3A_2628] {strides = array<i32>} : memref<3x512xf32, #tpu.memory_space<vmem>>, vector<16xf32>,
    %mul3A_2630 = arith.mulf %get3A_2619, %get3A_2623 : vector<16xf32>
    %add3A_2631 = arith.addf %get3A_2629, %mul3A_2630 : vector<16xf32>
    %mul3A_2632 = arith.mulf %get3A_2621, %get3A_2625 : vector<16xf32>
    %add3A_2633 = arith.addf %add3A_2631, %mul3A_2632 : vector<16xf32>
    %swap3A_2634 = arith.constant 0 : i32
    %swap3A_2635 = arith.index_cast %swap3A_2634 : i32 to index
    %swap3A_2636 = arith.constant 400 : index
    %swap3A_2637 = tpu.vector_load %arg11[%swap3A_2635, %swap3A_2636] {strides = array<i32>} : memref<3x512xf32, #tpu.memory_space<vmem>>, vector<16xf32>,
    tpu.vector_store %arg11[%swap3A_2635, %swap3A_2636], %add3A_2633 {strides = array<i32>} : memref<3x512xf32, #tpu.memory_space<vmem>>, vector<16xf32>,
    %get3A_2638 = arith.constant 2576 : index
    %get3A_2639 = tpu.vector_load %arg10[%get3A_2638] {strides = array<i32>} : memref<3072xf32, #tpu.memory_space<vmem>>, vector<16xf32>,
    %get3A_2640 = arith.constant 2704 : index
    %get3A_2641 = tpu.vector_load %arg10[%get3A_2640] {strides = array<i32>} : memref<3072xf32, #tpu.memory_space<vmem>>, vector<16xf32>,
    %get3A_2642 = arith.constant 1 : i32
    %get3A_2643 = arith.index_cast %get3A_2642 : i32 to index
    %get3A_2644 = arith.constant 400 : index
    %get3A_2645 = tpu.vector_load %arg6[%get3A_2643, %get3A_2644] {strides = array<i32>} : memref<3x512xf32, #tpu.memory_space<vmem>>, vector<16xf32>,
    %mul3A_2646 = arith.mulf %get3A_2619, %get3A_2639 : vector<16xf32>
    %add3A_2647 = arith.addf %get3A_2645, %mul3A_2646 : vector<16xf32>
    %mul3A_2648 = arith.mulf %get3A_2621, %get3A_2641 : vector<16xf32>
    %add3A_2649 = arith.addf %add3A_2647, %mul3A_2648 : vector<16xf32>
    %swap3A_2650 = arith.constant 1 : i32
    %swap3A_2651 = arith.index_cast %swap3A_2650 : i32 to index
    %swap3A_2652 = arith.constant 400 : index
    %swap3A_2653 = tpu.vector_load %arg11[%swap3A_2651, %swap3A_2652] {strides = array<i32>} : memref<3x512xf32, #tpu.memory_space<vmem>>, vector<16xf32>,
    tpu.vector_store %arg11[%swap3A_2651, %swap3A_2652], %add3A_2649 {strides = array<i32>} : memref<3x512xf32, #tpu.memory_space<vmem>>, vector<16xf32>,
    %get3A_2654 = arith.constant 2832 : index
    %get3A_2655 = tpu.vector_load %arg10[%get3A_2654] {strides = array<i32>} : memref<3072xf32, #tpu.memory_space<vmem>>, vector<16xf32>,
    %get3A_2656 = arith.constant 2960 : index
    %get3A_2657 = tpu.vector_load %arg10[%get3A_2656] {strides = array<i32>} : memref<3072xf32, #tpu.memory_space<vmem>>, vector<16xf32>,
    %get3A_2658 = arith.constant 2 : i32
    %get3A_2659 = arith.index_cast %get3A_2658 : i32 to index
    %get3A_2660 = arith.constant 400 : index
    %get3A_2661 = tpu.vector_load %arg6[%get3A_2659, %get3A_2660] {strides = array<i32>} : memref<3x512xf32, #tpu.memory_space<vmem>>, vector<16xf32>,
    %mul3A_2662 = arith.mulf %get3A_2619, %get3A_2655 : vector<16xf32>
    %add3A_2663 = arith.addf %get3A_2661, %mul3A_2662 : vector<16xf32>
    %mul3A_2664 = arith.mulf %get3A_2621, %get3A_2657 : vector<16xf32>
    %add3A_2665 = arith.addf %add3A_2663, %mul3A_2664 : vector<16xf32>
    %swap3A_2666 = arith.constant 2 : i32
    %swap3A_2667 = arith.index_cast %swap3A_2666 : i32 to index
    %swap3A_2668 = arith.constant 400 : index
    %swap3A_2669 = tpu.vector_load %arg11[%swap3A_2667, %swap3A_2668] {strides = array<i32>} : memref<3x512xf32, #tpu.memory_space<vmem>>, vector<16xf32>,
    tpu.vector_store %arg11[%swap3A_2667, %swap3A_2668], %add3A_2665 {strides = array<i32>} : memref<3x512xf32, #tpu.memory_space<vmem>>, vector<16xf32>,
    %get3A_2670 = arith.constant 416 : index
    %get3A_2671 = tpu.vector_load %arg7[%get3A_2670] {strides = array<i32>} : memref<512xf32, #tpu.memory_space<vmem>>, vector<16xf32>,
    %get3A_2672 = arith.constant 416 : index
    %get3A_2673 = tpu.vector_load %arg8[%get3A_2672] {strides = array<i32>} : memref<512xf32, #tpu.memory_space<vmem>>, vector<16xf32>,
    %get3A_2674 = arith.constant 2336 : index
    %get3A_2675 = tpu.vector_load %arg10[%get3A_2674] {strides = array<i32>} : memref<3072xf32, #tpu.memory_space<vmem>>, vector<16xf32>,
    %get3A_2676 = arith.constant 2464 : index
    %get3A_2677 = tpu.vector_load %arg10[%get3A_2676] {strides = array<i32>} : memref<3072xf32, #tpu.memory_space<vmem>>, vector<16xf32>,
    %get3A_2678 = arith.constant 0 : i32
    %get3A_2679 = arith.index_cast %get3A_2678 : i32 to index
    %get3A_2680 = arith.constant 416 : index
    %get3A_2681 = tpu.vector_load %arg6[%get3A_2679, %get3A_2680] {strides = array<i32>} : memref<3x512xf32, #tpu.memory_space<vmem>>, vector<16xf32>,
    %mul3A_2682 = arith.mulf %get3A_2671, %get3A_2675 : vector<16xf32>
    %add3A_2683 = arith.addf %get3A_2681, %mul3A_2682 : vector<16xf32>
    %mul3A_2684 = arith.mulf %get3A_2673, %get3A_2677 : vector<16xf32>
    %add3A_2685 = arith.addf %add3A_2683, %mul3A_2684 : vector<16xf32>
    %swap3A_2686 = arith.constant 0 : i32
    %swap3A_2687 = arith.index_cast %swap3A_2686 : i32 to index
    %swap3A_2688 = arith.constant 416 : index
    %swap3A_2689 = tpu.vector_load %arg11[%swap3A_2687, %swap3A_2688] {strides = array<i32>} : memref<3x512xf32, #tpu.memory_space<vmem>>, vector<16xf32>,
    tpu.vector_store %arg11[%swap3A_2687, %swap3A_2688], %add3A_2685 {strides = array<i32>} : memref<3x512xf32, #tpu.memory_space<vmem>>, vector<16xf32>,
    %get3A_2690 = arith.constant 2592 : index
    %get3A_2691 = tpu.vector_load %arg10[%get3A_2690] {strides = array<i32>} : memref<3072xf32, #tpu.memory_space<vmem>>, vector<16xf32>,
    %get3A_2692 = arith.constant 2720 : index
    %get3A_2693 = tpu.vector_load %arg10[%get3A_2692] {strides = array<i32>} : memref<3072xf32, #tpu.memory_space<vmem>>, vector<16xf32>,
    %get3A_2694 = arith.constant 1 : i32
    %get3A_2695 = arith.index_cast %get3A_2694 : i32 to index
    %get3A_2696 = arith.constant 416 : index
    %get3A_2697 = tpu.vector_load %arg6[%get3A_2695, %get3A_2696] {strides = array<i32>} : memref<3x512xf32, #tpu.memory_space<vmem>>, vector<16xf32>,
    %mul3A_2698 = arith.mulf %get3A_2671, %get3A_2691 : vector<16xf32>
    %add3A_2699 = arith.addf %get3A_2697, %mul3A_2698 : vector<16xf32>
    %mul3A_2700 = arith.mulf %get3A_2673, %get3A_2693 : vector<16xf32>
    %add3A_2701 = arith.addf %add3A_2699, %mul3A_2700 : vector<16xf32>
    %swap3A_2702 = arith.constant 1 : i32
    %swap3A_2703 = arith.index_cast %swap3A_2702 : i32 to index
    %swap3A_2704 = arith.constant 416 : index
    %swap3A_2705 = tpu.vector_load %arg11[%swap3A_2703, %swap3A_2704] {strides = array<i32>} : memref<3x512xf32, #tpu.memory_space<vmem>>, vector<16xf32>,
    tpu.vector_store %arg11[%swap3A_2703, %swap3A_2704], %add3A_2701 {strides = array<i32>} : memref<3x512xf32, #tpu.memory_space<vmem>>, vector<16xf32>,
    %get3A_2706 = arith.constant 2848 : index
    %get3A_2707 = tpu.vector_load %arg10[%get3A_2706] {strides = array<i32>} : memref<3072xf32, #tpu.memory_space<vmem>>, vector<16xf32>,
    %get3A_2708 = arith.constant 2976 : index
    %get3A_2709 = tpu.vector_load %arg10[%get3A_2708] {strides = array<i32>} : memref<3072xf32, #tpu.memory_space<vmem>>, vector<16xf32>,
    %get3A_2710 = arith.constant 2 : i32
    %get3A_2711 = arith.index_cast %get3A_2710 : i32 to index
    %get3A_2712 = arith.constant 416 : index
    %get3A_2713 = tpu.vector_load %arg6[%get3A_2711, %get3A_2712] {strides = array<i32>} : memref<3x512xf32, #tpu.memory_space<vmem>>, vector<16xf32>,
    %mul3A_2714 = arith.mulf %get3A_2671, %get3A_2707 : vector<16xf32>
    %add3A_2715 = arith.addf %get3A_2713, %mul3A_2714 : vector<16xf32>
    %mul3A_2716 = arith.mulf %get3A_2673, %get3A_2709 : vector<16xf32>
    %add3A_2717 = arith.addf %add3A_2715, %mul3A_2716 : vector<16xf32>
    %swap3A_2718 = arith.constant 2 : i32
    %swap3A_2719 = arith.index_cast %swap3A_2718 : i32 to index
    %swap3A_2720 = arith.constant 416 : index
    %swap3A_2721 = tpu.vector_load %arg11[%swap3A_2719, %swap3A_2720] {strides = array<i32>} : memref<3x512xf32, #tpu.memory_space<vmem>>, vector<16xf32>,
    tpu.vector_store %arg11[%swap3A_2719, %swap3A_2720], %add3A_2717 {strides = array<i32>} : memref<3x512xf32, #tpu.memory_space<vmem>>, vector<16xf32>,
    %get3A_2722 = arith.constant 432 : index
    %get3A_2723 = tpu.vector_load %arg7[%get3A_2722] {strides = array<i32>} : memref<512xf32, #tpu.memory_space<vmem>>, vector<16xf32>,
    %get3A_2724 = arith.constant 432 : index
    %get3A_2725 = tpu.vector_load %arg8[%get3A_2724] {strides = array<i32>} : memref<512xf32, #tpu.memory_space<vmem>>, vector<16xf32>,
    %get3A_2726 = arith.constant 2352 : index
    %get3A_2727 = tpu.vector_load %arg10[%get3A_2726] {strides = array<i32>} : memref<3072xf32, #tpu.memory_space<vmem>>, vector<16xf32>,
    %get3A_2728 = arith.constant 2480 : index
    %get3A_2729 = tpu.vector_load %arg10[%get3A_2728] {strides = array<i32>} : memref<3072xf32, #tpu.memory_space<vmem>>, vector<16xf32>,
    %get3A_2730 = arith.constant 0 : i32
    %get3A_2731 = arith.index_cast %get3A_2730 : i32 to index
    %get3A_2732 = arith.constant 432 : index
    %get3A_2733 = tpu.vector_load %arg6[%get3A_2731, %get3A_2732] {strides = array<i32>} : memref<3x512xf32, #tpu.memory_space<vmem>>, vector<16xf32>,
    %mul3A_2734 = arith.mulf %get3A_2723, %get3A_2727 : vector<16xf32>
    %add3A_2735 = arith.addf %get3A_2733, %mul3A_2734 : vector<16xf32>
    %mul3A_2736 = arith.mulf %get3A_2725, %get3A_2729 : vector<16xf32>
    %add3A_2737 = arith.addf %add3A_2735, %mul3A_2736 : vector<16xf32>
    %swap3A_2738 = arith.constant 0 : i32
    %swap3A_2739 = arith.index_cast %swap3A_2738 : i32 to index
    %swap3A_2740 = arith.constant 432 : index
    %swap3A_2741 = tpu.vector_load %arg11[%swap3A_2739, %swap3A_2740] {strides = array<i32>} : memref<3x512xf32, #tpu.memory_space<vmem>>, vector<16xf32>,
    tpu.vector_store %arg11[%swap3A_2739, %swap3A_2740], %add3A_2737 {strides = array<i32>} : memref<3x512xf32, #tpu.memory_space<vmem>>, vector<16xf32>,
    %get3A_2742 = arith.constant 2608 : index
    %get3A_2743 = tpu.vector_load %arg10[%get3A_2742] {strides = array<i32>} : memref<3072xf32, #tpu.memory_space<vmem>>, vector<16xf32>,
    %get3A_2744 = arith.constant 2736 : index
    %get3A_2745 = tpu.vector_load %arg10[%get3A_2744] {strides = array<i32>} : memref<3072xf32, #tpu.memory_space<vmem>>, vector<16xf32>,
    %get3A_2746 = arith.constant 1 : i32
    %get3A_2747 = arith.index_cast %get3A_2746 : i32 to index
    %get3A_2748 = arith.constant 432 : index
    %get3A_2749 = tpu.vector_load %arg6[%get3A_2747, %get3A_2748] {strides = array<i32>} : memref<3x512xf32, #tpu.memory_space<vmem>>, vector<16xf32>,
    %mul3A_2750 = arith.mulf %get3A_2723, %get3A_2743 : vector<16xf32>
    %add3A_2751 = arith.addf %get3A_2749, %mul3A_2750 : vector<16xf32>
    %mul3A_2752 = arith.mulf %get3A_2725, %get3A_2745 : vector<16xf32>
    %add3A_2753 = arith.addf %add3A_2751, %mul3A_2752 : vector<16xf32>
    %swap3A_2754 = arith.constant 1 : i32
    %swap3A_2755 = arith.index_cast %swap3A_2754 : i32 to index
    %swap3A_2756 = arith.constant 432 : index
    %swap3A_2757 = tpu.vector_load %arg11[%swap3A_2755, %swap3A_2756] {strides = array<i32>} : memref<3x512xf32, #tpu.memory_space<vmem>>, vector<16xf32>,
    tpu.vector_store %arg11[%swap3A_2755, %swap3A_2756], %add3A_2753 {strides = array<i32>} : memref<3x512xf32, #tpu.memory_space<vmem>>, vector<16xf32>,
    %get3A_2758 = arith.constant 2864 : index
    %get3A_2759 = tpu.vector_load %arg10[%get3A_2758] {strides = array<i32>} : memref<3072xf32, #tpu.memory_space<vmem>>, vector<16xf32>,
    %get3A_2760 = arith.constant 2992 : index
    %get3A_2761 = tpu.vector_load %arg10[%get3A_2760] {strides = array<i32>} : memref<3072xf32, #tpu.memory_space<vmem>>, vector<16xf32>,
    %get3A_2762 = arith.constant 2 : i32
    %get3A_2763 = arith.index_cast %get3A_2762 : i32 to index
    %get3A_2764 = arith.constant 432 : index
    %get3A_2765 = tpu.vector_load %arg6[%get3A_2763, %get3A_2764] {strides = array<i32>} : memref<3x512xf32, #tpu.memory_space<vmem>>, vector<16xf32>,
    %mul3A_2766 = arith.mulf %get3A_2723, %get3A_2759 : vector<16xf32>
    %add3A_2767 = arith.addf %get3A_2765, %mul3A_2766 : vector<16xf32>
    %mul3A_2768 = arith.mulf %get3A_2725, %get3A_2761 : vector<16xf32>
    %add3A_2769 = arith.addf %add3A_2767, %mul3A_2768 : vector<16xf32>
    %swap3A_2770 = arith.constant 2 : i32
    %swap3A_2771 = arith.index_cast %swap3A_2770 : i32 to index
    %swap3A_2772 = arith.constant 432 : index
    %swap3A_2773 = tpu.vector_load %arg11[%swap3A_2771, %swap3A_2772] {strides = array<i32>} : memref<3x512xf32, #tpu.memory_space<vmem>>, vector<16xf32>,
    tpu.vector_store %arg11[%swap3A_2771, %swap3A_2772], %add3A_2769 {strides = array<i32>} : memref<3x512xf32, #tpu.memory_space<vmem>>, vector<16xf32>,
    %get3A_2774 = arith.constant 448 : index
    %get3A_2775 = tpu.vector_load %arg7[%get3A_2774] {strides = array<i32>} : memref<512xf32, #tpu.memory_space<vmem>>, vector<16xf32>,
    %get3A_2776 = arith.constant 448 : index
    %get3A_2777 = tpu.vector_load %arg8[%get3A_2776] {strides = array<i32>} : memref<512xf32, #tpu.memory_space<vmem>>, vector<16xf32>,
    %get3A_2778 = arith.constant 2368 : index
    %get3A_2779 = tpu.vector_load %arg10[%get3A_2778] {strides = array<i32>} : memref<3072xf32, #tpu.memory_space<vmem>>, vector<16xf32>,
    %get3A_2780 = arith.constant 2496 : index
    %get3A_2781 = tpu.vector_load %arg10[%get3A_2780] {strides = array<i32>} : memref<3072xf32, #tpu.memory_space<vmem>>, vector<16xf32>,
    %get3A_2782 = arith.constant 0 : i32
    %get3A_2783 = arith.index_cast %get3A_2782 : i32 to index
    %get3A_2784 = arith.constant 448 : index
    %get3A_2785 = tpu.vector_load %arg6[%get3A_2783, %get3A_2784] {strides = array<i32>} : memref<3x512xf32, #tpu.memory_space<vmem>>, vector<16xf32>,
    %mul3A_2786 = arith.mulf %get3A_2775, %get3A_2779 : vector<16xf32>
    %add3A_2787 = arith.addf %get3A_2785, %mul3A_2786 : vector<16xf32>
    %mul3A_2788 = arith.mulf %get3A_2777, %get3A_2781 : vector<16xf32>
    %add3A_2789 = arith.addf %add3A_2787, %mul3A_2788 : vector<16xf32>
    %swap3A_2790 = arith.constant 0 : i32
    %swap3A_2791 = arith.index_cast %swap3A_2790 : i32 to index
    %swap3A_2792 = arith.constant 448 : index
    %swap3A_2793 = tpu.vector_load %arg11[%swap3A_2791, %swap3A_2792] {strides = array<i32>} : memref<3x512xf32, #tpu.memory_space<vmem>>, vector<16xf32>,
    tpu.vector_store %arg11[%swap3A_2791, %swap3A_2792], %add3A_2789 {strides = array<i32>} : memref<3x512xf32, #tpu.memory_space<vmem>>, vector<16xf32>,
    %get3A_2794 = arith.constant 2624 : index
    %get3A_2795 = tpu.vector_load %arg10[%get3A_2794] {strides = array<i32>} : memref<3072xf32, #tpu.memory_space<vmem>>, vector<16xf32>,
    %get3A_2796 = arith.constant 2752 : index
    %get3A_2797 = tpu.vector_load %arg10[%get3A_2796] {strides = array<i32>} : memref<3072xf32, #tpu.memory_space<vmem>>, vector<16xf32>,
    %get3A_2798 = arith.constant 1 : i32
    %get3A_2799 = arith.index_cast %get3A_2798 : i32 to index
    %get3A_2800 = arith.constant 448 : index
    %get3A_2801 = tpu.vector_load %arg6[%get3A_2799, %get3A_2800] {strides = array<i32>} : memref<3x512xf32, #tpu.memory_space<vmem>>, vector<16xf32>,
    %mul3A_2802 = arith.mulf %get3A_2775, %get3A_2795 : vector<16xf32>
    %add3A_2803 = arith.addf %get3A_2801, %mul3A_2802 : vector<16xf32>
    %mul3A_2804 = arith.mulf %get3A_2777, %get3A_2797 : vector<16xf32>
    %add3A_2805 = arith.addf %add3A_2803, %mul3A_2804 : vector<16xf32>
    %swap3A_2806 = arith.constant 1 : i32
    %swap3A_2807 = arith.index_cast %swap3A_2806 : i32 to index
    %swap3A_2808 = arith.constant 448 : index
    %swap3A_2809 = tpu.vector_load %arg11[%swap3A_2807, %swap3A_2808] {strides = array<i32>} : memref<3x512xf32, #tpu.memory_space<vmem>>, vector<16xf32>,
    tpu.vector_store %arg11[%swap3A_2807, %swap3A_2808], %add3A_2805 {strides = array<i32>} : memref<3x512xf32, #tpu.memory_space<vmem>>, vector<16xf32>,
    %get3A_2810 = arith.constant 2880 : index
    %get3A_2811 = tpu.vector_load %arg10[%get3A_2810] {strides = array<i32>} : memref<3072xf32, #tpu.memory_space<vmem>>, vector<16xf32>,
    %get3A_2812 = arith.constant 3008 : index
    %get3A_2813 = tpu.vector_load %arg10[%get3A_2812] {strides = array<i32>} : memref<3072xf32, #tpu.memory_space<vmem>>, vector<16xf32>,
    %get3A_2814 = arith.constant 2 : i32
    %get3A_2815 = arith.index_cast %get3A_2814 : i32 to index
    %get3A_2816 = arith.constant 448 : index
    %get3A_2817 = tpu.vector_load %arg6[%get3A_2815, %get3A_2816] {strides = array<i32>} : memref<3x512xf32, #tpu.memory_space<vmem>>, vector<16xf32>,
    %mul3A_2818 = arith.mulf %get3A_2775, %get3A_2811 : vector<16xf32>
    %add3A_2819 = arith.addf %get3A_2817, %mul3A_2818 : vector<16xf32>
    %mul3A_2820 = arith.mulf %get3A_2777, %get3A_2813 : vector<16xf32>
    %add3A_2821 = arith.addf %add3A_2819, %mul3A_2820 : vector<16xf32>
    %swap3A_2822 = arith.constant 2 : i32
    %swap3A_2823 = arith.index_cast %swap3A_2822 : i32 to index
    %swap3A_2824 = arith.constant 448 : index
    %swap3A_2825 = tpu.vector_load %arg11[%swap3A_2823, %swap3A_2824] {strides = array<i32>} : memref<3x512xf32, #tpu.memory_space<vmem>>, vector<16xf32>,
    tpu.vector_store %arg11[%swap3A_2823, %swap3A_2824], %add3A_2821 {strides = array<i32>} : memref<3x512xf32, #tpu.memory_space<vmem>>, vector<16xf32>,
    %get3A_2826 = arith.constant 464 : index
    %get3A_2827 = tpu.vector_load %arg7[%get3A_2826] {strides = array<i32>} : memref<512xf32, #tpu.memory_space<vmem>>, vector<16xf32>,
    %get3A_2828 = arith.constant 464 : index
    %get3A_2829 = tpu.vector_load %arg8[%get3A_2828] {strides = array<i32>} : memref<512xf32, #tpu.memory_space<vmem>>, vector<16xf32>,
    %get3A_2830 = arith.constant 2384 : index
    %get3A_2831 = tpu.vector_load %arg10[%get3A_2830] {strides = array<i32>} : memref<3072xf32, #tpu.memory_space<vmem>>, vector<16xf32>,
    %get3A_2832 = arith.constant 2512 : index
    %get3A_2833 = tpu.vector_load %arg10[%get3A_2832] {strides = array<i32>} : memref<3072xf32, #tpu.memory_space<vmem>>, vector<16xf32>,
    %get3A_2834 = arith.constant 0 : i32
    %get3A_2835 = arith.index_cast %get3A_2834 : i32 to index
    %get3A_2836 = arith.constant 464 : index
    %get3A_2837 = tpu.vector_load %arg6[%get3A_2835, %get3A_2836] {strides = array<i32>} : memref<3x512xf32, #tpu.memory_space<vmem>>, vector<16xf32>,
    %mul3A_2838 = arith.mulf %get3A_2827, %get3A_2831 : vector<16xf32>
    %add3A_2839 = arith.addf %get3A_2837, %mul3A_2838 : vector<16xf32>
    %mul3A_2840 = arith.mulf %get3A_2829, %get3A_2833 : vector<16xf32>
    %add3A_2841 = arith.addf %add3A_2839, %mul3A_2840 : vector<16xf32>
    %swap3A_2842 = arith.constant 0 : i32
    %swap3A_2843 = arith.index_cast %swap3A_2842 : i32 to index
    %swap3A_2844 = arith.constant 464 : index
    %swap3A_2845 = tpu.vector_load %arg11[%swap3A_2843, %swap3A_2844] {strides = array<i32>} : memref<3x512xf32, #tpu.memory_space<vmem>>, vector<16xf32>,
    tpu.vector_store %arg11[%swap3A_2843, %swap3A_2844], %add3A_2841 {strides = array<i32>} : memref<3x512xf32, #tpu.memory_space<vmem>>, vector<16xf32>,
    %get3A_2846 = arith.constant 2640 : index
    %get3A_2847 = tpu.vector_load %arg10[%get3A_2846] {strides = array<i32>} : memref<3072xf32, #tpu.memory_space<vmem>>, vector<16xf32>,
    %get3A_2848 = arith.constant 2768 : index
    %get3A_2849 = tpu.vector_load %arg10[%get3A_2848] {strides = array<i32>} : memref<3072xf32, #tpu.memory_space<vmem>>, vector<16xf32>,
    %get3A_2850 = arith.constant 1 : i32
    %get3A_2851 = arith.index_cast %get3A_2850 : i32 to index
    %get3A_2852 = arith.constant 464 : index
    %get3A_2853 = tpu.vector_load %arg6[%get3A_2851, %get3A_2852] {strides = array<i32>} : memref<3x512xf32, #tpu.memory_space<vmem>>, vector<16xf32>,
    %mul3A_2854 = arith.mulf %get3A_2827, %get3A_2847 : vector<16xf32>
    %add3A_2855 = arith.addf %get3A_2853, %mul3A_2854 : vector<16xf32>
    %mul3A_2856 = arith.mulf %get3A_2829, %get3A_2849 : vector<16xf32>
    %add3A_2857 = arith.addf %add3A_2855, %mul3A_2856 : vector<16xf32>
    %swap3A_2858 = arith.constant 1 : i32
    %swap3A_2859 = arith.index_cast %swap3A_2858 : i32 to index
    %swap3A_2860 = arith.constant 464 : index
    %swap3A_2861 = tpu.vector_load %arg11[%swap3A_2859, %swap3A_2860] {strides = array<i32>} : memref<3x512xf32, #tpu.memory_space<vmem>>, vector<16xf32>,
    tpu.vector_store %arg11[%swap3A_2859, %swap3A_2860], %add3A_2857 {strides = array<i32>} : memref<3x512xf32, #tpu.memory_space<vmem>>, vector<16xf32>,
    %get3A_2862 = arith.constant 2896 : index
    %get3A_2863 = tpu.vector_load %arg10[%get3A_2862] {strides = array<i32>} : memref<3072xf32, #tpu.memory_space<vmem>>, vector<16xf32>,
    %get3A_2864 = arith.constant 3024 : index
    %get3A_2865 = tpu.vector_load %arg10[%get3A_2864] {strides = array<i32>} : memref<3072xf32, #tpu.memory_space<vmem>>, vector<16xf32>,
    %get3A_2866 = arith.constant 2 : i32
    %get3A_2867 = arith.index_cast %get3A_2866 : i32 to index
    %get3A_2868 = arith.constant 464 : index
    %get3A_2869 = tpu.vector_load %arg6[%get3A_2867, %get3A_2868] {strides = array<i32>} : memref<3x512xf32, #tpu.memory_space<vmem>>, vector<16xf32>,
    %mul3A_2870 = arith.mulf %get3A_2827, %get3A_2863 : vector<16xf32>
    %add3A_2871 = arith.addf %get3A_2869, %mul3A_2870 : vector<16xf32>
    %mul3A_2872 = arith.mulf %get3A_2829, %get3A_2865 : vector<16xf32>
    %add3A_2873 = arith.addf %add3A_2871, %mul3A_2872 : vector<16xf32>
    %swap3A_2874 = arith.constant 2 : i32
    %swap3A_2875 = arith.index_cast %swap3A_2874 : i32 to index
    %swap3A_2876 = arith.constant 464 : index
    %swap3A_2877 = tpu.vector_load %arg11[%swap3A_2875, %swap3A_2876] {strides = array<i32>} : memref<3x512xf32, #tpu.memory_space<vmem>>, vector<16xf32>,
    tpu.vector_store %arg11[%swap3A_2875, %swap3A_2876], %add3A_2873 {strides = array<i32>} : memref<3x512xf32, #tpu.memory_space<vmem>>, vector<16xf32>,
    %get3A_2878 = arith.constant 480 : index
    %get3A_2879 = tpu.vector_load %arg7[%get3A_2878] {strides = array<i32>} : memref<512xf32, #tpu.memory_space<vmem>>, vector<16xf32>,
    %get3A_2880 = arith.constant 480 : index
    %get3A_2881 = tpu.vector_load %arg8[%get3A_2880] {strides = array<i32>} : memref<512xf32, #tpu.memory_space<vmem>>, vector<16xf32>,
    %get3A_2882 = arith.constant 2400 : index
    %get3A_2883 = tpu.vector_load %arg10[%get3A_2882] {strides = array<i32>} : memref<3072xf32, #tpu.memory_space<vmem>>, vector<16xf32>,
    %get3A_2884 = arith.constant 2528 : index
    %get3A_2885 = tpu.vector_load %arg10[%get3A_2884] {strides = array<i32>} : memref<3072xf32, #tpu.memory_space<vmem>>, vector<16xf32>,
    %get3A_2886 = arith.constant 0 : i32
    %get3A_2887 = arith.index_cast %get3A_2886 : i32 to index
    %get3A_2888 = arith.constant 480 : index
    %get3A_2889 = tpu.vector_load %arg6[%get3A_2887, %get3A_2888] {strides = array<i32>} : memref<3x512xf32, #tpu.memory_space<vmem>>, vector<16xf32>,
    %mul3A_2890 = arith.mulf %get3A_2879, %get3A_2883 : vector<16xf32>
    %add3A_2891 = arith.addf %get3A_2889, %mul3A_2890 : vector<16xf32>
    %mul3A_2892 = arith.mulf %get3A_2881, %get3A_2885 : vector<16xf32>
    %add3A_2893 = arith.addf %add3A_2891, %mul3A_2892 : vector<16xf32>
    %swap3A_2894 = arith.constant 0 : i32
    %swap3A_2895 = arith.index_cast %swap3A_2894 : i32 to index
    %swap3A_2896 = arith.constant 480 : index
    %swap3A_2897 = tpu.vector_load %arg11[%swap3A_2895, %swap3A_2896] {strides = array<i32>} : memref<3x512xf32, #tpu.memory_space<vmem>>, vector<16xf32>,
    tpu.vector_store %arg11[%swap3A_2895, %swap3A_2896], %add3A_2893 {strides = array<i32>} : memref<3x512xf32, #tpu.memory_space<vmem>>, vector<16xf32>,
    %get3A_2898 = arith.constant 2656 : index
    %get3A_2899 = tpu.vector_load %arg10[%get3A_2898] {strides = array<i32>} : memref<3072xf32, #tpu.memory_space<vmem>>, vector<16xf32>,
    %get3A_2900 = arith.constant 2784 : index
    %get3A_2901 = tpu.vector_load %arg10[%get3A_2900] {strides = array<i32>} : memref<3072xf32, #tpu.memory_space<vmem>>, vector<16xf32>,
    %get3A_2902 = arith.constant 1 : i32
    %get3A_2903 = arith.index_cast %get3A_2902 : i32 to index
    %get3A_2904 = arith.constant 480 : index
    %get3A_2905 = tpu.vector_load %arg6[%get3A_2903, %get3A_2904] {strides = array<i32>} : memref<3x512xf32, #tpu.memory_space<vmem>>, vector<16xf32>,
    %mul3A_2906 = arith.mulf %get3A_2879, %get3A_2899 : vector<16xf32>
    %add3A_2907 = arith.addf %get3A_2905, %mul3A_2906 : vector<16xf32>
    %mul3A_2908 = arith.mulf %get3A_2881, %get3A_2901 : vector<16xf32>
    %add3A_2909 = arith.addf %add3A_2907, %mul3A_2908 : vector<16xf32>
    %swap3A_2910 = arith.constant 1 : i32
    %swap3A_2911 = arith.index_cast %swap3A_2910 : i32 to index
    %swap3A_2912 = arith.constant 480 : index
    %swap3A_2913 = tpu.vector_load %arg11[%swap3A_2911, %swap3A_2912] {strides = array<i32>} : memref<3x512xf32, #tpu.memory_space<vmem>>, vector<16xf32>,
    tpu.vector_store %arg11[%swap3A_2911, %swap3A_2912], %add3A_2909 {strides = array<i32>} : memref<3x512xf32, #tpu.memory_space<vmem>>, vector<16xf32>,
    %get3A_2914 = arith.constant 2912 : index
    %get3A_2915 = tpu.vector_load %arg10[%get3A_2914] {strides = array<i32>} : memref<3072xf32, #tpu.memory_space<vmem>>, vector<16xf32>,
    %get3A_2916 = arith.constant 3040 : index
    %get3A_2917 = tpu.vector_load %arg10[%get3A_2916] {strides = array<i32>} : memref<3072xf32, #tpu.memory_space<vmem>>, vector<16xf32>,
    %get3A_2918 = arith.constant 2 : i32
    %get3A_2919 = arith.index_cast %get3A_2918 : i32 to index
    %get3A_2920 = arith.constant 480 : index
    %get3A_2921 = tpu.vector_load %arg6[%get3A_2919, %get3A_2920] {strides = array<i32>} : memref<3x512xf32, #tpu.memory_space<vmem>>, vector<16xf32>,
    %mul3A_2922 = arith.mulf %get3A_2879, %get3A_2915 : vector<16xf32>
    %add3A_2923 = arith.addf %get3A_2921, %mul3A_2922 : vector<16xf32>
    %mul3A_2924 = arith.mulf %get3A_2881, %get3A_2917 : vector<16xf32>
    %add3A_2925 = arith.addf %add3A_2923, %mul3A_2924 : vector<16xf32>
    %swap3A_2926 = arith.constant 2 : i32
    %swap3A_2927 = arith.index_cast %swap3A_2926 : i32 to index
    %swap3A_2928 = arith.constant 480 : index
    %swap3A_2929 = tpu.vector_load %arg11[%swap3A_2927, %swap3A_2928] {strides = array<i32>} : memref<3x512xf32, #tpu.memory_space<vmem>>, vector<16xf32>,
    tpu.vector_store %arg11[%swap3A_2927, %swap3A_2928], %add3A_2925 {strides = array<i32>} : memref<3x512xf32, #tpu.memory_space<vmem>>, vector<16xf32>,
    %get3A_2930 = arith.constant 496 : index
    %get3A_2931 = tpu.vector_load %arg7[%get3A_2930] {strides = array<i32>} : memref<512xf32, #tpu.memory_space<vmem>>, vector<16xf32>,
    %get3A_2932 = arith.constant 496 : index
    %get3A_2933 = tpu.vector_load %arg8[%get3A_2932] {strides = array<i32>} : memref<512xf32, #tpu.memory_space<vmem>>, vector<16xf32>,
    %get3A_2934 = arith.constant 2416 : index
    %get3A_2935 = tpu.vector_load %arg10[%get3A_2934] {strides = array<i32>} : memref<3072xf32, #tpu.memory_space<vmem>>, vector<16xf32>,
    %get3A_2936 = arith.constant 2544 : index
    %get3A_2937 = tpu.vector_load %arg10[%get3A_2936] {strides = array<i32>} : memref<3072xf32, #tpu.memory_space<vmem>>, vector<16xf32>,
    %get3A_2938 = arith.constant 0 : i32
    %get3A_2939 = arith.index_cast %get3A_2938 : i32 to index
    %get3A_2940 = arith.constant 496 : index
    %get3A_2941 = tpu.vector_load %arg6[%get3A_2939, %get3A_2940] {strides = array<i32>} : memref<3x512xf32, #tpu.memory_space<vmem>>, vector<16xf32>,
    %mul3A_2942 = arith.mulf %get3A_2931, %get3A_2935 : vector<16xf32>
    %add3A_2943 = arith.addf %get3A_2941, %mul3A_2942 : vector<16xf32>
    %mul3A_2944 = arith.mulf %get3A_2933, %get3A_2937 : vector<16xf32>
    %add3A_2945 = arith.addf %add3A_2943, %mul3A_2944 : vector<16xf32>
    %swap3A_2946 = arith.constant 0 : i32
    %swap3A_2947 = arith.index_cast %swap3A_2946 : i32 to index
    %swap3A_2948 = arith.constant 496 : index
    %swap3A_2949 = tpu.vector_load %arg11[%swap3A_2947, %swap3A_2948] {strides = array<i32>} : memref<3x512xf32, #tpu.memory_space<vmem>>, vector<16xf32>,
    tpu.vector_store %arg11[%swap3A_2947, %swap3A_2948], %add3A_2945 {strides = array<i32>} : memref<3x512xf32, #tpu.memory_space<vmem>>, vector<16xf32>,
    %get3A_2950 = arith.constant 2672 : index
    %get3A_2951 = tpu.vector_load %arg10[%get3A_2950] {strides = array<i32>} : memref<3072xf32, #tpu.memory_space<vmem>>, vector<16xf32>,
    %get3A_2952 = arith.constant 2800 : index
    %get3A_2953 = tpu.vector_load %arg10[%get3A_2952] {strides = array<i32>} : memref<3072xf32, #tpu.memory_space<vmem>>, vector<16xf32>,
    %get3A_2954 = arith.constant 1 : i32
    %get3A_2955 = arith.index_cast %get3A_2954 : i32 to index
    %get3A_2956 = arith.constant 496 : index
    %get3A_2957 = tpu.vector_load %arg6[%get3A_2955, %get3A_2956] {strides = array<i32>} : memref<3x512xf32, #tpu.memory_space<vmem>>, vector<16xf32>,
    %mul3A_2958 = arith.mulf %get3A_2931, %get3A_2951 : vector<16xf32>
    %add3A_2959 = arith.addf %get3A_2957, %mul3A_2958 : vector<16xf32>
    %mul3A_2960 = arith.mulf %get3A_2933, %get3A_2953 : vector<16xf32>
    %add3A_2961 = arith.addf %add3A_2959, %mul3A_2960 : vector<16xf32>
    %swap3A_2962 = arith.constant 1 : i32
    %swap3A_2963 = arith.index_cast %swap3A_2962 : i32 to index
    %swap3A_2964 = arith.constant 496 : index
    %swap3A_2965 = tpu.vector_load %arg11[%swap3A_2963, %swap3A_2964] {strides = array<i32>} : memref<3x512xf32, #tpu.memory_space<vmem>>, vector<16xf32>,
    tpu.vector_store %arg11[%swap3A_2963, %swap3A_2964], %add3A_2961 {strides = array<i32>} : memref<3x512xf32, #tpu.memory_space<vmem>>, vector<16xf32>,
    %get3A_2966 = arith.constant 2928 : index
    %get3A_2967 = tpu.vector_load %arg10[%get3A_2966] {strides = array<i32>} : memref<3072xf32, #tpu.memory_space<vmem>>, vector<16xf32>,
    %get3A_2968 = arith.constant 3056 : index
    %get3A_2969 = tpu.vector_load %arg10[%get3A_2968] {strides = array<i32>} : memref<3072xf32, #tpu.memory_space<vmem>>, vector<16xf32>,
    %get3A_2970 = arith.constant 2 : i32
    %get3A_2971 = arith.index_cast %get3A_2970 : i32 to index
    %get3A_2972 = arith.constant 496 : index
    %get3A_2973 = tpu.vector_load %arg6[%get3A_2971, %get3A_2972] {strides = array<i32>} : memref<3x512xf32, #tpu.memory_space<vmem>>, vector<16xf32>,
    %mul3A_2974 = arith.mulf %get3A_2931, %get3A_2967 : vector<16xf32>
    %add3A_2975 = arith.addf %get3A_2973, %mul3A_2974 : vector<16xf32>
    %mul3A_2976 = arith.mulf %get3A_2933, %get3A_2969 : vector<16xf32>
    %add3A_2977 = arith.addf %add3A_2975, %mul3A_2976 : vector<16xf32>
    %swap3A_2978 = arith.constant 2 : i32
    %swap3A_2979 = arith.index_cast %swap3A_2978 : i32 to index
    %swap3A_2980 = arith.constant 496 : index
    %swap3A_2981 = tpu.vector_load %arg11[%swap3A_2979, %swap3A_2980] {strides = array<i32>} : memref<3x512xf32, #tpu.memory_space<vmem>>, vector<16xf32>,
    tpu.vector_store %arg11[%swap3A_2979, %swap3A_2980], %add3A_2977 {strides = array<i32>} : memref<3x512xf32, #tpu.memory_space<vmem>>, vector<16xf32>,
    %add3A_2982 = arith.constant 0 : i32
    %add3A_2983 = arith.addi %add3A_2982, %mul3A_2 : i32
    %add3A_2984 = arith.constant 384 : i32
    %add3A_2985 = arith.addi %add3A_2983, %add3A_2984 : i32
    %dma_start3A_2986 = arith.constant 0 : i32
    %dma_start3A_2987 = arith.constant 384 : i32
    %dma_start3A_2988 = tpu.memref_slice %arg11[%dma_start3A_2986, %dma_start3A_2987] : memref<3x512xf32, #tpu.memory_space<vmem>> -> memref<1x128xf32, #tpu.memory_space<vmem>>
    %dma_start3A_2989 = tpu.memref_squeeze %dma_start3A_2988 : memref<1x128xf32, #tpu.memory_space<vmem>> -> memref<128xf32, #tpu.memory_space<vmem>>
    %dma_start3A_2990 = tpu.memref_slice %arg4[%add3A_2985] : memref<49152xf32, #tpu.memory_space<hbm>> -> memref<128xf32, #tpu.memory_space<hbm>>
    %dma_start3A_2991 = tpu.memref_slice %arg4[%add3A_2985] : memref<49152xf32, #tpu.memory_space<hbm>> -> memref<128xf32, #tpu.memory_space<hbm>>
    %dma_start3A_2992 = arith.constant 384 : i32
    %dma_start3A_2993 = tpu.memref_slice %arg11[%dma_start3A_2986, %dma_start3A_2992] : memref<3x512xf32, #tpu.memory_space<vmem>> -> memref<1x128xf32, #tpu.memory_space<vmem>>
    %dma_start3A_2994 = tpu.memref_squeeze %dma_start3A_2993 : memref<1x128xf32, #tpu.memory_space<vmem>> -> memref<128xf32, #tpu.memory_space<vmem>>
    tpu.enqueue_dma source(%dma_start3A_2994 : memref<128xf32, #tpu.memory_space<vmem>>) target(%dma_start3A_2991 : memref<128xf32, #tpu.memory_space<hbm>>) target_semaphore(%arg14 : memref<!tpu.dma_semaphore, #tpu.memory_space<semaphore_mem>>)
    %add3A_2995 = arith.constant 16384 : i32
    %add3A_2996 = arith.addi %add3A_2995, %mul3A_2 : i32
    %add3A_2997 = arith.constant 384 : i32
    %add3A_2998 = arith.addi %add3A_2996, %add3A_2997 : i32
    %dma_start3A_2999 = arith.constant 1 : i32
    %dma_start3A_3000 = arith.constant 384 : i32
    %dma_start3A_3001 = tpu.memref_slice %arg11[%dma_start3A_2999, %dma_start3A_3000] : memref<3x512xf32, #tpu.memory_space<vmem>> -> memref<1x128xf32, #tpu.memory_space<vmem>>
    %dma_start3A_3002 = tpu.memref_squeeze %dma_start3A_3001 : memref<1x128xf32, #tpu.memory_space<vmem>> -> memref<128xf32, #tpu.memory_space<vmem>>
    %dma_start3A_3003 = tpu.memref_slice %arg4[%add3A_2998] : memref<49152xf32, #tpu.memory_space<hbm>> -> memref<128xf32, #tpu.memory_space<hbm>>
    %dma_start3A_3004 = tpu.memref_slice %arg4[%add3A_2998] : memref<49152xf32, #tpu.memory_space<hbm>> -> memref<128xf32, #tpu.memory_space<hbm>>
    %dma_start3A_3005 = arith.constant 384 : i32
    %dma_start3A_3006 = tpu.memref_slice %arg11[%dma_start3A_2999, %dma_start3A_3005] : memref<3x512xf32, #tpu.memory_space<vmem>> -> memref<1x128xf32, #tpu.memory_space<vmem>>
    %dma_start3A_3007 = tpu.memref_squeeze %dma_start3A_3006 : memref<1x128xf32, #tpu.memory_space<vmem>> -> memref<128xf32, #tpu.memory_space<vmem>>
    tpu.enqueue_dma source(%dma_start3A_3007 : memref<128xf32, #tpu.memory_space<vmem>>) target(%dma_start3A_3004 : memref<128xf32, #tpu.memory_space<hbm>>) target_semaphore(%arg14 : memref<!tpu.dma_semaphore, #tpu.memory_space<semaphore_mem>>)
    %add3A_3008 = arith.constant 32768 : i32
    %add3A_3009 = arith.addi %add3A_3008, %mul3A_2 : i32
    %add3A_3010 = arith.constant 384 : i32
    %add3A_3011 = arith.addi %add3A_3009, %add3A_3010 : i32
    %dma_start3A_3012 = arith.constant 2 : i32
    %dma_start3A_3013 = arith.constant 384 : i32
    %dma_start3A_3014 = tpu.memref_slice %arg11[%dma_start3A_3012, %dma_start3A_3013] : memref<3x512xf32, #tpu.memory_space<vmem>> -> memref<1x128xf32, #tpu.memory_space<vmem>>
    %dma_start3A_3015 = tpu.memref_squeeze %dma_start3A_3014 : memref<1x128xf32, #tpu.memory_space<vmem>> -> memref<128xf32, #tpu.memory_space<vmem>>
    %dma_start3A_3016 = tpu.memref_slice %arg4[%add3A_3011] : memref<49152xf32, #tpu.memory_space<hbm>> -> memref<128xf32, #tpu.memory_space<hbm>>
    %dma_start3A_3017 = tpu.memref_slice %arg4[%add3A_3011] : memref<49152xf32, #tpu.memory_space<hbm>> -> memref<128xf32, #tpu.memory_space<hbm>>
    %dma_start3A_3018 = arith.constant 384 : i32
    %dma_start3A_3019 = tpu.memref_slice %arg11[%dma_start3A_3012, %dma_start3A_3018] : memref<3x512xf32, #tpu.memory_space<vmem>> -> memref<1x128xf32, #tpu.memory_space<vmem>>
    %dma_start3A_3020 = tpu.memref_squeeze %dma_start3A_3019 : memref<1x128xf32, #tpu.memory_space<vmem>> -> memref<128xf32, #tpu.memory_space<vmem>>
    tpu.enqueue_dma source(%dma_start3A_3020 : memref<128xf32, #tpu.memory_space<vmem>>) target(%dma_start3A_3017 : memref<128xf32, #tpu.memory_space<hbm>>) target_semaphore(%arg14 : memref<!tpu.dma_semaphore, #tpu.memory_space<semaphore_mem>>)
    %dma_wait3A_3021 = arith.constant 0 : i32
    %dma_wait3A_3022 = arith.constant 0 : i32
    %dma_wait3A_3023 = tpu.memref_slice %arg11[%dma_wait3A_3021, %dma_wait3A_3022] : memref<3x512xf32, #tpu.memory_space<vmem>> -> memref<1x128xf32, #tpu.memory_space<vmem>>
    %dma_wait3A_3024 = tpu.memref_squeeze %dma_wait3A_3023 : memref<1x128xf32, #tpu.memory_space<vmem>> -> memref<128xf32, #tpu.memory_space<vmem>>
    %dma_wait3A_3025 = tpu.memref_slice %arg4[%add3A_1602] : memref<49152xf32, #tpu.memory_space<hbm>> -> memref<128xf32, #tpu.memory_space<hbm>>
    %dma_wait3A_3026 = tpu.memref_slice %arg4[%add3A_1602] : memref<49152xf32, #tpu.memory_space<hbm>> -> memref<128xf32, #tpu.memory_space<hbm>>
    %dma_wait3A_3027 = arith.constant 0 : i32
    %dma_wait3A_3028 = tpu.memref_slice %arg11[%dma_wait3A_3021, %dma_wait3A_3027] : memref<3x512xf32, #tpu.memory_space<vmem>> -> memref<1x128xf32, #tpu.memory_space<vmem>>
    %dma_wait3A_3029 = tpu.memref_squeeze %dma_wait3A_3028 : memref<1x128xf32, #tpu.memory_space<vmem>> -> memref<128xf32, #tpu.memory_space<vmem>>
    tpu.wait_dma2 semaphore(%arg14 : memref<!tpu.dma_semaphore, #tpu.memory_space<semaphore_mem>>) src(%dma_wait3A_3029 : memref<128xf32, #tpu.memory_space<vmem>>) dst(%dma_wait3A_3026 : memref<128xf32, #tpu.memory_space<hbm>>)
    %dma_wait3A_3030 = arith.constant 1 : i32
    %dma_wait3A_3031 = arith.constant 0 : i32
    %dma_wait3A_3032 = tpu.memref_slice %arg11[%dma_wait3A_3030, %dma_wait3A_3031] : memref<3x512xf32, #tpu.memory_space<vmem>> -> memref<1x128xf32, #tpu.memory_space<vmem>>
    %dma_wait3A_3033 = tpu.memref_squeeze %dma_wait3A_3032 : memref<1x128xf32, #tpu.memory_space<vmem>> -> memref<128xf32, #tpu.memory_space<vmem>>
    %dma_wait3A_3034 = tpu.memref_slice %arg4[%add3A_1615] : memref<49152xf32, #tpu.memory_space<hbm>> -> memref<128xf32, #tpu.memory_space<hbm>>
    %dma_wait3A_3035 = tpu.memref_slice %arg4[%add3A_1615] : memref<49152xf32, #tpu.memory_space<hbm>> -> memref<128xf32, #tpu.memory_space<hbm>>
    %dma_wait3A_3036 = arith.constant 0 : i32
    %dma_wait3A_3037 = tpu.memref_slice %arg11[%dma_wait3A_3030, %dma_wait3A_3036] : memref<3x512xf32, #tpu.memory_space<vmem>> -> memref<1x128xf32, #tpu.memory_space<vmem>>
    %dma_wait3A_3038 = tpu.memref_squeeze %dma_wait3A_3037 : memref<1x128xf32, #tpu.memory_space<vmem>> -> memref<128xf32, #tpu.memory_space<vmem>>
    tpu.wait_dma2 semaphore(%arg14 : memref<!tpu.dma_semaphore, #tpu.memory_space<semaphore_mem>>) src(%dma_wait3A_3038 : memref<128xf32, #tpu.memory_space<vmem>>) dst(%dma_wait3A_3035 : memref<128xf32, #tpu.memory_space<hbm>>)
    %dma_wait3A_3039 = arith.constant 2 : i32
    %dma_wait3A_3040 = arith.constant 0 : i32
    %dma_wait3A_3041 = tpu.memref_slice %arg11[%dma_wait3A_3039, %dma_wait3A_3040] : memref<3x512xf32, #tpu.memory_space<vmem>> -> memref<1x128xf32, #tpu.memory_space<vmem>>
    %dma_wait3A_3042 = tpu.memref_squeeze %dma_wait3A_3041 : memref<1x128xf32, #tpu.memory_space<vmem>> -> memref<128xf32, #tpu.memory_space<vmem>>
    %dma_wait3A_3043 = tpu.memref_slice %arg4[%add3A_1628] : memref<49152xf32, #tpu.memory_space<hbm>> -> memref<128xf32, #tpu.memory_space<hbm>>
    %dma_wait3A_3044 = tpu.memref_slice %arg4[%add3A_1628] : memref<49152xf32, #tpu.memory_space<hbm>> -> memref<128xf32, #tpu.memory_space<hbm>>
    %dma_wait3A_3045 = arith.constant 0 : i32
    %dma_wait3A_3046 = tpu.memref_slice %arg11[%dma_wait3A_3039, %dma_wait3A_3045] : memref<3x512xf32, #tpu.memory_space<vmem>> -> memref<1x128xf32, #tpu.memory_space<vmem>>
    %dma_wait3A_3047 = tpu.memref_squeeze %dma_wait3A_3046 : memref<1x128xf32, #tpu.memory_space<vmem>> -> memref<128xf32, #tpu.memory_space<vmem>>
    tpu.wait_dma2 semaphore(%arg14 : memref<!tpu.dma_semaphore, #tpu.memory_space<semaphore_mem>>) src(%dma_wait3A_3047 : memref<128xf32, #tpu.memory_space<vmem>>) dst(%dma_wait3A_3044 : memref<128xf32, #tpu.memory_space<hbm>>)
    %dma_wait3A_3048 = arith.constant 0 : i32
    %dma_wait3A_3049 = arith.constant 128 : i32
    %dma_wait3A_3050 = tpu.memref_slice %arg11[%dma_wait3A_3048, %dma_wait3A_3049] : memref<3x512xf32, #tpu.memory_space<vmem>> -> memref<1x128xf32, #tpu.memory_space<vmem>>
    %dma_wait3A_3051 = tpu.memref_squeeze %dma_wait3A_3050 : memref<1x128xf32, #tpu.memory_space<vmem>> -> memref<128xf32, #tpu.memory_space<vmem>>
    %dma_wait3A_3052 = tpu.memref_slice %arg4[%add3A_2063] : memref<49152xf32, #tpu.memory_space<hbm>> -> memref<128xf32, #tpu.memory_space<hbm>>
    %dma_wait3A_3053 = tpu.memref_slice %arg4[%add3A_2063] : memref<49152xf32, #tpu.memory_space<hbm>> -> memref<128xf32, #tpu.memory_space<hbm>>
    %dma_wait3A_3054 = arith.constant 128 : i32
    %dma_wait3A_3055 = tpu.memref_slice %arg11[%dma_wait3A_3048, %dma_wait3A_3054] : memref<3x512xf32, #tpu.memory_space<vmem>> -> memref<1x128xf32, #tpu.memory_space<vmem>>
    %dma_wait3A_3056 = tpu.memref_squeeze %dma_wait3A_3055 : memref<1x128xf32, #tpu.memory_space<vmem>> -> memref<128xf32, #tpu.memory_space<vmem>>
    tpu.wait_dma2 semaphore(%arg14 : memref<!tpu.dma_semaphore, #tpu.memory_space<semaphore_mem>>) src(%dma_wait3A_3056 : memref<128xf32, #tpu.memory_space<vmem>>) dst(%dma_wait3A_3053 : memref<128xf32, #tpu.memory_space<hbm>>)
    %dma_wait3A_3057 = arith.constant 1 : i32
    %dma_wait3A_3058 = arith.constant 128 : i32
    %dma_wait3A_3059 = tpu.memref_slice %arg11[%dma_wait3A_3057, %dma_wait3A_3058] : memref<3x512xf32, #tpu.memory_space<vmem>> -> memref<1x128xf32, #tpu.memory_space<vmem>>
    %dma_wait3A_3060 = tpu.memref_squeeze %dma_wait3A_3059 : memref<1x128xf32, #tpu.memory_space<vmem>> -> memref<128xf32, #tpu.memory_space<vmem>>
    %dma_wait3A_3061 = tpu.memref_slice %arg4[%add3A_2076] : memref<49152xf32, #tpu.memory_space<hbm>> -> memref<128xf32, #tpu.memory_space<hbm>>
    %dma_wait3A_3062 = tpu.memref_slice %arg4[%add3A_2076] : memref<49152xf32, #tpu.memory_space<hbm>> -> memref<128xf32, #tpu.memory_space<hbm>>
    %dma_wait3A_3063 = arith.constant 128 : i32
    %dma_wait3A_3064 = tpu.memref_slice %arg11[%dma_wait3A_3057, %dma_wait3A_3063] : memref<3x512xf32, #tpu.memory_space<vmem>> -> memref<1x128xf32, #tpu.memory_space<vmem>>
    %dma_wait3A_3065 = tpu.memref_squeeze %dma_wait3A_3064 : memref<1x128xf32, #tpu.memory_space<vmem>> -> memref<128xf32, #tpu.memory_space<vmem>>
    tpu.wait_dma2 semaphore(%arg14 : memref<!tpu.dma_semaphore, #tpu.memory_space<semaphore_mem>>) src(%dma_wait3A_3065 : memref<128xf32, #tpu.memory_space<vmem>>) dst(%dma_wait3A_3062 : memref<128xf32, #tpu.memory_space<hbm>>)
    %dma_wait3A_3066 = arith.constant 2 : i32
    %dma_wait3A_3067 = arith.constant 128 : i32
    %dma_wait3A_3068 = tpu.memref_slice %arg11[%dma_wait3A_3066, %dma_wait3A_3067] : memref<3x512xf32, #tpu.memory_space<vmem>> -> memref<1x128xf32, #tpu.memory_space<vmem>>
    %dma_wait3A_3069 = tpu.memref_squeeze %dma_wait3A_3068 : memref<1x128xf32, #tpu.memory_space<vmem>> -> memref<128xf32, #tpu.memory_space<vmem>>
    %dma_wait3A_3070 = tpu.memref_slice %arg4[%add3A_2089] : memref<49152xf32, #tpu.memory_space<hbm>> -> memref<128xf32, #tpu.memory_space<hbm>>
    %dma_wait3A_3071 = tpu.memref_slice %arg4[%add3A_2089] : memref<49152xf32, #tpu.memory_space<hbm>> -> memref<128xf32, #tpu.memory_space<hbm>>
    %dma_wait3A_3072 = arith.constant 128 : i32
    %dma_wait3A_3073 = tpu.memref_slice %arg11[%dma_wait3A_3066, %dma_wait3A_3072] : memref<3x512xf32, #tpu.memory_space<vmem>> -> memref<1x128xf32, #tpu.memory_space<vmem>>
    %dma_wait3A_3074 = tpu.memref_squeeze %dma_wait3A_3073 : memref<1x128xf32, #tpu.memory_space<vmem>> -> memref<128xf32, #tpu.memory_space<vmem>>
    tpu.wait_dma2 semaphore(%arg14 : memref<!tpu.dma_semaphore, #tpu.memory_space<semaphore_mem>>) src(%dma_wait3A_3074 : memref<128xf32, #tpu.memory_space<vmem>>) dst(%dma_wait3A_3071 : memref<128xf32, #tpu.memory_space<hbm>>)
    %dma_wait3A_3075 = arith.constant 0 : i32
    %dma_wait3A_3076 = arith.constant 256 : i32
    %dma_wait3A_3077 = tpu.memref_slice %arg11[%dma_wait3A_3075, %dma_wait3A_3076] : memref<3x512xf32, #tpu.memory_space<vmem>> -> memref<1x128xf32, #tpu.memory_space<vmem>>
    %dma_wait3A_3078 = tpu.memref_squeeze %dma_wait3A_3077 : memref<1x128xf32, #tpu.memory_space<vmem>> -> memref<128xf32, #tpu.memory_space<vmem>>
    %dma_wait3A_3079 = tpu.memref_slice %arg4[%add3A_2524] : memref<49152xf32, #tpu.memory_space<hbm>> -> memref<128xf32, #tpu.memory_space<hbm>>
    %dma_wait3A_3080 = tpu.memref_slice %arg4[%add3A_2524] : memref<49152xf32, #tpu.memory_space<hbm>> -> memref<128xf32, #tpu.memory_space<hbm>>
    %dma_wait3A_3081 = arith.constant 256 : i32
    %dma_wait3A_3082 = tpu.memref_slice %arg11[%dma_wait3A_3075, %dma_wait3A_3081] : memref<3x512xf32, #tpu.memory_space<vmem>> -> memref<1x128xf32, #tpu.memory_space<vmem>>
    %dma_wait3A_3083 = tpu.memref_squeeze %dma_wait3A_3082 : memref<1x128xf32, #tpu.memory_space<vmem>> -> memref<128xf32, #tpu.memory_space<vmem>>
    tpu.wait_dma2 semaphore(%arg14 : memref<!tpu.dma_semaphore, #tpu.memory_space<semaphore_mem>>) src(%dma_wait3A_3083 : memref<128xf32, #tpu.memory_space<vmem>>) dst(%dma_wait3A_3080 : memref<128xf32, #tpu.memory_space<hbm>>)
    %dma_wait3A_3084 = arith.constant 1 : i32
    %dma_wait3A_3085 = arith.constant 256 : i32
    %dma_wait3A_3086 = tpu.memref_slice %arg11[%dma_wait3A_3084, %dma_wait3A_3085] : memref<3x512xf32, #tpu.memory_space<vmem>> -> memref<1x128xf32, #tpu.memory_space<vmem>>
    %dma_wait3A_3087 = tpu.memref_squeeze %dma_wait3A_3086 : memref<1x128xf32, #tpu.memory_space<vmem>> -> memref<128xf32, #tpu.memory_space<vmem>>
    %dma_wait3A_3088 = tpu.memref_slice %arg4[%add3A_2537] : memref<49152xf32, #tpu.memory_space<hbm>> -> memref<128xf32, #tpu.memory_space<hbm>>
    %dma_wait3A_3089 = tpu.memref_slice %arg4[%add3A_2537] : memref<49152xf32, #tpu.memory_space<hbm>> -> memref<128xf32, #tpu.memory_space<hbm>>
    %dma_wait3A_3090 = arith.constant 256 : i32
    %dma_wait3A_3091 = tpu.memref_slice %arg11[%dma_wait3A_3084, %dma_wait3A_3090] : memref<3x512xf32, #tpu.memory_space<vmem>> -> memref<1x128xf32, #tpu.memory_space<vmem>>
    %dma_wait3A_3092 = tpu.memref_squeeze %dma_wait3A_3091 : memref<1x128xf32, #tpu.memory_space<vmem>> -> memref<128xf32, #tpu.memory_space<vmem>>
    tpu.wait_dma2 semaphore(%arg14 : memref<!tpu.dma_semaphore, #tpu.memory_space<semaphore_mem>>) src(%dma_wait3A_3092 : memref<128xf32, #tpu.memory_space<vmem>>) dst(%dma_wait3A_3089 : memref<128xf32, #tpu.memory_space<hbm>>)
    %dma_wait3A_3093 = arith.constant 2 : i32
    %dma_wait3A_3094 = arith.constant 256 : i32
    %dma_wait3A_3095 = tpu.memref_slice %arg11[%dma_wait3A_3093, %dma_wait3A_3094] : memref<3x512xf32, #tpu.memory_space<vmem>> -> memref<1x128xf32, #tpu.memory_space<vmem>>
    %dma_wait3A_3096 = tpu.memref_squeeze %dma_wait3A_3095 : memref<1x128xf32, #tpu.memory_space<vmem>> -> memref<128xf32, #tpu.memory_space<vmem>>
    %dma_wait3A_3097 = tpu.memref_slice %arg4[%add3A_2550] : memref<49152xf32, #tpu.memory_space<hbm>> -> memref<128xf32, #tpu.memory_space<hbm>>
    %dma_wait3A_3098 = tpu.memref_slice %arg4[%add3A_2550] : memref<49152xf32, #tpu.memory_space<hbm>> -> memref<128xf32, #tpu.memory_space<hbm>>
    %dma_wait3A_3099 = arith.constant 256 : i32
    %dma_wait3A_3100 = tpu.memref_slice %arg11[%dma_wait3A_3093, %dma_wait3A_3099] : memref<3x512xf32, #tpu.memory_space<vmem>> -> memref<1x128xf32, #tpu.memory_space<vmem>>
    %dma_wait3A_3101 = tpu.memref_squeeze %dma_wait3A_3100 : memref<1x128xf32, #tpu.memory_space<vmem>> -> memref<128xf32, #tpu.memory_space<vmem>>
    tpu.wait_dma2 semaphore(%arg14 : memref<!tpu.dma_semaphore, #tpu.memory_space<semaphore_mem>>) src(%dma_wait3A_3101 : memref<128xf32, #tpu.memory_space<vmem>>) dst(%dma_wait3A_3098 : memref<128xf32, #tpu.memory_space<hbm>>)
    %dma_wait3A_3102 = arith.constant 0 : i32
    %dma_wait3A_3103 = arith.constant 384 : i32
    %dma_wait3A_3104 = tpu.memref_slice %arg11[%dma_wait3A_3102, %dma_wait3A_3103] : memref<3x512xf32, #tpu.memory_space<vmem>> -> memref<1x128xf32, #tpu.memory_space<vmem>>
    %dma_wait3A_3105 = tpu.memref_squeeze %dma_wait3A_3104 : memref<1x128xf32, #tpu.memory_space<vmem>> -> memref<128xf32, #tpu.memory_space<vmem>>
    %dma_wait3A_3106 = tpu.memref_slice %arg4[%add3A_2985] : memref<49152xf32, #tpu.memory_space<hbm>> -> memref<128xf32, #tpu.memory_space<hbm>>
    %dma_wait3A_3107 = tpu.memref_slice %arg4[%add3A_2985] : memref<49152xf32, #tpu.memory_space<hbm>> -> memref<128xf32, #tpu.memory_space<hbm>>
    %dma_wait3A_3108 = arith.constant 384 : i32
    %dma_wait3A_3109 = tpu.memref_slice %arg11[%dma_wait3A_3102, %dma_wait3A_3108] : memref<3x512xf32, #tpu.memory_space<vmem>> -> memref<1x128xf32, #tpu.memory_space<vmem>>
    %dma_wait3A_3110 = tpu.memref_squeeze %dma_wait3A_3109 : memref<1x128xf32, #tpu.memory_space<vmem>> -> memref<128xf32, #tpu.memory_space<vmem>>
    tpu.wait_dma2 semaphore(%arg14 : memref<!tpu.dma_semaphore, #tpu.memory_space<semaphore_mem>>) src(%dma_wait3A_3110 : memref<128xf32, #tpu.memory_space<vmem>>) dst(%dma_wait3A_3107 : memref<128xf32, #tpu.memory_space<hbm>>)
    %dma_wait3A_3111 = arith.constant 1 : i32
    %dma_wait3A_3112 = arith.constant 384 : i32
    %dma_wait3A_3113 = tpu.memref_slice %arg11[%dma_wait3A_3111, %dma_wait3A_3112] : memref<3x512xf32, #tpu.memory_space<vmem>> -> memref<1x128xf32, #tpu.memory_space<vmem>>
    %dma_wait3A_3114 = tpu.memref_squeeze %dma_wait3A_3113 : memref<1x128xf32, #tpu.memory_space<vmem>> -> memref<128xf32, #tpu.memory_space<vmem>>
    %dma_wait3A_3115 = tpu.memref_slice %arg4[%add3A_2998] : memref<49152xf32, #tpu.memory_space<hbm>> -> memref<128xf32, #tpu.memory_space<hbm>>
    %dma_wait3A_3116 = tpu.memref_slice %arg4[%add3A_2998] : memref<49152xf32, #tpu.memory_space<hbm>> -> memref<128xf32, #tpu.memory_space<hbm>>
    %dma_wait3A_3117 = arith.constant 384 : i32
    %dma_wait3A_3118 = tpu.memref_slice %arg11[%dma_wait3A_3111, %dma_wait3A_3117] : memref<3x512xf32, #tpu.memory_space<vmem>> -> memref<1x128xf32, #tpu.memory_space<vmem>>
    %dma_wait3A_3119 = tpu.memref_squeeze %dma_wait3A_3118 : memref<1x128xf32, #tpu.memory_space<vmem>> -> memref<128xf32, #tpu.memory_space<vmem>>
    tpu.wait_dma2 semaphore(%arg14 : memref<!tpu.dma_semaphore, #tpu.memory_space<semaphore_mem>>) src(%dma_wait3A_3119 : memref<128xf32, #tpu.memory_space<vmem>>) dst(%dma_wait3A_3116 : memref<128xf32, #tpu.memory_space<hbm>>)
    %dma_wait3A_3120 = arith.constant 2 : i32
    %dma_wait3A_3121 = arith.constant 384 : i32
    %dma_wait3A_3122 = tpu.memref_slice %arg11[%dma_wait3A_3120, %dma_wait3A_3121] : memref<3x512xf32, #tpu.memory_space<vmem>> -> memref<1x128xf32, #tpu.memory_space<vmem>>
    %dma_wait3A_3123 = tpu.memref_squeeze %dma_wait3A_3122 : memref<1x128xf32, #tpu.memory_space<vmem>> -> memref<128xf32, #tpu.memory_space<vmem>>
    %dma_wait3A_3124 = tpu.memref_slice %arg4[%add3A_3011] : memref<49152xf32, #tpu.memory_space<hbm>> -> memref<128xf32, #tpu.memory_space<hbm>>
    %dma_wait3A_3125 = tpu.memref_slice %arg4[%add3A_3011] : memref<49152xf32, #tpu.memory_space<hbm>> -> memref<128xf32, #tpu.memory_space<hbm>>
    %dma_wait3A_3126 = arith.constant 384 : i32
    %dma_wait3A_3127 = tpu.memref_slice %arg11[%dma_wait3A_3120, %dma_wait3A_3126] : memref<3x512xf32, #tpu.memory_space<vmem>> -> memref<1x128xf32, #tpu.memory_space<vmem>>
    %dma_wait3A_3128 = tpu.memref_squeeze %dma_wait3A_3127 : memref<1x128xf32, #tpu.memory_space<vmem>> -> memref<128xf32, #tpu.memory_space<vmem>>
    tpu.wait_dma2 semaphore(%arg14 : memref<!tpu.dma_semaphore, #tpu.memory_space<semaphore_mem>>) src(%dma_wait3A_3128 : memref<128xf32, #tpu.memory_space<vmem>>) dst(%dma_wait3A_3125 : memref<128xf32, #tpu.memory_space<hbm>>)
    return
  }
}

</mosaic_0001>

<sc_bundles>
// kernel: kernel.3.cloned.1.call-start
scs
__scs_entry_jumppad:
0x0: {  	(pc) =	sbr.rel $0x88, $3  }
0x1: {  	(tag) =	ssettag $0x0;
	lr =	simm.s32 $0x1  }
0x2: {  	[smem:$0x3F9E] =	sst lr;
	_ =	strace $0xD0000000  }
0x3: {  	_ = 	snop  }
0x4: {  	_ = 	snop  }
0x5: {  	_ = 	snop  }
0x6: {  	_ = 	snop  }
0x7: {  	_ = 	snop  }
__scs_overlays_trampoline_lowered:
0x8: {  	[smem:$0x3FAD] =	sst s0  }
0x9: {  	[smem:$0x3FAE] =	sst s1  }
0xa: {  	[smem:$0x3FAF] =	sst s2  }
0xb: {  	[smem:$0x3FB0] =	sst s3  }
0xc: {  	[smem:$0x3FB1] =	sst s4  }
0xd: {  	[smem:$0x3FB2] =	sst s5  }
0xe: {  	[smem:$0x3FB3] =	sst s6  }
0xf: {  	[smem:$0x3FB4] =	sst s7  }
0x10: {  	[smem:$0x3FB5] =	sst s8  }
0x11: {  	[smem:$0x3FB6] =	sst s9;
	s0 =	simm.s32 @!p0 $0x0  }
0x12: {  	s1 =	sld [smem:$0x3F9C];
	s0 =	simm.s32 @p0 $0x1  }
0x13: {  	[smem:$0x3FB7] =	sst s0;
	s0 =	simm.s32 @!p1 $0x0  }
0x14: {  	s2 =	sld [smem:$0x3F9B];
	s0 =	simm.s32 @p1 $0x1  }
0x15: {  	[smem:$0x3FB8] =	sst s0;
	s0 =	simm.s32 @!p2 $0x0  }
0x16: {  	s3 =	sld [smem:$0x3FDB];
	s0 =	simm.s32 @p2 $0x1  }
0x17: {  	s4 =	simm.s32 $0x1BF5;
	[smem:$0x3FBA] =	sst s0  }
0x18: {  	s0 =	sld [smem:$0x3F9D];
	_ =	swait.ge [sflag:s4], $0x0  }
0x19: {  	s7 =	sld [smem:$0x3F9E]  }
0x1a: {  	s8 =	sadd.s32 $0xFFFFE003, lr  }
0x1b: {  	s9 =	sadd.s32 $0xFFFFFEF7, lr;
	s5 =	simm.s32 $0xFFFFFFFF;
	p2 =	slt.u32 s8, $0xFFFFF086  }
0x1c: {  	p1 =	slt.u32 s9, $0xF7A;
	s5 =	simm.s32 @!p2 $0x0  }
0x1d: {  	s5 =	simm.s32 @p1 $0x1;
	p0 =	seq.s32 s7, s2  }
0x1e: {  	s7 =	smul.u32 @!p0 $0xF7A, s2;
	p2 =	seq.s32 @!p0 s5, $0x0  }
0x1f: {  	s9 =	smul.u32 $0xF7A, s1;
	s8 =	simm.s32 @!p0 $0x1BF5;
	p2 =	por !p2, p0  }
0x20: {  	[sflag:s8] =	ssyncset.s32 @!p0 $0xFFFFF086;
	s6 =	sadd.s32 @!p0 s3, s7;
	s7 =	simm.s32 @!p0 $0x108  }
0x21: {  	s3 =	sadd.s32 s3, s9;
	s6 =	sadd.s32 @!p0 $0x88, s6;
	s7 =	simm.s32 @p2 $0x1082  }
0x22: {  	[simem:s7], [sflag:s8] =	dma.local @!p0 [hbm:s6], $0xF7A  }
0x23: {  	s9 =	sor.u32 $0xD0000000, s2;
	s6 =	simm.s32 $0x108;
	_ =	swait.ge @!p0 [sflag:s8], $0x0  }
0x24: {  	s3 =	sadd.s32 $0x88, s3;
	s6 =	simm.s32 @!p1 $0x1082;
	[sflag:s4] =	ssyncset.s32 $0xFFFFF086  }
0x25: {  	[simem:s6], [sflag:s4] =	dma.local [hbm:s3], $0xF7A  }
0x26: {  	[smem:$0x3F9E] =	sst s1;
	(tag) =	ssettag s2;
	_ =	strace s9  }
0x27: {  	s1 =	sld [smem:$0x3FAE]  }
0x28: {  	s2 =	sld [smem:$0x3FAF]  }
0x29: {  	s4 =	sld [smem:$0x3FB1]  }
0x2a: {  	p0 =	seq.s32 s5, $0x0;
	s5 =	sld [smem:$0x3FB2]  }
0x2b: {  	s6 =	sld [smem:$0x3FB3]  }
0x2c: {  	s7 =	sld [smem:$0x3FB4]  }
0x2d: {  	s3 =	simm.s32 $0x108;
	s8 =	sld [smem:$0x3FB5]  }
0x2e: {  	s3 =	simm.s32 @!p0 $0x1082;
	s9 =	sld [smem:$0x3FB6]  }
0x2f: {  	lr =	sadd.s32 s0, s3;
	s0 =	sld [smem:$0x3FAD]  }
0x30: {  	s3 =	sld [smem:$0x3FB0]  }
0x31: {  	[smem:$0x3FB9] =	sst s10  }
0x32: {  	s10 =	sld [smem:$0x3FB7];
	_ =	sdelay $0x3  }
0x33: {  	p0 =	seq.s32 s10, $0x1;
	s10 =	sld [smem:$0x3FB9];
	_ =	sdelay $0x3  }
0x34: {  	[smem:$0x3FB9] =	sst s10  }
0x35: {  	s10 =	sld [smem:$0x3FB8];
	_ =	sdelay $0x3  }
0x36: {  	p1 =	seq.s32 s10, $0x1;
	s10 =	sld [smem:$0x3FB9];
	_ =	sdelay $0x3  }
0x37: {  	[smem:$0x3FB9] =	sst s10  }
0x38: {  	s10 =	sld [smem:$0x3FBA]  }
0x39: {  	_ = 	snop;
	(pc) =	sbr.ind lr, $3  }
0x3a: {  	_ = 	snop  }
0x3b: {  	_ = 	snop  }
0x3c: {  	p2 =	seq.s32 s10, $0x1;
	s10 =	sld [smem:$0x3FB9]  }
0x3d: {  	_ =	shalt  }
0x3e: {  	_ =	shalt  }
0x3f: {  	_ =	shalt  }
0x40: {  	_ =	shalt  }
0x41: {  	_ =	shalt  }
0x42: {  	_ =	shalt  }
0x43: {  	_ =	shalt  }
0x44: {  	_ =	shalt  }
0x45: {  	_ =	shalt  }
0x46: {  	_ =	shalt  }
0x47: {  	_ =	shalt  }
0x48: {  	_ =	shalt  }
0x49: {  	_ =	shalt  }
0x4a: {  	_ =	shalt  }
0x4b: {  	_ =	shalt  }
0x4c: {  	_ =	shalt  }
0x4d: {  	_ =	shalt  }
0x4e: {  	_ =	shalt  }
0x4f: {  	_ =	shalt  }
0x50: {  	_ =	shalt  }
0x51: {  	_ =	shalt  }
0x52: {  	_ =	shalt  }
0x53: {  	_ =	shalt  }
0x54: {  	_ =	shalt  }
0x55: {  	_ =	shalt  }
0x56: {  	_ =	shalt  }
0x57: {  	_ =	shalt  }
0x58: {  	_ =	shalt  }
0x59: {  	_ =	shalt  }
0x5a: {  	_ =	shalt  }
0x5b: {  	_ =	shalt  }
0x5c: {  	_ =	shalt  }
0x5d: {  	_ =	shalt  }
0x5e: {  	_ =	shalt  }
0x5f: {  	_ =	shalt  }
0x60: {  	_ =	shalt  }
0x61: {  	_ =	shalt  }
0x62: {  	_ =	shalt  }
0x63: {  	_ =	shalt  }
0x64: {  	_ =	shalt  }
0x65: {  	_ =	shalt  }
0x66: {  	_ =	shalt  }
0x67: {  	_ =	shalt  }
0x68: {  	_ =	shalt  }
0x69: {  	_ =	shalt  }
0x6a: {  	_ =	shalt  }
0x6b: {  	_ =	shalt  }
0x6c: {  	_ =	shalt  }
0x6d: {  	_ =	shalt  }
0x6e: {  	_ =	shalt  }
0x6f: {  	_ =	shalt  }
0x70: {  	_ =	shalt  }
0x71: {  	_ =	shalt  }
0x72: {  	_ =	shalt  }
0x73: {  	_ =	shalt  }
0x74: {  	_ =	shalt  }
0x75: {  	_ =	shalt  }
0x76: {  	_ =	shalt  }
0x77: {  	_ =	shalt  }
0x78: {  	_ =	shalt  }
0x79: {  	_ =	shalt  }
0x7a: {  	_ =	shalt  }
0x7b: {  	_ =	shalt  }
0x7c: {  	_ =	shalt  }
0x7d: {  	_ =	shalt  }
0x7e: {  	_ =	shalt  }
0x7f: {  	_ =	shalt  }
0x80: {  	_ =	shalt  }
0x81: {  	_ =	shalt  }
0x82: {  	_ =	shalt  }
0x83: {  	_ =	shalt  }
0x84: {  	_ =	shalt  }
0x85: {  	_ =	shalt  }
0x86: {  	_ =	shalt  }
0x87: {  	_ =	shalt  }
.Lfunc_end0:
.L_simem_size_0:
called_computation_lowered:
.L_overlay_start_0:
0x88: {  	s2 =	sld [smem:$0x3FD9]  }
0x89: {  	s3 =	sld [smem:$0x3FFE];
	_ =	sdelay $0x1  }
0x8a: {  	s1 =	srdreg.scid  }
0x8b: {  	s0 =	sand.u32 $0x1, s1  }
0x8c: {  	s17 =	sshll.u32 s0, $0xA;
	s2 =	sadd.s32 s3, s2  }
0x8d: {  	s2 =	sadd.s32 s2, s17  }
0x8e: {  	[smem:$0x3FC5] =	sst s2  }
0x8f: {  	_ = 	snop  }
0x90: {  	s2 =	sld [smem:$0x3FC8];
	(tm) =	ssettm $0x1  }
0x91: {  	s18 =	sld [smem:$0x3FFB];
	_ =	sdelay $0x3  }
0x92: {  	_ =	strace s18  }
0x93: {  	s3 =	sld [smem:$0x3FFC];
	_ =	sdelay $0x3  }
0x94: {  	_ =	strace s3  }
0x95: {  	s3 =	sld [smem:$0x3FFD];
	_ =	sdelay $0x3  }
0x96: {  	_ =	strace s3  }
0x97: {  	_ =	strace $0x8FFFFFFF  }
0x98: {  	s19 =	sld [smem:$0x3FDB];
	_ =	sdelay $0x1  }
0x99: {  	s4 =	simm.s32 $_scs_section_size  }
0x9a: {  	s5 =	simm.s32 $_size__tile_overlayer_lowered;
	s6 =	simm.s32 $_tile_overlayer_lowered  }
0x9b: {  	s22 =	simm.s32 $0x1BFF;
	s21 =	sshll.u32 s6, $0x1;
	s3 =	sadd.s32 s4, s19  }
0x9c: {  	s7 =	simm.s32 $0x0;
	s20 =	sshll.u32 s5, $0x1;
	s5 =	sadd.s32 s21, s3  }
0x9d: {  	[timem:s7], [sflag:s22] =	dma.local [hbm:s5], s20  }
0x9e: {  	_ =	swait.ge [sflag:s22], s20  }
0x9f: {  	s4 =	ssub.s32 $0x0, s20;
	[sflag:s22] =	ssyncset.done $0x0  }
0xa0: {  	[sflag:s22] =	ssyncadd.s32 s4;
	_ =	sdelay $0x1  }
0xa1: {  	s23 =	simm.s32 $0x1B8B  }
0xa2: {  	_ =	swait.ge [sflag:s23], $0x1  }
0xa3: {  	[sflag:s23] =	ssyncset.done $0x0  }
0xa4: {  	s25 =	simm.s32 $0x1B8E;
	s24 =	sld [smem:$0x3FFE];
	[sflag:s23] =	ssyncadd.s32 $0xFFFFFFFF  }
0xa5: {  	s26 =	simm.s32 $execute0_lowered;
	[smem:$0x3FD2] =	sst s25  }
0xa6: {  	s5 =	sshll.u32 s26, $0x1;
	_ =	strace $0x80000046;
	[dreg:$0x1] =	wrdreg $0xFFFFFFFF  }
0xa7: {  	s28 =	simm.s32 $_size_execute0_lowered;
	s3 =	sadd.s32 s3, s5;
	[dreg:$0x0] =	wrdreg $0x0  }
0xa8: {  	s5 =	sshll.u32 s28, $0x1;
	[dreg:$0x2] =	wrdreg s3  }
0xa9: {  	[dreg:$0x3] =	wrdreg s5  }
0xaa: {  	[dreg:$0x4] =	wrdreg $0xC0  }
0xab: {  	_ =	task [dreg:s7], $0x5FFFF  }
0xac: {  	[dreg:$0x1] =	wrdreg $0xFFFFFFFF  }
0xad: {  	[dreg:$0x0] =	wrdreg $0x60  }
0xae: {  	[dreg:$0x2] =	wrdreg s24  }
0xaf: {  	[dreg:$0x3] =	wrdreg s2  }
0xb0: {  	[dreg:$0x4] =	wrdreg $0x9  }
0xb1: {  	_ =	task.clear_ibuf [dreg:s7], $0x5FFFF;
	_ =	strace $0x90000046  }
0xb2: {  	s29 =	simm.s32 $0x9;
	_ =	strace $0x80000048  }
0xb3: {  	_ =	swait.ge [sflag:s29], $0x1  }
0xb4: {  	[sflag:s29] =	ssyncadd.s32 $0xFFFFFFFF  }
0xb5: {  	_ =	strace $0x90000048  }
0xb6: {  	_ =	sfence  }
0xb7: {  	s30 =	sld [smem:$0x0];
	_ =	sdelay $0x2  }
0xb8: {  	s31 =	sshll.u32 s1, $0xD;
	s1 =	sshrl.u32 s1, $0x2  }
0xb9: {  	s3 =	sand.u32 $0x4000, s31;
	s1 =	sadd.s32 s1, s30  }
0xba: {  	s0 =	sor.u32 s3, s0;
	s1 =	sshll.u32 s1, $0x11  }
0xbb: {  	s0 =	sor.u32 s1, s0  }
0xbc: {  	s0 =	sadd.s32 $0x8F2B, s0  }
0xbd: {  	[sflag:s0] =	ssyncadd.remote.s32 $0x1  }
0xbe: {  	_ =	sfence.sel $0xFFFF  }
0xbf: {  	[dreg:$0x0] =	wrdreg $0xFFFFFFFF;
	(pc) =	sbr.abs _section_cstart, $3  }
0xc0: {  	[dreg:$0x1] =	wrdreg $0xFFFFFFFF  }
0xc1: {  	_ =	task.clear_ibuf [dreg:s7], $0x2FFFF;
	_ =	strace $0x9FFFFFFF  }
0xc2: {  	(tm) =	ssettm $0x7FFFFFFF  }
0xc3: {  	_ =	shalt  }
tec
execute0_lowered:
.L_overlay_start_1:
0x0: {  	(tag) =	ssettag $0x1  }
0x1: {  	s0 =	rddreg [dreg:$0x0]  }
0x2: {  	s4 =	rddreg [dreg:$0x1]  }
0x3: {  	s2 =	srdreg.scid;
	s1 =	stileid.u32;
	s18 =	simm.s32 $0x80  }
0x4: {  	s19 =	simm.s32 $0x100;
	s5 =	sand.u32 $0x1, s2;
	s2 =	simm.s32 $0x0  }
0x5: {  	s20 =	simm.s32 $0x180;
	s3 =	sshll.u32 s1, $0x7;
	[smem:$0x7FF] =	sst s2  }
0x6: {  	s6 =	sshll.u32 s5, $0x6;
	_ =	strace $0x80000047;
	[dreg:$0x15] =	wrdreg s18  }
0x7: {  	s28 =	simm.s32 $0x7;
	s6 =	sor.u32 s6, s3;
	[dreg:$0x16] =	wrdreg s19  }
0x8: {  	[dreg:$0x17] =	wrdreg s20;
	s3 =	sadd.s32 s4, s6;
	s7 =	sor.u32 $0x10, s6  }
0x9: {  	s8 =	sor.u32 $0x20, s6;
	[dreg:$0x3] =	wrdreg s3;
	s21 =	sadd.s32 s4, s7  }
0xa: {  	s10 =	sor.u32 $0x30, s6;
	s9 =	sadd.s32 s4, s8;
	[dreg:$0x4] =	wrdreg s21  }
0xb: {  	s3 =	sadd.s32 $0x400, s0;
	s4 =	sadd.s32 s4, s10;
	[dreg:$0x5] =	wrdreg s9  }
0xc: {  	s23 =	sor.u32 $0x800, s6;
	[dreg:$0x6] =	wrdreg s4;
	s22 =	sadd.s32 s3, s6  }
0xd: {  	s11 =	sor.u32 $0x1000, s6;
	s24 =	sadd.s32 s3, s23;
	[dreg:$0x7] =	wrdreg s22  }
0xe: {  	s0 =	sadd.s32 $0xB000, s0;
	s25 =	sadd.s32 s3, s11;
	[dreg:$0x8] =	wrdreg s24  }
0xf: {  	s29 =	simm.s32 $0x2580;
	s26 =	sadd.s32 s0, s23;
	[dreg:$0x9] =	wrdreg s25  }
0x10: {  	s30 =	simm.s32 $0x2780;
	s1 =	sadd.s32 s0, s11;
	[dreg:$0xa] =	wrdreg s26  }
0x11: {  	s31 =	simm.s32 $0x2980;
	s9 =	sadd.s32 s0, s7;
	[dreg:$0xb] =	wrdreg s1  }
0x12: {  	s5 =	ssub.s32 $0x2, s5;
	s13 =	sadd.s32 s0, s8;
	[dreg:$0xc] =	wrdreg s9  }
0x13: {  	s4 =	sadd.s32 s0, s6;
	s0 =	sadd.s32 s0, s10;
	[dreg:$0xf] =	wrdreg s13  }
0x14: {  	s18 =	simm.s32 $0x2800;
	s21 =	simm.s32 $0x200;
	[dreg:$0x12] =	wrdreg s0  }
0x15: {  	s19 =	simm.s32 $0x5;
	s11 =	sadd.s32 $0x810, s4;
	[dreg:$0x18] =	wrdreg s21  }
0x16: {  	s20 =	simm.s32 $0x2480;
	s12 =	sadd.s32 $0x1010, s4;
	[dreg:$0xd] =	wrdreg s11  }
0x17: {  	s23 =	sshrl.u32 s5, $0x1;
	s14 =	sadd.s32 $0x820, s4;
	[dreg:$0xe] =	wrdreg s12  }
0x18: {  	s6 =	simm.s32 $0x1;
	s15 =	sadd.s32 $0x1020, s4;
	[dreg:$0x10] =	wrdreg s14  }
0x19: {  	s7 =	simm.s32 $0x300;
	s16 =	sadd.s32 $0x830, s4;
	[dreg:$0x11] =	wrdreg s15  }
0x1a: {  	s17 =	sadd.s32 $0x1030, s4;
	s22 =	simm.s32 $0x400;
	[dreg:$0x13] =	wrdreg s16  }
0x1b: {  	s24 =	simm.s32 $0x600;
	s5 =	ssub.s32 s5, s23;
	[dreg:$0x14] =	wrdreg s17  }
0x1c: {  	s25 =	simm.s32 $0xC00;
	s26 =	simm.s32 $0x1800;
	[dreg:$0x19] =	wrdreg s22  }
0x1d: {  	s13 =	simm.s32 $0x2100;
	s21 =	simm.s32 $0x2680;
	[dreg:$0x1a] =	wrdreg s24  }
0x1e: {  	s23 =	simm.s32 $0x6;
	s0 =	simm.s32 $0x3;
	[dreg:$0x1b] =	wrdreg s25  }
0x1f: {  	s5 =	smax.u32 s5, $0x1;
	[dreg:$0x1c] =	wrdreg s26;
	s11 =	simm.s32 $0x1E00  }
0x20: {  	s12 =	simm.s32 $0x1500;
	s14 =	simm.s32 $0x2;
	s15 =	simm.s32 $0x4  }
0x21: {  	s16 =	simm.s32 $0x2400;
	s17 =	simm.s32 $0x2600;
	s22 =	simm.s32 $0x2880  }
0x22: {  	s24 =	simm.s32 $0x2500;
	s25 =	simm.s32 $0x2700;
	s26 =	simm.s32 $0x2900  }
.LBB2_1:
0x23: {  	s1 =	rddreg [dreg:$0x3]  }
0x24: {  	s8 =	rddreg [dreg:$0x15]  }
0x25: {  	s9 =	rddreg [dreg:$0x5]  }
0x26: {  	s10 =	rddreg [dreg:$0x16]  }
0x27: {  	[tilespmem:s2], [sflag:$0x1] =	stream.linear.gather [hbm4b:s1+s2], $0x80, $0x38;
	[tilespmem:$0x2A00] =	vst v63  }
0x28: {  	s1 =	rddreg [dreg:$0x4]  }
0x29: {  	[tilespmem:s8], [sflag:$0x1] =	stream.linear.gather [hbm4b:s1+s2], $0x80, $0x38;
	[tilespmem:$0x2A00] =	vst v63  }
0x2a: {  	s1 =	rddreg [dreg:$0x6]  }
0x2b: {  	s8 =	rddreg [dreg:$0x17]  }
0x2c: {  	[tilespmem:s10], [sflag:$0x1] =	stream.linear.gather [hbm4b:s9+s2], $0x80, $0x38;
	[tilespmem:$0x2A00] =	vst v63  }
0x2d: {  	s9 =	rddreg [dreg:$0x7]  }
0x2e: {  	s10 =	rddreg [dreg:$0x18]  }
0x2f: {  	[tilespmem:s8], [sflag:$0x1] =	stream.linear.gather [hbm4b:s1+s2], $0x80, $0x38;
	[tilespmem:$0x2A00] =	vst v63  }
0x30: {  	s1 =	rddreg [dreg:$0x8]  }
0x31: {  	s8 =	rddreg [dreg:$0x19]  }
0x32: {  	[tilespmem:s10], [sflag:$0x2] =	stream.linear.gather [hbm4b:s9+s2], $0x200, $0x38;
	[tilespmem:$0x2A00] =	vst v63  }
0x33: {  	s9 =	rddreg [dreg:$0x9]  }
0x34: {  	[tilespmem:s8], [sflag:$0x2] =	stream.linear.gather [hbm4b:s1+s2], $0x200, $0x38;
	[tilespmem:$0x2A00] =	vst v63  }
0x35: {  	s10 =	rddreg [dreg:$0x1a]  }
0x36: {  	[tilespmem:s10], [sflag:$0x2] =	stream.linear.gather [hbm4b:s9+s2], $0x200, $0x38;
	[tilespmem:$0x2A00] =	vst v63  }
0x37: {  	_ =	swait.ge [sflag:s6], $0x80  }
0x38: {  	[sflag:s6] =	ssyncset.done $0x0  }
0x39: {  	[sflag:s6] =	ssyncadd.s32 $0xFFFFFF80  }
0x3a: {  	v0 =	vld [tilespmem:$0x0];
	_ =	sdelay $0x4  }
0x3b: {  	v0 =	vcvt.s32.f32 v0  }
0x3c: {  	v1 =	vld [tilespmem:$0x10]  }
0x3d: {  	v0 =	vmul.f32 $9.999999770e-03, v0;
	_ =	sdelay $0x1  }
0x3e: {  	v2 =	vtrunc.f32 v0  }
0x3f: {  	v2 =	vcvt.f32.s32 v2  }
0x40: {  	v1 =	vcvt.s32.f32 v1  }
0x41: {  	vm0 =	vlt.s32 v2, $0x1869E  }
0x42: {  	v1 =	vmul.f32 $9.999999770e-03, v1;
	v2 =	vnsel vm0, $0x1869E, v2  }
0x43: {  	v46 =	vadd.s32 $0xC000, v2  }
0x44: {  	v6 =	vtrunc.f32 v1;
	v49 =	vadd.s32 $0xC001, v2;
	[tilespmem:$0xC00] =	vst v46  }
0x45: {  	v7 =	vld [tilespmem:$0x30];
	v6 =	vcvt.f32.s32 v6;
	v51 =	vadd.s32 $0x246A0, v2;
	[tilespmem:$0xC80] =	vst v49  }
0x46: {  	v52 =	vadd.s32 $0x246A1, v2;
	[tilespmem:$0xD00] =	vst v51  }
0x47: {  	vm9 =	vlt.s32 v6, $0x1869E;
	v54 =	vadd.s32 $0x3CD40, v2;
	[tilespmem:$0xD80] =	vst v52  }
0x48: {  	v47 =	vnsel vm9, $0x1869E, v6;
	v55 =	vadd.s32 $0x3CD41, v2;
	[tilespmem:$0xE00] =	vst v54  }
0x49: {  	v59 =	vadd.s32 $0xC000, v47;
	[tilespmem:$0xE80] =	vst v55  }
0x4a: {  	v61 =	vcvt.s32.f32 v7;
	v62 =	vadd.s32 $0xC001, v47;
	[tilespmem:$0xC10] =	vst v59  }
0x4b: {  	v3 =	vcvt.s32.f32 v2;
	v10 =	vadd.s32 $0x246A0, v47;
	[tilespmem:$0xC90] =	vst v62  }
0x4c: {  	v50 =	vcvt.s32.f32 v47;
	v2 =	vmul.f32 $9.999999770e-03, v61;
	v11 =	vadd.s32 $0x246A1, v47;
	[tilespmem:$0xD10] =	vst v10  }
0x4d: {  	v5 =	vld [tilespmem:$0x20];
	v14 =	vadd.s32 $0x3CD40, v47;
	[tilespmem:$0xD90] =	vst v11;
	v4 =	vadd.f32 $1.000000000e+00, v3  }
0x4e: {  	v16 =	vadd.s32 $0x3CD41, v47;
	[tilespmem:$0xE10] =	vst v14;
	v58 =	vsub.f32 v1, v50;
	v15 =	vtrunc.f32 v2  }
0x4f: {  	[tilespmem:$0xE90] =	vst v16;
	v53 =	vadd.f32 $1.000000000e+00, v50;
	v18 =	vcvt.f32.s32 v15;
	v4 =	vsub.f32 v4, v0  }
0x50: {  	v0 =	vsub.f32 v0, v3;
	[tilespmem:$0xA10] =	vst v58  }
0x51: {  	v56 =	vsub.f32 v53, v1;
	vm11 =	vlt.s32 v18, $0x1869E;
	[tilespmem:$0x800] =	vst v4  }
0x52: {  	v48 =	vcvt.s32.f32 v5;
	[tilespmem:$0xA00] =	vst v0;
	v21 =	vnsel vm11, $0x1869E, v18  }
0x53: {  	[tilespmem:$0x810] =	vst v56;
	v35 =	vadd.s32 $0xC000, v21  }
0x54: {  	v4 =	vmul.f32 $9.999999770e-03, v48;
	v38 =	vadd.s32 $0xC001, v21;
	[tilespmem:$0xC30] =	vst v35  }
0x55: {  	v28 =	vld [tilespmem:$0x50];
	v24 =	vcvt.s32.f32 v21;
	v40 =	vadd.s32 $0x246A0, v21;
	[tilespmem:$0xCB0] =	vst v38  }
0x56: {  	v41 =	vadd.s32 $0x246A1, v21;
	v8 =	vtrunc.f32 v4;
	[tilespmem:$0xD30] =	vst v40  }
0x57: {  	v44 =	vadd.s32 $0x3CD40, v21;
	[tilespmem:$0xDB0] =	vst v41;
	v57 =	vcvt.f32.s32 v8;
	v27 =	vadd.f32 $1.000000000e+00, v24  }
0x58: {  	v46 =	vadd.s32 $0x3CD41, v21;
	[tilespmem:$0xE30] =	vst v44;
	v34 =	vsub.f32 v2, v24  }
0x59: {  	[tilespmem:$0xEB0] =	vst v46;
	vm10 =	vlt.s32 v57, $0x1869E;
	v32 =	vsub.f32 v27, v2  }
0x5a: {  	v37 =	vcvt.s32.f32 v28;
	[tilespmem:$0xA30] =	vst v34;
	v60 =	vnsel vm10, $0x1869E, v57  }
0x5b: {  	v20 =	vadd.s32 $0xC000, v60;
	[tilespmem:$0x830] =	vst v32  }
0x5c: {  	v2 =	vmul.f32 $9.999999770e-03, v37;
	v23 =	vadd.s32 $0xC001, v60;
	[tilespmem:$0xC20] =	vst v20  }
0x5d: {  	v13 =	vld [tilespmem:$0x40];
	v63 =	vcvt.s32.f32 v60;
	v25 =	vadd.s32 $0x246A0, v60;
	[tilespmem:$0xCA0] =	vst v23  }
0x5e: {  	v26 =	vadd.s32 $0x246A1, v60;
	v45 =	vtrunc.f32 v2;
	[tilespmem:$0xD20] =	vst v25  }
0x5f: {  	v29 =	vadd.s32 $0x3CD40, v60;
	[tilespmem:$0xDA0] =	vst v26;
	v48 =	vcvt.f32.s32 v45;
	v12 =	vadd.f32 $1.000000000e+00, v63  }
0x60: {  	v31 =	vadd.s32 $0x3CD41, v60;
	[tilespmem:$0xE20] =	vst v29;
	v19 =	vsub.f32 v4, v63  }
0x61: {  	[tilespmem:$0xEA0] =	vst v31;
	vm13 =	vlt.s32 v48, $0x1869E;
	v17 =	vsub.f32 v12, v4  }
0x62: {  	v22 =	vcvt.s32.f32 v13;
	[tilespmem:$0xA20] =	vst v19;
	v51 =	vnsel vm13, $0x1869E, v48  }
0x63: {  	v9 =	vadd.s32 $0xC000, v51;
	[tilespmem:$0x820] =	vst v17  }
0x64: {  	v4 =	vmul.f32 $9.999999770e-03, v22;
	v12 =	vadd.s32 $0xC001, v51;
	[tilespmem:$0xC50] =	vst v9  }
0x65: {  	v58 =	vld [tilespmem:$0x70];
	v54 =	vcvt.s32.f32 v51;
	v14 =	vadd.s32 $0x246A0, v51;
	[tilespmem:$0xCD0] =	vst v12  }
0x66: {  	v15 =	vadd.s32 $0x246A1, v51;
	v30 =	vtrunc.f32 v4;
	[tilespmem:$0xD50] =	vst v14  }
0x67: {  	v19 =	vadd.s32 $0x3CD41, v51;
	[tilespmem:$0xDD0] =	vst v15;
	v33 =	vcvt.f32.s32 v30;
	v57 =	vadd.f32 $1.000000000e+00, v54  }
0x68: {  	v17 =	vadd.s32 $0x3CD40, v51;
	[tilespmem:$0xED0] =	vst v19;
	v8 =	vsub.f32 v2, v54  }
0x69: {  	[tilespmem:$0xE50] =	vst v17;
	vm12 =	vlt.s32 v33, $0x1869E;
	v62 =	vsub.f32 v57, v2  }
0x6a: {  	v11 =	vcvt.s32.f32 v58;
	[tilespmem:$0xA50] =	vst v8;
	v36 =	vnsel vm12, $0x1869E, v33  }
0x6b: {  	v50 =	vadd.s32 $0xC000, v36;
	[tilespmem:$0x850] =	vst v62  }
0x6c: {  	v2 =	vmul.f32 $9.999999770e-03, v11;
	v53 =	vadd.s32 $0xC001, v36;
	[tilespmem:$0xC40] =	vst v50  }
0x6d: {  	v43 =	vld [tilespmem:$0x60];
	v39 =	vcvt.s32.f32 v36;
	v55 =	vadd.s32 $0x246A0, v36;
	[tilespmem:$0xCC0] =	vst v53  }
0x6e: {  	v56 =	vadd.s32 $0x246A1, v36;
	v18 =	vtrunc.f32 v2;
	[tilespmem:$0xD40] =	vst v55  }
0x6f: {  	v59 =	vadd.s32 $0x3CD40, v36;
	[tilespmem:$0xDC0] =	vst v56;
	v21 =	vcvt.f32.s32 v18;
	v42 =	vadd.f32 $1.000000000e+00, v39  }
0x70: {  	v61 =	vadd.s32 $0x3CD41, v36;
	[tilespmem:$0xE40] =	vst v59;
	v49 =	vsub.f32 v4, v39  }
0x71: {  	[tilespmem:$0xEC0] =	vst v61;
	vm15 =	vlt.s32 v21, $0x1869E;
	v47 =	vsub.f32 v42, v4  }
0x72: {  	v52 =	vcvt.s32.f32 v43;
	[tilespmem:$0xA40] =	vst v49;
	v24 =	vnsel vm15, $0x1869E, v21  }
0x73: {  	v34 =	vadd.s32 $0xC000, v24;
	[tilespmem:$0x840] =	vst v47  }
0x74: {  	v4 =	vmul.f32 $9.999999770e-03, v52;
	v35 =	vadd.s32 $0xC001, v24;
	[tilespmem:$0xC70] =	vst v34  }
0x75: {  	v26 =	vcvt.s32.f32 v24;
	v36 =	vadd.s32 $0x246A0, v24;
	[tilespmem:$0xCF0] =	vst v35  }
0x76: {  	v37 =	vadd.s32 $0x246A1, v24;
	v60 =	vtrunc.f32 v4;
	[tilespmem:$0xD70] =	vst v36  }
0x77: {  	v38 =	vadd.s32 $0x3CD40, v24;
	[tilespmem:$0xDF0] =	vst v37;
	v63 =	vcvt.f32.s32 v60;
	v29 =	vadd.f32 $1.000000000e+00, v26  }
0x78: {  	v39 =	vadd.s32 $0x3CD41, v24;
	[tilespmem:$0xE70] =	vst v38;
	v33 =	vsub.f32 v2, v26  }
0x79: {  	[tilespmem:$0xEF0] =	vst v39;
	vm14 =	vlt.s32 v63, $0x1869E;
	v32 =	vsub.f32 v29, v2  }
0x7a: {  	[tilespmem:$0xA70] =	vst v33;
	v10 =	vnsel vm14, $0x1869E, v63  }
0x7b: {  	v23 =	vadd.s32 $0xC000, v10;
	[tilespmem:$0x870] =	vst v32  }
0x7c: {  	v25 =	vadd.s32 $0xC001, v10;
	[tilespmem:$0xC60] =	vst v23  }
0x7d: {  	v13 =	vcvt.s32.f32 v10;
	v27 =	vadd.s32 $0x246A0, v10;
	[tilespmem:$0xCE0] =	vst v25  }
0x7e: {  	v28 =	vadd.s32 $0x246A1, v10;
	[tilespmem:$0xD60] =	vst v27  }
0x7f: {  	v30 =	vadd.s32 $0x3CD40, v10;
	[tilespmem:$0xDE0] =	vst v28;
	v16 =	vadd.f32 $1.000000000e+00, v13  }
0x80: {  	v31 =	vadd.s32 $0x3CD41, v10;
	[tilespmem:$0xE60] =	vst v30;
	v22 =	vsub.f32 v4, v13  }
0x81: {  	[tilespmem:$0xEE0] =	vst v31;
	v20 =	vsub.f32 v16, v4  }
0x82: {  	s9 =	rddreg [dreg:$0x1b];
	[tilespmem:$0xA60] =	vst v22  }
0x83: {  	s10 =	rddreg [dreg:$0x1c];
	[tilespmem:$0x860] =	vst v20  }
0x84: {  	[tilespmem:s10], [sflag:$0x4] =	stream.indirect.gather [hbm4b:s3+s7], $0x1, s9, s7, $0xb8;
	[tilespmem:$0x2A00] =	vst v63  }
0x85: {  	_ =	swait.ge [sflag:s6], $0x80  }
0x86: {  	[sflag:s6] =	ssyncset.done $0x0  }
0x87: {  	[sflag:s6] =	ssyncadd.s32 $0xFFFFFF80  }
0x88: {  	v40 =	vld [tilespmem:$0x80];
	_ =	sdelay $0x4  }
0x89: {  	v0 =	vcvt.s32.f32 v40  }
0x8a: {  	v41 =	vld [tilespmem:$0x90]  }
0x8b: {  	v0 =	vmul.f32 $9.999999770e-03, v0;
	_ =	sdelay $0x1  }
0x8c: {  	v42 =	vtrunc.f32 v0  }
0x8d: {  	v2 =	vcvt.f32.s32 v42  }
0x8e: {  	v1 =	vcvt.s32.f32 v41  }
0x8f: {  	vm4 =	vlt.s32 v2, $0x1869E  }
0x90: {  	v1 =	vmul.f32 $9.999999770e-03, v1;
	v2 =	vnsel vm4, $0x1869E, v2  }
0x91: {  	v47 =	vadd.s32 $0xC000, v2  }
0x92: {  	v46 =	vtrunc.f32 v1;
	v50 =	vadd.s32 $0xC001, v2;
	[tilespmem:$0xF00] =	vst v47  }
0x93: {  	v55 =	vld [tilespmem:$0xB0];
	v6 =	vcvt.f32.s32 v46;
	v52 =	vadd.s32 $0x246A0, v2;
	[tilespmem:$0xF80] =	vst v50  }
0x94: {  	v53 =	vadd.s32 $0x246A1, v2;
	[tilespmem:$0x1000] =	vst v52  }
0x95: {  	vm5 =	vlt.s32 v6, $0x1869E;
	v56 =	vadd.s32 $0x3CD40, v2;
	[tilespmem:$0x1080] =	vst v53  }
0x96: {  	v48 =	vnsel vm5, $0x1869E, v6;
	v58 =	vadd.s32 $0x3CD41, v2;
	[tilespmem:$0x1100] =	vst v56  }
0x97: {  	v62 =	vadd.s32 $0xC000, v48;
	[tilespmem:$0x1180] =	vst v58  }
0x98: {  	v10 =	vcvt.s32.f32 v55;
	v11 =	vadd.s32 $0xC001, v48;
	[tilespmem:$0xF10] =	vst v62  }
0x99: {  	v43 =	vcvt.s32.f32 v2;
	v13 =	vadd.s32 $0x246A0, v48;
	[tilespmem:$0xF90] =	vst v11  }
0x9a: {  	v51 =	vcvt.s32.f32 v48;
	v2 =	vmul.f32 $9.999999770e-03, v10;
	v14 =	vadd.s32 $0x246A1, v48;
	[tilespmem:$0x1010] =	vst v13  }
0x9b: {  	v45 =	vld [tilespmem:$0xA0];
	v17 =	vadd.s32 $0x3CD40, v48;
	[tilespmem:$0x1090] =	vst v14;
	v44 =	vadd.f32 $1.000000000e+00, v43  }
0x9c: {  	v19 =	vadd.s32 $0x3CD41, v48;
	[tilespmem:$0x1110] =	vst v17;
	v61 =	vsub.f32 v1, v51;
	v18 =	vtrunc.f32 v2  }
0x9d: {  	[tilespmem:$0x1190] =	vst v19;
	v54 =	vadd.f32 $1.000000000e+00, v51;
	v21 =	vcvt.f32.s32 v18;
	v4 =	vsub.f32 v44, v0  }
0x9e: {  	v0 =	vsub.f32 v0, v43;
	[tilespmem:$0xA90] =	vst v61  }
0x9f: {  	v59 =	vsub.f32 v54, v1;
	vm7 =	vlt.s32 v21, $0x1869E;
	[tilespmem:$0x880] =	vst v4  }
0xa0: {  	v49 =	vcvt.s32.f32 v45;
	[tilespmem:$0xA80] =	vst v0;
	v24 =	vnsel vm7, $0x1869E, v21  }
0xa1: {  	[tilespmem:$0x890] =	vst v59;
	v38 =	vadd.s32 $0xC000, v24  }
0xa2: {  	v4 =	vmul.f32 $9.999999770e-03, v49;
	v41 =	vadd.s32 $0xC001, v24;
	[tilespmem:$0xF30] =	vst v38  }
0xa3: {  	v31 =	vld [tilespmem:$0xD0];
	v27 =	vcvt.s32.f32 v24;
	v43 =	vadd.s32 $0x246A0, v24;
	[tilespmem:$0xFB0] =	vst v41  }
0xa4: {  	v44 =	vadd.s32 $0x246A1, v24;
	v57 =	vtrunc.f32 v4;
	[tilespmem:$0x1030] =	vst v43  }
0xa5: {  	v47 =	vadd.s32 $0x3CD40, v24;
	[tilespmem:$0x10B0] =	vst v44;
	v60 =	vcvt.f32.s32 v57;
	v30 =	vadd.f32 $1.000000000e+00, v27  }
0xa6: {  	v49 =	vadd.s32 $0x3CD41, v24;
	[tilespmem:$0x1130] =	vst v47;
	v37 =	vsub.f32 v2, v27  }
0xa7: {  	[tilespmem:$0x11B0] =	vst v49;
	vm6 =	vlt.s32 v60, $0x1869E;
	v35 =	vsub.f32 v30, v2  }
0xa8: {  	v40 =	vcvt.s32.f32 v31;
	[tilespmem:$0xAB0] =	vst v37;
	v63 =	vnsel vm6, $0x1869E, v60  }
0xa9: {  	v23 =	vadd.s32 $0xC000, v63;
	[tilespmem:$0x8B0] =	vst v35  }
0xaa: {  	v2 =	vmul.f32 $9.999999770e-03, v40;
	v26 =	vadd.s32 $0xC001, v63;
	[tilespmem:$0xF20] =	vst v23  }
0xab: {  	v16 =	vld [tilespmem:$0xC0];
	v12 =	vcvt.s32.f32 v63;
	v28 =	vadd.s32 $0x246A0, v63;
	[tilespmem:$0xFA0] =	vst v26  }
0xac: {  	v29 =	vadd.s32 $0x246A1, v63;
	v48 =	vtrunc.f32 v2;
	[tilespmem:$0x1020] =	vst v28  }
0xad: {  	v32 =	vadd.s32 $0x3CD40, v63;
	[tilespmem:$0x10A0] =	vst v29;
	v51 =	vcvt.f32.s32 v48;
	v15 =	vadd.f32 $1.000000000e+00, v12  }
0xae: {  	v34 =	vadd.s32 $0x3CD41, v63;
	[tilespmem:$0x1120] =	vst v32;
	v22 =	vsub.f32 v4, v12  }
0xaf: {  	[tilespmem:$0x11A0] =	vst v34;
	vm9 =	vlt.s32 v51, $0x1869E;
	v20 =	vsub.f32 v15, v4  }
0xb0: {  	v25 =	vcvt.s32.f32 v16;
	[tilespmem:$0xAA0] =	vst v22;
	v54 =	vnsel vm9, $0x1869E, v51  }
0xb1: {  	v16 =	vadd.s32 $0xC000, v54;
	[tilespmem:$0x8A0] =	vst v20  }
0xb2: {  	v4 =	vmul.f32 $9.999999770e-03, v25;
	v19 =	vadd.s32 $0xC001, v54;
	[tilespmem:$0xF50] =	vst v16  }
0xb3: {  	v61 =	vld [tilespmem:$0xF0];
	v57 =	vcvt.s32.f32 v54;
	v21 =	vadd.s32 $0x246A0, v54;
	[tilespmem:$0xFD0] =	vst v19  }
0xb4: {  	v22 =	vadd.s32 $0x246A1, v54;
	v33 =	vtrunc.f32 v4;
	[tilespmem:$0x1050] =	vst v21  }
0xb5: {  	v24 =	vadd.s32 $0x3CD40, v54;
	[tilespmem:$0x10D0] =	vst v22;
	v36 =	vcvt.f32.s32 v33;
	v60 =	vadd.f32 $1.000000000e+00, v57  }
0xb6: {  	v26 =	vadd.s32 $0x3CD41, v54;
	[tilespmem:$0x1150] =	vst v24;
	v15 =	vsub.f32 v2, v57  }
0xb7: {  	[tilespmem:$0x11D0] =	vst v26;
	vm8 =	vlt.s32 v36, $0x1869E;
	v13 =	vsub.f32 v60, v2  }
0xb8: {  	v18 =	vcvt.s32.f32 v61;
	[tilespmem:$0xAD0] =	vst v15;
	v39 =	vnsel vm8, $0x1869E, v36  }
0xb9: {  	v53 =	vadd.s32 $0xC000, v39;
	[tilespmem:$0x8D0] =	vst v13  }
0xba: {  	v2 =	vmul.f32 $9.999999770e-03, v18;
	v56 =	vadd.s32 $0xC001, v39;
	[tilespmem:$0xF40] =	vst v53  }
0xbb: {  	v46 =	vld [tilespmem:$0xE0];
	v42 =	vcvt.s32.f32 v39;
	v58 =	vadd.s32 $0x246A0, v39;
	[tilespmem:$0xFC0] =	vst v56  }
0xbc: {  	v59 =	vadd.s32 $0x246A1, v39;
	v25 =	vtrunc.f32 v2;
	[tilespmem:$0x1040] =	vst v58  }
0xbd: {  	v62 =	vadd.s32 $0x3CD40, v39;
	[tilespmem:$0x10C0] =	vst v59;
	v28 =	vcvt.f32.s32 v25;
	v45 =	vadd.f32 $1.000000000e+00, v42  }
0xbe: {  	v12 =	vadd.s32 $0x3CD41, v39;
	[tilespmem:$0x1140] =	vst v62;
	v52 =	vsub.f32 v4, v42  }
0xbf: {  	[tilespmem:$0x11C0] =	vst v12;
	vm11 =	vlt.s32 v28, $0x1869E;
	v50 =	vsub.f32 v45, v4  }
0xc0: {  	v55 =	vcvt.s32.f32 v46;
	[tilespmem:$0xAC0] =	vst v52;
	v31 =	vnsel vm11, $0x1869E, v28  }
0xc1: {  	v41 =	vadd.s32 $0xC000, v31;
	[tilespmem:$0x8C0] =	vst v50  }
0xc2: {  	v4 =	vmul.f32 $9.999999770e-03, v55;
	v42 =	vadd.s32 $0xC001, v31;
	[tilespmem:$0xF70] =	vst v41  }
0xc3: {  	v33 =	vcvt.s32.f32 v31;
	v43 =	vadd.s32 $0x246A0, v31;
	[tilespmem:$0xFF0] =	vst v42  }
0xc4: {  	v44 =	vadd.s32 $0x246A1, v31;
	v63 =	vtrunc.f32 v4;
	[tilespmem:$0x1070] =	vst v43  }
0xc5: {  	v45 =	vadd.s32 $0x3CD40, v31;
	[tilespmem:$0x10F0] =	vst v44;
	v14 =	vcvt.f32.s32 v63;
	v36 =	vadd.f32 $1.000000000e+00, v33  }
0xc6: {  	v46 =	vadd.s32 $0x3CD41, v31;
	[tilespmem:$0x1170] =	vst v45;
	v40 =	vsub.f32 v2, v33  }
0xc7: {  	[tilespmem:$0x11F0] =	vst v46;
	vm10 =	vlt.s32 v14, $0x1869E;
	v39 =	vsub.f32 v36, v2  }
0xc8: {  	[tilespmem:$0xAF0] =	vst v40;
	v17 =	vnsel vm10, $0x1869E, v14  }
0xc9: {  	v30 =	vadd.s32 $0xC000, v17;
	[tilespmem:$0x8F0] =	vst v39  }
0xca: {  	v32 =	vadd.s32 $0xC001, v17;
	[tilespmem:$0xF60] =	vst v30  }
0xcb: {  	v20 =	vcvt.s32.f32 v17;
	v34 =	vadd.s32 $0x246A0, v17;
	[tilespmem:$0xFE0] =	vst v32  }
0xcc: {  	v35 =	vadd.s32 $0x246A1, v17;
	[tilespmem:$0x1060] =	vst v34  }
0xcd: {  	v37 =	vadd.s32 $0x3CD40, v17;
	[tilespmem:$0x10E0] =	vst v35;
	v23 =	vadd.f32 $1.000000000e+00, v20  }
0xce: {  	v38 =	vadd.s32 $0x3CD41, v17;
	[tilespmem:$0x1160] =	vst v37;
	v29 =	vsub.f32 v4, v20  }
0xcf: {  	[tilespmem:$0x11E0] =	vst v38;
	v27 =	vsub.f32 v23, v4  }
0xd0: {  	[tilespmem:$0xAE0] =	vst v29  }
0xd1: {  	s9 =	simm.s32 $0xF00;
	s10 =	simm.s32 $0x1B00;
	[tilespmem:$0x8E0] =	vst v27  }
0xd2: {  	[tilespmem:s10], [sflag:$0x5] =	stream.indirect.gather [hbm4b:s3+s7], $0x1, s9, s7, $0xb8;
	[tilespmem:$0x2A00] =	vst v63  }
0xd3: {  	_ =	swait.ge [sflag:s6], $0x80  }
0xd4: {  	[sflag:s6] =	ssyncset.done $0x0  }
0xd5: {  	[sflag:s6] =	ssyncadd.s32 $0xFFFFFF80  }
0xd6: {  	v47 =	vld [tilespmem:$0x100];
	_ =	sdelay $0x4  }
0xd7: {  	v0 =	vcvt.s32.f32 v47  }
0xd8: {  	v48 =	vld [tilespmem:$0x110]  }
0xd9: {  	v0 =	vmul.f32 $9.999999770e-03, v0;
	_ =	sdelay $0x1  }
0xda: {  	v49 =	vtrunc.f32 v0  }
0xdb: {  	v2 =	vcvt.f32.s32 v49  }
0xdc: {  	v1 =	vcvt.s32.f32 v48  }
0xdd: {  	vm12 =	vlt.s32 v2, $0x1869E  }
0xde: {  	v1 =	vmul.f32 $9.999999770e-03, v1;
	v2 =	vnsel vm12, $0x1869E, v2  }
0xdf: {  	v54 =	vadd.s32 $0xC000, v2  }
0xe0: {  	v53 =	vtrunc.f32 v1;
	v57 =	vadd.s32 $0xC001, v2;
	[tilespmem:$0x1200] =	vst v54  }
0xe1: {  	v62 =	vld [tilespmem:$0x130];
	v6 =	vcvt.f32.s32 v53;
	v59 =	vadd.s32 $0x246A0, v2;
	[tilespmem:$0x1280] =	vst v57  }
0xe2: {  	v60 =	vadd.s32 $0x246A1, v2;
	[tilespmem:$0x1300] =	vst v59  }
0xe3: {  	vm13 =	vlt.s32 v6, $0x1869E;
	v63 =	vadd.s32 $0x3CD40, v2;
	[tilespmem:$0x1380] =	vst v60  }
0xe4: {  	v55 =	vnsel vm13, $0x1869E, v6;
	v13 =	vadd.s32 $0x3CD41, v2;
	[tilespmem:$0x1400] =	vst v63  }
0xe5: {  	v17 =	vadd.s32 $0xC000, v55;
	[tilespmem:$0x1480] =	vst v13  }
0xe6: {  	v19 =	vcvt.s32.f32 v62;
	v20 =	vadd.s32 $0xC001, v55;
	[tilespmem:$0x1210] =	vst v17  }
0xe7: {  	v50 =	vcvt.s32.f32 v2;
	v22 =	vadd.s32 $0x246A0, v55;
	[tilespmem:$0x1290] =	vst v20  }
0xe8: {  	v58 =	vcvt.s32.f32 v55;
	v2 =	vmul.f32 $9.999999770e-03, v19;
	v23 =	vadd.s32 $0x246A1, v55;
	[tilespmem:$0x1310] =	vst v22  }
0xe9: {  	v52 =	vld [tilespmem:$0x120];
	v26 =	vadd.s32 $0x3CD40, v55;
	[tilespmem:$0x1390] =	vst v23;
	v51 =	vadd.f32 $1.000000000e+00, v50  }
0xea: {  	v28 =	vadd.s32 $0x3CD41, v55;
	[tilespmem:$0x1410] =	vst v26;
	v16 =	vsub.f32 v1, v58;
	v27 =	vtrunc.f32 v2  }
0xeb: {  	[tilespmem:$0x1490] =	vst v28;
	v61 =	vadd.f32 $1.000000000e+00, v58;
	v30 =	vcvt.f32.s32 v27;
	v4 =	vsub.f32 v51, v0  }
0xec: {  	v0 =	vsub.f32 v0, v50;
	[tilespmem:$0xB10] =	vst v16  }
0xed: {  	v14 =	vsub.f32 v61, v1;
	vm15 =	vlt.s32 v30, $0x1869E;
	[tilespmem:$0x900] =	vst v4  }
0xee: {  	v56 =	vcvt.s32.f32 v52;
	[tilespmem:$0xB00] =	vst v0;
	v33 =	vnsel vm15, $0x1869E, v30  }
0xef: {  	[tilespmem:$0x910] =	vst v14;
	v47 =	vadd.s32 $0xC000, v33  }
0xf0: {  	v4 =	vmul.f32 $9.999999770e-03, v56;
	v50 =	vadd.s32 $0xC001, v33;
	[tilespmem:$0x1230] =	vst v47  }
0xf1: {  	v40 =	vld [tilespmem:$0x150];
	v36 =	vcvt.s32.f32 v33;
	v52 =	vadd.s32 $0x246A0, v33;
	[tilespmem:$0x12B0] =	vst v50  }
0xf2: {  	v53 =	vadd.s32 $0x246A1, v33;
	v12 =	vtrunc.f32 v4;
	[tilespmem:$0x1330] =	vst v52  }
0xf3: {  	v56 =	vadd.s32 $0x3CD40, v33;
	[tilespmem:$0x13B0] =	vst v53;
	v15 =	vcvt.f32.s32 v12;
	v39 =	vadd.f32 $1.000000000e+00, v36  }
0xf4: {  	v58 =	vadd.s32 $0x3CD41, v33;
	[tilespmem:$0x1430] =	vst v56;
	v46 =	vsub.f32 v2, v36  }
0xf5: {  	[tilespmem:$0x14B0] =	vst v58;
	vm14 =	vlt.s32 v15, $0x1869E;
	v44 =	vsub.f32 v39, v2  }
0xf6: {  	v49 =	vcvt.s32.f32 v40;
	[tilespmem:$0xB30] =	vst v46;
	v18 =	vnsel vm14, $0x1869E, v15  }
0xf7: {  	v32 =	vadd.s32 $0xC000, v18;
	[tilespmem:$0x930] =	vst v44  }
0xf8: {  	v2 =	vmul.f32 $9.999999770e-03, v49;
	v35 =	vadd.s32 $0xC001, v18;
	[tilespmem:$0x1220] =	vst v32  }
0xf9: {  	v25 =	vld [tilespmem:$0x140];
	v21 =	vcvt.s32.f32 v18;
	v37 =	vadd.s32 $0x246A0, v18;
	[tilespmem:$0x12A0] =	vst v35  }
0xfa: {  	v38 =	vadd.s32 $0x246A1, v18;
	v57 =	vtrunc.f32 v2;
	[tilespmem:$0x1320] =	vst v37  }
0xfb: {  	v41 =	vadd.s32 $0x3CD40, v18;
	[tilespmem:$0x13A0] =	vst v38;
	v60 =	vcvt.f32.s32 v57;
	v24 =	vadd.f32 $1.000000000e+00, v21  }
0xfc: {  	v43 =	vadd.s32 $0x3CD41, v18;
	[tilespmem:$0x1420] =	vst v41;
	v31 =	vsub.f32 v4, v21  }
0xfd: {  	[tilespmem:$0x14A0] =	vst v43;
	vm5 =	vlt.s32 v60, $0x1869E;
	v29 =	vsub.f32 v24, v4  }
0xfe: {  	v34 =	vcvt.s32.f32 v25;
	[tilespmem:$0xB20] =	vst v31;
	v63 =	vnsel vm5, $0x1869E, v60  }
0xff: {  	v24 =	vadd.s32 $0xC000, v63;
	[tilespmem:$0x920] =	vst v29  }
0x100: {  	v4 =	vmul.f32 $9.999999770e-03, v34;
	v27 =	vadd.s32 $0xC001, v63;
	[tilespmem:$0x1250] =	vst v24  }
0x101: {  	v17 =	vld [tilespmem:$0x170];
	v13 =	vcvt.s32.f32 v63;
	v30 =	vadd.s32 $0x246A1, v63;
	[tilespmem:$0x12D0] =	vst v27  }
0x102: {  	v32 =	vadd.s32 $0x3CD40, v63;
	v42 =	vtrunc.f32 v4;
	[tilespmem:$0x13D0] =	vst v30  }
0x103: {  	v34 =	vadd.s32 $0x3CD41, v63;
	[tilespmem:$0x1450] =	vst v32;
	v45 =	vcvt.f32.s32 v42;
	v16 =	vadd.f32 $1.000000000e+00, v13  }
0x104: {  	v29 =	vadd.s32 $0x246A0, v63;
	[tilespmem:$0x14D0] =	vst v34;
	v23 =	vsub.f32 v2, v13  }
0x105: {  	[tilespmem:$0x1350] =	vst v29;
	vm4 =	vlt.s32 v45, $0x1869E;
	v21 =	vsub.f32 v16, v2  }
0x106: {  	v26 =	vcvt.s32.f32 v17;
	[tilespmem:$0xB50] =	vst v23;
	v48 =	vnsel vm4, $0x1869E, v45  }
0x107: {  	v62 =	vadd.s32 $0xC000, v48;
	[tilespmem:$0x950] =	vst v21  }
0x108: {  	v2 =	vmul.f32 $9.999999770e-03, v26;
	v12 =	vadd.s32 $0xC001, v48;
	[tilespmem:$0x1240] =	vst v62  }
0x109: {  	v55 =	vld [tilespmem:$0x160];
	v51 =	vcvt.s32.f32 v48;
	v14 =	vadd.s32 $0x246A0, v48;
	[tilespmem:$0x12C0] =	vst v12  }
0x10a: {  	v15 =	vadd.s32 $0x246A1, v48;
	v33 =	vtrunc.f32 v2;
	[tilespmem:$0x1340] =	vst v14  }
0x10b: {  	v18 =	vadd.s32 $0x3CD40, v48;
	[tilespmem:$0x13C0] =	vst v15;
	v36 =	vcvt.f32.s32 v33;
	v54 =	vadd.f32 $1.000000000e+00, v51  }
0x10c: {  	v20 =	vadd.s32 $0x3CD41, v48;
	[tilespmem:$0x1440] =	vst v18;
	v61 =	vsub.f32 v4, v51  }
0x10d: {  	[tilespmem:$0x14C0] =	vst v20;
	vm7 =	vlt.s32 v36, $0x1869E;
	v59 =	vsub.f32 v54, v4  }
0x10e: {  	v11 =	vcvt.s32.f32 v55;
	[tilespmem:$0xB40] =	vst v61;
	v39 =	vnsel vm7, $0x1869E, v36  }
0x10f: {  	v49 =	vadd.s32 $0xC000, v39;
	[tilespmem:$0x940] =	vst v59  }
0x110: {  	v4 =	vmul.f32 $9.999999770e-03, v11;
	v50 =	vadd.s32 $0xC001, v39;
	[tilespmem:$0x1270] =	vst v49  }
0x111: {  	v41 =	vcvt.s32.f32 v39;
	v51 =	vadd.s32 $0x246A0, v39;
	[tilespmem:$0x12F0] =	vst v50  }
0x112: {  	v52 =	vadd.s32 $0x246A1, v39;
	v19 =	vtrunc.f32 v4;
	[tilespmem:$0x1370] =	vst v51  }
0x113: {  	v53 =	vadd.s32 $0x3CD40, v39;
	[tilespmem:$0x13F0] =	vst v52;
	v22 =	vcvt.f32.s32 v19;
	v44 =	vadd.f32 $1.000000000e+00, v41  }
0x114: {  	v54 =	vadd.s32 $0x3CD41, v39;
	[tilespmem:$0x1470] =	vst v53;
	v48 =	vsub.f32 v2, v41  }
0x115: {  	[tilespmem:$0x14F0] =	vst v54;
	vm6 =	vlt.s32 v22, $0x1869E;
	v47 =	vsub.f32 v44, v2  }
0x116: {  	[tilespmem:$0xB70] =	vst v48;
	v25 =	vnsel vm6, $0x1869E, v22  }
0x117: {  	v38 =	vadd.s32 $0xC000, v25;
	[tilespmem:$0x970] =	vst v47  }
0x118: {  	v40 =	vadd.s32 $0xC001, v25;
	[tilespmem:$0x1260] =	vst v38  }
0x119: {  	v28 =	vcvt.s32.f32 v25;
	v42 =	vadd.s32 $0x246A0, v25;
	[tilespmem:$0x12E0] =	vst v40  }
0x11a: {  	v43 =	vadd.s32 $0x246A1, v25;
	[tilespmem:$0x1360] =	vst v42  }
0x11b: {  	v45 =	vadd.s32 $0x3CD40, v25;
	[tilespmem:$0x13E0] =	vst v43;
	v31 =	vadd.f32 $1.000000000e+00, v28  }
0x11c: {  	v46 =	vadd.s32 $0x3CD41, v25;
	[tilespmem:$0x1460] =	vst v45;
	v37 =	vsub.f32 v4, v28  }
0x11d: {  	[tilespmem:$0x14E0] =	vst v46;
	v35 =	vsub.f32 v31, v4  }
0x11e: {  	[tilespmem:$0xB60] =	vst v37  }
0x11f: {  	s8 =	simm.s32 $0x1200;
	[tilespmem:$0x960] =	vst v35  }
0x120: {  	[tilespmem:s11], [sflag:$0x6] =	stream.indirect.gather [hbm4b:s3+s7], $0x1, s8, s7, $0xb8;
	[tilespmem:$0x2A00] =	vst v63  }
0x121: {  	_ =	swait.ge [sflag:s6], $0x80  }
0x122: {  	[sflag:s6] =	ssyncset.done $0x0  }
0x123: {  	[sflag:s6] =	ssyncadd.s32 $0xFFFFFF80  }
0x124: {  	v55 =	vld [tilespmem:$0x180];
	_ =	sdelay $0x4  }
0x125: {  	v0 =	vcvt.s32.f32 v55  }
0x126: {  	v56 =	vld [tilespmem:$0x190]  }
0x127: {  	v0 =	vmul.f32 $9.999999770e-03, v0;
	_ =	sdelay $0x1  }
0x128: {  	v57 =	vtrunc.f32 v0  }
0x129: {  	v2 =	vcvt.f32.s32 v57  }
0x12a: {  	v1 =	vcvt.s32.f32 v56  }
0x12b: {  	vm8 =	vlt.s32 v2, $0x1869E  }
0x12c: {  	v1 =	vmul.f32 $9.999999770e-03, v1;
	v2 =	vnsel vm8, $0x1869E, v2  }
0x12d: {  	v62 =	vadd.s32 $0xC000, v2  }
0x12e: {  	v61 =	vtrunc.f32 v1;
	v12 =	vadd.s32 $0xC001, v2;
	[tilespmem:$0x1500] =	vst v62  }
0x12f: {  	v17 =	vld [tilespmem:$0x1B0];
	v6 =	vcvt.f32.s32 v61;
	v14 =	vadd.s32 $0x246A0, v2;
	[tilespmem:$0x1580] =	vst v12  }
0x130: {  	v15 =	vadd.s32 $0x246A1, v2;
	[tilespmem:$0x1600] =	vst v14  }
0x131: {  	vm9 =	vlt.s32 v6, $0x1869E;
	v18 =	vadd.s32 $0x3CD40, v2;
	[tilespmem:$0x1680] =	vst v15  }
0x132: {  	v63 =	vnsel vm9, $0x1869E, v6;
	v20 =	vadd.s32 $0x3CD41, v2;
	[tilespmem:$0x1700] =	vst v18  }
0x133: {  	v24 =	vadd.s32 $0xC000, v63;
	[tilespmem:$0x1780] =	vst v20  }
0x134: {  	v26 =	vcvt.s32.f32 v17;
	v27 =	vadd.s32 $0xC001, v63;
	[tilespmem:$0x1510] =	vst v24  }
0x135: {  	v58 =	vcvt.s32.f32 v2;
	v29 =	vadd.s32 $0x246A0, v63;
	[tilespmem:$0x1590] =	vst v27  }
0x136: {  	v13 =	vcvt.s32.f32 v63;
	v2 =	vmul.f32 $9.999999770e-03, v26;
	v30 =	vadd.s32 $0x246A1, v63;
	[tilespmem:$0x1610] =	vst v29  }
0x137: {  	v60 =	vld [tilespmem:$0x1A0];
	v33 =	vadd.s32 $0x3CD40, v63;
	[tilespmem:$0x1690] =	vst v30;
	v59 =	vadd.f32 $1.000000000e+00, v58  }
0x138: {  	v35 =	vadd.s32 $0x3CD41, v63;
	[tilespmem:$0x1710] =	vst v33;
	v23 =	vsub.f32 v1, v13;
	v34 =	vtrunc.f32 v2  }
0x139: {  	[tilespmem:$0x1790] =	vst v35;
	v16 =	vadd.f32 $1.000000000e+00, v13;
	v37 =	vcvt.f32.s32 v34;
	v4 =	vsub.f32 v59, v0  }
0x13a: {  	v0 =	vsub.f32 v0, v58;
	[tilespmem:$0xB90] =	vst v23  }
0x13b: {  	v21 =	vsub.f32 v16, v1;
	vm11 =	vlt.s32 v37, $0x1869E;
	[tilespmem:$0x980] =	vst v4  }
0x13c: {  	v11 =	vcvt.s32.f32 v60;
	[tilespmem:$0xB80] =	vst v0;
	v40 =	vnsel vm11, $0x1869E, v37  }
0x13d: {  	[tilespmem:$0x990] =	vst v21;
	v54 =	vadd.s32 $0xC000, v40  }
0x13e: {  	v4 =	vmul.f32 $9.999999770e-03, v11;
	v57 =	vadd.s32 $0xC001, v40;
	[tilespmem:$0x1530] =	vst v54  }
0x13f: {  	v47 =	vld [tilespmem:$0x1D0];
	v43 =	vcvt.s32.f32 v40;
	v59 =	vadd.s32 $0x246A0, v40;
	[tilespmem:$0x15B0] =	vst v57  }
0x140: {  	v60 =	vadd.s32 $0x246A1, v40;
	v19 =	vtrunc.f32 v4;
	[tilespmem:$0x1630] =	vst v59  }
0x141: {  	v63 =	vadd.s32 $0x3CD40, v40;
	[tilespmem:$0x16B0] =	vst v60;
	v22 =	vcvt.f32.s32 v19;
	v46 =	vadd.f32 $1.000000000e+00, v43  }
0x142: {  	v13 =	vadd.s32 $0x3CD41, v40;
	[tilespmem:$0x1730] =	vst v63;
	v53 =	vsub.f32 v2, v43  }
0x143: {  	[tilespmem:$0x17B0] =	vst v13;
	vm10 =	vlt.s32 v22, $0x1869E;
	v51 =	vsub.f32 v46, v2  }
0x144: {  	v56 =	vcvt.s32.f32 v47;
	[tilespmem:$0xBB0] =	vst v53;
	v25 =	vnsel vm10, $0x1869E, v22  }
0x145: {  	v39 =	vadd.s32 $0xC000, v25;
	[tilespmem:$0x9B0] =	vst v51  }
0x146: {  	v2 =	vmul.f32 $9.999999770e-03, v56;
	v42 =	vadd.s32 $0xC001, v25;
	[tilespmem:$0x1520] =	vst v39  }
0x147: {  	v32 =	vld [tilespmem:$0x1C0];
	v28 =	vcvt.s32.f32 v25;
	v44 =	vadd.s32 $0x246A0, v25;
	[tilespmem:$0x15A0] =	vst v42  }
0x148: {  	v45 =	vadd.s32 $0x246A1, v25;
	v12 =	vtrunc.f32 v2;
	[tilespmem:$0x1620] =	vst v44  }
0x149: {  	v48 =	vadd.s32 $0x3CD40, v25;
	[tilespmem:$0x16A0] =	vst v45;
	v15 =	vcvt.f32.s32 v12;
	v31 =	vadd.f32 $1.000000000e+00, v28  }
0x14a: {  	v50 =	vadd.s32 $0x3CD41, v25;
	[tilespmem:$0x1720] =	vst v48;
	v38 =	vsub.f32 v4, v28  }
0x14b: {  	[tilespmem:$0x17A0] =	vst v50;
	vm13 =	vlt.s32 v15, $0x1869E;
	v36 =	vsub.f32 v31, v4  }
0x14c: {  	v41 =	vcvt.s32.f32 v32;
	[tilespmem:$0xBA0] =	vst v38;
	v18 =	vnsel vm13, $0x1869E, v15  }
0x14d: {  	v32 =	vadd.s32 $0xC000, v18;
	[tilespmem:$0x9A0] =	vst v36  }
0x14e: {  	v4 =	vmul.f32 $9.999999770e-03, v41;
	v35 =	vadd.s32 $0xC001, v18;
	[tilespmem:$0x1550] =	vst v32  }
0x14f: {  	v25 =	vld [tilespmem:$0x1F0];
	v21 =	vcvt.s32.f32 v18;
	v37 =	vadd.s32 $0x246A0, v18;
	[tilespmem:$0x15D0] =	vst v35  }
0x150: {  	v38 =	vadd.s32 $0x246A1, v18;
	v49 =	vtrunc.f32 v4;
	[tilespmem:$0x1650] =	vst v37  }
0x151: {  	v40 =	vadd.s32 $0x3CD40, v18;
	[tilespmem:$0x16D0] =	vst v38;
	v52 =	vcvt.f32.s32 v49;
	v24 =	vadd.f32 $1.000000000e+00, v21  }
0x152: {  	v42 =	vadd.s32 $0x3CD41, v18;
	[tilespmem:$0x1750] =	vst v40;
	v31 =	vsub.f32 v2, v21  }
0x153: {  	[tilespmem:$0x17D0] =	vst v42;
	vm12 =	vlt.s32 v52, $0x1869E;
	v29 =	vsub.f32 v24, v2  }
0x154: {  	v34 =	vcvt.s32.f32 v25;
	[tilespmem:$0xBD0] =	vst v31;
	v55 =	vnsel vm12, $0x1869E, v52  }
0x155: {  	v17 =	vadd.s32 $0xC000, v55;
	[tilespmem:$0x9D0] =	vst v29  }
0x156: {  	v2 =	vmul.f32 $9.999999770e-03, v34;
	v20 =	vadd.s32 $0xC001, v55;
	[tilespmem:$0x1540] =	vst v17  }
0x157: {  	v62 =	vld [tilespmem:$0x1E0];
	v58 =	vcvt.s32.f32 v55;
	v22 =	vadd.s32 $0x246A0, v55;
	[tilespmem:$0x15C0] =	vst v20  }
0x158: {  	v23 =	vadd.s32 $0x246A1, v55;
	v41 =	vtrunc.f32 v2;
	[tilespmem:$0x1640] =	vst v22  }
0x159: {  	v26 =	vadd.s32 $0x3CD40, v55;
	[tilespmem:$0x16C0] =	vst v23;
	v44 =	vcvt.f32.s32 v41;
	v61 =	vadd.f32 $1.000000000e+00, v58  }
0x15a: {  	v28 =	vadd.s32 $0x3CD41, v55;
	[tilespmem:$0x1740] =	vst v26;
	v16 =	vsub.f32 v4, v58  }
0x15b: {  	[tilespmem:$0x17C0] =	vst v28;
	vm15 =	vlt.s32 v44, $0x1869E;
	v14 =	vsub.f32 v61, v4  }
0x15c: {  	v19 =	vcvt.s32.f32 v62;
	[tilespmem:$0xBC0] =	vst v16;
	v47 =	vnsel vm15, $0x1869E, v44  }
0x15d: {  	v57 =	vadd.s32 $0xC000, v47;
	[tilespmem:$0x9C0] =	vst v14  }
0x15e: {  	v4 =	vmul.f32 $9.999999770e-03, v19;
	v58 =	vadd.s32 $0xC001, v47;
	[tilespmem:$0x1570] =	vst v57  }
0x15f: {  	v49 =	vcvt.s32.f32 v47;
	v59 =	vadd.s32 $0x246A0, v47;
	[tilespmem:$0x15F0] =	vst v58  }
0x160: {  	v60 =	vadd.s32 $0x246A1, v47;
	v27 =	vtrunc.f32 v4;
	[tilespmem:$0x1670] =	vst v59  }
0x161: {  	v61 =	vadd.s32 $0x3CD40, v47;
	[tilespmem:$0x16F0] =	vst v60;
	v30 =	vcvt.f32.s32 v27;
	v52 =	vadd.f32 $1.000000000e+00, v49  }
0x162: {  	v62 =	vadd.s32 $0x3CD41, v47;
	[tilespmem:$0x1770] =	vst v61;
	v56 =	vsub.f32 v2, v49  }
0x163: {  	[tilespmem:$0x17F0] =	vst v62;
	vm14 =	vlt.s32 v30, $0x1869E;
	v55 =	vsub.f32 v52, v2  }
0x164: {  	[tilespmem:$0xBF0] =	vst v56;
	v33 =	vnsel vm14, $0x1869E, v30  }
0x165: {  	v46 =	vadd.s32 $0xC000, v33;
	[tilespmem:$0x9F0] =	vst v55  }
0x166: {  	v48 =	vadd.s32 $0xC001, v33;
	[tilespmem:$0x1560] =	vst v46  }
0x167: {  	v36 =	vcvt.s32.f32 v33;
	v50 =	vadd.s32 $0x246A0, v33;
	[tilespmem:$0x15E0] =	vst v48  }
0x168: {  	v51 =	vadd.s32 $0x246A1, v33;
	[tilespmem:$0x1660] =	vst v50  }
0x169: {  	v53 =	vadd.s32 $0x3CD40, v33;
	[tilespmem:$0x16E0] =	vst v51;
	v39 =	vadd.f32 $1.000000000e+00, v36  }
0x16a: {  	v54 =	vadd.s32 $0x3CD41, v33;
	[tilespmem:$0x1760] =	vst v53;
	v45 =	vsub.f32 v4, v36  }
0x16b: {  	[tilespmem:$0x17E0] =	vst v54;
	v43 =	vsub.f32 v39, v4  }
0x16c: {  	[tilespmem:$0xBE0] =	vst v45  }
0x16d: {  	[tilespmem:$0x9E0] =	vst v43  }
0x16e: {  	[tilespmem:s13], [sflag:$0x7] =	stream.indirect.gather [hbm4b:s3+s7], $0x1, s12, s7, $0xb8;
	[tilespmem:$0x2A00] =	vst v63  }
0x16f: {  	_ =	swait.ge [sflag:s14], $0x200  }
0x170: {  	[sflag:s14] =	ssyncset.done $0x0  }
0x171: {  	[sflag:s14] =	ssyncadd.s32 $0xFFFFFE00  }
0x172: {  	_ =	swait.ge [sflag:s14], $0x200  }
0x173: {  	[sflag:s14] =	ssyncset.done $0x0  }
0x174: {  	[sflag:s14] =	ssyncadd.s32 $0xFFFFFE00  }
0x175: {  	_ =	swait.ge [sflag:s14], $0x200  }
0x176: {  	[sflag:s14] =	ssyncset.done $0x0  }
0x177: {  	[sflag:s14] =	ssyncadd.s32 $0xFFFFFE00  }
0x178: {  	_ =	swait.ge [sflag:s15], $0x300  }
0x179: {  	[sflag:s15] =	ssyncset.done $0x0  }
0x17a: {  	[sflag:s15] =	ssyncadd.s32 $0xFFFFFD00  }
0x17b: {  	v0 =	vld [tilespmem:$0x800]  }
0x17c: {  	v1 =	vld [tilespmem:$0xA00]  }
0x17d: {  	v63 =	vld [tilespmem:$0x1800]  }
0x17e: {  	v3 =	vld [tilespmem:$0x1880]  }
0x17f: {  	v4 =	vld [tilespmem:$0x200]  }
0x180: {  	v5 =	vld [tilespmem:$0x1900]  }
0x181: {  	v6 =	vld [tilespmem:$0x1980]  }
0x182: {  	v7 =	vld [tilespmem:$0x400]  }
0x183: {  	v8 =	vld [tilespmem:$0x1A00]  }
0x184: {  	v9 =	vld [tilespmem:$0x1A80]  }
0x185: {  	v10 =	vld [tilespmem:$0x600]  }
0x186: {  	v11 =	vld [tilespmem:$0x810]  }
0x187: {  	v12 =	vld [tilespmem:$0xA10]  }
0x188: {  	v13 =	vld [tilespmem:$0x1810]  }
0x189: {  	v14 =	vld [tilespmem:$0x1890]  }
0x18a: {  	v15 =	vld [tilespmem:$0x210]  }
0x18b: {  	v16 =	vld [tilespmem:$0x1910]  }
0x18c: {  	v17 =	vld [tilespmem:$0x1990]  }
0x18d: {  	v18 =	vld [tilespmem:$0x410]  }
0x18e: {  	v19 =	vld [tilespmem:$0x1A10]  }
0x18f: {  	v20 =	vld [tilespmem:$0x1A90]  }
0x190: {  	v21 =	vld [tilespmem:$0x610]  }
0x191: {  	v22 =	vld [tilespmem:$0x820]  }
0x192: {  	v23 =	vld [tilespmem:$0xA20]  }
0x193: {  	v24 =	vld [tilespmem:$0x1820]  }
0x194: {  	v25 =	vld [tilespmem:$0x18A0]  }
0x195: {  	v26 =	vld [tilespmem:$0x220]  }
0x196: {  	v27 =	vld [tilespmem:$0x1920]  }
0x197: {  	v28 =	vld [tilespmem:$0x19A0]  }
0x198: {  	v29 =	vld [tilespmem:$0x420]  }
0x199: {  	v30 =	vld [tilespmem:$0x1A20]  }
0x19a: {  	v31 =	vld [tilespmem:$0x1AA0]  }
0x19b: {  	v32 =	vld [tilespmem:$0x620]  }
0x19c: {  	v33 =	vld [tilespmem:$0x830]  }
0x19d: {  	v34 =	vld [tilespmem:$0xA30]  }
0x19e: {  	v35 =	vld [tilespmem:$0x1830]  }
0x19f: {  	v36 =	vld [tilespmem:$0x18B0]  }
0x1a0: {  	v37 =	vld [tilespmem:$0x230]  }
0x1a1: {  	v38 =	vld [tilespmem:$0x1930]  }
0x1a2: {  	v39 =	vld [tilespmem:$0x19B0]  }
0x1a3: {  	v40 =	vld [tilespmem:$0x430]  }
0x1a4: {  	v41 =	vld [tilespmem:$0x1A30]  }
0x1a5: {  	v42 =	vld [tilespmem:$0x1AB0]  }
0x1a6: {  	v43 =	vld [tilespmem:$0x630]  }
0x1a7: {  	v44 =	vld [tilespmem:$0x840]  }
0x1a8: {  	v45 =	vld [tilespmem:$0xA40]  }
0x1a9: {  	v46 =	vld [tilespmem:$0x1840]  }
0x1aa: {  	v47 =	vld [tilespmem:$0x18C0]  }
0x1ab: {  	v48 =	vld [tilespmem:$0x240]  }
0x1ac: {  	v49 =	vld [tilespmem:$0x1940]  }
0x1ad: {  	v50 =	vld [tilespmem:$0x19C0]  }
0x1ae: {  	v51 =	vld [tilespmem:$0x440]  }
0x1af: {  	v52 =	vld [tilespmem:$0x1A40]  }
0x1b0: {  	v53 =	vld [tilespmem:$0x1AC0]  }
0x1b1: {  	v54 =	vld [tilespmem:$0x640]  }
0x1b2: {  	v55 =	vld [tilespmem:$0x850]  }
0x1b3: {  	v56 =	vld [tilespmem:$0xA50]  }
0x1b4: {  	v57 =	vld [tilespmem:$0x1850]  }
0x1b5: {  	v58 =	vld [tilespmem:$0x18D0]  }
0x1b6: {  	v59 =	vld [tilespmem:$0x250]  }
0x1b7: {  	v60 =	vld [tilespmem:$0x1950];
	v2 =	vmul.f32 v63, v0;
	v5 =	vmul.f32 v5, v0  }
0x1b8: {  	v61 =	vld [tilespmem:$0x19D0];
	v0 =	vmul.f32 v8, v0;
	v3 =	vmul.f32 v3, v1  }
0x1b9: {  	v6 =	vmul.f32 v6, v1;
	v1 =	vmul.f32 v9, v1;
	v9 =	vld [tilespmem:$0x1AD0]  }
0x1ba: {  	v13 =	vmul.f32 v13, v11;
	v62 =	vmul.f32 v14, v12;
	v14 =	vld [tilespmem:$0xA60]  }
0x1bb: {  	v16 =	vmul.f32 v16, v11;
	v63 =	vmul.f32 v17, v12;
	v17 =	vld [tilespmem:$0x260]  }
0x1bc: {  	v19 =	vmul.f32 v19, v11;
	v12 =	vmul.f32 v20, v12;
	v2 =	vadd.f32 v4, v2;
	v4 =	vld [tilespmem:$0x450]  }
0x1bd: {  	v20 =	vmul.f32 v24, v22;
	v28 =	vmul.f32 v28, v23;
	v5 =	vadd.f32 v7, v5;
	v7 =	vld [tilespmem:$0x1A50]  }
0x1be: {  	v36 =	vmul.f32 v36, v34;
	v0 =	vadd.f32 v10, v0;
	v10 =	vld [tilespmem:$0x860];
	v8 =	vadd.f32 v21, v19  }
0x1bf: {  	v21 =	vmul.f32 v27, v22;
	v24 =	vadd.f32 v26, v20;
	v26 =	vmul.f32 v30, v22;
	v20 =	vld [tilespmem:$0x1960]  }
0x1c0: {  	v27 =	vmul.f32 v25, v23;
	v22 =	vld [tilespmem:$0xA70];
	v2 =	vadd.f32 v2, v3;
	v3 =	vadd.f32 v5, v6  }
0x1c1: {  	v30 =	vmul.f32 v35, v33;
	v6 =	vld [tilespmem:$0x650];
	v0 =	vadd.f32 v0, v1;
	v1 =	vadd.f32 v15, v13  }
0x1c2: {  	v35 =	vmul.f32 v41, v33;
	v5 =	vadd.f32 v18, v16;
	v16 =	vld [tilespmem:$0x1860];
	v8 =	vadd.f32 v8, v12  }
0x1c3: {  	v13 =	vld [tilespmem:$0x18E0];
	v11 =	vadd.f32 v29, v21;
	v15 =	vadd.f32 v32, v26;
	v29 =	vmul.f32 v31, v23  }
0x1c4: {  	v23 =	vld [tilespmem:$0x19E0];
	v32 =	vadd.f32 v37, v30;
	v37 =	vmul.f32 v39, v34;
	v39 =	vmul.f32 v42, v34;
	[tilespmem:$0x2400] =	vst v2  }
0x1c5: {  	v31 =	vadd.f32 v24, v27;
	v18 =	vld [tilespmem:$0x460];
	v42 =	vmul.f32 v49, v44;
	v49 =	vmul.f32 v57, v55;
	[tilespmem:$0x2600] =	vst v3  }
0x1c6: {  	v21 =	vld [tilespmem:$0x1A60];
	v30 =	vmul.f32 v60, v55;
	v1 =	vadd.f32 v1, v62;
	v5 =	vadd.f32 v5, v63;
	[tilespmem:$0x2800] =	vst v0  }
0x1c7: {  	v24 =	vld [tilespmem:$0x1AE0];
	v11 =	vadd.f32 v11, v28;
	v62 =	vmul.f32 v38, v33;
	v63 =	vadd.f32 v15, v29;
	[tilespmem:$0x2810] =	vst v8  }
0x1c8: {  	v34 =	vld [tilespmem:$0x19F0];
	v38 =	vadd.f32 v43, v35;
	[tilespmem:$0x2420] =	vst v31;
	v57 =	vadd.f32 v59, v49;
	v59 =	vmul.f32 v58, v56  }
0x1c9: {  	v26 =	vld [tilespmem:$0x660];
	v0 =	vadd.f32 v32, v36;
	v36 =	vmul.f32 v61, v56;
	v32 =	vmul.f32 v7, v55;
	[tilespmem:$0x2410] =	vst v1  }
0x1ca: {  	v15 =	vld [tilespmem:$0x870];
	v35 =	vadd.f32 v4, v30;
	v12 =	vadd.f32 v40, v62;
	v40 =	vmul.f32 v46, v44;
	[tilespmem:$0x2610] =	vst v5  }
0x1cb: {  	v29 =	vld [tilespmem:$0x18F0];
	v1 =	vadd.f32 v38, v39;
	v46 =	vmul.f32 v52, v44;
	[tilespmem:$0x2620] =	vst v11;
	v52 =	vmul.f32 v50, v45  }
0x1cc: {  	v31 =	vld [tilespmem:$0x1970];
	[tilespmem:$0x2820] =	vst v63;
	v3 =	vadd.f32 v57, v59;
	v33 =	vmul.f32 v16, v10;
	v39 =	vadd.f32 v6, v32  }
0x1cd: {  	v62 =	vld [tilespmem:$0x270];
	[tilespmem:$0x2430] =	vst v0;
	v58 =	vmul.f32 v34, v22;
	v41 =	vadd.f32 v12, v37;
	v43 =	vadd.f32 v48, v40  }
0x1ce: {  	v38 =	vld [tilespmem:$0x470];
	v48 =	vmul.f32 v47, v45;
	v12 =	vadd.f32 v51, v42;
	v19 =	vadd.f32 v54, v46;
	[tilespmem:$0x2830] =	vst v1  }
0x1cf: {  	v51 =	vld [tilespmem:$0x1870];
	v54 =	vmul.f32 v53, v45;
	v37 =	vmul.f32 v20, v10;
	v1 =	vadd.f32 v35, v36;
	[tilespmem:$0x2450] =	vst v3  }
0x1d0: {  	v40 =	vmul.f32 v9, v56;
	v42 =	vld [tilespmem:$0x1A70];
	v45 =	vmul.f32 v23, v14;
	v2 =	vadd.f32 v43, v48;
	[tilespmem:$0x2630] =	vst v41  }
0x1d1: {  	v46 =	vld [tilespmem:$0x1AF0];
	v47 =	vmul.f32 v21, v10;
	v53 =	vmul.f32 v31, v15;
	v63 =	vadd.f32 v12, v52;
	[tilespmem:$0x2650] =	vst v1  }
0x1d2: {  	v28 =	vadd.f32 v19, v54;
	v41 =	vadd.f32 v17, v33;
	v43 =	vmul.f32 v13, v14;
	v48 =	vld [tilespmem:$0x670];
	[tilespmem:$0x2440] =	vst v2  }
0x1d3: {  	v44 =	vadd.f32 v18, v37;
	v52 =	vmul.f32 v24, v14;
	[tilespmem:$0x2640] =	vst v63;
	v2 =	vadd.f32 v39, v40  }
0x1d4: {  	v57 =	vadd.f32 v38, v53;
	[tilespmem:$0x2840] =	vst v28;
	v0 =	vadd.f32 v41, v43;
	v50 =	vmul.f32 v51, v15  }
0x1d5: {  	v49 =	vadd.f32 v44, v45;
	v51 =	vadd.f32 v26, v47;
	v7 =	vmul.f32 v42, v15;
	[tilespmem:$0x2850] =	vst v2  }
0x1d6: {  	v55 =	vmul.f32 v29, v22;
	v61 =	vadd.f32 v57, v58;
	[tilespmem:$0x2460] =	vst v0;
	v54 =	vadd.f32 v62, v50  }
0x1d7: {  	v60 =	vmul.f32 v46, v22;
	[tilespmem:$0x2660] =	vst v49;
	v56 =	vadd.f32 v51, v52;
	v59 =	vadd.f32 v48, v7  }
0x1d8: {  	[tilespmem:$0x2670] =	vst v61;
	v2 =	vadd.f32 v54, v55  }
0x1d9: {  	[tilespmem:$0x2860] =	vst v56;
	v62 =	vadd.f32 v59, v60  }
0x1da: {  	[tilespmem:$0x2470] =	vst v2  }
0x1db: {  	[tilespmem:$0x2870] =	vst v62  }
0x1dc: {  	[hbm4b:s4+s2] =	stream.linear.scatter [tilespmem:s16], [sflag:$0x3], $0x80, $0x38;
	[tilespmem:$0x2A00] =	vst v63  }
0x1dd: {  	s9 =	rddreg [dreg:$0xa]  }
0x1de: {  	[hbm4b:s9+s2] =	stream.linear.scatter [tilespmem:s17], [sflag:$0x3], $0x80, $0x38;
	[tilespmem:$0x2A00] =	vst v63  }
0x1df: {  	s10 =	rddreg [dreg:$0xb]  }
0x1e0: {  	[hbm4b:s10+s2] =	stream.linear.scatter [tilespmem:s18], [sflag:$0x3], $0x80, $0x38;
	[tilespmem:$0x2A00] =	vst v63  }
0x1e1: {  	_ =	swait.ge [sflag:s19], $0x300  }
0x1e2: {  	[sflag:s19] =	ssyncset.done $0x0  }
0x1e3: {  	[sflag:s19] =	ssyncadd.s32 $0xFFFFFD00  }
0x1e4: {  	v0 =	vld [tilespmem:$0x880]  }
0x1e5: {  	v1 =	vld [tilespmem:$0xA80]  }
0x1e6: {  	v63 =	vld [tilespmem:$0x1B00]  }
0x1e7: {  	v3 =	vld [tilespmem:$0x1B80]  }
0x1e8: {  	v4 =	vld [tilespmem:$0x280]  }
0x1e9: {  	v5 =	vld [tilespmem:$0x1C00]  }
0x1ea: {  	v6 =	vld [tilespmem:$0x1C80]  }
0x1eb: {  	v7 =	vld [tilespmem:$0x480]  }
0x1ec: {  	v8 =	vld [tilespmem:$0x1D00]  }
0x1ed: {  	v9 =	vld [tilespmem:$0x1D80]  }
0x1ee: {  	v10 =	vld [tilespmem:$0x680]  }
0x1ef: {  	v11 =	vld [tilespmem:$0x890]  }
0x1f0: {  	v12 =	vld [tilespmem:$0xA90]  }
0x1f1: {  	v13 =	vld [tilespmem:$0x1B10]  }
0x1f2: {  	v14 =	vld [tilespmem:$0x1B90]  }
0x1f3: {  	v15 =	vld [tilespmem:$0x290]  }
0x1f4: {  	v16 =	vld [tilespmem:$0x1C10]  }
0x1f5: {  	v17 =	vld [tilespmem:$0x1C90]  }
0x1f6: {  	v18 =	vld [tilespmem:$0x490]  }
0x1f7: {  	v19 =	vld [tilespmem:$0x1D10]  }
0x1f8: {  	v20 =	vld [tilespmem:$0x1D90]  }
0x1f9: {  	v21 =	vld [tilespmem:$0x690]  }
0x1fa: {  	v22 =	vld [tilespmem:$0x8A0]  }
0x1fb: {  	v23 =	vld [tilespmem:$0xAA0]  }
0x1fc: {  	v24 =	vld [tilespmem:$0x1B20]  }
0x1fd: {  	v25 =	vld [tilespmem:$0x1BA0]  }
0x1fe: {  	v26 =	vld [tilespmem:$0x2A0]  }
0x1ff: {  	v27 =	vld [tilespmem:$0x1C20]  }
0x200: {  	v28 =	vld [tilespmem:$0x1CA0]  }
0x201: {  	v29 =	vld [tilespmem:$0x4A0]  }
0x202: {  	v30 =	vld [tilespmem:$0x1D20]  }
0x203: {  	v31 =	vld [tilespmem:$0x1DA0]  }
0x204: {  	v32 =	vld [tilespmem:$0x6A0]  }
0x205: {  	v33 =	vld [tilespmem:$0x8B0]  }
0x206: {  	v34 =	vld [tilespmem:$0xAB0]  }
0x207: {  	v35 =	vld [tilespmem:$0x1B30]  }
0x208: {  	v36 =	vld [tilespmem:$0x1BB0]  }
0x209: {  	v37 =	vld [tilespmem:$0x2B0]  }
0x20a: {  	v38 =	vld [tilespmem:$0x1C30]  }
0x20b: {  	v39 =	vld [tilespmem:$0x1CB0]  }
0x20c: {  	v40 =	vld [tilespmem:$0x4B0]  }
0x20d: {  	v41 =	vld [tilespmem:$0x1D30]  }
0x20e: {  	v42 =	vld [tilespmem:$0x1DB0]  }
0x20f: {  	v43 =	vld [tilespmem:$0x6B0]  }
0x210: {  	v44 =	vld [tilespmem:$0x8C0]  }
0x211: {  	v45 =	vld [tilespmem:$0xAC0]  }
0x212: {  	v46 =	vld [tilespmem:$0x1B40]  }
0x213: {  	v47 =	vld [tilespmem:$0x1BC0]  }
0x214: {  	v48 =	vld [tilespmem:$0x2C0]  }
0x215: {  	v49 =	vld [tilespmem:$0x1C40]  }
0x216: {  	v50 =	vld [tilespmem:$0x1CC0]  }
0x217: {  	v51 =	vld [tilespmem:$0x4C0]  }
0x218: {  	v52 =	vld [tilespmem:$0x1D40]  }
0x219: {  	v53 =	vld [tilespmem:$0x1DC0]  }
0x21a: {  	v54 =	vld [tilespmem:$0x6C0]  }
0x21b: {  	v55 =	vld [tilespmem:$0x8D0]  }
0x21c: {  	v56 =	vld [tilespmem:$0xAD0]  }
0x21d: {  	v57 =	vld [tilespmem:$0x1B50]  }
0x21e: {  	v58 =	vld [tilespmem:$0x1BD0]  }
0x21f: {  	v59 =	vld [tilespmem:$0x2D0]  }
0x220: {  	v60 =	vld [tilespmem:$0x1C50];
	v2 =	vmul.f32 v63, v0;
	v5 =	vmul.f32 v5, v0  }
0x221: {  	v61 =	vld [tilespmem:$0x1CD0];
	v0 =	vmul.f32 v8, v0;
	v3 =	vmul.f32 v3, v1  }
0x222: {  	v6 =	vmul.f32 v6, v1;
	v1 =	vmul.f32 v9, v1;
	v9 =	vld [tilespmem:$0x1DD0]  }
0x223: {  	v13 =	vmul.f32 v13, v11;
	v62 =	vmul.f32 v14, v12;
	v14 =	vld [tilespmem:$0xAE0]  }
0x224: {  	v16 =	vmul.f32 v16, v11;
	v63 =	vmul.f32 v17, v12;
	v17 =	vld [tilespmem:$0x2E0]  }
0x225: {  	v19 =	vmul.f32 v19, v11;
	v12 =	vmul.f32 v20, v12;
	v2 =	vadd.f32 v4, v2;
	v4 =	vld [tilespmem:$0x4D0]  }
0x226: {  	v20 =	vmul.f32 v24, v22;
	v28 =	vmul.f32 v28, v23;
	v5 =	vadd.f32 v7, v5;
	v7 =	vld [tilespmem:$0x1D50]  }
0x227: {  	v36 =	vmul.f32 v36, v34;
	v0 =	vadd.f32 v10, v0;
	v10 =	vld [tilespmem:$0x8E0];
	v8 =	vadd.f32 v21, v19  }
0x228: {  	v21 =	vmul.f32 v27, v22;
	v24 =	vadd.f32 v26, v20;
	v26 =	vmul.f32 v30, v22;
	v20 =	vld [tilespmem:$0x1C60]  }
0x229: {  	v27 =	vmul.f32 v25, v23;
	v22 =	vld [tilespmem:$0xAF0];
	v2 =	vadd.f32 v2, v3;
	v3 =	vadd.f32 v5, v6  }
0x22a: {  	v30 =	vmul.f32 v35, v33;
	v6 =	vld [tilespmem:$0x6D0];
	v0 =	vadd.f32 v0, v1;
	v1 =	vadd.f32 v15, v13  }
0x22b: {  	v35 =	vmul.f32 v41, v33;
	v5 =	vadd.f32 v18, v16;
	v16 =	vld [tilespmem:$0x1B60];
	v8 =	vadd.f32 v8, v12  }
0x22c: {  	v13 =	vld [tilespmem:$0x1BE0];
	v11 =	vadd.f32 v29, v21;
	v15 =	vadd.f32 v32, v26;
	v29 =	vmul.f32 v31, v23  }
0x22d: {  	v23 =	vld [tilespmem:$0x1CE0];
	v32 =	vadd.f32 v37, v30;
	v37 =	vmul.f32 v39, v34;
	v39 =	vmul.f32 v42, v34;
	[tilespmem:$0x2480] =	vst v2  }
0x22e: {  	v31 =	vadd.f32 v24, v27;
	v18 =	vld [tilespmem:$0x4E0];
	v42 =	vmul.f32 v49, v44;
	v49 =	vmul.f32 v57, v55;
	[tilespmem:$0x2680] =	vst v3  }
0x22f: {  	v21 =	vld [tilespmem:$0x1D60];
	v30 =	vmul.f32 v60, v55;
	v1 =	vadd.f32 v1, v62;
	v5 =	vadd.f32 v5, v63;
	[tilespmem:$0x2880] =	vst v0  }
0x230: {  	v24 =	vld [tilespmem:$0x1DE0];
	v11 =	vadd.f32 v11, v28;
	v62 =	vmul.f32 v38, v33;
	v63 =	vadd.f32 v15, v29;
	[tilespmem:$0x2890] =	vst v8  }
0x231: {  	v34 =	vld [tilespmem:$0x1CF0];
	v38 =	vadd.f32 v43, v35;
	[tilespmem:$0x24A0] =	vst v31;
	v57 =	vadd.f32 v59, v49;
	v59 =	vmul.f32 v58, v56  }
0x232: {  	v26 =	vld [tilespmem:$0x6E0];
	v0 =	vadd.f32 v32, v36;
	v36 =	vmul.f32 v61, v56;
	v32 =	vmul.f32 v7, v55;
	[tilespmem:$0x2490] =	vst v1  }
0x233: {  	v15 =	vld [tilespmem:$0x8F0];
	v35 =	vadd.f32 v4, v30;
	v12 =	vadd.f32 v40, v62;
	v40 =	vmul.f32 v46, v44;
	[tilespmem:$0x2690] =	vst v5  }
0x234: {  	v29 =	vld [tilespmem:$0x1BF0];
	v1 =	vadd.f32 v38, v39;
	v46 =	vmul.f32 v52, v44;
	[tilespmem:$0x26A0] =	vst v11;
	v52 =	vmul.f32 v50, v45  }
0x235: {  	v31 =	vld [tilespmem:$0x1C70];
	[tilespmem:$0x28A0] =	vst v63;
	v3 =	vadd.f32 v57, v59;
	v33 =	vmul.f32 v16, v10;
	v39 =	vadd.f32 v6, v32  }
0x236: {  	v62 =	vld [tilespmem:$0x2F0];
	[tilespmem:$0x24B0] =	vst v0;
	v58 =	vmul.f32 v34, v22;
	v41 =	vadd.f32 v12, v37;
	v43 =	vadd.f32 v48, v40  }
0x237: {  	v38 =	vld [tilespmem:$0x4F0];
	v48 =	vmul.f32 v47, v45;
	v12 =	vadd.f32 v51, v42;
	v19 =	vadd.f32 v54, v46;
	[tilespmem:$0x28B0] =	vst v1  }
0x238: {  	v51 =	vld [tilespmem:$0x1B70];
	v54 =	vmul.f32 v53, v45;
	v37 =	vmul.f32 v20, v10;
	v1 =	vadd.f32 v35, v36;
	[tilespmem:$0x24D0] =	vst v3  }
0x239: {  	v40 =	vmul.f32 v9, v56;
	v42 =	vld [tilespmem:$0x1D70];
	v45 =	vmul.f32 v23, v14;
	v2 =	vadd.f32 v43, v48;
	[tilespmem:$0x26B0] =	vst v41  }
0x23a: {  	v46 =	vld [tilespmem:$0x1DF0];
	v47 =	vmul.f32 v21, v10;
	v53 =	vmul.f32 v31, v15;
	v63 =	vadd.f32 v12, v52;
	[tilespmem:$0x26D0] =	vst v1  }
0x23b: {  	v28 =	vadd.f32 v19, v54;
	v41 =	vadd.f32 v17, v33;
	v43 =	vmul.f32 v13, v14;
	v48 =	vld [tilespmem:$0x6F0];
	[tilespmem:$0x24C0] =	vst v2  }
0x23c: {  	v44 =	vadd.f32 v18, v37;
	v52 =	vmul.f32 v24, v14;
	[tilespmem:$0x26C0] =	vst v63;
	v2 =	vadd.f32 v39, v40  }
0x23d: {  	v57 =	vadd.f32 v38, v53;
	[tilespmem:$0x28C0] =	vst v28;
	v0 =	vadd.f32 v41, v43;
	v50 =	vmul.f32 v51, v15  }
0x23e: {  	v49 =	vadd.f32 v44, v45;
	v51 =	vadd.f32 v26, v47;
	v7 =	vmul.f32 v42, v15;
	[tilespmem:$0x28D0] =	vst v2  }
0x23f: {  	v55 =	vmul.f32 v29, v22;
	v61 =	vadd.f32 v57, v58;
	[tilespmem:$0x24E0] =	vst v0;
	v54 =	vadd.f32 v62, v50  }
0x240: {  	v60 =	vmul.f32 v46, v22;
	[tilespmem:$0x26E0] =	vst v49;
	v56 =	vadd.f32 v51, v52;
	v59 =	vadd.f32 v48, v7  }
0x241: {  	[tilespmem:$0x26F0] =	vst v61;
	v2 =	vadd.f32 v54, v55  }
0x242: {  	[tilespmem:$0x28E0] =	vst v56;
	v62 =	vadd.f32 v59, v60  }
0x243: {  	[tilespmem:$0x24F0] =	vst v2  }
0x244: {  	s8 =	rddreg [dreg:$0xc];
	[tilespmem:$0x28F0] =	vst v62  }
0x245: {  	[hbm4b:s8+s2] =	stream.linear.scatter [tilespmem:s20], [sflag:$0x3], $0x80, $0x38;
	[tilespmem:$0x2A00] =	vst v63  }
0x246: {  	s9 =	rddreg [dreg:$0xd]  }
0x247: {  	[hbm4b:s9+s2] =	stream.linear.scatter [tilespmem:s21], [sflag:$0x3], $0x80, $0x38;
	[tilespmem:$0x2A00] =	vst v63  }
0x248: {  	s10 =	rddreg [dreg:$0xe]  }
0x249: {  	[hbm4b:s10+s2] =	stream.linear.scatter [tilespmem:s22], [sflag:$0x3], $0x80, $0x38;
	[tilespmem:$0x2A00] =	vst v63  }
0x24a: {  	_ =	swait.ge [sflag:s23], $0x300  }
0x24b: {  	[sflag:s23] =	ssyncset.done $0x0  }
0x24c: {  	[sflag:s23] =	ssyncadd.s32 $0xFFFFFD00  }
0x24d: {  	v0 =	vld [tilespmem:$0x900]  }
0x24e: {  	v1 =	vld [tilespmem:$0xB00]  }
0x24f: {  	v63 =	vld [tilespmem:$0x1E00]  }
0x250: {  	v3 =	vld [tilespmem:$0x1E80]  }
0x251: {  	v4 =	vld [tilespmem:$0x300]  }
0x252: {  	v5 =	vld [tilespmem:$0x1F00]  }
0x253: {  	v6 =	vld [tilespmem:$0x1F80]  }
0x254: {  	v7 =	vld [tilespmem:$0x500]  }
0x255: {  	v8 =	vld [tilespmem:$0x2000]  }
0x256: {  	v9 =	vld [tilespmem:$0x2080]  }
0x257: {  	v10 =	vld [tilespmem:$0x700]  }
0x258: {  	v11 =	vld [tilespmem:$0x910]  }
0x259: {  	v12 =	vld [tilespmem:$0xB10]  }
0x25a: {  	v13 =	vld [tilespmem:$0x1E10]  }
0x25b: {  	v14 =	vld [tilespmem:$0x1E90]  }
0x25c: {  	v15 =	vld [tilespmem:$0x310]  }
0x25d: {  	v16 =	vld [tilespmem:$0x1F10]  }
0x25e: {  	v17 =	vld [tilespmem:$0x1F90]  }
0x25f: {  	v18 =	vld [tilespmem:$0x510]  }
0x260: {  	v19 =	vld [tilespmem:$0x2010]  }
0x261: {  	v20 =	vld [tilespmem:$0x2090]  }
0x262: {  	v21 =	vld [tilespmem:$0x710]  }
0x263: {  	v22 =	vld [tilespmem:$0x920]  }
0x264: {  	v23 =	vld [tilespmem:$0xB20]  }
0x265: {  	v24 =	vld [tilespmem:$0x1E20]  }
0x266: {  	v25 =	vld [tilespmem:$0x1EA0]  }
0x267: {  	v26 =	vld [tilespmem:$0x320]  }
0x268: {  	v27 =	vld [tilespmem:$0x1F20]  }
0x269: {  	v28 =	vld [tilespmem:$0x1FA0]  }
0x26a: {  	v29 =	vld [tilespmem:$0x520]  }
0x26b: {  	v30 =	vld [tilespmem:$0x2020]  }
0x26c: {  	v31 =	vld [tilespmem:$0x20A0]  }
0x26d: {  	v32 =	vld [tilespmem:$0x720]  }
0x26e: {  	v33 =	vld [tilespmem:$0x930]  }
0x26f: {  	v34 =	vld [tilespmem:$0xB30]  }
0x270: {  	v35 =	vld [tilespmem:$0x1E30]  }
0x271: {  	v36 =	vld [tilespmem:$0x1EB0]  }
0x272: {  	v37 =	vld [tilespmem:$0x330]  }
0x273: {  	v38 =	vld [tilespmem:$0x1F30]  }
0x274: {  	v39 =	vld [tilespmem:$0x1FB0]  }
0x275: {  	v40 =	vld [tilespmem:$0x530]  }
0x276: {  	v41 =	vld [tilespmem:$0x2030]  }
0x277: {  	v42 =	vld [tilespmem:$0x20B0]  }
0x278: {  	v43 =	vld [tilespmem:$0x730]  }
0x279: {  	v44 =	vld [tilespmem:$0x940]  }
0x27a: {  	v45 =	vld [tilespmem:$0xB40]  }
0x27b: {  	v46 =	vld [tilespmem:$0x1E40]  }
0x27c: {  	v47 =	vld [tilespmem:$0x1EC0]  }
0x27d: {  	v48 =	vld [tilespmem:$0x340]  }
0x27e: {  	v49 =	vld [tilespmem:$0x1F40]  }
0x27f: {  	v50 =	vld [tilespmem:$0x1FC0]  }
0x280: {  	v51 =	vld [tilespmem:$0x540]  }
0x281: {  	v52 =	vld [tilespmem:$0x2040]  }
0x282: {  	v53 =	vld [tilespmem:$0x20C0]  }
0x283: {  	v54 =	vld [tilespmem:$0x740]  }
0x284: {  	v55 =	vld [tilespmem:$0x950]  }
0x285: {  	v56 =	vld [tilespmem:$0xB50]  }
0x286: {  	v57 =	vld [tilespmem:$0x1E50]  }
0x287: {  	v58 =	vld [tilespmem:$0x1ED0]  }
0x288: {  	v59 =	vld [tilespmem:$0x350]  }
0x289: {  	v60 =	vld [tilespmem:$0x1F50];
	v2 =	vmul.f32 v63, v0;
	v5 =	vmul.f32 v5, v0  }
0x28a: {  	v61 =	vld [tilespmem:$0x1FD0];
	v0 =	vmul.f32 v8, v0;
	v3 =	vmul.f32 v3, v1  }
0x28b: {  	v6 =	vmul.f32 v6, v1;
	v1 =	vmul.f32 v9, v1;
	v9 =	vld [tilespmem:$0x20D0]  }
0x28c: {  	v13 =	vmul.f32 v13, v11;
	v62 =	vmul.f32 v14, v12;
	v14 =	vld [tilespmem:$0xB60]  }
0x28d: {  	v16 =	vmul.f32 v16, v11;
	v63 =	vmul.f32 v17, v12;
	v17 =	vld [tilespmem:$0x360]  }
0x28e: {  	v19 =	vmul.f32 v19, v11;
	v12 =	vmul.f32 v20, v12;
	v2 =	vadd.f32 v4, v2;
	v4 =	vld [tilespmem:$0x550]  }
0x28f: {  	v20 =	vmul.f32 v24, v22;
	v28 =	vmul.f32 v28, v23;
	v5 =	vadd.f32 v7, v5;
	v7 =	vld [tilespmem:$0x2050]  }
0x290: {  	v36 =	vmul.f32 v36, v34;
	v53 =	vmul.f32 v53, v45;
	v0 =	vadd.f32 v10, v0;
	v10 =	vld [tilespmem:$0x960]  }
0x291: {  	v58 =	vmul.f32 v58, v56;
	v8 =	vadd.f32 v21, v19;
	v24 =	vadd.f32 v26, v20;
	v20 =	vld [tilespmem:$0x1F60]  }
0x292: {  	v21 =	vmul.f32 v27, v22;
	v26 =	vmul.f32 v30, v22;
	v22 =	vld [tilespmem:$0xB70];
	v2 =	vadd.f32 v2, v3  }
0x293: {  	v27 =	vmul.f32 v25, v23;
	v3 =	vadd.f32 v5, v6;
	v6 =	vld [tilespmem:$0x750];
	v0 =	vadd.f32 v0, v1  }
0x294: {  	v30 =	vmul.f32 v35, v33;
	v1 =	vadd.f32 v15, v13;
	v5 =	vadd.f32 v18, v16;
	v16 =	vld [tilespmem:$0x1E60]  }
0x295: {  	v35 =	vmul.f32 v41, v33;
	v13 =	vld [tilespmem:$0x1EE0];
	v8 =	vadd.f32 v8, v12;
	v11 =	vadd.f32 v29, v21  }
0x296: {  	v15 =	vadd.f32 v32, v26;
	v29 =	vmul.f32 v31, v23;
	v23 =	vld [tilespmem:$0x1FE0];
	v31 =	vadd.f32 v24, v27;
	[tilespmem:$0x2500] =	vst v2  }
0x297: {  	v18 =	vld [tilespmem:$0x560];
	v32 =	vadd.f32 v37, v30;
	v37 =	vmul.f32 v39, v34;
	v39 =	vmul.f32 v42, v34;
	[tilespmem:$0x2700] =	vst v3  }
0x298: {  	v21 =	vld [tilespmem:$0x2060];
	v42 =	vmul.f32 v49, v44;
	v1 =	vadd.f32 v1, v62;
	v5 =	vadd.f32 v5, v63;
	[tilespmem:$0x2900] =	vst v0  }
0x299: {  	v24 =	vld [tilespmem:$0x20E0];
	v49 =	vmul.f32 v57, v55;
	v11 =	vadd.f32 v11, v28;
	v63 =	vadd.f32 v15, v29;
	[tilespmem:$0x2910] =	vst v8  }
0x29a: {  	v26 =	vld [tilespmem:$0x760];
	v62 =	vmul.f32 v38, v33;
	v38 =	vadd.f32 v43, v35;
	v0 =	vadd.f32 v32, v36;
	[tilespmem:$0x2520] =	vst v31  }
0x29b: {  	v30 =	vld [tilespmem:$0x1F70];
	v57 =	vadd.f32 v59, v49;
	v28 =	vmul.f32 v60, v55;
	v35 =	vmul.f32 v61, v56;
	[tilespmem:$0x2510] =	vst v1  }
0x29c: {  	v15 =	vld [tilespmem:$0x970];
	v31 =	vmul.f32 v7, v55;
	v36 =	vmul.f32 v20, v10;
	v12 =	vadd.f32 v40, v62;
	[tilespmem:$0x2710] =	vst v5  }
0x29d: {  	v59 =	vld [tilespmem:$0x370];
	v40 =	vmul.f32 v46, v44;
	v1 =	vadd.f32 v38, v39;
	v46 =	vmul.f32 v52, v44;
	[tilespmem:$0x2720] =	vst v11  }
0x29e: {  	v33 =	vld [tilespmem:$0x1FF0];
	v52 =	vmul.f32 v50, v45;
	[tilespmem:$0x2920] =	vst v63;
	v3 =	vadd.f32 v57, v58;
	v34 =	vadd.f32 v4, v28  }
0x29f: {  	[tilespmem:$0x2530] =	vst v0;
	v39 =	vmul.f32 v9, v56;
	v41 =	vadd.f32 v12, v37;
	v12 =	vadd.f32 v51, v42;
	v51 =	vld [tilespmem:$0x1E70]  }
0x2a0: {  	v43 =	vadd.f32 v48, v40;
	v48 =	vmul.f32 v47, v45;
	v19 =	vadd.f32 v54, v46;
	v54 =	vld [tilespmem:$0x1EF0];
	[tilespmem:$0x2930] =	vst v1  }
0x2a1: {  	v32 =	vmul.f32 v16, v10;
	v38 =	vadd.f32 v6, v31;
	v37 =	vld [tilespmem:$0x570];
	v1 =	vadd.f32 v34, v35;
	[tilespmem:$0x2550] =	vst v3  }
0x2a2: {  	v44 =	vmul.f32 v23, v14;
	v42 =	vmul.f32 v13, v14;
	v2 =	vadd.f32 v43, v48;
	[tilespmem:$0x2730] =	vst v41;
	v41 =	vld [tilespmem:$0x2070]  }
0x2a3: {  	v45 =	vld [tilespmem:$0x20F0];
	v46 =	vmul.f32 v21, v10;
	v40 =	vadd.f32 v17, v32;
	v62 =	vadd.f32 v12, v52;
	[tilespmem:$0x2750] =	vst v1  }
0x2a4: {  	v47 =	vld [tilespmem:$0x770];
	v57 =	vmul.f32 v33, v22;
	v63 =	vadd.f32 v19, v53;
	v43 =	vadd.f32 v18, v36;
	[tilespmem:$0x2540] =	vst v2  }
0x2a5: {  	v50 =	vadd.f32 v26, v46;
	v52 =	vmul.f32 v30, v15;
	v0 =	vadd.f32 v40, v42;
	[tilespmem:$0x2740] =	vst v62  }
0x2a6: {  	[tilespmem:$0x2940] =	vst v63;
	v2 =	vadd.f32 v38, v39;
	v49 =	vmul.f32 v51, v15;
	v51 =	vmul.f32 v24, v14  }
0x2a7: {  	v48 =	vadd.f32 v43, v44;
	[tilespmem:$0x2560] =	vst v0;
	v56 =	vadd.f32 v37, v52;
	v7 =	vmul.f32 v41, v15  }
0x2a8: {  	v54 =	vmul.f32 v54, v22;
	[tilespmem:$0x2950] =	vst v2;
	v53 =	vadd.f32 v59, v49;
	v55 =	vadd.f32 v50, v51  }
0x2a9: {  	[tilespmem:$0x2760] =	vst v48;
	v59 =	vmul.f32 v45, v22;
	v60 =	vadd.f32 v56, v57;
	v58 =	vadd.f32 v47, v7  }
0x2aa: {  	v2 =	vadd.f32 v53, v54;
	[tilespmem:$0x2960] =	vst v55  }
0x2ab: {  	[tilespmem:$0x2770] =	vst v60;
	v61 =	vadd.f32 v58, v59  }
0x2ac: {  	[tilespmem:$0x2570] =	vst v2  }
0x2ad: {  	s8 =	rddreg [dreg:$0xf];
	[tilespmem:$0x2970] =	vst v61  }
0x2ae: {  	[hbm4b:s8+s2] =	stream.linear.scatter [tilespmem:s24], [sflag:$0x3], $0x80, $0x38;
	[tilespmem:$0x2A00] =	vst v63  }
0x2af: {  	s9 =	rddreg [dreg:$0x10]  }
0x2b0: {  	[hbm4b:s9+s2] =	stream.linear.scatter [tilespmem:s25], [sflag:$0x3], $0x80, $0x38;
	[tilespmem:$0x2A00] =	vst v63  }
0x2b1: {  	s10 =	rddreg [dreg:$0x11]  }
0x2b2: {  	[hbm4b:s10+s2] =	stream.linear.scatter [tilespmem:s26], [sflag:$0x3], $0x80, $0x38;
	[tilespmem:$0x2A00] =	vst v63  }
0x2b3: {  	_ =	swait.ge [sflag:s28], $0x300  }
0x2b4: {  	[sflag:s28] =	ssyncset.done $0x0  }
0x2b5: {  	[sflag:s28] =	ssyncadd.s32 $0xFFFFFD00  }
0x2b6: {  	v0 =	vld [tilespmem:$0x980]  }
0x2b7: {  	v1 =	vld [tilespmem:$0xB80]  }
0x2b8: {  	v62 =	vld [tilespmem:$0x2100]  }
0x2b9: {  	v3 =	vld [tilespmem:$0x2180]  }
0x2ba: {  	v4 =	vld [tilespmem:$0x380]  }
0x2bb: {  	v5 =	vld [tilespmem:$0x2200]  }
0x2bc: {  	v6 =	vld [tilespmem:$0x2280]  }
0x2bd: {  	v7 =	vld [tilespmem:$0x580]  }
0x2be: {  	v8 =	vld [tilespmem:$0x2300]  }
0x2bf: {  	v9 =	vld [tilespmem:$0x2380]  }
0x2c0: {  	v10 =	vld [tilespmem:$0x780]  }
0x2c1: {  	v11 =	vld [tilespmem:$0x990]  }
0x2c2: {  	v12 =	vld [tilespmem:$0xB90]  }
0x2c3: {  	v13 =	vld [tilespmem:$0x2110]  }
0x2c4: {  	v14 =	vld [tilespmem:$0x2190]  }
0x2c5: {  	v15 =	vld [tilespmem:$0x390]  }
0x2c6: {  	v16 =	vld [tilespmem:$0x2210]  }
0x2c7: {  	v17 =	vld [tilespmem:$0x2290]  }
0x2c8: {  	v18 =	vld [tilespmem:$0x590]  }
0x2c9: {  	v19 =	vld [tilespmem:$0x2310]  }
0x2ca: {  	v20 =	vld [tilespmem:$0x2390]  }
0x2cb: {  	v21 =	vld [tilespmem:$0x790]  }
0x2cc: {  	v22 =	vld [tilespmem:$0x9A0]  }
0x2cd: {  	v23 =	vld [tilespmem:$0xBA0]  }
0x2ce: {  	v24 =	vld [tilespmem:$0x2120]  }
0x2cf: {  	v25 =	vld [tilespmem:$0x21A0]  }
0x2d0: {  	v26 =	vld [tilespmem:$0x3A0]  }
0x2d1: {  	v27 =	vld [tilespmem:$0x2220]  }
0x2d2: {  	v28 =	vld [tilespmem:$0x22A0]  }
0x2d3: {  	v29 =	vld [tilespmem:$0x5A0]  }
0x2d4: {  	v30 =	vld [tilespmem:$0x2320]  }
0x2d5: {  	v31 =	vld [tilespmem:$0x23A0]  }
0x2d6: {  	v32 =	vld [tilespmem:$0x7A0]  }
0x2d7: {  	v33 =	vld [tilespmem:$0x9B0]  }
0x2d8: {  	v34 =	vld [tilespmem:$0xBB0]  }
0x2d9: {  	v35 =	vld [tilespmem:$0x2130]  }
0x2da: {  	v36 =	vld [tilespmem:$0x21B0]  }
0x2db: {  	v37 =	vld [tilespmem:$0x3B0]  }
0x2dc: {  	v38 =	vld [tilespmem:$0x2230]  }
0x2dd: {  	v39 =	vld [tilespmem:$0x22B0]  }
0x2de: {  	v40 =	vld [tilespmem:$0x5B0]  }
0x2df: {  	v41 =	vld [tilespmem:$0x2330]  }
0x2e0: {  	v42 =	vld [tilespmem:$0x23B0]  }
0x2e1: {  	v43 =	vld [tilespmem:$0x7B0]  }
0x2e2: {  	v44 =	vld [tilespmem:$0x9C0]  }
0x2e3: {  	v45 =	vld [tilespmem:$0xBC0]  }
0x2e4: {  	v46 =	vld [tilespmem:$0x2140]  }
0x2e5: {  	v47 =	vld [tilespmem:$0x21C0]  }
0x2e6: {  	v48 =	vld [tilespmem:$0x3C0]  }
0x2e7: {  	v49 =	vld [tilespmem:$0x2240]  }
0x2e8: {  	v50 =	vld [tilespmem:$0x22C0]  }
0x2e9: {  	v51 =	vld [tilespmem:$0x5C0]  }
0x2ea: {  	v52 =	vld [tilespmem:$0x2340]  }
0x2eb: {  	v53 =	vld [tilespmem:$0x23C0]  }
0x2ec: {  	v54 =	vld [tilespmem:$0x7C0]  }
0x2ed: {  	v55 =	vld [tilespmem:$0x9D0]  }
0x2ee: {  	v56 =	vld [tilespmem:$0xBD0]  }
0x2ef: {  	v57 =	vld [tilespmem:$0x2150]  }
0x2f0: {  	v58 =	vld [tilespmem:$0x21D0]  }
0x2f1: {  	v59 =	vld [tilespmem:$0x3D0];
	v2 =	vmul.f32 v62, v0  }
0x2f2: {  	v60 =	vld [tilespmem:$0x2250];
	v3 =	vmul.f32 v3, v1;
	v5 =	vmul.f32 v5, v0  }
0x2f3: {  	v0 =	vmul.f32 v8, v0;
	v8 =	vld [tilespmem:$0x5D0];
	v63 =	vmul.f32 v13, v11  }
0x2f4: {  	v13 =	vld [tilespmem:$0x2350];
	v6 =	vmul.f32 v6, v1;
	v61 =	vmul.f32 v14, v12  }
0x2f5: {  	v62 =	vmul.f32 v16, v11;
	v11 =	vmul.f32 v19, v11;
	v14 =	vld [tilespmem:$0x9E0]  }
0x2f6: {  	v1 =	vmul.f32 v9, v1;
	v9 =	vld [tilespmem:$0xBE0];
	v2 =	vadd.f32 v4, v2;
	v5 =	vadd.f32 v7, v5  }
0x2f7: {  	v16 =	vld [tilespmem:$0x2160];
	v0 =	vadd.f32 v10, v0;
	v11 =	vadd.f32 v21, v11  }
0x2f8: {  	v4 =	vld [tilespmem:$0x22D0];
	v2 =	vadd.f32 v2, v3;
	v3 =	vadd.f32 v15, v63  }
0x2f9: {  	v25 =	vmul.f32 v25, v23;
	v7 =	vld [tilespmem:$0x23D0];
	v5 =	vadd.f32 v5, v6;
	v0 =	vadd.f32 v0, v1  }
0x2fa: {  	v10 =	vld [tilespmem:$0x7D0];
	v63 =	vmul.f32 v24, v22;
	v6 =	vadd.f32 v18, v62;
	v24 =	vmul.f32 v17, v12  }
0x2fb: {  	v12 =	vmul.f32 v20, v12;
	v18 =	vld [tilespmem:$0x21E0];
	v62 =	vmul.f32 v36, v34;
	v1 =	vadd.f32 v3, v61  }
0x2fc: {  	v20 =	vld [tilespmem:$0x3E0];
	v3 =	vadd.f32 v26, v63;
	v26 =	vmul.f32 v27, v22;
	v27 =	vmul.f32 v30, v22  }
0x2fd: {  	v17 =	vld [tilespmem:$0x2260];
	v6 =	vadd.f32 v6, v24;
	v30 =	vmul.f32 v35, v33;
	v35 =	vmul.f32 v28, v23  }
0x2fe: {  	v11 =	vadd.f32 v11, v12;
	v22 =	vld [tilespmem:$0x22E0];
	v61 =	vmul.f32 v31, v23;
	v4 =	vmul.f32 v4, v56  }
0x2ff: {  	[tilespmem:$0x2580] =	vst v2;
	v24 =	vld [tilespmem:$0x5E0];
	v15 =	vadd.f32 v29, v26;
	v19 =	vadd.f32 v32, v27;
	v32 =	vmul.f32 v38, v33  }
0x300: {  	[tilespmem:$0x2780] =	vst v5;
	v23 =	vld [tilespmem:$0x7E0];
	v12 =	vadd.f32 v37, v30;
	v33 =	vmul.f32 v41, v33;
	v37 =	vmul.f32 v46, v44  }
0x301: {  	[tilespmem:$0x2980] =	vst v0;
	v28 =	vld [tilespmem:$0xBF0];
	v3 =	vadd.f32 v3, v25;
	v41 =	vmul.f32 v42, v34;
	v42 =	vmul.f32 v47, v45  }
0x302: {  	v25 =	vld [tilespmem:$0x2360];
	[tilespmem:$0x2590] =	vst v1;
	v46 =	vmul.f32 v52, v44;
	v63 =	vadd.f32 v15, v35;
	v35 =	vadd.f32 v19, v61  }
0x303: {  	[tilespmem:$0x2790] =	vst v6;
	v27 =	vld [tilespmem:$0x9F0];
	v52 =	vmul.f32 v50, v45;
	v36 =	vadd.f32 v12, v62;
	v38 =	vadd.f32 v40, v32  }
0x304: {  	[tilespmem:$0x2990] =	vst v11;
	v26 =	vld [tilespmem:$0x21F0];
	v40 =	vmul.f32 v39, v34;
	v21 =	vadd.f32 v43, v33;
	v12 =	vadd.f32 v48, v37  }
0x305: {  	v19 =	vld [tilespmem:$0x23E0];
	v43 =	vmul.f32 v49, v44;
	[tilespmem:$0x25A0] =	vst v3;
	v49 =	vmul.f32 v57, v55;
	v15 =	vadd.f32 v54, v46  }
0x306: {  	v54 =	vmul.f32 v53, v45;
	v57 =	vmul.f32 v58, v56;
	v58 =	vld [tilespmem:$0x3F0];
	v1 =	vadd.f32 v38, v40;
	[tilespmem:$0x27A0] =	vst v63  }
0x307: {  	v61 =	vmul.f32 v60, v55;
	v33 =	vld [tilespmem:$0x22F0];
	v47 =	vadd.f32 v21, v41;
	v48 =	vadd.f32 v12, v42;
	[tilespmem:$0x29A0] =	vst v35  }
0x308: {  	v62 =	vmul.f32 v13, v55;
	v37 =	vld [tilespmem:$0x5F0];
	v51 =	vadd.f32 v51, v43;
	v12 =	vadd.f32 v59, v49;
	[tilespmem:$0x25B0] =	vst v36  }
0x309: {  	v32 =	vmul.f32 v16, v14;
	v21 =	vld [tilespmem:$0x2170];
	v0 =	vadd.f32 v15, v54;
	v34 =	vadd.f32 v8, v61;
	[tilespmem:$0x27B0] =	vst v1  }
0x30a: {  	v63 =	vld [tilespmem:$0x2270];
	v35 =	vadd.f32 v10, v62;
	v36 =	vmul.f32 v17, v14;
	v38 =	vmul.f32 v7, v56;
	[tilespmem:$0x29B0] =	vst v47  }
0x30b: {  	v39 =	vadd.f32 v20, v32;
	v40 =	vld [tilespmem:$0x2370];
	v41 =	vmul.f32 v18, v9;
	v59 =	vadd.f32 v51, v52;
	[tilespmem:$0x25C0] =	vst v48  }
0x30c: {  	v42 =	vmul.f32 v22, v9;
	v43 =	vld [tilespmem:$0x23F0];
	v46 =	vmul.f32 v25, v14;
	v31 =	vadd.f32 v12, v57;
	[tilespmem:$0x29C0] =	vst v0  }
0x30d: {  	v56 =	vmul.f32 v26, v28;
	v8 =	vadd.f32 v24, v36;
	v44 =	vadd.f32 v34, v4;
	v47 =	vld [tilespmem:$0x7F0];
	[tilespmem:$0x27C0] =	vst v59  }
0x30e: {  	v45 =	vadd.f32 v35, v38;
	v48 =	vadd.f32 v39, v41;
	[tilespmem:$0x25D0] =	vst v31;
	v50 =	vmul.f32 v21, v27  }
0x30f: {  	v51 =	vadd.f32 v23, v46;
	v52 =	vmul.f32 v19, v9;
	[tilespmem:$0x27D0] =	vst v44;
	v53 =	vmul.f32 v63, v27  }
0x310: {  	v49 =	vadd.f32 v8, v42;
	[tilespmem:$0x29D0] =	vst v45;
	v55 =	vmul.f32 v40, v27;
	v54 =	vadd.f32 v58, v50  }
0x311: {  	[tilespmem:$0x25E0] =	vst v48;
	v0 =	vadd.f32 v51, v52;
	v57 =	vadd.f32 v37, v53;
	v58 =	vmul.f32 v33, v28  }
0x312: {  	v61 =	vmul.f32 v43, v28;
	[tilespmem:$0x27E0] =	vst v49;
	v60 =	vadd.f32 v47, v55;
	v59 =	vadd.f32 v54, v56  }
0x313: {  	[tilespmem:$0x29E0] =	vst v0;
	v62 =	vadd.f32 v57, v58  }
0x314: {  	v63 =	vadd.f32 v60, v61;
	[tilespmem:$0x25F0] =	vst v59  }
0x315: {  	[tilespmem:$0x27F0] =	vst v62  }
0x316: {  	s8 =	rddreg [dreg:$0x12];
	[tilespmem:$0x29F0] =	vst v63  }
0x317: {  	[hbm4b:s8+s2] =	stream.linear.scatter [tilespmem:s29], [sflag:$0x3], $0x80, $0x38;
	[tilespmem:$0x2A00] =	vst v63  }
0x318: {  	s9 =	rddreg [dreg:$0x13]  }
0x319: {  	[hbm4b:s9+s2] =	stream.linear.scatter [tilespmem:s30], [sflag:$0x3], $0x80, $0x38;
	[tilespmem:$0x2A00] =	vst v63  }
0x31a: {  	s10 =	rddreg [dreg:$0x14]  }
0x31b: {  	[hbm4b:s10+s2] =	stream.linear.scatter [tilespmem:s31], [sflag:$0x3], $0x80, $0x38;
	[tilespmem:$0x2A00] =	vst v63  }
0x31c: {  	_ =	swait.ge [sflag:s0], $0x80  }
0x31d: {  	[sflag:s0] =	ssyncset.done $0x0  }
0x31e: {  	[sflag:s0] =	ssyncadd.s32 $0xFFFFFF80  }
0x31f: {  	_ =	swait.ge [sflag:s0], $0x80  }
0x320: {  	[sflag:s0] =	ssyncset.done $0x0  }
0x321: {  	[sflag:s0] =	ssyncadd.s32 $0xFFFFFF80  }
0x322: {  	_ =	swait.ge [sflag:s0], $0x80  }
0x323: {  	[sflag:s0] =	ssyncset.done $0x0  }
0x324: {  	[sflag:s0] =	ssyncadd.s32 $0xFFFFFF80  }
0x325: {  	_ =	swait.ge [sflag:s0], $0x80  }
0x326: {  	[sflag:s0] =	ssyncset.done $0x0  }
0x327: {  	[sflag:s0] =	ssyncadd.s32 $0xFFFFFF80  }
0x328: {  	_ =	swait.ge [sflag:s0], $0x80  }
0x329: {  	[sflag:s0] =	ssyncset.done $0x0  }
0x32a: {  	[sflag:s0] =	ssyncadd.s32 $0xFFFFFF80  }
0x32b: {  	_ =	swait.ge [sflag:s0], $0x80  }
0x32c: {  	[sflag:s0] =	ssyncset.done $0x0  }
0x32d: {  	[sflag:s0] =	ssyncadd.s32 $0xFFFFFF80  }
0x32e: {  	_ =	swait.ge [sflag:s0], $0x80  }
0x32f: {  	[sflag:s0] =	ssyncset.done $0x0  }
0x330: {  	[sflag:s0] =	ssyncadd.s32 $0xFFFFFF80  }
0x331: {  	_ =	swait.ge [sflag:s0], $0x80  }
0x332: {  	[sflag:s0] =	ssyncset.done $0x0  }
0x333: {  	[sflag:s0] =	ssyncadd.s32 $0xFFFFFF80  }
0x334: {  	_ =	swait.ge [sflag:s0], $0x80  }
0x335: {  	[sflag:s0] =	ssyncset.done $0x0  }
0x336: {  	[sflag:s0] =	ssyncadd.s32 $0xFFFFFF80  }
0x337: {  	_ =	swait.ge [sflag:s0], $0x80  }
0x338: {  	[sflag:s0] =	ssyncset.done $0x0  }
0x339: {  	[sflag:s0] =	ssyncadd.s32 $0xFFFFFF80  }
0x33a: {  	p0 =	sne.s32 s5, $0x1;
	_ =	swait.ge [sflag:s0], $0x80  }
.Ltmp0:
0x33b: {  	[sflag:s0] =	ssyncset.done $0x0;
	(pc) =	sbr.rel @p0 .LBB2_1-.Ltmp0, $4  }
0x33c: {  	[sflag:s0] =	ssyncadd.s32 $0xFFFFFF80  }
0x33d: {  	_ =	swait.ge [sflag:s0], $0x80  }
0x33e: {  	[sflag:s0] =	ssyncset.done $0x0  }
0x33f: {  	s5 =	sadd.s32 $0xFFFFFFFF, s5;
	[sflag:s0] =	ssyncadd.s32 $0xFFFFFF80  }
0x340: {  	_ =	sfence.sel $0x180000  }
0x341: {  	[bflag:$0x0] =	sbarrier.arrive $0xFFFF  }
0x342: {  	_ =	strace $0x90000047  }
0x343: {  	s0 =	stileid.u32;
	[bflag:$0x2] =	sbarrier.arrive $0xFFFF  }
0x344: {  	p0 =	sne.s32 s0, $0x0;
	s0 =	rddreg [dreg:$0x2]  }
0x345: {  	s0 =	sadd.s32 @!p0 $0x100000, s0  }
0x346: {  	[sflag:s0] =	ssyncadd.tile.s32 @!p0 $0x1;
	_ =	shalt  }
.Lfunc_end2:
_tile_overlayer_lowered:
.L_overlay_start_2:
0x347: {  	(tag) =	ssettag $0x2  }
0x348: {  	s0 =	rddreg [dreg:$0x0];
	s2 =	stileid.u32  }
0x349: {  	s1 =	rddreg [dreg:$0x1];
	p0 =	sne.s32 s2, $0x0  }
0x34a: {  	s3 =	rddreg [dreg:$0x2];
	[bflag:$0x3] =	sbarrier.arrive $0xFFFF;
	s2 =	simm.s32 @!p0 $0x1C08  }
0x34b: {  	[timem:s3], [sflag:s2] =	dma.local @!p0 [hbm:s0], s1  }
0x34c: {  	s0 =	simm.s32 @!p0 $0x8  }
0x34d: {  	_ =	swait.ge @!p0 [sflag:s0], s1  }
0x34e: {  	s1 =	ssub.s32 @!p0 $0x0, s1;
	[sflag:s0] =	ssyncset.done @!p0 $0x0  }
0x34f: {  	[sflag:s0] =	ssyncadd.s32 @!p0 s1  }
0x350: {  	[bflag:$0x3] =	sbarrier.arrive $0xFFFF  }
0x351: {  	_ =	shalt  }

</sc_bundles>
